<compile_context>
chip_gen: v7x
topology: tpu7x:2x2x1
jax: 0.10.2.dev20260603
libtpu: 0.0.44.dev20260713+nightly
codegen_flags: <defaults>
</compile_context>

<pallas_src>
import functools

import jax
import jax.numpy as jnp
from jax import lax
from jax.experimental import pallas as pl
from jax.experimental.pallas import tpu as pltpu
from jax.experimental.pallas import tpu_sc as plsc

VOCAB = 100
D = 128
B = 16384
L = 16
NC = 2
NS = 16
NW = NC * NS
BPW = B // NW
C = 64
NCH = BPW // C
TROWS = 512


def _body(yt_hbm, wcat_hbm, out_hbm,
          idx_v, gbuf, acc0, acc1, acc2, tab_sh,
          sg0, sg1, sg2, so0, so1, so2):
    sid = lax.axis_index("s")
    wid = sid * NC + lax.axis_index("c")
    base = wid * BPW

    pltpu.sync_copy(yt_hbm.at[pl.ds(wid * 4 * BPW, 4 * BPW)], idx_v)

    rows_per_tile = TROWS // NS
    pltpu.sync_copy(wcat_hbm.at[pl.ds(sid * rows_per_tile, rows_per_tile)],
                    tab_sh.at[pl.ds(sid * rows_per_tile, rows_per_tile)])

    plsc.subcore_barrier()

    accs = (acc0, acc1, acc2)
    gsems = (sg0, sg1, sg2)
    osems = (so0, so1, so2)
    NSL = 3

    def fire(ci):
        slot = ci % NSL
        return [
            pltpu.async_copy(
                tab_sh.at[idx_v.at[pl.ds(ci * 4 * C + h * 2 * C, 2 * C)]],
                gbuf.at[slot, h], gsems[slot])
            for h in range(2)
        ]

    pend_g = [fire(0), fire(1), None]
    pend_o = [None, None, None]
    for ci in range(NCH):
        slot = ci % NSL
        if ci + 2 < NCH:
            pend_g[(ci + 2) % NSL] = fire(ci + 2)
        with jax.named_scope("gwait"):
            for cp in pend_g[slot]:
                cp.wait()
            if pend_o[slot] is not None:
                pend_o[slot].wait()

        acc = accs[slot]

        with jax.named_scope("adds"):
            @plsc.parallel_loop(0, C, unroll=2)
            def batch_el(b):
                for k in range(D // L):
                    off = k * L
                    a = gbuf[slot, 0, b, pl.ds(off, L)]
                    a = a + gbuf[slot, 0, C + b, pl.ds(off, L)]
                    a = a + gbuf[slot, 1, b, pl.ds(off, L)]
                    a = a + gbuf[slot, 1, C + b, pl.ds(off, L)]
                    acc[b, pl.ds(off, L)] = a

        pend_o[slot] = pltpu.async_copy(
            acc, out_hbm.at[pl.ds(base + ci * C, C)], osems[slot])

    for po in pend_o:
        if po is not None:
            po.wait()


_emb = functools.partial(
    pl.kernel,
    mesh=plsc.VectorSubcoreMesh(core_axis_name="c", subcore_axis_name="s"),
    compiler_params=pltpu.CompilerParams(needs_layout_passes=False),
    out_type=jax.ShapeDtypeStruct((B, D), jnp.float32),
    scratch_types=[
        pltpu.VMEM((4 * BPW,), jnp.int32),
        pltpu.VMEM((3, 2, 2 * C, D), jnp.float32),
        pltpu.VMEM((C, D), jnp.float32),
        pltpu.VMEM((C, D), jnp.float32),
        pltpu.VMEM((C, D), jnp.float32),
        pltpu.VMEM_SHARED((TROWS, D), jnp.float32),
        pltpu.SemaphoreType.DMA,
        pltpu.SemaphoreType.DMA,
        pltpu.SemaphoreType.DMA,
        pltpu.SemaphoreType.DMA,
        pltpu.SemaphoreType.DMA,
        pltpu.SemaphoreType.DMA,
    ],
)(_body)


@jax.jit
def kernel(y, W0, W1, W2, W3):
    wcat = jnp.concatenate([W0, W1, W2, W3], axis=0)
    wcat = jnp.pad(wcat, ((0, TROWS - 4 * VOCAB), (0, 0)))
    yb = (y + jnp.arange(4, dtype=y.dtype) * VOCAB)
    yb = yb.reshape(NW, NCH, C, 4).transpose(0, 1, 3, 2).reshape(-1)
    return _emb(yb, wcat)

# --- scband reference (transcript-rebuilt; emitter-appended) ---
"""Pipeline reference for scband-multi-embeddings-21234318311462 (READ-ONLY COPY).

The authoritative reference and input builder live on the scoring server;
editing this copy changes nothing except your own understanding.
"""

import jax, jax.numpy as jnp
import numpy as np

N_FIELDS = 4
VOCAB = 100
EMBED_DIM = 128
BATCH = 16384
PARAMS = jnp.arange(VOCAB, dtype=jnp.int64 if jax.config.jax_enable_x64 else jnp.int32)


def setup_inputs(seed: int = 0) -> dict:
    key = jax.random.key(seed)
    k_y, k0, k1, k2, k3 = jax.random.split(key, 5)
    y = jax.random.randint(k_y, (BATCH, N_FIELDS), 0, VOCAB, dtype=jnp.int32)
    W0 = jax.random.normal(k0, (VOCAB, EMBED_DIM), dtype=jnp.float32)
    W1 = jax.random.normal(k1, (VOCAB, EMBED_DIM), dtype=jnp.float32)
    W2 = jax.random.normal(k2, (VOCAB, EMBED_DIM), dtype=jnp.float32)
    W3 = jax.random.normal(k3, (VOCAB, EMBED_DIM), dtype=jnp.float32)
    return {"y": y, "W0": W0, "W1": W1, "W2": W2, "W3": W3}


def reference(y, W0, W1, W2, W3):
    # Faithful translation of MultiEmbeddings.forward:
    # for each field i: categorical = index of y[:, i] within parameter_space list,
    # then emb accumulates embedding_layers[key](categorical).
    tables = (W0, W1, W2, W3)
    emb = None
    for i in range(N_FIELDS):
        # torch.where(y[:, i][:, None] == params[None, :])[1] -> column index of the
        # single match per row; equivalent to argmax over the equality mask.
        eq = (y[:, i][:, None] == PARAMS[None, :])
        categorical = jnp.argmax(eq, axis=1)
        e = jnp.take(tables[i], categorical, axis=0)
        emb = e if emb is None else emb + e
    return emb

if __name__ == "__main__":
    import jax
    _d = setup_inputs()
    print(jax.jit(kernel)(*tuple(_d.values())))

</pallas_src>

<mosaic_0001>
#map = affine_map<(d0, d1) -> (0)>
#map1 = affine_map<(d0, d1) -> (0, 0)>
module attributes {stable_mosaic.version = 14 : i64} {
  func.func @_body(%arg0: i32, %arg1: i32, %arg2: memref<65536xi32, #tpu.memory_space<hbm>>, %arg3: memref<512x128xf32, #tpu.memory_space<hbm>>, %arg4: memref<16384x128xf32, #tpu.memory_space<hbm>>, %arg5: memref<2048xi32, #tpu.memory_space<vmem>>, %arg6: memref<3x2x128x128xf32, #tpu.memory_space<vmem>>, %arg7: memref<64x128xf32, #tpu.memory_space<vmem>>, %arg8: memref<64x128xf32, #tpu.memory_space<vmem>>, %arg9: memref<64x128xf32, #tpu.memory_space<vmem>>, %arg10: memref<512x128xf32, #tpu.memory_space<vmem_shared>>, %arg11: memref<!tpu.dma_semaphore, #tpu.memory_space<semaphore_mem>>, %arg12: memref<!tpu.dma_semaphore, #tpu.memory_space<semaphore_mem>>, %arg13: memref<!tpu.dma_semaphore, #tpu.memory_space<semaphore_mem>>, %arg14: memref<!tpu.dma_semaphore, #tpu.memory_space<semaphore_mem>>, %arg15: memref<!tpu.dma_semaphore, #tpu.memory_space<semaphore_mem>>, %arg16: memref<!tpu.dma_semaphore, #tpu.memory_space<semaphore_mem>>) attributes {dimension_semantics = [#tpu.dimension_semantics<core_parallel>, #tpu.dimension_semantics<subcore_parallel>], iteration_bounds = array<i64: 2, 16>, scalar_prefetch = 0 : i64, scratch_operands = 12 : i64, tpu.core_type = #tpu.core_type<sc_vector_subcore>, window_params = [{transform_indices = #map}, {transform_indices = #map1}, {transform_indices = #map1}]} {
    %mul3A = arith.constant 2 : i32
    %mul3A_0 = arith.muli %arg1, %mul3A : i32
    %add3A = arith.addi %mul3A_0, %arg0 : i32
    %mul3A_1 = arith.constant 512 : i32
    %mul3A_2 = arith.muli %add3A, %mul3A_1 : i32
    %mul3A_3 = arith.constant 4 : i32
    %mul3A_4 = arith.muli %add3A, %mul3A_3 : i32
    %mul3A_5 = arith.constant 512 : i32
    %mul3A_6 = arith.muli %mul3A_4, %mul3A_5 : i32
    "tpu.region"() ({
      %run_scoped3A = tpu.sem_alloc : memref<!tpu.dma_semaphore, #tpu.memory_space<semaphore_mem>>
      %dma_start3A_464 = tpu.memref_slice %arg2[%mul3A_6] : memref<65536xi32, #tpu.memory_space<hbm>> -> memref<2048xi32, #tpu.memory_space<hbm>>
      %dma_start3A_465 = tpu.memref_slice %arg2[%mul3A_6] : memref<65536xi32, #tpu.memory_space<hbm>> -> memref<2048xi32, #tpu.memory_space<hbm>>
      tpu.enqueue_dma source(%dma_start3A_465 : memref<2048xi32, #tpu.memory_space<hbm>>) target(%arg5 : memref<2048xi32, #tpu.memory_space<vmem>>) target_semaphore(%run_scoped3A : memref<!tpu.dma_semaphore, #tpu.memory_space<semaphore_mem>>)
      %dma_wait3A_466 = tpu.memref_slice %arg2[%mul3A_6] : memref<65536xi32, #tpu.memory_space<hbm>> -> memref<2048xi32, #tpu.memory_space<hbm>>
      %dma_wait3A_467 = tpu.memref_slice %arg2[%mul3A_6] : memref<65536xi32, #tpu.memory_space<hbm>> -> memref<2048xi32, #tpu.memory_space<hbm>>
      tpu.wait_dma2 semaphore(%run_scoped3A : memref<!tpu.dma_semaphore, #tpu.memory_space<semaphore_mem>>) src(%dma_wait3A_467 : memref<2048xi32, #tpu.memory_space<hbm>>) dst(%arg5 : memref<2048xi32, #tpu.memory_space<vmem>>)
      tpu.yield
    }) : () -> ()
    %mul3A_7 = arith.constant 32 : i32
    %mul3A_8 = arith.muli %arg1, %mul3A_7 : i32
    %mul3A_9 = arith.constant 32 : i32
    %mul3A_10 = arith.muli %arg1, %mul3A_9 : i32
    "tpu.region"() ({
      %run_scoped3A = tpu.sem_alloc : memref<!tpu.dma_semaphore, #tpu.memory_space<semaphore_mem>>
      %dma_start3A_464 = arith.constant 0 : i32
      %dma_start3A_465 = tpu.memref_slice %arg10[%mul3A_10, %dma_start3A_464] : memref<512x128xf32, #tpu.memory_space<vmem_shared>> -> memref<32x128xf32, #tpu.memory_space<vmem_shared>>
      %dma_start3A_466 = arith.constant 0 : i32
      %dma_start3A_467 = tpu.memref_slice %arg3[%mul3A_8, %dma_start3A_466] : memref<512x128xf32, #tpu.memory_space<hbm>> -> memref<32x128xf32, #tpu.memory_space<hbm>>
      tpu.enqueue_dma source(%dma_start3A_467 : memref<32x128xf32, #tpu.memory_space<hbm>>) target(%dma_start3A_465 : memref<32x128xf32, #tpu.memory_space<vmem_shared>>) target_semaphore(%run_scoped3A : memref<!tpu.dma_semaphore, #tpu.memory_space<semaphore_mem>>)
      %dma_wait3A_468 = arith.constant 0 : i32
      %dma_wait3A_469 = tpu.memref_slice %arg10[%mul3A_10, %dma_wait3A_468] : memref<512x128xf32, #tpu.memory_space<vmem_shared>> -> memref<32x128xf32, #tpu.memory_space<vmem_shared>>
      %dma_wait3A_470 = arith.constant 0 : i32
      %dma_wait3A_471 = tpu.memref_slice %arg3[%mul3A_8, %dma_wait3A_470] : memref<512x128xf32, #tpu.memory_space<hbm>> -> memref<32x128xf32, #tpu.memory_space<hbm>>
      tpu.wait_dma2 semaphore(%run_scoped3A : memref<!tpu.dma_semaphore, #tpu.memory_space<semaphore_mem>>) src(%dma_wait3A_471 : memref<32x128xf32, #tpu.memory_space<hbm>>) dst(%dma_wait3A_469 : memref<32x128xf32, #tpu.memory_space<vmem_shared>>)
      tpu.yield
    }) : () -> ()
    %barrier3A = arith.constant 0 : index
    tpu.barrier barrier_id(%barrier3A)
    %dma_start3A = arith.constant 0 : i32
    %dma_start3A_11 = arith.constant 0 : i32
    %dma_start3A_12 = arith.constant 0 : i32
    %dma_start3A_13 = arith.constant 0 : i32
    %dma_start3A_14 = tpu.memref_slice %arg6[%dma_start3A, %dma_start3A_11, %dma_start3A_12, %dma_start3A_13] : memref<3x2x128x128xf32, #tpu.memory_space<vmem>> -> memref<1x1x128x128xf32, #tpu.memory_space<vmem>>
    %dma_start3A_15 = tpu.memref_squeeze %dma_start3A_14 : memref<1x1x128x128xf32, #tpu.memory_space<vmem>> -> memref<128x128xf32, #tpu.memory_space<vmem>>
    %dma_start3A_16 = arith.constant 0 : i32
    %dma_start3A_17 = tpu.memref_slice %arg5[%dma_start3A_16] : memref<2048xi32, #tpu.memory_space<vmem>> -> memref<128xi32, #tpu.memory_space<vmem>>
    %dma_start3A_18 = arith.constant 0 : i32
    %dma_start3A_19 = arith.constant 0 : i32
    %dma_start3A_20 = tpu.memref_slice %arg10[%dma_start3A_18, %dma_start3A_19] : memref<512x128xf32, #tpu.memory_space<vmem_shared>> -> memref<512x128xf32, #tpu.memory_space<vmem_shared>>
    tpu.enqueue_indirect_dma source(%dma_start3A_20 : memref<512x128xf32, #tpu.memory_space<vmem_shared>>) target(%dma_start3A_15 : memref<128x128xf32, #tpu.memory_space<vmem>>) offsets(%dma_start3A_17 : memref<128xi32, #tpu.memory_space<vmem>>) semaphore(%arg11 : memref<!tpu.dma_semaphore, #tpu.memory_space<semaphore_mem>>)
    %dma_start3A_21 = arith.constant 0 : i32
    %dma_start3A_22 = arith.constant 1 : i32
    %dma_start3A_23 = arith.constant 0 : i32
    %dma_start3A_24 = arith.constant 0 : i32
    %dma_start3A_25 = tpu.memref_slice %arg6[%dma_start3A_21, %dma_start3A_22, %dma_start3A_23, %dma_start3A_24] : memref<3x2x128x128xf32, #tpu.memory_space<vmem>> -> memref<1x1x128x128xf32, #tpu.memory_space<vmem>>
    %dma_start3A_26 = tpu.memref_squeeze %dma_start3A_25 : memref<1x1x128x128xf32, #tpu.memory_space<vmem>> -> memref<128x128xf32, #tpu.memory_space<vmem>>
    %dma_start3A_27 = arith.constant 128 : i32
    %dma_start3A_28 = tpu.memref_slice %arg5[%dma_start3A_27] : memref<2048xi32, #tpu.memory_space<vmem>> -> memref<128xi32, #tpu.memory_space<vmem>>
    %dma_start3A_29 = arith.constant 0 : i32
    %dma_start3A_30 = arith.constant 0 : i32
    %dma_start3A_31 = tpu.memref_slice %arg10[%dma_start3A_29, %dma_start3A_30] : memref<512x128xf32, #tpu.memory_space<vmem_shared>> -> memref<512x128xf32, #tpu.memory_space<vmem_shared>>
    tpu.enqueue_indirect_dma source(%dma_start3A_31 : memref<512x128xf32, #tpu.memory_space<vmem_shared>>) target(%dma_start3A_26 : memref<128x128xf32, #tpu.memory_space<vmem>>) offsets(%dma_start3A_28 : memref<128xi32, #tpu.memory_space<vmem>>) semaphore(%arg11 : memref<!tpu.dma_semaphore, #tpu.memory_space<semaphore_mem>>)
    %dma_start3A_32 = arith.constant 1 : i32
    %dma_start3A_33 = arith.constant 0 : i32
    %dma_start3A_34 = arith.constant 0 : i32
    %dma_start3A_35 = arith.constant 0 : i32
    %dma_start3A_36 = tpu.memref_slice %arg6[%dma_start3A_32, %dma_start3A_33, %dma_start3A_34, %dma_start3A_35] : memref<3x2x128x128xf32, #tpu.memory_space<vmem>> -> memref<1x1x128x128xf32, #tpu.memory_space<vmem>>
    %dma_start3A_37 = tpu.memref_squeeze %dma_start3A_36 : memref<1x1x128x128xf32, #tpu.memory_space<vmem>> -> memref<128x128xf32, #tpu.memory_space<vmem>>
    %dma_start3A_38 = arith.constant 256 : i32
    %dma_start3A_39 = tpu.memref_slice %arg5[%dma_start3A_38] : memref<2048xi32, #tpu.memory_space<vmem>> -> memref<128xi32, #tpu.memory_space<vmem>>
    %dma_start3A_40 = arith.constant 0 : i32
    %dma_start3A_41 = arith.constant 0 : i32
    %dma_start3A_42 = tpu.memref_slice %arg10[%dma_start3A_40, %dma_start3A_41] : memref<512x128xf32, #tpu.memory_space<vmem_shared>> -> memref<512x128xf32, #tpu.memory_space<vmem_shared>>
    tpu.enqueue_indirect_dma source(%dma_start3A_42 : memref<512x128xf32, #tpu.memory_space<vmem_shared>>) target(%dma_start3A_37 : memref<128x128xf32, #tpu.memory_space<vmem>>) offsets(%dma_start3A_39 : memref<128xi32, #tpu.memory_space<vmem>>) semaphore(%arg12 : memref<!tpu.dma_semaphore, #tpu.memory_space<semaphore_mem>>)
    %dma_start3A_43 = arith.constant 1 : i32
    %dma_start3A_44 = arith.constant 1 : i32
    %dma_start3A_45 = arith.constant 0 : i32
    %dma_start3A_46 = arith.constant 0 : i32
    %dma_start3A_47 = tpu.memref_slice %arg6[%dma_start3A_43, %dma_start3A_44, %dma_start3A_45, %dma_start3A_46] : memref<3x2x128x128xf32, #tpu.memory_space<vmem>> -> memref<1x1x128x128xf32, #tpu.memory_space<vmem>>
    %dma_start3A_48 = tpu.memref_squeeze %dma_start3A_47 : memref<1x1x128x128xf32, #tpu.memory_space<vmem>> -> memref<128x128xf32, #tpu.memory_space<vmem>>
    %dma_start3A_49 = arith.constant 384 : i32
    %dma_start3A_50 = tpu.memref_slice %arg5[%dma_start3A_49] : memref<2048xi32, #tpu.memory_space<vmem>> -> memref<128xi32, #tpu.memory_space<vmem>>
    %dma_start3A_51 = arith.constant 0 : i32
    %dma_start3A_52 = arith.constant 0 : i32
    %dma_start3A_53 = tpu.memref_slice %arg10[%dma_start3A_51, %dma_start3A_52] : memref<512x128xf32, #tpu.memory_space<vmem_shared>> -> memref<512x128xf32, #tpu.memory_space<vmem_shared>>
    tpu.enqueue_indirect_dma source(%dma_start3A_53 : memref<512x128xf32, #tpu.memory_space<vmem_shared>>) target(%dma_start3A_48 : memref<128x128xf32, #tpu.memory_space<vmem>>) offsets(%dma_start3A_50 : memref<128xi32, #tpu.memory_space<vmem>>) semaphore(%arg12 : memref<!tpu.dma_semaphore, #tpu.memory_space<semaphore_mem>>)
    %dma_start3A_54 = arith.constant 2 : i32
    %dma_start3A_55 = arith.constant 0 : i32
    %dma_start3A_56 = arith.constant 0 : i32
    %dma_start3A_57 = arith.constant 0 : i32
    %dma_start3A_58 = tpu.memref_slice %arg6[%dma_start3A_54, %dma_start3A_55, %dma_start3A_56, %dma_start3A_57] : memref<3x2x128x128xf32, #tpu.memory_space<vmem>> -> memref<1x1x128x128xf32, #tpu.memory_space<vmem>>
    %dma_start3A_59 = tpu.memref_squeeze %dma_start3A_58 : memref<1x1x128x128xf32, #tpu.memory_space<vmem>> -> memref<128x128xf32, #tpu.memory_space<vmem>>
    %dma_start3A_60 = arith.constant 512 : i32
    %dma_start3A_61 = tpu.memref_slice %arg5[%dma_start3A_60] : memref<2048xi32, #tpu.memory_space<vmem>> -> memref<128xi32, #tpu.memory_space<vmem>>
    %dma_start3A_62 = arith.constant 0 : i32
    %dma_start3A_63 = arith.constant 0 : i32
    %dma_start3A_64 = tpu.memref_slice %arg10[%dma_start3A_62, %dma_start3A_63] : memref<512x128xf32, #tpu.memory_space<vmem_shared>> -> memref<512x128xf32, #tpu.memory_space<vmem_shared>>
    tpu.enqueue_indirect_dma source(%dma_start3A_64 : memref<512x128xf32, #tpu.memory_space<vmem_shared>>) target(%dma_start3A_59 : memref<128x128xf32, #tpu.memory_space<vmem>>) offsets(%dma_start3A_61 : memref<128xi32, #tpu.memory_space<vmem>>) semaphore(%arg13 : memref<!tpu.dma_semaphore, #tpu.memory_space<semaphore_mem>>)
    %dma_start3A_65 = arith.constant 2 : i32
    %dma_start3A_66 = arith.constant 1 : i32
    %dma_start3A_67 = arith.constant 0 : i32
    %dma_start3A_68 = arith.constant 0 : i32
    %dma_start3A_69 = tpu.memref_slice %arg6[%dma_start3A_65, %dma_start3A_66, %dma_start3A_67, %dma_start3A_68] : memref<3x2x128x128xf32, #tpu.memory_space<vmem>> -> memref<1x1x128x128xf32, #tpu.memory_space<vmem>>
    %dma_start3A_70 = tpu.memref_squeeze %dma_start3A_69 : memref<1x1x128x128xf32, #tpu.memory_space<vmem>> -> memref<128x128xf32, #tpu.memory_space<vmem>>
    %dma_start3A_71 = arith.constant 640 : i32
    %dma_start3A_72 = tpu.memref_slice %arg5[%dma_start3A_71] : memref<2048xi32, #tpu.memory_space<vmem>> -> memref<128xi32, #tpu.memory_space<vmem>>
    %dma_start3A_73 = arith.constant 0 : i32
    %dma_start3A_74 = arith.constant 0 : i32
    %dma_start3A_75 = tpu.memref_slice %arg10[%dma_start3A_73, %dma_start3A_74] : memref<512x128xf32, #tpu.memory_space<vmem_shared>> -> memref<512x128xf32, #tpu.memory_space<vmem_shared>>
    tpu.enqueue_indirect_dma source(%dma_start3A_75 : memref<512x128xf32, #tpu.memory_space<vmem_shared>>) target(%dma_start3A_70 : memref<128x128xf32, #tpu.memory_space<vmem>>) offsets(%dma_start3A_72 : memref<128xi32, #tpu.memory_space<vmem>>) semaphore(%arg13 : memref<!tpu.dma_semaphore, #tpu.memory_space<semaphore_mem>>)
    %dma_wait3A = arith.constant 0 : i32
    %dma_wait3A_76 = arith.constant 0 : i32
    "tpu.trace_start"() <{level = 10 : i32, message = "gwait"}> : () -> ()
    %dma_wait3A_77 = arith.constant 0 : i32
    %dma_wait3A_78 = arith.constant 0 : i32
    %dma_wait3A_79 = tpu.memref_slice %arg6[%dma_wait3A, %dma_wait3A_76, %dma_wait3A_77, %dma_wait3A_78] : memref<3x2x128x128xf32, #tpu.memory_space<vmem>> -> memref<1x1x128x128xf32, #tpu.memory_space<vmem>>
    %dma_wait3A_80 = tpu.memref_squeeze %dma_wait3A_79 : memref<1x1x128x128xf32, #tpu.memory_space<vmem>> -> memref<128x128xf32, #tpu.memory_space<vmem>>
    %dma_wait3A_81 = arith.constant 0 : i32
    %dma_wait3A_82 = tpu.memref_slice %arg5[%dma_wait3A_81] : memref<2048xi32, #tpu.memory_space<vmem>> -> memref<128xi32, #tpu.memory_space<vmem>>
    %dma_wait3A_83 = arith.constant 0 : i32
    %dma_wait3A_84 = arith.constant 0 : i32
    %dma_wait3A_85 = tpu.memref_slice %arg10[%dma_wait3A_83, %dma_wait3A_84] : memref<512x128xf32, #tpu.memory_space<vmem_shared>> -> memref<512x128xf32, #tpu.memory_space<vmem_shared>>
    tpu.wait_indirect_dma semaphore(%arg11 : memref<!tpu.dma_semaphore, #tpu.memory_space<semaphore_mem>>) src(%dma_wait3A_85 : memref<512x128xf32, #tpu.memory_space<vmem_shared>>) dst(%dma_wait3A_80 : memref<128x128xf32, #tpu.memory_space<vmem>>)
    %dma_wait3A_86 = arith.constant 0 : i32
    %dma_wait3A_87 = arith.constant 1 : i32
    %dma_wait3A_88 = arith.constant 0 : i32
    %dma_wait3A_89 = arith.constant 0 : i32
    %dma_wait3A_90 = tpu.memref_slice %arg6[%dma_wait3A_86, %dma_wait3A_87, %dma_wait3A_88, %dma_wait3A_89] : memref<3x2x128x128xf32, #tpu.memory_space<vmem>> -> memref<1x1x128x128xf32, #tpu.memory_space<vmem>>
    %dma_wait3A_91 = tpu.memref_squeeze %dma_wait3A_90 : memref<1x1x128x128xf32, #tpu.memory_space<vmem>> -> memref<128x128xf32, #tpu.memory_space<vmem>>
    %dma_wait3A_92 = arith.constant 128 : i32
    %dma_wait3A_93 = tpu.memref_slice %arg5[%dma_wait3A_92] : memref<2048xi32, #tpu.memory_space<vmem>> -> memref<128xi32, #tpu.memory_space<vmem>>
    %dma_wait3A_94 = arith.constant 0 : i32
    %dma_wait3A_95 = arith.constant 0 : i32
    %dma_wait3A_96 = tpu.memref_slice %arg10[%dma_wait3A_94, %dma_wait3A_95] : memref<512x128xf32, #tpu.memory_space<vmem_shared>> -> memref<512x128xf32, #tpu.memory_space<vmem_shared>>
    tpu.wait_indirect_dma semaphore(%arg11 : memref<!tpu.dma_semaphore, #tpu.memory_space<semaphore_mem>>) src(%dma_wait3A_96 : memref<512x128xf32, #tpu.memory_space<vmem_shared>>) dst(%dma_wait3A_91 : memref<128x128xf32, #tpu.memory_space<vmem>>)
    %parallel_loop3A = arith.constant 0 : i32
    %parallel_loop3A_97 = arith.constant 64 : i32
    %parallel_loop3A_98 = arith.constant 1 : i32
    "tpu.trace_stop"() : () -> ()
    "tpu.trace_start"() <{level = 10 : i32, message = "adds"}> : () -> ()
    scf.for %parallel_loop3A_464 = %parallel_loop3A to %parallel_loop3A_97 step %parallel_loop3A_98  : i32 {
      %parallel_loop3A_465 = arith.constant 0 : i32
      %parallel_loop3A_466 = arith.constant 0 : i32
      %parallel_loop3A_467 = arith.index_cast %parallel_loop3A_465 : i32 to index
      %parallel_loop3A_468 = arith.index_cast %parallel_loop3A_466 : i32 to index
      %parallel_loop3A_469 = arith.index_cast %parallel_loop3A_464 : i32 to index
      %parallel_loop3A_470 = arith.constant 0 : index
      %parallel_loop3A_471 = tpu.vector_load %arg6[%parallel_loop3A_467, %parallel_loop3A_468, %parallel_loop3A_469, %parallel_loop3A_470] {strides = array<i32>} : memref<3x2x128x128xf32, #tpu.memory_space<vmem>>, vector<16xf32>,
      %parallel_loop3A_472 = arith.constant 64 : i32
      %parallel_loop3A_473 = arith.addi %parallel_loop3A_472, %parallel_loop3A_464 : i32
      %parallel_loop3A_474 = arith.constant 0 : i32
      %parallel_loop3A_475 = arith.constant 0 : i32
      %parallel_loop3A_476 = arith.index_cast %parallel_loop3A_474 : i32 to index
      %parallel_loop3A_477 = arith.index_cast %parallel_loop3A_475 : i32 to index
      %parallel_loop3A_478 = arith.index_cast %parallel_loop3A_473 : i32 to index
      %parallel_loop3A_479 = arith.constant 0 : index
      %parallel_loop3A_480 = tpu.vector_load %arg6[%parallel_loop3A_476, %parallel_loop3A_477, %parallel_loop3A_478, %parallel_loop3A_479] {strides = array<i32>} : memref<3x2x128x128xf32, #tpu.memory_space<vmem>>, vector<16xf32>,
      %parallel_loop3A_481 = arith.addf %parallel_loop3A_471, %parallel_loop3A_480 : vector<16xf32>
      %parallel_loop3A_482 = arith.constant 0 : i32
      %parallel_loop3A_483 = arith.constant 1 : i32
      %parallel_loop3A_484 = arith.index_cast %parallel_loop3A_482 : i32 to index
      %parallel_loop3A_485 = arith.index_cast %parallel_loop3A_483 : i32 to index
      %parallel_loop3A_486 = arith.index_cast %parallel_loop3A_464 : i32 to index
      %parallel_loop3A_487 = arith.constant 0 : index
      %parallel_loop3A_488 = tpu.vector_load %arg6[%parallel_loop3A_484, %parallel_loop3A_485, %parallel_loop3A_486, %parallel_loop3A_487] {strides = array<i32>} : memref<3x2x128x128xf32, #tpu.memory_space<vmem>>, vector<16xf32>,
      %parallel_loop3A_489 = arith.addf %parallel_loop3A_481, %parallel_loop3A_488 : vector<16xf32>
      %parallel_loop3A_490 = arith.constant 64 : i32
      %parallel_loop3A_491 = arith.addi %parallel_loop3A_490, %parallel_loop3A_464 : i32
      %parallel_loop3A_492 = arith.constant 0 : i32
      %parallel_loop3A_493 = arith.constant 1 : i32
      %parallel_loop3A_494 = arith.index_cast %parallel_loop3A_492 : i32 to index
      %parallel_loop3A_495 = arith.index_cast %parallel_loop3A_493 : i32 to index
      %parallel_loop3A_496 = arith.index_cast %parallel_loop3A_491 : i32 to index
      %parallel_loop3A_497 = arith.constant 0 : index
      %parallel_loop3A_498 = tpu.vector_load %arg6[%parallel_loop3A_494, %parallel_loop3A_495, %parallel_loop3A_496, %parallel_loop3A_497] {strides = array<i32>} : memref<3x2x128x128xf32, #tpu.memory_space<vmem>>, vector<16xf32>,
      %parallel_loop3A_499 = arith.addf %parallel_loop3A_489, %parallel_loop3A_498 : vector<16xf32>
      %parallel_loop3A_500 = arith.index_cast %parallel_loop3A_464 : i32 to index
      %parallel_loop3A_501 = arith.constant 0 : index
      %parallel_loop3A_502 = tpu.vector_load %arg7[%parallel_loop3A_500, %parallel_loop3A_501] {strides = array<i32>} : memref<64x128xf32, #tpu.memory_space<vmem>>, vector<16xf32>,
      tpu.vector_store %arg7[%parallel_loop3A_500, %parallel_loop3A_501], %parallel_loop3A_499 {strides = array<i32>} : memref<64x128xf32, #tpu.memory_space<vmem>>, vector<16xf32>,
      %parallel_loop3A_503 = arith.constant 0 : i32
      %parallel_loop3A_504 = arith.constant 0 : i32
      %parallel_loop3A_505 = arith.index_cast %parallel_loop3A_503 : i32 to index
      %parallel_loop3A_506 = arith.index_cast %parallel_loop3A_504 : i32 to index
      %parallel_loop3A_507 = arith.index_cast %parallel_loop3A_464 : i32 to index
      %parallel_loop3A_508 = arith.constant 16 : index
      %parallel_loop3A_509 = tpu.vector_load %arg6[%parallel_loop3A_505, %parallel_loop3A_506, %parallel_loop3A_507, %parallel_loop3A_508] {strides = array<i32>} : memref<3x2x128x128xf32, #tpu.memory_space<vmem>>, vector<16xf32>,
      %parallel_loop3A_510 = arith.constant 64 : i32
      %parallel_loop3A_511 = arith.addi %parallel_loop3A_510, %parallel_loop3A_464 : i32
      %parallel_loop3A_512 = arith.constant 0 : i32
      %parallel_loop3A_513 = arith.constant 0 : i32
      %parallel_loop3A_514 = arith.index_cast %parallel_loop3A_512 : i32 to index
      %parallel_loop3A_515 = arith.index_cast %parallel_loop3A_513 : i32 to index
      %parallel_loop3A_516 = arith.index_cast %parallel_loop3A_511 : i32 to index
      %parallel_loop3A_517 = arith.constant 16 : index
      %parallel_loop3A_518 = tpu.vector_load %arg6[%parallel_loop3A_514, %parallel_loop3A_515, %parallel_loop3A_516, %parallel_loop3A_517] {strides = array<i32>} : memref<3x2x128x128xf32, #tpu.memory_space<vmem>>, vector<16xf32>,
      %parallel_loop3A_519 = arith.addf %parallel_loop3A_509, %parallel_loop3A_518 : vector<16xf32>
      %parallel_loop3A_520 = arith.constant 0 : i32
      %parallel_loop3A_521 = arith.constant 1 : i32
      %parallel_loop3A_522 = arith.index_cast %parallel_loop3A_520 : i32 to index
      %parallel_loop3A_523 = arith.index_cast %parallel_loop3A_521 : i32 to index
      %parallel_loop3A_524 = arith.index_cast %parallel_loop3A_464 : i32 to index
      %parallel_loop3A_525 = arith.constant 16 : index
      %parallel_loop3A_526 = tpu.vector_load %arg6[%parallel_loop3A_522, %parallel_loop3A_523, %parallel_loop3A_524, %parallel_loop3A_525] {strides = array<i32>} : memref<3x2x128x128xf32, #tpu.memory_space<vmem>>, vector<16xf32>,
      %parallel_loop3A_527 = arith.addf %parallel_loop3A_519, %parallel_loop3A_526 : vector<16xf32>
      %parallel_loop3A_528 = arith.constant 64 : i32
      %parallel_loop3A_529 = arith.addi %parallel_loop3A_528, %parallel_loop3A_464 : i32
      %parallel_loop3A_530 = arith.constant 0 : i32
      %parallel_loop3A_531 = arith.constant 1 : i32
      %parallel_loop3A_532 = arith.index_cast %parallel_loop3A_530 : i32 to index
      %parallel_loop3A_533 = arith.index_cast %parallel_loop3A_531 : i32 to index
      %parallel_loop3A_534 = arith.index_cast %parallel_loop3A_529 : i32 to index
      %parallel_loop3A_535 = arith.constant 16 : index
      %parallel_loop3A_536 = tpu.vector_load %arg6[%parallel_loop3A_532, %parallel_loop3A_533, %parallel_loop3A_534, %parallel_loop3A_535] {strides = array<i32>} : memref<3x2x128x128xf32, #tpu.memory_space<vmem>>, vector<16xf32>,
      %parallel_loop3A_537 = arith.addf %parallel_loop3A_527, %parallel_loop3A_536 : vector<16xf32>
      %parallel_loop3A_538 = arith.index_cast %parallel_loop3A_464 : i32 to index
      %parallel_loop3A_539 = arith.constant 16 : index
      %parallel_loop3A_540 = tpu.vector_load %arg7[%parallel_loop3A_538, %parallel_loop3A_539] {strides = array<i32>} : memref<64x128xf32, #tpu.memory_space<vmem>>, vector<16xf32>,
      tpu.vector_store %arg7[%parallel_loop3A_538, %parallel_loop3A_539], %parallel_loop3A_537 {strides = array<i32>} : memref<64x128xf32, #tpu.memory_space<vmem>>, vector<16xf32>,
      %parallel_loop3A_541 = arith.constant 0 : i32
      %parallel_loop3A_542 = arith.constant 0 : i32
      %parallel_loop3A_543 = arith.index_cast %parallel_loop3A_541 : i32 to index
      %parallel_loop3A_544 = arith.index_cast %parallel_loop3A_542 : i32 to index
      %parallel_loop3A_545 = arith.index_cast %parallel_loop3A_464 : i32 to index
      %parallel_loop3A_546 = arith.constant 32 : index
      %parallel_loop3A_547 = tpu.vector_load %arg6[%parallel_loop3A_543, %parallel_loop3A_544, %parallel_loop3A_545, %parallel_loop3A_546] {strides = array<i32>} : memref<3x2x128x128xf32, #tpu.memory_space<vmem>>, vector<16xf32>,
      %parallel_loop3A_548 = arith.constant 64 : i32
      %parallel_loop3A_549 = arith.addi %parallel_loop3A_548, %parallel_loop3A_464 : i32
      %parallel_loop3A_550 = arith.constant 0 : i32
      %parallel_loop3A_551 = arith.constant 0 : i32
      %parallel_loop3A_552 = arith.index_cast %parallel_loop3A_550 : i32 to index
      %parallel_loop3A_553 = arith.index_cast %parallel_loop3A_551 : i32 to index
      %parallel_loop3A_554 = arith.index_cast %parallel_loop3A_549 : i32 to index
      %parallel_loop3A_555 = arith.constant 32 : index
      %parallel_loop3A_556 = tpu.vector_load %arg6[%parallel_loop3A_552, %parallel_loop3A_553, %parallel_loop3A_554, %parallel_loop3A_555] {strides = array<i32>} : memref<3x2x128x128xf32, #tpu.memory_space<vmem>>, vector<16xf32>,
      %parallel_loop3A_557 = arith.addf %parallel_loop3A_547, %parallel_loop3A_556 : vector<16xf32>
      %parallel_loop3A_558 = arith.constant 0 : i32
      %parallel_loop3A_559 = arith.constant 1 : i32
      %parallel_loop3A_560 = arith.index_cast %parallel_loop3A_558 : i32 to index
      %parallel_loop3A_561 = arith.index_cast %parallel_loop3A_559 : i32 to index
      %parallel_loop3A_562 = arith.index_cast %parallel_loop3A_464 : i32 to index
      %parallel_loop3A_563 = arith.constant 32 : index
      %parallel_loop3A_564 = tpu.vector_load %arg6[%parallel_loop3A_560, %parallel_loop3A_561, %parallel_loop3A_562, %parallel_loop3A_563] {strides = array<i32>} : memref<3x2x128x128xf32, #tpu.memory_space<vmem>>, vector<16xf32>,
      %parallel_loop3A_565 = arith.addf %parallel_loop3A_557, %parallel_loop3A_564 : vector<16xf32>
      %parallel_loop3A_566 = arith.constant 64 : i32
      %parallel_loop3A_567 = arith.addi %parallel_loop3A_566, %parallel_loop3A_464 : i32
      %parallel_loop3A_568 = arith.constant 0 : i32
      %parallel_loop3A_569 = arith.constant 1 : i32
      %parallel_loop3A_570 = arith.index_cast %parallel_loop3A_568 : i32 to index
      %parallel_loop3A_571 = arith.index_cast %parallel_loop3A_569 : i32 to index
      %parallel_loop3A_572 = arith.index_cast %parallel_loop3A_567 : i32 to index
      %parallel_loop3A_573 = arith.constant 32 : index
      %parallel_loop3A_574 = tpu.vector_load %arg6[%parallel_loop3A_570, %parallel_loop3A_571, %parallel_loop3A_572, %parallel_loop3A_573] {strides = array<i32>} : memref<3x2x128x128xf32, #tpu.memory_space<vmem>>, vector<16xf32>,
      %parallel_loop3A_575 = arith.addf %parallel_loop3A_565, %parallel_loop3A_574 : vector<16xf32>
      %parallel_loop3A_576 = arith.index_cast %parallel_loop3A_464 : i32 to index
      %parallel_loop3A_577 = arith.constant 32 : index
      %parallel_loop3A_578 = tpu.vector_load %arg7[%parallel_loop3A_576, %parallel_loop3A_577] {strides = array<i32>} : memref<64x128xf32, #tpu.memory_space<vmem>>, vector<16xf32>,
      tpu.vector_store %arg7[%parallel_loop3A_576, %parallel_loop3A_577], %parallel_loop3A_575 {strides = array<i32>} : memref<64x128xf32, #tpu.memory_space<vmem>>, vector<16xf32>,
      %parallel_loop3A_579 = arith.constant 0 : i32
      %parallel_loop3A_580 = arith.constant 0 : i32
      %parallel_loop3A_581 = arith.index_cast %parallel_loop3A_579 : i32 to index
      %parallel_loop3A_582 = arith.index_cast %parallel_loop3A_580 : i32 to index
      %parallel_loop3A_583 = arith.index_cast %parallel_loop3A_464 : i32 to index
      %parallel_loop3A_584 = arith.constant 48 : index
      %parallel_loop3A_585 = tpu.vector_load %arg6[%parallel_loop3A_581, %parallel_loop3A_582, %parallel_loop3A_583, %parallel_loop3A_584] {strides = array<i32>} : memref<3x2x128x128xf32, #tpu.memory_space<vmem>>, vector<16xf32>,
      %parallel_loop3A_586 = arith.constant 64 : i32
      %parallel_loop3A_587 = arith.addi %parallel_loop3A_586, %parallel_loop3A_464 : i32
      %parallel_loop3A_588 = arith.constant 0 : i32
      %parallel_loop3A_589 = arith.constant 0 : i32
      %parallel_loop3A_590 = arith.index_cast %parallel_loop3A_588 : i32 to index
      %parallel_loop3A_591 = arith.index_cast %parallel_loop3A_589 : i32 to index
      %parallel_loop3A_592 = arith.index_cast %parallel_loop3A_587 : i32 to index
      %parallel_loop3A_593 = arith.constant 48 : index
      %parallel_loop3A_594 = tpu.vector_load %arg6[%parallel_loop3A_590, %parallel_loop3A_591, %parallel_loop3A_592, %parallel_loop3A_593] {strides = array<i32>} : memref<3x2x128x128xf32, #tpu.memory_space<vmem>>, vector<16xf32>,
      %parallel_loop3A_595 = arith.addf %parallel_loop3A_585, %parallel_loop3A_594 : vector<16xf32>
      %parallel_loop3A_596 = arith.constant 0 : i32
      %parallel_loop3A_597 = arith.constant 1 : i32
      %parallel_loop3A_598 = arith.index_cast %parallel_loop3A_596 : i32 to index
      %parallel_loop3A_599 = arith.index_cast %parallel_loop3A_597 : i32 to index
      %parallel_loop3A_600 = arith.index_cast %parallel_loop3A_464 : i32 to index
      %parallel_loop3A_601 = arith.constant 48 : index
      %parallel_loop3A_602 = tpu.vector_load %arg6[%parallel_loop3A_598, %parallel_loop3A_599, %parallel_loop3A_600, %parallel_loop3A_601] {strides = array<i32>} : memref<3x2x128x128xf32, #tpu.memory_space<vmem>>, vector<16xf32>,
      %parallel_loop3A_603 = arith.addf %parallel_loop3A_595, %parallel_loop3A_602 : vector<16xf32>
      %parallel_loop3A_604 = arith.constant 64 : i32
      %parallel_loop3A_605 = arith.addi %parallel_loop3A_604, %parallel_loop3A_464 : i32
      %parallel_loop3A_606 = arith.constant 0 : i32
      %parallel_loop3A_607 = arith.constant 1 : i32
      %parallel_loop3A_608 = arith.index_cast %parallel_loop3A_606 : i32 to index
      %parallel_loop3A_609 = arith.index_cast %parallel_loop3A_607 : i32 to index
      %parallel_loop3A_610 = arith.index_cast %parallel_loop3A_605 : i32 to index
      %parallel_loop3A_611 = arith.constant 48 : index
      %parallel_loop3A_612 = tpu.vector_load %arg6[%parallel_loop3A_608, %parallel_loop3A_609, %parallel_loop3A_610, %parallel_loop3A_611] {strides = array<i32>} : memref<3x2x128x128xf32, #tpu.memory_space<vmem>>, vector<16xf32>,
      %parallel_loop3A_613 = arith.addf %parallel_loop3A_603, %parallel_loop3A_612 : vector<16xf32>
      %parallel_loop3A_614 = arith.index_cast %parallel_loop3A_464 : i32 to index
      %parallel_loop3A_615 = arith.constant 48 : index
      %parallel_loop3A_616 = tpu.vector_load %arg7[%parallel_loop3A_614, %parallel_loop3A_615] {strides = array<i32>} : memref<64x128xf32, #tpu.memory_space<vmem>>, vector<16xf32>,
      tpu.vector_store %arg7[%parallel_loop3A_614, %parallel_loop3A_615], %parallel_loop3A_613 {strides = array<i32>} : memref<64x128xf32, #tpu.memory_space<vmem>>, vector<16xf32>,
      %parallel_loop3A_617 = arith.constant 0 : i32
      %parallel_loop3A_618 = arith.constant 0 : i32
      %parallel_loop3A_619 = arith.index_cast %parallel_loop3A_617 : i32 to index
      %parallel_loop3A_620 = arith.index_cast %parallel_loop3A_618 : i32 to index
      %parallel_loop3A_621 = arith.index_cast %parallel_loop3A_464 : i32 to index
      %parallel_loop3A_622 = arith.constant 64 : index
      %parallel_loop3A_623 = tpu.vector_load %arg6[%parallel_loop3A_619, %parallel_loop3A_620, %parallel_loop3A_621, %parallel_loop3A_622] {strides = array<i32>} : memref<3x2x128x128xf32, #tpu.memory_space<vmem>>, vector<16xf32>,
      %parallel_loop3A_624 = arith.constant 64 : i32
      %parallel_loop3A_625 = arith.addi %parallel_loop3A_624, %parallel_loop3A_464 : i32
      %parallel_loop3A_626 = arith.constant 0 : i32
      %parallel_loop3A_627 = arith.constant 0 : i32
      %parallel_loop3A_628 = arith.index_cast %parallel_loop3A_626 : i32 to index
      %parallel_loop3A_629 = arith.index_cast %parallel_loop3A_627 : i32 to index
      %parallel_loop3A_630 = arith.index_cast %parallel_loop3A_625 : i32 to index
      %parallel_loop3A_631 = arith.constant 64 : index
      %parallel_loop3A_632 = tpu.vector_load %arg6[%parallel_loop3A_628, %parallel_loop3A_629, %parallel_loop3A_630, %parallel_loop3A_631] {strides = array<i32>} : memref<3x2x128x128xf32, #tpu.memory_space<vmem>>, vector<16xf32>,
      %parallel_loop3A_633 = arith.addf %parallel_loop3A_623, %parallel_loop3A_632 : vector<16xf32>
      %parallel_loop3A_634 = arith.constant 0 : i32
      %parallel_loop3A_635 = arith.constant 1 : i32
      %parallel_loop3A_636 = arith.index_cast %parallel_loop3A_634 : i32 to index
      %parallel_loop3A_637 = arith.index_cast %parallel_loop3A_635 : i32 to index
      %parallel_loop3A_638 = arith.index_cast %parallel_loop3A_464 : i32 to index
      %parallel_loop3A_639 = arith.constant 64 : index
      %parallel_loop3A_640 = tpu.vector_load %arg6[%parallel_loop3A_636, %parallel_loop3A_637, %parallel_loop3A_638, %parallel_loop3A_639] {strides = array<i32>} : memref<3x2x128x128xf32, #tpu.memory_space<vmem>>, vector<16xf32>,
      %parallel_loop3A_641 = arith.addf %parallel_loop3A_633, %parallel_loop3A_640 : vector<16xf32>
      %parallel_loop3A_642 = arith.constant 64 : i32
      %parallel_loop3A_643 = arith.addi %parallel_loop3A_642, %parallel_loop3A_464 : i32
      %parallel_loop3A_644 = arith.constant 0 : i32
      %parallel_loop3A_645 = arith.constant 1 : i32
      %parallel_loop3A_646 = arith.index_cast %parallel_loop3A_644 : i32 to index
      %parallel_loop3A_647 = arith.index_cast %parallel_loop3A_645 : i32 to index
      %parallel_loop3A_648 = arith.index_cast %parallel_loop3A_643 : i32 to index
      %parallel_loop3A_649 = arith.constant 64 : index
      %parallel_loop3A_650 = tpu.vector_load %arg6[%parallel_loop3A_646, %parallel_loop3A_647, %parallel_loop3A_648, %parallel_loop3A_649] {strides = array<i32>} : memref<3x2x128x128xf32, #tpu.memory_space<vmem>>, vector<16xf32>,
      %parallel_loop3A_651 = arith.addf %parallel_loop3A_641, %parallel_loop3A_650 : vector<16xf32>
      %parallel_loop3A_652 = arith.index_cast %parallel_loop3A_464 : i32 to index
      %parallel_loop3A_653 = arith.constant 64 : index
      %parallel_loop3A_654 = tpu.vector_load %arg7[%parallel_loop3A_652, %parallel_loop3A_653] {strides = array<i32>} : memref<64x128xf32, #tpu.memory_space<vmem>>, vector<16xf32>,
      tpu.vector_store %arg7[%parallel_loop3A_652, %parallel_loop3A_653], %parallel_loop3A_651 {strides = array<i32>} : memref<64x128xf32, #tpu.memory_space<vmem>>, vector<16xf32>,
      %parallel_loop3A_655 = arith.constant 0 : i32
      %parallel_loop3A_656 = arith.constant 0 : i32
      %parallel_loop3A_657 = arith.index_cast %parallel_loop3A_655 : i32 to index
      %parallel_loop3A_658 = arith.index_cast %parallel_loop3A_656 : i32 to index
      %parallel_loop3A_659 = arith.index_cast %parallel_loop3A_464 : i32 to index
      %parallel_loop3A_660 = arith.constant 80 : index
      %parallel_loop3A_661 = tpu.vector_load %arg6[%parallel_loop3A_657, %parallel_loop3A_658, %parallel_loop3A_659, %parallel_loop3A_660] {strides = array<i32>} : memref<3x2x128x128xf32, #tpu.memory_space<vmem>>, vector<16xf32>,
      %parallel_loop3A_662 = arith.constant 64 : i32
      %parallel_loop3A_663 = arith.addi %parallel_loop3A_662, %parallel_loop3A_464 : i32
      %parallel_loop3A_664 = arith.constant 0 : i32
      %parallel_loop3A_665 = arith.constant 0 : i32
      %parallel_loop3A_666 = arith.index_cast %parallel_loop3A_664 : i32 to index
      %parallel_loop3A_667 = arith.index_cast %parallel_loop3A_665 : i32 to index
      %parallel_loop3A_668 = arith.index_cast %parallel_loop3A_663 : i32 to index
      %parallel_loop3A_669 = arith.constant 80 : index
      %parallel_loop3A_670 = tpu.vector_load %arg6[%parallel_loop3A_666, %parallel_loop3A_667, %parallel_loop3A_668, %parallel_loop3A_669] {strides = array<i32>} : memref<3x2x128x128xf32, #tpu.memory_space<vmem>>, vector<16xf32>,
      %parallel_loop3A_671 = arith.addf %parallel_loop3A_661, %parallel_loop3A_670 : vector<16xf32>
      %parallel_loop3A_672 = arith.constant 0 : i32
      %parallel_loop3A_673 = arith.constant 1 : i32
      %parallel_loop3A_674 = arith.index_cast %parallel_loop3A_672 : i32 to index
      %parallel_loop3A_675 = arith.index_cast %parallel_loop3A_673 : i32 to index
      %parallel_loop3A_676 = arith.index_cast %parallel_loop3A_464 : i32 to index
      %parallel_loop3A_677 = arith.constant 80 : index
      %parallel_loop3A_678 = tpu.vector_load %arg6[%parallel_loop3A_674, %parallel_loop3A_675, %parallel_loop3A_676, %parallel_loop3A_677] {strides = array<i32>} : memref<3x2x128x128xf32, #tpu.memory_space<vmem>>, vector<16xf32>,
      %parallel_loop3A_679 = arith.addf %parallel_loop3A_671, %parallel_loop3A_678 : vector<16xf32>
      %parallel_loop3A_680 = arith.constant 64 : i32
      %parallel_loop3A_681 = arith.addi %parallel_loop3A_680, %parallel_loop3A_464 : i32
      %parallel_loop3A_682 = arith.constant 0 : i32
      %parallel_loop3A_683 = arith.constant 1 : i32
      %parallel_loop3A_684 = arith.index_cast %parallel_loop3A_682 : i32 to index
      %parallel_loop3A_685 = arith.index_cast %parallel_loop3A_683 : i32 to index
      %parallel_loop3A_686 = arith.index_cast %parallel_loop3A_681 : i32 to index
      %parallel_loop3A_687 = arith.constant 80 : index
      %parallel_loop3A_688 = tpu.vector_load %arg6[%parallel_loop3A_684, %parallel_loop3A_685, %parallel_loop3A_686, %parallel_loop3A_687] {strides = array<i32>} : memref<3x2x128x128xf32, #tpu.memory_space<vmem>>, vector<16xf32>,
      %parallel_loop3A_689 = arith.addf %parallel_loop3A_679, %parallel_loop3A_688 : vector<16xf32>
      %parallel_loop3A_690 = arith.index_cast %parallel_loop3A_464 : i32 to index
      %parallel_loop3A_691 = arith.constant 80 : index
      %parallel_loop3A_692 = tpu.vector_load %arg7[%parallel_loop3A_690, %parallel_loop3A_691] {strides = array<i32>} : memref<64x128xf32, #tpu.memory_space<vmem>>, vector<16xf32>,
      tpu.vector_store %arg7[%parallel_loop3A_690, %parallel_loop3A_691], %parallel_loop3A_689 {strides = array<i32>} : memref<64x128xf32, #tpu.memory_space<vmem>>, vector<16xf32>,
      %parallel_loop3A_693 = arith.constant 0 : i32
      %parallel_loop3A_694 = arith.constant 0 : i32
      %parallel_loop3A_695 = arith.index_cast %parallel_loop3A_693 : i32 to index
      %parallel_loop3A_696 = arith.index_cast %parallel_loop3A_694 : i32 to index
      %parallel_loop3A_697 = arith.index_cast %parallel_loop3A_464 : i32 to index
      %parallel_loop3A_698 = arith.constant 96 : index
      %parallel_loop3A_699 = tpu.vector_load %arg6[%parallel_loop3A_695, %parallel_loop3A_696, %parallel_loop3A_697, %parallel_loop3A_698] {strides = array<i32>} : memref<3x2x128x128xf32, #tpu.memory_space<vmem>>, vector<16xf32>,
      %parallel_loop3A_700 = arith.constant 64 : i32
      %parallel_loop3A_701 = arith.addi %parallel_loop3A_700, %parallel_loop3A_464 : i32
      %parallel_loop3A_702 = arith.constant 0 : i32
      %parallel_loop3A_703 = arith.constant 0 : i32
      %parallel_loop3A_704 = arith.index_cast %parallel_loop3A_702 : i32 to index
      %parallel_loop3A_705 = arith.index_cast %parallel_loop3A_703 : i32 to index
      %parallel_loop3A_706 = arith.index_cast %parallel_loop3A_701 : i32 to index
      %parallel_loop3A_707 = arith.constant 96 : index
      %parallel_loop3A_708 = tpu.vector_load %arg6[%parallel_loop3A_704, %parallel_loop3A_705, %parallel_loop3A_706, %parallel_loop3A_707] {strides = array<i32>} : memref<3x2x128x128xf32, #tpu.memory_space<vmem>>, vector<16xf32>,
      %parallel_loop3A_709 = arith.addf %parallel_loop3A_699, %parallel_loop3A_708 : vector<16xf32>
      %parallel_loop3A_710 = arith.constant 0 : i32
      %parallel_loop3A_711 = arith.constant 1 : i32
      %parallel_loop3A_712 = arith.index_cast %parallel_loop3A_710 : i32 to index
      %parallel_loop3A_713 = arith.index_cast %parallel_loop3A_711 : i32 to index
      %parallel_loop3A_714 = arith.index_cast %parallel_loop3A_464 : i32 to index
      %parallel_loop3A_715 = arith.constant 96 : index
      %parallel_loop3A_716 = tpu.vector_load %arg6[%parallel_loop3A_712, %parallel_loop3A_713, %parallel_loop3A_714, %parallel_loop3A_715] {strides = array<i32>} : memref<3x2x128x128xf32, #tpu.memory_space<vmem>>, vector<16xf32>,
      %parallel_loop3A_717 = arith.addf %parallel_loop3A_709, %parallel_loop3A_716 : vector<16xf32>
      %parallel_loop3A_718 = arith.constant 64 : i32
      %parallel_loop3A_719 = arith.addi %parallel_loop3A_718, %parallel_loop3A_464 : i32
      %parallel_loop3A_720 = arith.constant 0 : i32
      %parallel_loop3A_721 = arith.constant 1 : i32
      %parallel_loop3A_722 = arith.index_cast %parallel_loop3A_720 : i32 to index
      %parallel_loop3A_723 = arith.index_cast %parallel_loop3A_721 : i32 to index
      %parallel_loop3A_724 = arith.index_cast %parallel_loop3A_719 : i32 to index
      %parallel_loop3A_725 = arith.constant 96 : index
      %parallel_loop3A_726 = tpu.vector_load %arg6[%parallel_loop3A_722, %parallel_loop3A_723, %parallel_loop3A_724, %parallel_loop3A_725] {strides = array<i32>} : memref<3x2x128x128xf32, #tpu.memory_space<vmem>>, vector<16xf32>,
      %parallel_loop3A_727 = arith.addf %parallel_loop3A_717, %parallel_loop3A_726 : vector<16xf32>
      %parallel_loop3A_728 = arith.index_cast %parallel_loop3A_464 : i32 to index
      %parallel_loop3A_729 = arith.constant 96 : index
      %parallel_loop3A_730 = tpu.vector_load %arg7[%parallel_loop3A_728, %parallel_loop3A_729] {strides = array<i32>} : memref<64x128xf32, #tpu.memory_space<vmem>>, vector<16xf32>,
      tpu.vector_store %arg7[%parallel_loop3A_728, %parallel_loop3A_729], %parallel_loop3A_727 {strides = array<i32>} : memref<64x128xf32, #tpu.memory_space<vmem>>, vector<16xf32>,
      %parallel_loop3A_731 = arith.constant 0 : i32
      %parallel_loop3A_732 = arith.constant 0 : i32
      %parallel_loop3A_733 = arith.index_cast %parallel_loop3A_731 : i32 to index
      %parallel_loop3A_734 = arith.index_cast %parallel_loop3A_732 : i32 to index
      %parallel_loop3A_735 = arith.index_cast %parallel_loop3A_464 : i32 to index
      %parallel_loop3A_736 = arith.constant 112 : index
      %parallel_loop3A_737 = tpu.vector_load %arg6[%parallel_loop3A_733, %parallel_loop3A_734, %parallel_loop3A_735, %parallel_loop3A_736] {strides = array<i32>} : memref<3x2x128x128xf32, #tpu.memory_space<vmem>>, vector<16xf32>,
      %parallel_loop3A_738 = arith.constant 64 : i32
      %parallel_loop3A_739 = arith.addi %parallel_loop3A_738, %parallel_loop3A_464 : i32
      %parallel_loop3A_740 = arith.constant 0 : i32
      %parallel_loop3A_741 = arith.constant 0 : i32
      %parallel_loop3A_742 = arith.index_cast %parallel_loop3A_740 : i32 to index
      %parallel_loop3A_743 = arith.index_cast %parallel_loop3A_741 : i32 to index
      %parallel_loop3A_744 = arith.index_cast %parallel_loop3A_739 : i32 to index
      %parallel_loop3A_745 = arith.constant 112 : index
      %parallel_loop3A_746 = tpu.vector_load %arg6[%parallel_loop3A_742, %parallel_loop3A_743, %parallel_loop3A_744, %parallel_loop3A_745] {strides = array<i32>} : memref<3x2x128x128xf32, #tpu.memory_space<vmem>>, vector<16xf32>,
      %parallel_loop3A_747 = arith.addf %parallel_loop3A_737, %parallel_loop3A_746 : vector<16xf32>
      %parallel_loop3A_748 = arith.constant 0 : i32
      %parallel_loop3A_749 = arith.constant 1 : i32
      %parallel_loop3A_750 = arith.index_cast %parallel_loop3A_748 : i32 to index
      %parallel_loop3A_751 = arith.index_cast %parallel_loop3A_749 : i32 to index
      %parallel_loop3A_752 = arith.index_cast %parallel_loop3A_464 : i32 to index
      %parallel_loop3A_753 = arith.constant 112 : index
      %parallel_loop3A_754 = tpu.vector_load %arg6[%parallel_loop3A_750, %parallel_loop3A_751, %parallel_loop3A_752, %parallel_loop3A_753] {strides = array<i32>} : memref<3x2x128x128xf32, #tpu.memory_space<vmem>>, vector<16xf32>,
      %parallel_loop3A_755 = arith.addf %parallel_loop3A_747, %parallel_loop3A_754 : vector<16xf32>
      %parallel_loop3A_756 = arith.constant 64 : i32
      %parallel_loop3A_757 = arith.addi %parallel_loop3A_756, %parallel_loop3A_464 : i32
      %parallel_loop3A_758 = arith.constant 0 : i32
      %parallel_loop3A_759 = arith.constant 1 : i32
      %parallel_loop3A_760 = arith.index_cast %parallel_loop3A_758 : i32 to index
      %parallel_loop3A_761 = arith.index_cast %parallel_loop3A_759 : i32 to index
      %parallel_loop3A_762 = arith.index_cast %parallel_loop3A_757 : i32 to index
      %parallel_loop3A_763 = arith.constant 112 : index
      %parallel_loop3A_764 = tpu.vector_load %arg6[%parallel_loop3A_760, %parallel_loop3A_761, %parallel_loop3A_762, %parallel_loop3A_763] {strides = array<i32>} : memref<3x2x128x128xf32, #tpu.memory_space<vmem>>, vector<16xf32>,
      %parallel_loop3A_765 = arith.addf %parallel_loop3A_755, %parallel_loop3A_764 : vector<16xf32>
      %parallel_loop3A_766 = arith.index_cast %parallel_loop3A_464 : i32 to index
      %parallel_loop3A_767 = arith.constant 112 : index
      %parallel_loop3A_768 = tpu.vector_load %arg7[%parallel_loop3A_766, %parallel_loop3A_767] {strides = array<i32>} : memref<64x128xf32, #tpu.memory_space<vmem>>, vector<16xf32>,
      tpu.vector_store %arg7[%parallel_loop3A_766, %parallel_loop3A_767], %parallel_loop3A_765 {strides = array<i32>} : memref<64x128xf32, #tpu.memory_space<vmem>>, vector<16xf32>,
    } {sc.loop_unroll_factor = 2 : i64, sc.parallel_access}
    "tpu.trace_stop"() : () -> ()
    %add3A_99 = arith.constant 0 : i32
    %add3A_100 = arith.addi %mul3A_2, %add3A_99 : i32
    %dma_start3A_101 = arith.constant 0 : i32
    %dma_start3A_102 = tpu.memref_slice %arg4[%add3A_100, %dma_start3A_101] : memref<16384x128xf32, #tpu.memory_space<hbm>> -> memref<64x128xf32, #tpu.memory_space<hbm>>
    %dma_start3A_103 = arith.constant 0 : i32
    %dma_start3A_104 = tpu.memref_slice %arg4[%add3A_100, %dma_start3A_103] : memref<16384x128xf32, #tpu.memory_space<hbm>> -> memref<64x128xf32, #tpu.memory_space<hbm>>
    tpu.enqueue_dma source(%arg7 : memref<64x128xf32, #tpu.memory_space<vmem>>) target(%dma_start3A_104 : memref<64x128xf32, #tpu.memory_space<hbm>>) target_semaphore(%arg14 : memref<!tpu.dma_semaphore, #tpu.memory_space<semaphore_mem>>)
    %dma_start3A_105 = arith.constant 0 : i32
    %dma_start3A_106 = arith.constant 0 : i32
    %dma_start3A_107 = arith.constant 0 : i32
    %dma_start3A_108 = arith.constant 0 : i32
    %dma_start3A_109 = tpu.memref_slice %arg6[%dma_start3A_105, %dma_start3A_106, %dma_start3A_107, %dma_start3A_108] : memref<3x2x128x128xf32, #tpu.memory_space<vmem>> -> memref<1x1x128x128xf32, #tpu.memory_space<vmem>>
    %dma_start3A_110 = tpu.memref_squeeze %dma_start3A_109 : memref<1x1x128x128xf32, #tpu.memory_space<vmem>> -> memref<128x128xf32, #tpu.memory_space<vmem>>
    %dma_start3A_111 = arith.constant 768 : i32
    %dma_start3A_112 = tpu.memref_slice %arg5[%dma_start3A_111] : memref<2048xi32, #tpu.memory_space<vmem>> -> memref<128xi32, #tpu.memory_space<vmem>>
    %dma_start3A_113 = arith.constant 0 : i32
    %dma_start3A_114 = arith.constant 0 : i32
    %dma_start3A_115 = tpu.memref_slice %arg10[%dma_start3A_113, %dma_start3A_114] : memref<512x128xf32, #tpu.memory_space<vmem_shared>> -> memref<512x128xf32, #tpu.memory_space<vmem_shared>>
    tpu.enqueue_indirect_dma source(%dma_start3A_115 : memref<512x128xf32, #tpu.memory_space<vmem_shared>>) target(%dma_start3A_110 : memref<128x128xf32, #tpu.memory_space<vmem>>) offsets(%dma_start3A_112 : memref<128xi32, #tpu.memory_space<vmem>>) semaphore(%arg11 : memref<!tpu.dma_semaphore, #tpu.memory_space<semaphore_mem>>)
    %dma_start3A_116 = arith.constant 0 : i32
    %dma_start3A_117 = arith.constant 1 : i32
    %dma_start3A_118 = arith.constant 0 : i32
    %dma_start3A_119 = arith.constant 0 : i32
    %dma_start3A_120 = tpu.memref_slice %arg6[%dma_start3A_116, %dma_start3A_117, %dma_start3A_118, %dma_start3A_119] : memref<3x2x128x128xf32, #tpu.memory_space<vmem>> -> memref<1x1x128x128xf32, #tpu.memory_space<vmem>>
    %dma_start3A_121 = tpu.memref_squeeze %dma_start3A_120 : memref<1x1x128x128xf32, #tpu.memory_space<vmem>> -> memref<128x128xf32, #tpu.memory_space<vmem>>
    %dma_start3A_122 = arith.constant 896 : i32
    %dma_start3A_123 = tpu.memref_slice %arg5[%dma_start3A_122] : memref<2048xi32, #tpu.memory_space<vmem>> -> memref<128xi32, #tpu.memory_space<vmem>>
    %dma_start3A_124 = arith.constant 0 : i32
    %dma_start3A_125 = arith.constant 0 : i32
    %dma_start3A_126 = tpu.memref_slice %arg10[%dma_start3A_124, %dma_start3A_125] : memref<512x128xf32, #tpu.memory_space<vmem_shared>> -> memref<512x128xf32, #tpu.memory_space<vmem_shared>>
    tpu.enqueue_indirect_dma source(%dma_start3A_126 : memref<512x128xf32, #tpu.memory_space<vmem_shared>>) target(%dma_start3A_121 : memref<128x128xf32, #tpu.memory_space<vmem>>) offsets(%dma_start3A_123 : memref<128xi32, #tpu.memory_space<vmem>>) semaphore(%arg11 : memref<!tpu.dma_semaphore, #tpu.memory_space<semaphore_mem>>)
    %dma_wait3A_127 = arith.constant 1 : i32
    %dma_wait3A_128 = arith.constant 0 : i32
    "tpu.trace_start"() <{level = 10 : i32, message = "gwait"}> : () -> ()
    %dma_wait3A_129 = arith.constant 0 : i32
    %dma_wait3A_130 = arith.constant 0 : i32
    %dma_wait3A_131 = tpu.memref_slice %arg6[%dma_wait3A_127, %dma_wait3A_128, %dma_wait3A_129, %dma_wait3A_130] : memref<3x2x128x128xf32, #tpu.memory_space<vmem>> -> memref<1x1x128x128xf32, #tpu.memory_space<vmem>>
    %dma_wait3A_132 = tpu.memref_squeeze %dma_wait3A_131 : memref<1x1x128x128xf32, #tpu.memory_space<vmem>> -> memref<128x128xf32, #tpu.memory_space<vmem>>
    %dma_wait3A_133 = arith.constant 256 : i32
    %dma_wait3A_134 = tpu.memref_slice %arg5[%dma_wait3A_133] : memref<2048xi32, #tpu.memory_space<vmem>> -> memref<128xi32, #tpu.memory_space<vmem>>
    %dma_wait3A_135 = arith.constant 0 : i32
    %dma_wait3A_136 = arith.constant 0 : i32
    %dma_wait3A_137 = tpu.memref_slice %arg10[%dma_wait3A_135, %dma_wait3A_136] : memref<512x128xf32, #tpu.memory_space<vmem_shared>> -> memref<512x128xf32, #tpu.memory_space<vmem_shared>>
    tpu.wait_indirect_dma semaphore(%arg12 : memref<!tpu.dma_semaphore, #tpu.memory_space<semaphore_mem>>) src(%dma_wait3A_137 : memref<512x128xf32, #tpu.memory_space<vmem_shared>>) dst(%dma_wait3A_132 : memref<128x128xf32, #tpu.memory_space<vmem>>)
    %dma_wait3A_138 = arith.constant 1 : i32
    %dma_wait3A_139 = arith.constant 1 : i32
    %dma_wait3A_140 = arith.constant 0 : i32
    %dma_wait3A_141 = arith.constant 0 : i32
    %dma_wait3A_142 = tpu.memref_slice %arg6[%dma_wait3A_138, %dma_wait3A_139, %dma_wait3A_140, %dma_wait3A_141] : memref<3x2x128x128xf32, #tpu.memory_space<vmem>> -> memref<1x1x128x128xf32, #tpu.memory_space<vmem>>
    %dma_wait3A_143 = tpu.memref_squeeze %dma_wait3A_142 : memref<1x1x128x128xf32, #tpu.memory_space<vmem>> -> memref<128x128xf32, #tpu.memory_space<vmem>>
    %dma_wait3A_144 = arith.constant 384 : i32
    %dma_wait3A_145 = tpu.memref_slice %arg5[%dma_wait3A_144] : memref<2048xi32, #tpu.memory_space<vmem>> -> memref<128xi32, #tpu.memory_space<vmem>>
    %dma_wait3A_146 = arith.constant 0 : i32
    %dma_wait3A_147 = arith.constant 0 : i32
    %dma_wait3A_148 = tpu.memref_slice %arg10[%dma_wait3A_146, %dma_wait3A_147] : memref<512x128xf32, #tpu.memory_space<vmem_shared>> -> memref<512x128xf32, #tpu.memory_space<vmem_shared>>
    tpu.wait_indirect_dma semaphore(%arg12 : memref<!tpu.dma_semaphore, #tpu.memory_space<semaphore_mem>>) src(%dma_wait3A_148 : memref<512x128xf32, #tpu.memory_space<vmem_shared>>) dst(%dma_wait3A_143 : memref<128x128xf32, #tpu.memory_space<vmem>>)
    %parallel_loop3A_149 = arith.constant 0 : i32
    %parallel_loop3A_150 = arith.constant 64 : i32
    %parallel_loop3A_151 = arith.constant 1 : i32
    "tpu.trace_stop"() : () -> ()
    "tpu.trace_start"() <{level = 10 : i32, message = "adds"}> : () -> ()
    scf.for %parallel_loop3A_464 = %parallel_loop3A_149 to %parallel_loop3A_150 step %parallel_loop3A_151  : i32 {
      %parallel_loop3A_465 = arith.constant 1 : i32
      %parallel_loop3A_466 = arith.constant 0 : i32
      %parallel_loop3A_467 = arith.index_cast %parallel_loop3A_465 : i32 to index
      %parallel_loop3A_468 = arith.index_cast %parallel_loop3A_466 : i32 to index
      %parallel_loop3A_469 = arith.index_cast %parallel_loop3A_464 : i32 to index
      %parallel_loop3A_470 = arith.constant 0 : index
      %parallel_loop3A_471 = tpu.vector_load %arg6[%parallel_loop3A_467, %parallel_loop3A_468, %parallel_loop3A_469, %parallel_loop3A_470] {strides = array<i32>} : memref<3x2x128x128xf32, #tpu.memory_space<vmem>>, vector<16xf32>,
      %parallel_loop3A_472 = arith.constant 64 : i32
      %parallel_loop3A_473 = arith.addi %parallel_loop3A_472, %parallel_loop3A_464 : i32
      %parallel_loop3A_474 = arith.constant 1 : i32
      %parallel_loop3A_475 = arith.constant 0 : i32
      %parallel_loop3A_476 = arith.index_cast %parallel_loop3A_474 : i32 to index
      %parallel_loop3A_477 = arith.index_cast %parallel_loop3A_475 : i32 to index
      %parallel_loop3A_478 = arith.index_cast %parallel_loop3A_473 : i32 to index
      %parallel_loop3A_479 = arith.constant 0 : index
      %parallel_loop3A_480 = tpu.vector_load %arg6[%parallel_loop3A_476, %parallel_loop3A_477, %parallel_loop3A_478, %parallel_loop3A_479] {strides = array<i32>} : memref<3x2x128x128xf32, #tpu.memory_space<vmem>>, vector<16xf32>,
      %parallel_loop3A_481 = arith.addf %parallel_loop3A_471, %parallel_loop3A_480 : vector<16xf32>
      %parallel_loop3A_482 = arith.constant 1 : i32
      %parallel_loop3A_483 = arith.constant 1 : i32
      %parallel_loop3A_484 = arith.index_cast %parallel_loop3A_482 : i32 to index
      %parallel_loop3A_485 = arith.index_cast %parallel_loop3A_483 : i32 to index
      %parallel_loop3A_486 = arith.index_cast %parallel_loop3A_464 : i32 to index
      %parallel_loop3A_487 = arith.constant 0 : index
      %parallel_loop3A_488 = tpu.vector_load %arg6[%parallel_loop3A_484, %parallel_loop3A_485, %parallel_loop3A_486, %parallel_loop3A_487] {strides = array<i32>} : memref<3x2x128x128xf32, #tpu.memory_space<vmem>>, vector<16xf32>,
      %parallel_loop3A_489 = arith.addf %parallel_loop3A_481, %parallel_loop3A_488 : vector<16xf32>
      %parallel_loop3A_490 = arith.constant 64 : i32
      %parallel_loop3A_491 = arith.addi %parallel_loop3A_490, %parallel_loop3A_464 : i32
      %parallel_loop3A_492 = arith.constant 1 : i32
      %parallel_loop3A_493 = arith.constant 1 : i32
      %parallel_loop3A_494 = arith.index_cast %parallel_loop3A_492 : i32 to index
      %parallel_loop3A_495 = arith.index_cast %parallel_loop3A_493 : i32 to index
      %parallel_loop3A_496 = arith.index_cast %parallel_loop3A_491 : i32 to index
      %parallel_loop3A_497 = arith.constant 0 : index
      %parallel_loop3A_498 = tpu.vector_load %arg6[%parallel_loop3A_494, %parallel_loop3A_495, %parallel_loop3A_496, %parallel_loop3A_497] {strides = array<i32>} : memref<3x2x128x128xf32, #tpu.memory_space<vmem>>, vector<16xf32>,
      %parallel_loop3A_499 = arith.addf %parallel_loop3A_489, %parallel_loop3A_498 : vector<16xf32>
      %parallel_loop3A_500 = arith.index_cast %parallel_loop3A_464 : i32 to index
      %parallel_loop3A_501 = arith.constant 0 : index
      %parallel_loop3A_502 = tpu.vector_load %arg8[%parallel_loop3A_500, %parallel_loop3A_501] {strides = array<i32>} : memref<64x128xf32, #tpu.memory_space<vmem>>, vector<16xf32>,
      tpu.vector_store %arg8[%parallel_loop3A_500, %parallel_loop3A_501], %parallel_loop3A_499 {strides = array<i32>} : memref<64x128xf32, #tpu.memory_space<vmem>>, vector<16xf32>,
      %parallel_loop3A_503 = arith.constant 1 : i32
      %parallel_loop3A_504 = arith.constant 0 : i32
      %parallel_loop3A_505 = arith.index_cast %parallel_loop3A_503 : i32 to index
      %parallel_loop3A_506 = arith.index_cast %parallel_loop3A_504 : i32 to index
      %parallel_loop3A_507 = arith.index_cast %parallel_loop3A_464 : i32 to index
      %parallel_loop3A_508 = arith.constant 16 : index
      %parallel_loop3A_509 = tpu.vector_load %arg6[%parallel_loop3A_505, %parallel_loop3A_506, %parallel_loop3A_507, %parallel_loop3A_508] {strides = array<i32>} : memref<3x2x128x128xf32, #tpu.memory_space<vmem>>, vector<16xf32>,
      %parallel_loop3A_510 = arith.constant 64 : i32
      %parallel_loop3A_511 = arith.addi %parallel_loop3A_510, %parallel_loop3A_464 : i32
      %parallel_loop3A_512 = arith.constant 1 : i32
      %parallel_loop3A_513 = arith.constant 0 : i32
      %parallel_loop3A_514 = arith.index_cast %parallel_loop3A_512 : i32 to index
      %parallel_loop3A_515 = arith.index_cast %parallel_loop3A_513 : i32 to index
      %parallel_loop3A_516 = arith.index_cast %parallel_loop3A_511 : i32 to index
      %parallel_loop3A_517 = arith.constant 16 : index
      %parallel_loop3A_518 = tpu.vector_load %arg6[%parallel_loop3A_514, %parallel_loop3A_515, %parallel_loop3A_516, %parallel_loop3A_517] {strides = array<i32>} : memref<3x2x128x128xf32, #tpu.memory_space<vmem>>, vector<16xf32>,
      %parallel_loop3A_519 = arith.addf %parallel_loop3A_509, %parallel_loop3A_518 : vector<16xf32>
      %parallel_loop3A_520 = arith.constant 1 : i32
      %parallel_loop3A_521 = arith.constant 1 : i32
      %parallel_loop3A_522 = arith.index_cast %parallel_loop3A_520 : i32 to index
      %parallel_loop3A_523 = arith.index_cast %parallel_loop3A_521 : i32 to index
      %parallel_loop3A_524 = arith.index_cast %parallel_loop3A_464 : i32 to index
      %parallel_loop3A_525 = arith.constant 16 : index
      %parallel_loop3A_526 = tpu.vector_load %arg6[%parallel_loop3A_522, %parallel_loop3A_523, %parallel_loop3A_524, %parallel_loop3A_525] {strides = array<i32>} : memref<3x2x128x128xf32, #tpu.memory_space<vmem>>, vector<16xf32>,
      %parallel_loop3A_527 = arith.addf %parallel_loop3A_519, %parallel_loop3A_526 : vector<16xf32>
      %parallel_loop3A_528 = arith.constant 64 : i32
      %parallel_loop3A_529 = arith.addi %parallel_loop3A_528, %parallel_loop3A_464 : i32
      %parallel_loop3A_530 = arith.constant 1 : i32
      %parallel_loop3A_531 = arith.constant 1 : i32
      %parallel_loop3A_532 = arith.index_cast %parallel_loop3A_530 : i32 to index
      %parallel_loop3A_533 = arith.index_cast %parallel_loop3A_531 : i32 to index
      %parallel_loop3A_534 = arith.index_cast %parallel_loop3A_529 : i32 to index
      %parallel_loop3A_535 = arith.constant 16 : index
      %parallel_loop3A_536 = tpu.vector_load %arg6[%parallel_loop3A_532, %parallel_loop3A_533, %parallel_loop3A_534, %parallel_loop3A_535] {strides = array<i32>} : memref<3x2x128x128xf32, #tpu.memory_space<vmem>>, vector<16xf32>,
      %parallel_loop3A_537 = arith.addf %parallel_loop3A_527, %parallel_loop3A_536 : vector<16xf32>
      %parallel_loop3A_538 = arith.index_cast %parallel_loop3A_464 : i32 to index
      %parallel_loop3A_539 = arith.constant 16 : index
      %parallel_loop3A_540 = tpu.vector_load %arg8[%parallel_loop3A_538, %parallel_loop3A_539] {strides = array<i32>} : memref<64x128xf32, #tpu.memory_space<vmem>>, vector<16xf32>,
      tpu.vector_store %arg8[%parallel_loop3A_538, %parallel_loop3A_539], %parallel_loop3A_537 {strides = array<i32>} : memref<64x128xf32, #tpu.memory_space<vmem>>, vector<16xf32>,
      %parallel_loop3A_541 = arith.constant 1 : i32
      %parallel_loop3A_542 = arith.constant 0 : i32
      %parallel_loop3A_543 = arith.index_cast %parallel_loop3A_541 : i32 to index
      %parallel_loop3A_544 = arith.index_cast %parallel_loop3A_542 : i32 to index
      %parallel_loop3A_545 = arith.index_cast %parallel_loop3A_464 : i32 to index
      %parallel_loop3A_546 = arith.constant 32 : index
      %parallel_loop3A_547 = tpu.vector_load %arg6[%parallel_loop3A_543, %parallel_loop3A_544, %parallel_loop3A_545, %parallel_loop3A_546] {strides = array<i32>} : memref<3x2x128x128xf32, #tpu.memory_space<vmem>>, vector<16xf32>,
      %parallel_loop3A_548 = arith.constant 64 : i32
      %parallel_loop3A_549 = arith.addi %parallel_loop3A_548, %parallel_loop3A_464 : i32
      %parallel_loop3A_550 = arith.constant 1 : i32
      %parallel_loop3A_551 = arith.constant 0 : i32
      %parallel_loop3A_552 = arith.index_cast %parallel_loop3A_550 : i32 to index
      %parallel_loop3A_553 = arith.index_cast %parallel_loop3A_551 : i32 to index
      %parallel_loop3A_554 = arith.index_cast %parallel_loop3A_549 : i32 to index
      %parallel_loop3A_555 = arith.constant 32 : index
      %parallel_loop3A_556 = tpu.vector_load %arg6[%parallel_loop3A_552, %parallel_loop3A_553, %parallel_loop3A_554, %parallel_loop3A_555] {strides = array<i32>} : memref<3x2x128x128xf32, #tpu.memory_space<vmem>>, vector<16xf32>,
      %parallel_loop3A_557 = arith.addf %parallel_loop3A_547, %parallel_loop3A_556 : vector<16xf32>
      %parallel_loop3A_558 = arith.constant 1 : i32
      %parallel_loop3A_559 = arith.constant 1 : i32
      %parallel_loop3A_560 = arith.index_cast %parallel_loop3A_558 : i32 to index
      %parallel_loop3A_561 = arith.index_cast %parallel_loop3A_559 : i32 to index
      %parallel_loop3A_562 = arith.index_cast %parallel_loop3A_464 : i32 to index
      %parallel_loop3A_563 = arith.constant 32 : index
      %parallel_loop3A_564 = tpu.vector_load %arg6[%parallel_loop3A_560, %parallel_loop3A_561, %parallel_loop3A_562, %parallel_loop3A_563] {strides = array<i32>} : memref<3x2x128x128xf32, #tpu.memory_space<vmem>>, vector<16xf32>,
      %parallel_loop3A_565 = arith.addf %parallel_loop3A_557, %parallel_loop3A_564 : vector<16xf32>
      %parallel_loop3A_566 = arith.constant 64 : i32
      %parallel_loop3A_567 = arith.addi %parallel_loop3A_566, %parallel_loop3A_464 : i32
      %parallel_loop3A_568 = arith.constant 1 : i32
      %parallel_loop3A_569 = arith.constant 1 : i32
      %parallel_loop3A_570 = arith.index_cast %parallel_loop3A_568 : i32 to index
      %parallel_loop3A_571 = arith.index_cast %parallel_loop3A_569 : i32 to index
      %parallel_loop3A_572 = arith.index_cast %parallel_loop3A_567 : i32 to index
      %parallel_loop3A_573 = arith.constant 32 : index
      %parallel_loop3A_574 = tpu.vector_load %arg6[%parallel_loop3A_570, %parallel_loop3A_571, %parallel_loop3A_572, %parallel_loop3A_573] {strides = array<i32>} : memref<3x2x128x128xf32, #tpu.memory_space<vmem>>, vector<16xf32>,
      %parallel_loop3A_575 = arith.addf %parallel_loop3A_565, %parallel_loop3A_574 : vector<16xf32>
      %parallel_loop3A_576 = arith.index_cast %parallel_loop3A_464 : i32 to index
      %parallel_loop3A_577 = arith.constant 32 : index
      %parallel_loop3A_578 = tpu.vector_load %arg8[%parallel_loop3A_576, %parallel_loop3A_577] {strides = array<i32>} : memref<64x128xf32, #tpu.memory_space<vmem>>, vector<16xf32>,
      tpu.vector_store %arg8[%parallel_loop3A_576, %parallel_loop3A_577], %parallel_loop3A_575 {strides = array<i32>} : memref<64x128xf32, #tpu.memory_space<vmem>>, vector<16xf32>,
      %parallel_loop3A_579 = arith.constant 1 : i32
      %parallel_loop3A_580 = arith.constant 0 : i32
      %parallel_loop3A_581 = arith.index_cast %parallel_loop3A_579 : i32 to index
      %parallel_loop3A_582 = arith.index_cast %parallel_loop3A_580 : i32 to index
      %parallel_loop3A_583 = arith.index_cast %parallel_loop3A_464 : i32 to index
      %parallel_loop3A_584 = arith.constant 48 : index
      %parallel_loop3A_585 = tpu.vector_load %arg6[%parallel_loop3A_581, %parallel_loop3A_582, %parallel_loop3A_583, %parallel_loop3A_584] {strides = array<i32>} : memref<3x2x128x128xf32, #tpu.memory_space<vmem>>, vector<16xf32>,
      %parallel_loop3A_586 = arith.constant 64 : i32
      %parallel_loop3A_587 = arith.addi %parallel_loop3A_586, %parallel_loop3A_464 : i32
      %parallel_loop3A_588 = arith.constant 1 : i32
      %parallel_loop3A_589 = arith.constant 0 : i32
      %parallel_loop3A_590 = arith.index_cast %parallel_loop3A_588 : i32 to index
      %parallel_loop3A_591 = arith.index_cast %parallel_loop3A_589 : i32 to index
      %parallel_loop3A_592 = arith.index_cast %parallel_loop3A_587 : i32 to index
      %parallel_loop3A_593 = arith.constant 48 : index
      %parallel_loop3A_594 = tpu.vector_load %arg6[%parallel_loop3A_590, %parallel_loop3A_591, %parallel_loop3A_592, %parallel_loop3A_593] {strides = array<i32>} : memref<3x2x128x128xf32, #tpu.memory_space<vmem>>, vector<16xf32>,
      %parallel_loop3A_595 = arith.addf %parallel_loop3A_585, %parallel_loop3A_594 : vector<16xf32>
      %parallel_loop3A_596 = arith.constant 1 : i32
      %parallel_loop3A_597 = arith.constant 1 : i32
      %parallel_loop3A_598 = arith.index_cast %parallel_loop3A_596 : i32 to index
      %parallel_loop3A_599 = arith.index_cast %parallel_loop3A_597 : i32 to index
      %parallel_loop3A_600 = arith.index_cast %parallel_loop3A_464 : i32 to index
      %parallel_loop3A_601 = arith.constant 48 : index
      %parallel_loop3A_602 = tpu.vector_load %arg6[%parallel_loop3A_598, %parallel_loop3A_599, %parallel_loop3A_600, %parallel_loop3A_601] {strides = array<i32>} : memref<3x2x128x128xf32, #tpu.memory_space<vmem>>, vector<16xf32>,
      %parallel_loop3A_603 = arith.addf %parallel_loop3A_595, %parallel_loop3A_602 : vector<16xf32>
      %parallel_loop3A_604 = arith.constant 64 : i32
      %parallel_loop3A_605 = arith.addi %parallel_loop3A_604, %parallel_loop3A_464 : i32
      %parallel_loop3A_606 = arith.constant 1 : i32
      %parallel_loop3A_607 = arith.constant 1 : i32
      %parallel_loop3A_608 = arith.index_cast %parallel_loop3A_606 : i32 to index
      %parallel_loop3A_609 = arith.index_cast %parallel_loop3A_607 : i32 to index
      %parallel_loop3A_610 = arith.index_cast %parallel_loop3A_605 : i32 to index
      %parallel_loop3A_611 = arith.constant 48 : index
      %parallel_loop3A_612 = tpu.vector_load %arg6[%parallel_loop3A_608, %parallel_loop3A_609, %parallel_loop3A_610, %parallel_loop3A_611] {strides = array<i32>} : memref<3x2x128x128xf32, #tpu.memory_space<vmem>>, vector<16xf32>,
      %parallel_loop3A_613 = arith.addf %parallel_loop3A_603, %parallel_loop3A_612 : vector<16xf32>
      %parallel_loop3A_614 = arith.index_cast %parallel_loop3A_464 : i32 to index
      %parallel_loop3A_615 = arith.constant 48 : index
      %parallel_loop3A_616 = tpu.vector_load %arg8[%parallel_loop3A_614, %parallel_loop3A_615] {strides = array<i32>} : memref<64x128xf32, #tpu.memory_space<vmem>>, vector<16xf32>,
      tpu.vector_store %arg8[%parallel_loop3A_614, %parallel_loop3A_615], %parallel_loop3A_613 {strides = array<i32>} : memref<64x128xf32, #tpu.memory_space<vmem>>, vector<16xf32>,
      %parallel_loop3A_617 = arith.constant 1 : i32
      %parallel_loop3A_618 = arith.constant 0 : i32
      %parallel_loop3A_619 = arith.index_cast %parallel_loop3A_617 : i32 to index
      %parallel_loop3A_620 = arith.index_cast %parallel_loop3A_618 : i32 to index
      %parallel_loop3A_621 = arith.index_cast %parallel_loop3A_464 : i32 to index
      %parallel_loop3A_622 = arith.constant 64 : index
      %parallel_loop3A_623 = tpu.vector_load %arg6[%parallel_loop3A_619, %parallel_loop3A_620, %parallel_loop3A_621, %parallel_loop3A_622] {strides = array<i32>} : memref<3x2x128x128xf32, #tpu.memory_space<vmem>>, vector<16xf32>,
      %parallel_loop3A_624 = arith.constant 64 : i32
      %parallel_loop3A_625 = arith.addi %parallel_loop3A_624, %parallel_loop3A_464 : i32
      %parallel_loop3A_626 = arith.constant 1 : i32
      %parallel_loop3A_627 = arith.constant 0 : i32
      %parallel_loop3A_628 = arith.index_cast %parallel_loop3A_626 : i32 to index
      %parallel_loop3A_629 = arith.index_cast %parallel_loop3A_627 : i32 to index
      %parallel_loop3A_630 = arith.index_cast %parallel_loop3A_625 : i32 to index
      %parallel_loop3A_631 = arith.constant 64 : index
      %parallel_loop3A_632 = tpu.vector_load %arg6[%parallel_loop3A_628, %parallel_loop3A_629, %parallel_loop3A_630, %parallel_loop3A_631] {strides = array<i32>} : memref<3x2x128x128xf32, #tpu.memory_space<vmem>>, vector<16xf32>,
      %parallel_loop3A_633 = arith.addf %parallel_loop3A_623, %parallel_loop3A_632 : vector<16xf32>
      %parallel_loop3A_634 = arith.constant 1 : i32
      %parallel_loop3A_635 = arith.constant 1 : i32
      %parallel_loop3A_636 = arith.index_cast %parallel_loop3A_634 : i32 to index
      %parallel_loop3A_637 = arith.index_cast %parallel_loop3A_635 : i32 to index
      %parallel_loop3A_638 = arith.index_cast %parallel_loop3A_464 : i32 to index
      %parallel_loop3A_639 = arith.constant 64 : index
      %parallel_loop3A_640 = tpu.vector_load %arg6[%parallel_loop3A_636, %parallel_loop3A_637, %parallel_loop3A_638, %parallel_loop3A_639] {strides = array<i32>} : memref<3x2x128x128xf32, #tpu.memory_space<vmem>>, vector<16xf32>,
      %parallel_loop3A_641 = arith.addf %parallel_loop3A_633, %parallel_loop3A_640 : vector<16xf32>
      %parallel_loop3A_642 = arith.constant 64 : i32
      %parallel_loop3A_643 = arith.addi %parallel_loop3A_642, %parallel_loop3A_464 : i32
      %parallel_loop3A_644 = arith.constant 1 : i32
      %parallel_loop3A_645 = arith.constant 1 : i32
      %parallel_loop3A_646 = arith.index_cast %parallel_loop3A_644 : i32 to index
      %parallel_loop3A_647 = arith.index_cast %parallel_loop3A_645 : i32 to index
      %parallel_loop3A_648 = arith.index_cast %parallel_loop3A_643 : i32 to index
      %parallel_loop3A_649 = arith.constant 64 : index
      %parallel_loop3A_650 = tpu.vector_load %arg6[%parallel_loop3A_646, %parallel_loop3A_647, %parallel_loop3A_648, %parallel_loop3A_649] {strides = array<i32>} : memref<3x2x128x128xf32, #tpu.memory_space<vmem>>, vector<16xf32>,
      %parallel_loop3A_651 = arith.addf %parallel_loop3A_641, %parallel_loop3A_650 : vector<16xf32>
      %parallel_loop3A_652 = arith.index_cast %parallel_loop3A_464 : i32 to index
      %parallel_loop3A_653 = arith.constant 64 : index
      %parallel_loop3A_654 = tpu.vector_load %arg8[%parallel_loop3A_652, %parallel_loop3A_653] {strides = array<i32>} : memref<64x128xf32, #tpu.memory_space<vmem>>, vector<16xf32>,
      tpu.vector_store %arg8[%parallel_loop3A_652, %parallel_loop3A_653], %parallel_loop3A_651 {strides = array<i32>} : memref<64x128xf32, #tpu.memory_space<vmem>>, vector<16xf32>,
      %parallel_loop3A_655 = arith.constant 1 : i32
      %parallel_loop3A_656 = arith.constant 0 : i32
      %parallel_loop3A_657 = arith.index_cast %parallel_loop3A_655 : i32 to index
      %parallel_loop3A_658 = arith.index_cast %parallel_loop3A_656 : i32 to index
      %parallel_loop3A_659 = arith.index_cast %parallel_loop3A_464 : i32 to index
      %parallel_loop3A_660 = arith.constant 80 : index
      %parallel_loop3A_661 = tpu.vector_load %arg6[%parallel_loop3A_657, %parallel_loop3A_658, %parallel_loop3A_659, %parallel_loop3A_660] {strides = array<i32>} : memref<3x2x128x128xf32, #tpu.memory_space<vmem>>, vector<16xf32>,
      %parallel_loop3A_662 = arith.constant 64 : i32
      %parallel_loop3A_663 = arith.addi %parallel_loop3A_662, %parallel_loop3A_464 : i32
      %parallel_loop3A_664 = arith.constant 1 : i32
      %parallel_loop3A_665 = arith.constant 0 : i32
      %parallel_loop3A_666 = arith.index_cast %parallel_loop3A_664 : i32 to index
      %parallel_loop3A_667 = arith.index_cast %parallel_loop3A_665 : i32 to index
      %parallel_loop3A_668 = arith.index_cast %parallel_loop3A_663 : i32 to index
      %parallel_loop3A_669 = arith.constant 80 : index
      %parallel_loop3A_670 = tpu.vector_load %arg6[%parallel_loop3A_666, %parallel_loop3A_667, %parallel_loop3A_668, %parallel_loop3A_669] {strides = array<i32>} : memref<3x2x128x128xf32, #tpu.memory_space<vmem>>, vector<16xf32>,
      %parallel_loop3A_671 = arith.addf %parallel_loop3A_661, %parallel_loop3A_670 : vector<16xf32>
      %parallel_loop3A_672 = arith.constant 1 : i32
      %parallel_loop3A_673 = arith.constant 1 : i32
      %parallel_loop3A_674 = arith.index_cast %parallel_loop3A_672 : i32 to index
      %parallel_loop3A_675 = arith.index_cast %parallel_loop3A_673 : i32 to index
      %parallel_loop3A_676 = arith.index_cast %parallel_loop3A_464 : i32 to index
      %parallel_loop3A_677 = arith.constant 80 : index
      %parallel_loop3A_678 = tpu.vector_load %arg6[%parallel_loop3A_674, %parallel_loop3A_675, %parallel_loop3A_676, %parallel_loop3A_677] {strides = array<i32>} : memref<3x2x128x128xf32, #tpu.memory_space<vmem>>, vector<16xf32>,
      %parallel_loop3A_679 = arith.addf %parallel_loop3A_671, %parallel_loop3A_678 : vector<16xf32>
      %parallel_loop3A_680 = arith.constant 64 : i32
      %parallel_loop3A_681 = arith.addi %parallel_loop3A_680, %parallel_loop3A_464 : i32
      %parallel_loop3A_682 = arith.constant 1 : i32
      %parallel_loop3A_683 = arith.constant 1 : i32
      %parallel_loop3A_684 = arith.index_cast %parallel_loop3A_682 : i32 to index
      %parallel_loop3A_685 = arith.index_cast %parallel_loop3A_683 : i32 to index
      %parallel_loop3A_686 = arith.index_cast %parallel_loop3A_681 : i32 to index
      %parallel_loop3A_687 = arith.constant 80 : index
      %parallel_loop3A_688 = tpu.vector_load %arg6[%parallel_loop3A_684, %parallel_loop3A_685, %parallel_loop3A_686, %parallel_loop3A_687] {strides = array<i32>} : memref<3x2x128x128xf32, #tpu.memory_space<vmem>>, vector<16xf32>,
      %parallel_loop3A_689 = arith.addf %parallel_loop3A_679, %parallel_loop3A_688 : vector<16xf32>
      %parallel_loop3A_690 = arith.index_cast %parallel_loop3A_464 : i32 to index
      %parallel_loop3A_691 = arith.constant 80 : index
      %parallel_loop3A_692 = tpu.vector_load %arg8[%parallel_loop3A_690, %parallel_loop3A_691] {strides = array<i32>} : memref<64x128xf32, #tpu.memory_space<vmem>>, vector<16xf32>,
      tpu.vector_store %arg8[%parallel_loop3A_690, %parallel_loop3A_691], %parallel_loop3A_689 {strides = array<i32>} : memref<64x128xf32, #tpu.memory_space<vmem>>, vector<16xf32>,
      %parallel_loop3A_693 = arith.constant 1 : i32
      %parallel_loop3A_694 = arith.constant 0 : i32
      %parallel_loop3A_695 = arith.index_cast %parallel_loop3A_693 : i32 to index
      %parallel_loop3A_696 = arith.index_cast %parallel_loop3A_694 : i32 to index
      %parallel_loop3A_697 = arith.index_cast %parallel_loop3A_464 : i32 to index
      %parallel_loop3A_698 = arith.constant 96 : index
      %parallel_loop3A_699 = tpu.vector_load %arg6[%parallel_loop3A_695, %parallel_loop3A_696, %parallel_loop3A_697, %parallel_loop3A_698] {strides = array<i32>} : memref<3x2x128x128xf32, #tpu.memory_space<vmem>>, vector<16xf32>,
      %parallel_loop3A_700 = arith.constant 64 : i32
      %parallel_loop3A_701 = arith.addi %parallel_loop3A_700, %parallel_loop3A_464 : i32
      %parallel_loop3A_702 = arith.constant 1 : i32
      %parallel_loop3A_703 = arith.constant 0 : i32
      %parallel_loop3A_704 = arith.index_cast %parallel_loop3A_702 : i32 to index
      %parallel_loop3A_705 = arith.index_cast %parallel_loop3A_703 : i32 to index
      %parallel_loop3A_706 = arith.index_cast %parallel_loop3A_701 : i32 to index
      %parallel_loop3A_707 = arith.constant 96 : index
      %parallel_loop3A_708 = tpu.vector_load %arg6[%parallel_loop3A_704, %parallel_loop3A_705, %parallel_loop3A_706, %parallel_loop3A_707] {strides = array<i32>} : memref<3x2x128x128xf32, #tpu.memory_space<vmem>>, vector<16xf32>,
      %parallel_loop3A_709 = arith.addf %parallel_loop3A_699, %parallel_loop3A_708 : vector<16xf32>
      %parallel_loop3A_710 = arith.constant 1 : i32
      %parallel_loop3A_711 = arith.constant 1 : i32
      %parallel_loop3A_712 = arith.index_cast %parallel_loop3A_710 : i32 to index
      %parallel_loop3A_713 = arith.index_cast %parallel_loop3A_711 : i32 to index
      %parallel_loop3A_714 = arith.index_cast %parallel_loop3A_464 : i32 to index
      %parallel_loop3A_715 = arith.constant 96 : index
      %parallel_loop3A_716 = tpu.vector_load %arg6[%parallel_loop3A_712, %parallel_loop3A_713, %parallel_loop3A_714, %parallel_loop3A_715] {strides = array<i32>} : memref<3x2x128x128xf32, #tpu.memory_space<vmem>>, vector<16xf32>,
      %parallel_loop3A_717 = arith.addf %parallel_loop3A_709, %parallel_loop3A_716 : vector<16xf32>
      %parallel_loop3A_718 = arith.constant 64 : i32
      %parallel_loop3A_719 = arith.addi %parallel_loop3A_718, %parallel_loop3A_464 : i32
      %parallel_loop3A_720 = arith.constant 1 : i32
      %parallel_loop3A_721 = arith.constant 1 : i32
      %parallel_loop3A_722 = arith.index_cast %parallel_loop3A_720 : i32 to index
      %parallel_loop3A_723 = arith.index_cast %parallel_loop3A_721 : i32 to index
      %parallel_loop3A_724 = arith.index_cast %parallel_loop3A_719 : i32 to index
      %parallel_loop3A_725 = arith.constant 96 : index
      %parallel_loop3A_726 = tpu.vector_load %arg6[%parallel_loop3A_722, %parallel_loop3A_723, %parallel_loop3A_724, %parallel_loop3A_725] {strides = array<i32>} : memref<3x2x128x128xf32, #tpu.memory_space<vmem>>, vector<16xf32>,
      %parallel_loop3A_727 = arith.addf %parallel_loop3A_717, %parallel_loop3A_726 : vector<16xf32>
      %parallel_loop3A_728 = arith.index_cast %parallel_loop3A_464 : i32 to index
      %parallel_loop3A_729 = arith.constant 96 : index
      %parallel_loop3A_730 = tpu.vector_load %arg8[%parallel_loop3A_728, %parallel_loop3A_729] {strides = array<i32>} : memref<64x128xf32, #tpu.memory_space<vmem>>, vector<16xf32>,
      tpu.vector_store %arg8[%parallel_loop3A_728, %parallel_loop3A_729], %parallel_loop3A_727 {strides = array<i32>} : memref<64x128xf32, #tpu.memory_space<vmem>>, vector<16xf32>,
      %parallel_loop3A_731 = arith.constant 1 : i32
      %parallel_loop3A_732 = arith.constant 0 : i32
      %parallel_loop3A_733 = arith.index_cast %parallel_loop3A_731 : i32 to index
      %parallel_loop3A_734 = arith.index_cast %parallel_loop3A_732 : i32 to index
      %parallel_loop3A_735 = arith.index_cast %parallel_loop3A_464 : i32 to index
      %parallel_loop3A_736 = arith.constant 112 : index
      %parallel_loop3A_737 = tpu.vector_load %arg6[%parallel_loop3A_733, %parallel_loop3A_734, %parallel_loop3A_735, %parallel_loop3A_736] {strides = array<i32>} : memref<3x2x128x128xf32, #tpu.memory_space<vmem>>, vector<16xf32>,
      %parallel_loop3A_738 = arith.constant 64 : i32
      %parallel_loop3A_739 = arith.addi %parallel_loop3A_738, %parallel_loop3A_464 : i32
      %parallel_loop3A_740 = arith.constant 1 : i32
      %parallel_loop3A_741 = arith.constant 0 : i32
      %parallel_loop3A_742 = arith.index_cast %parallel_loop3A_740 : i32 to index
      %parallel_loop3A_743 = arith.index_cast %parallel_loop3A_741 : i32 to index
      %parallel_loop3A_744 = arith.index_cast %parallel_loop3A_739 : i32 to index
      %parallel_loop3A_745 = arith.constant 112 : index
      %parallel_loop3A_746 = tpu.vector_load %arg6[%parallel_loop3A_742, %parallel_loop3A_743, %parallel_loop3A_744, %parallel_loop3A_745] {strides = array<i32>} : memref<3x2x128x128xf32, #tpu.memory_space<vmem>>, vector<16xf32>,
      %parallel_loop3A_747 = arith.addf %parallel_loop3A_737, %parallel_loop3A_746 : vector<16xf32>
      %parallel_loop3A_748 = arith.constant 1 : i32
      %parallel_loop3A_749 = arith.constant 1 : i32
      %parallel_loop3A_750 = arith.index_cast %parallel_loop3A_748 : i32 to index
      %parallel_loop3A_751 = arith.index_cast %parallel_loop3A_749 : i32 to index
      %parallel_loop3A_752 = arith.index_cast %parallel_loop3A_464 : i32 to index
      %parallel_loop3A_753 = arith.constant 112 : index
      %parallel_loop3A_754 = tpu.vector_load %arg6[%parallel_loop3A_750, %parallel_loop3A_751, %parallel_loop3A_752, %parallel_loop3A_753] {strides = array<i32>} : memref<3x2x128x128xf32, #tpu.memory_space<vmem>>, vector<16xf32>,
      %parallel_loop3A_755 = arith.addf %parallel_loop3A_747, %parallel_loop3A_754 : vector<16xf32>
      %parallel_loop3A_756 = arith.constant 64 : i32
      %parallel_loop3A_757 = arith.addi %parallel_loop3A_756, %parallel_loop3A_464 : i32
      %parallel_loop3A_758 = arith.constant 1 : i32
      %parallel_loop3A_759 = arith.constant 1 : i32
      %parallel_loop3A_760 = arith.index_cast %parallel_loop3A_758 : i32 to index
      %parallel_loop3A_761 = arith.index_cast %parallel_loop3A_759 : i32 to index
      %parallel_loop3A_762 = arith.index_cast %parallel_loop3A_757 : i32 to index
      %parallel_loop3A_763 = arith.constant 112 : index
      %parallel_loop3A_764 = tpu.vector_load %arg6[%parallel_loop3A_760, %parallel_loop3A_761, %parallel_loop3A_762, %parallel_loop3A_763] {strides = array<i32>} : memref<3x2x128x128xf32, #tpu.memory_space<vmem>>, vector<16xf32>,
      %parallel_loop3A_765 = arith.addf %parallel_loop3A_755, %parallel_loop3A_764 : vector<16xf32>
      %parallel_loop3A_766 = arith.index_cast %parallel_loop3A_464 : i32 to index
      %parallel_loop3A_767 = arith.constant 112 : index
      %parallel_loop3A_768 = tpu.vector_load %arg8[%parallel_loop3A_766, %parallel_loop3A_767] {strides = array<i32>} : memref<64x128xf32, #tpu.memory_space<vmem>>, vector<16xf32>,
      tpu.vector_store %arg8[%parallel_loop3A_766, %parallel_loop3A_767], %parallel_loop3A_765 {strides = array<i32>} : memref<64x128xf32, #tpu.memory_space<vmem>>, vector<16xf32>,
    } {sc.loop_unroll_factor = 2 : i64, sc.parallel_access}
    "tpu.trace_stop"() : () -> ()
    %add3A_152 = arith.constant 64 : i32
    %add3A_153 = arith.addi %mul3A_2, %add3A_152 : i32
    %dma_start3A_154 = arith.constant 0 : i32
    %dma_start3A_155 = tpu.memref_slice %arg4[%add3A_153, %dma_start3A_154] : memref<16384x128xf32, #tpu.memory_space<hbm>> -> memref<64x128xf32, #tpu.memory_space<hbm>>
    %dma_start3A_156 = arith.constant 0 : i32
    %dma_start3A_157 = tpu.memref_slice %arg4[%add3A_153, %dma_start3A_156] : memref<16384x128xf32, #tpu.memory_space<hbm>> -> memref<64x128xf32, #tpu.memory_space<hbm>>
    tpu.enqueue_dma source(%arg8 : memref<64x128xf32, #tpu.memory_space<vmem>>) target(%dma_start3A_157 : memref<64x128xf32, #tpu.memory_space<hbm>>) target_semaphore(%arg15 : memref<!tpu.dma_semaphore, #tpu.memory_space<semaphore_mem>>)
    %dma_start3A_158 = arith.constant 1 : i32
    %dma_start3A_159 = arith.constant 0 : i32
    %dma_start3A_160 = arith.constant 0 : i32
    %dma_start3A_161 = arith.constant 0 : i32
    %dma_start3A_162 = tpu.memref_slice %arg6[%dma_start3A_158, %dma_start3A_159, %dma_start3A_160, %dma_start3A_161] : memref<3x2x128x128xf32, #tpu.memory_space<vmem>> -> memref<1x1x128x128xf32, #tpu.memory_space<vmem>>
    %dma_start3A_163 = tpu.memref_squeeze %dma_start3A_162 : memref<1x1x128x128xf32, #tpu.memory_space<vmem>> -> memref<128x128xf32, #tpu.memory_space<vmem>>
    %dma_start3A_164 = arith.constant 1024 : i32
    %dma_start3A_165 = tpu.memref_slice %arg5[%dma_start3A_164] : memref<2048xi32, #tpu.memory_space<vmem>> -> memref<128xi32, #tpu.memory_space<vmem>>
    %dma_start3A_166 = arith.constant 0 : i32
    %dma_start3A_167 = arith.constant 0 : i32
    %dma_start3A_168 = tpu.memref_slice %arg10[%dma_start3A_166, %dma_start3A_167] : memref<512x128xf32, #tpu.memory_space<vmem_shared>> -> memref<512x128xf32, #tpu.memory_space<vmem_shared>>
    tpu.enqueue_indirect_dma source(%dma_start3A_168 : memref<512x128xf32, #tpu.memory_space<vmem_shared>>) target(%dma_start3A_163 : memref<128x128xf32, #tpu.memory_space<vmem>>) offsets(%dma_start3A_165 : memref<128xi32, #tpu.memory_space<vmem>>) semaphore(%arg12 : memref<!tpu.dma_semaphore, #tpu.memory_space<semaphore_mem>>)
    %dma_start3A_169 = arith.constant 1 : i32
    %dma_start3A_170 = arith.constant 1 : i32
    %dma_start3A_171 = arith.constant 0 : i32
    %dma_start3A_172 = arith.constant 0 : i32
    %dma_start3A_173 = tpu.memref_slice %arg6[%dma_start3A_169, %dma_start3A_170, %dma_start3A_171, %dma_start3A_172] : memref<3x2x128x128xf32, #tpu.memory_space<vmem>> -> memref<1x1x128x128xf32, #tpu.memory_space<vmem>>
    %dma_start3A_174 = tpu.memref_squeeze %dma_start3A_173 : memref<1x1x128x128xf32, #tpu.memory_space<vmem>> -> memref<128x128xf32, #tpu.memory_space<vmem>>
    %dma_start3A_175 = arith.constant 1152 : i32
    %dma_start3A_176 = tpu.memref_slice %arg5[%dma_start3A_175] : memref<2048xi32, #tpu.memory_space<vmem>> -> memref<128xi32, #tpu.memory_space<vmem>>
    %dma_start3A_177 = arith.constant 0 : i32
    %dma_start3A_178 = arith.constant 0 : i32
    %dma_start3A_179 = tpu.memref_slice %arg10[%dma_start3A_177, %dma_start3A_178] : memref<512x128xf32, #tpu.memory_space<vmem_shared>> -> memref<512x128xf32, #tpu.memory_space<vmem_shared>>
    tpu.enqueue_indirect_dma source(%dma_start3A_179 : memref<512x128xf32, #tpu.memory_space<vmem_shared>>) target(%dma_start3A_174 : memref<128x128xf32, #tpu.memory_space<vmem>>) offsets(%dma_start3A_176 : memref<128xi32, #tpu.memory_space<vmem>>) semaphore(%arg12 : memref<!tpu.dma_semaphore, #tpu.memory_space<semaphore_mem>>)
    %dma_wait3A_180 = arith.constant 2 : i32
    %dma_wait3A_181 = arith.constant 0 : i32
    "tpu.trace_start"() <{level = 10 : i32, message = "gwait"}> : () -> ()
    %dma_wait3A_182 = arith.constant 0 : i32
    %dma_wait3A_183 = arith.constant 0 : i32
    %dma_wait3A_184 = tpu.memref_slice %arg6[%dma_wait3A_180, %dma_wait3A_181, %dma_wait3A_182, %dma_wait3A_183] : memref<3x2x128x128xf32, #tpu.memory_space<vmem>> -> memref<1x1x128x128xf32, #tpu.memory_space<vmem>>
    %dma_wait3A_185 = tpu.memref_squeeze %dma_wait3A_184 : memref<1x1x128x128xf32, #tpu.memory_space<vmem>> -> memref<128x128xf32, #tpu.memory_space<vmem>>
    %dma_wait3A_186 = arith.constant 512 : i32
    %dma_wait3A_187 = tpu.memref_slice %arg5[%dma_wait3A_186] : memref<2048xi32, #tpu.memory_space<vmem>> -> memref<128xi32, #tpu.memory_space<vmem>>
    %dma_wait3A_188 = arith.constant 0 : i32
    %dma_wait3A_189 = arith.constant 0 : i32
    %dma_wait3A_190 = tpu.memref_slice %arg10[%dma_wait3A_188, %dma_wait3A_189] : memref<512x128xf32, #tpu.memory_space<vmem_shared>> -> memref<512x128xf32, #tpu.memory_space<vmem_shared>>
    tpu.wait_indirect_dma semaphore(%arg13 : memref<!tpu.dma_semaphore, #tpu.memory_space<semaphore_mem>>) src(%dma_wait3A_190 : memref<512x128xf32, #tpu.memory_space<vmem_shared>>) dst(%dma_wait3A_185 : memref<128x128xf32, #tpu.memory_space<vmem>>)
    %dma_wait3A_191 = arith.constant 2 : i32
    %dma_wait3A_192 = arith.constant 1 : i32
    %dma_wait3A_193 = arith.constant 0 : i32
    %dma_wait3A_194 = arith.constant 0 : i32
    %dma_wait3A_195 = tpu.memref_slice %arg6[%dma_wait3A_191, %dma_wait3A_192, %dma_wait3A_193, %dma_wait3A_194] : memref<3x2x128x128xf32, #tpu.memory_space<vmem>> -> memref<1x1x128x128xf32, #tpu.memory_space<vmem>>
    %dma_wait3A_196 = tpu.memref_squeeze %dma_wait3A_195 : memref<1x1x128x128xf32, #tpu.memory_space<vmem>> -> memref<128x128xf32, #tpu.memory_space<vmem>>
    %dma_wait3A_197 = arith.constant 640 : i32
    %dma_wait3A_198 = tpu.memref_slice %arg5[%dma_wait3A_197] : memref<2048xi32, #tpu.memory_space<vmem>> -> memref<128xi32, #tpu.memory_space<vmem>>
    %dma_wait3A_199 = arith.constant 0 : i32
    %dma_wait3A_200 = arith.constant 0 : i32
    %dma_wait3A_201 = tpu.memref_slice %arg10[%dma_wait3A_199, %dma_wait3A_200] : memref<512x128xf32, #tpu.memory_space<vmem_shared>> -> memref<512x128xf32, #tpu.memory_space<vmem_shared>>
    tpu.wait_indirect_dma semaphore(%arg13 : memref<!tpu.dma_semaphore, #tpu.memory_space<semaphore_mem>>) src(%dma_wait3A_201 : memref<512x128xf32, #tpu.memory_space<vmem_shared>>) dst(%dma_wait3A_196 : memref<128x128xf32, #tpu.memory_space<vmem>>)
    %parallel_loop3A_202 = arith.constant 0 : i32
    %parallel_loop3A_203 = arith.constant 64 : i32
    %parallel_loop3A_204 = arith.constant 1 : i32
    "tpu.trace_stop"() : () -> ()
    "tpu.trace_start"() <{level = 10 : i32, message = "adds"}> : () -> ()
    scf.for %parallel_loop3A_464 = %parallel_loop3A_202 to %parallel_loop3A_203 step %parallel_loop3A_204  : i32 {
      %parallel_loop3A_465 = arith.constant 2 : i32
      %parallel_loop3A_466 = arith.constant 0 : i32
      %parallel_loop3A_467 = arith.index_cast %parallel_loop3A_465 : i32 to index
      %parallel_loop3A_468 = arith.index_cast %parallel_loop3A_466 : i32 to index
      %parallel_loop3A_469 = arith.index_cast %parallel_loop3A_464 : i32 to index
      %parallel_loop3A_470 = arith.constant 0 : index
      %parallel_loop3A_471 = tpu.vector_load %arg6[%parallel_loop3A_467, %parallel_loop3A_468, %parallel_loop3A_469, %parallel_loop3A_470] {strides = array<i32>} : memref<3x2x128x128xf32, #tpu.memory_space<vmem>>, vector<16xf32>,
      %parallel_loop3A_472 = arith.constant 64 : i32
      %parallel_loop3A_473 = arith.addi %parallel_loop3A_472, %parallel_loop3A_464 : i32
      %parallel_loop3A_474 = arith.constant 2 : i32
      %parallel_loop3A_475 = arith.constant 0 : i32
      %parallel_loop3A_476 = arith.index_cast %parallel_loop3A_474 : i32 to index
      %parallel_loop3A_477 = arith.index_cast %parallel_loop3A_475 : i32 to index
      %parallel_loop3A_478 = arith.index_cast %parallel_loop3A_473 : i32 to index
      %parallel_loop3A_479 = arith.constant 0 : index
      %parallel_loop3A_480 = tpu.vector_load %arg6[%parallel_loop3A_476, %parallel_loop3A_477, %parallel_loop3A_478, %parallel_loop3A_479] {strides = array<i32>} : memref<3x2x128x128xf32, #tpu.memory_space<vmem>>, vector<16xf32>,
      %parallel_loop3A_481 = arith.addf %parallel_loop3A_471, %parallel_loop3A_480 : vector<16xf32>
      %parallel_loop3A_482 = arith.constant 2 : i32
      %parallel_loop3A_483 = arith.constant 1 : i32
      %parallel_loop3A_484 = arith.index_cast %parallel_loop3A_482 : i32 to index
      %parallel_loop3A_485 = arith.index_cast %parallel_loop3A_483 : i32 to index
      %parallel_loop3A_486 = arith.index_cast %parallel_loop3A_464 : i32 to index
      %parallel_loop3A_487 = arith.constant 0 : index
      %parallel_loop3A_488 = tpu.vector_load %arg6[%parallel_loop3A_484, %parallel_loop3A_485, %parallel_loop3A_486, %parallel_loop3A_487] {strides = array<i32>} : memref<3x2x128x128xf32, #tpu.memory_space<vmem>>, vector<16xf32>,
      %parallel_loop3A_489 = arith.addf %parallel_loop3A_481, %parallel_loop3A_488 : vector<16xf32>
      %parallel_loop3A_490 = arith.constant 64 : i32
      %parallel_loop3A_491 = arith.addi %parallel_loop3A_490, %parallel_loop3A_464 : i32
      %parallel_loop3A_492 = arith.constant 2 : i32
      %parallel_loop3A_493 = arith.constant 1 : i32
      %parallel_loop3A_494 = arith.index_cast %parallel_loop3A_492 : i32 to index
      %parallel_loop3A_495 = arith.index_cast %parallel_loop3A_493 : i32 to index
      %parallel_loop3A_496 = arith.index_cast %parallel_loop3A_491 : i32 to index
      %parallel_loop3A_497 = arith.constant 0 : index
      %parallel_loop3A_498 = tpu.vector_load %arg6[%parallel_loop3A_494, %parallel_loop3A_495, %parallel_loop3A_496, %parallel_loop3A_497] {strides = array<i32>} : memref<3x2x128x128xf32, #tpu.memory_space<vmem>>, vector<16xf32>,
      %parallel_loop3A_499 = arith.addf %parallel_loop3A_489, %parallel_loop3A_498 : vector<16xf32>
      %parallel_loop3A_500 = arith.index_cast %parallel_loop3A_464 : i32 to index
      %parallel_loop3A_501 = arith.constant 0 : index
      %parallel_loop3A_502 = tpu.vector_load %arg9[%parallel_loop3A_500, %parallel_loop3A_501] {strides = array<i32>} : memref<64x128xf32, #tpu.memory_space<vmem>>, vector<16xf32>,
      tpu.vector_store %arg9[%parallel_loop3A_500, %parallel_loop3A_501], %parallel_loop3A_499 {strides = array<i32>} : memref<64x128xf32, #tpu.memory_space<vmem>>, vector<16xf32>,
      %parallel_loop3A_503 = arith.constant 2 : i32
      %parallel_loop3A_504 = arith.constant 0 : i32
      %parallel_loop3A_505 = arith.index_cast %parallel_loop3A_503 : i32 to index
      %parallel_loop3A_506 = arith.index_cast %parallel_loop3A_504 : i32 to index
      %parallel_loop3A_507 = arith.index_cast %parallel_loop3A_464 : i32 to index
      %parallel_loop3A_508 = arith.constant 16 : index
      %parallel_loop3A_509 = tpu.vector_load %arg6[%parallel_loop3A_505, %parallel_loop3A_506, %parallel_loop3A_507, %parallel_loop3A_508] {strides = array<i32>} : memref<3x2x128x128xf32, #tpu.memory_space<vmem>>, vector<16xf32>,
      %parallel_loop3A_510 = arith.constant 64 : i32
      %parallel_loop3A_511 = arith.addi %parallel_loop3A_510, %parallel_loop3A_464 : i32
      %parallel_loop3A_512 = arith.constant 2 : i32
      %parallel_loop3A_513 = arith.constant 0 : i32
      %parallel_loop3A_514 = arith.index_cast %parallel_loop3A_512 : i32 to index
      %parallel_loop3A_515 = arith.index_cast %parallel_loop3A_513 : i32 to index
      %parallel_loop3A_516 = arith.index_cast %parallel_loop3A_511 : i32 to index
      %parallel_loop3A_517 = arith.constant 16 : index
      %parallel_loop3A_518 = tpu.vector_load %arg6[%parallel_loop3A_514, %parallel_loop3A_515, %parallel_loop3A_516, %parallel_loop3A_517] {strides = array<i32>} : memref<3x2x128x128xf32, #tpu.memory_space<vmem>>, vector<16xf32>,
      %parallel_loop3A_519 = arith.addf %parallel_loop3A_509, %parallel_loop3A_518 : vector<16xf32>
      %parallel_loop3A_520 = arith.constant 2 : i32
      %parallel_loop3A_521 = arith.constant 1 : i32
      %parallel_loop3A_522 = arith.index_cast %parallel_loop3A_520 : i32 to index
      %parallel_loop3A_523 = arith.index_cast %parallel_loop3A_521 : i32 to index
      %parallel_loop3A_524 = arith.index_cast %parallel_loop3A_464 : i32 to index
      %parallel_loop3A_525 = arith.constant 16 : index
      %parallel_loop3A_526 = tpu.vector_load %arg6[%parallel_loop3A_522, %parallel_loop3A_523, %parallel_loop3A_524, %parallel_loop3A_525] {strides = array<i32>} : memref<3x2x128x128xf32, #tpu.memory_space<vmem>>, vector<16xf32>,
      %parallel_loop3A_527 = arith.addf %parallel_loop3A_519, %parallel_loop3A_526 : vector<16xf32>
      %parallel_loop3A_528 = arith.constant 64 : i32
      %parallel_loop3A_529 = arith.addi %parallel_loop3A_528, %parallel_loop3A_464 : i32
      %parallel_loop3A_530 = arith.constant 2 : i32
      %parallel_loop3A_531 = arith.constant 1 : i32
      %parallel_loop3A_532 = arith.index_cast %parallel_loop3A_530 : i32 to index
      %parallel_loop3A_533 = arith.index_cast %parallel_loop3A_531 : i32 to index
      %parallel_loop3A_534 = arith.index_cast %parallel_loop3A_529 : i32 to index
      %parallel_loop3A_535 = arith.constant 16 : index
      %parallel_loop3A_536 = tpu.vector_load %arg6[%parallel_loop3A_532, %parallel_loop3A_533, %parallel_loop3A_534, %parallel_loop3A_535] {strides = array<i32>} : memref<3x2x128x128xf32, #tpu.memory_space<vmem>>, vector<16xf32>,
      %parallel_loop3A_537 = arith.addf %parallel_loop3A_527, %parallel_loop3A_536 : vector<16xf32>
      %parallel_loop3A_538 = arith.index_cast %parallel_loop3A_464 : i32 to index
      %parallel_loop3A_539 = arith.constant 16 : index
      %parallel_loop3A_540 = tpu.vector_load %arg9[%parallel_loop3A_538, %parallel_loop3A_539] {strides = array<i32>} : memref<64x128xf32, #tpu.memory_space<vmem>>, vector<16xf32>,
      tpu.vector_store %arg9[%parallel_loop3A_538, %parallel_loop3A_539], %parallel_loop3A_537 {strides = array<i32>} : memref<64x128xf32, #tpu.memory_space<vmem>>, vector<16xf32>,
      %parallel_loop3A_541 = arith.constant 2 : i32
      %parallel_loop3A_542 = arith.constant 0 : i32
      %parallel_loop3A_543 = arith.index_cast %parallel_loop3A_541 : i32 to index
      %parallel_loop3A_544 = arith.index_cast %parallel_loop3A_542 : i32 to index
      %parallel_loop3A_545 = arith.index_cast %parallel_loop3A_464 : i32 to index
      %parallel_loop3A_546 = arith.constant 32 : index
      %parallel_loop3A_547 = tpu.vector_load %arg6[%parallel_loop3A_543, %parallel_loop3A_544, %parallel_loop3A_545, %parallel_loop3A_546] {strides = array<i32>} : memref<3x2x128x128xf32, #tpu.memory_space<vmem>>, vector<16xf32>,
      %parallel_loop3A_548 = arith.constant 64 : i32
      %parallel_loop3A_549 = arith.addi %parallel_loop3A_548, %parallel_loop3A_464 : i32
      %parallel_loop3A_550 = arith.constant 2 : i32
      %parallel_loop3A_551 = arith.constant 0 : i32
      %parallel_loop3A_552 = arith.index_cast %parallel_loop3A_550 : i32 to index
      %parallel_loop3A_553 = arith.index_cast %parallel_loop3A_551 : i32 to index
      %parallel_loop3A_554 = arith.index_cast %parallel_loop3A_549 : i32 to index
      %parallel_loop3A_555 = arith.constant 32 : index
      %parallel_loop3A_556 = tpu.vector_load %arg6[%parallel_loop3A_552, %parallel_loop3A_553, %parallel_loop3A_554, %parallel_loop3A_555] {strides = array<i32>} : memref<3x2x128x128xf32, #tpu.memory_space<vmem>>, vector<16xf32>,
      %parallel_loop3A_557 = arith.addf %parallel_loop3A_547, %parallel_loop3A_556 : vector<16xf32>
      %parallel_loop3A_558 = arith.constant 2 : i32
      %parallel_loop3A_559 = arith.constant 1 : i32
      %parallel_loop3A_560 = arith.index_cast %parallel_loop3A_558 : i32 to index
      %parallel_loop3A_561 = arith.index_cast %parallel_loop3A_559 : i32 to index
      %parallel_loop3A_562 = arith.index_cast %parallel_loop3A_464 : i32 to index
      %parallel_loop3A_563 = arith.constant 32 : index
      %parallel_loop3A_564 = tpu.vector_load %arg6[%parallel_loop3A_560, %parallel_loop3A_561, %parallel_loop3A_562, %parallel_loop3A_563] {strides = array<i32>} : memref<3x2x128x128xf32, #tpu.memory_space<vmem>>, vector<16xf32>,
      %parallel_loop3A_565 = arith.addf %parallel_loop3A_557, %parallel_loop3A_564 : vector<16xf32>
      %parallel_loop3A_566 = arith.constant 64 : i32
      %parallel_loop3A_567 = arith.addi %parallel_loop3A_566, %parallel_loop3A_464 : i32
      %parallel_loop3A_568 = arith.constant 2 : i32
      %parallel_loop3A_569 = arith.constant 1 : i32
      %parallel_loop3A_570 = arith.index_cast %parallel_loop3A_568 : i32 to index
      %parallel_loop3A_571 = arith.index_cast %parallel_loop3A_569 : i32 to index
      %parallel_loop3A_572 = arith.index_cast %parallel_loop3A_567 : i32 to index
      %parallel_loop3A_573 = arith.constant 32 : index
      %parallel_loop3A_574 = tpu.vector_load %arg6[%parallel_loop3A_570, %parallel_loop3A_571, %parallel_loop3A_572, %parallel_loop3A_573] {strides = array<i32>} : memref<3x2x128x128xf32, #tpu.memory_space<vmem>>, vector<16xf32>,
      %parallel_loop3A_575 = arith.addf %parallel_loop3A_565, %parallel_loop3A_574 : vector<16xf32>
      %parallel_loop3A_576 = arith.index_cast %parallel_loop3A_464 : i32 to index
      %parallel_loop3A_577 = arith.constant 32 : index
      %parallel_loop3A_578 = tpu.vector_load %arg9[%parallel_loop3A_576, %parallel_loop3A_577] {strides = array<i32>} : memref<64x128xf32, #tpu.memory_space<vmem>>, vector<16xf32>,
      tpu.vector_store %arg9[%parallel_loop3A_576, %parallel_loop3A_577], %parallel_loop3A_575 {strides = array<i32>} : memref<64x128xf32, #tpu.memory_space<vmem>>, vector<16xf32>,
      %parallel_loop3A_579 = arith.constant 2 : i32
      %parallel_loop3A_580 = arith.constant 0 : i32
      %parallel_loop3A_581 = arith.index_cast %parallel_loop3A_579 : i32 to index
      %parallel_loop3A_582 = arith.index_cast %parallel_loop3A_580 : i32 to index
      %parallel_loop3A_583 = arith.index_cast %parallel_loop3A_464 : i32 to index
      %parallel_loop3A_584 = arith.constant 48 : index
      %parallel_loop3A_585 = tpu.vector_load %arg6[%parallel_loop3A_581, %parallel_loop3A_582, %parallel_loop3A_583, %parallel_loop3A_584] {strides = array<i32>} : memref<3x2x128x128xf32, #tpu.memory_space<vmem>>, vector<16xf32>,
      %parallel_loop3A_586 = arith.constant 64 : i32
      %parallel_loop3A_587 = arith.addi %parallel_loop3A_586, %parallel_loop3A_464 : i32
      %parallel_loop3A_588 = arith.constant 2 : i32
      %parallel_loop3A_589 = arith.constant 0 : i32
      %parallel_loop3A_590 = arith.index_cast %parallel_loop3A_588 : i32 to index
      %parallel_loop3A_591 = arith.index_cast %parallel_loop3A_589 : i32 to index
      %parallel_loop3A_592 = arith.index_cast %parallel_loop3A_587 : i32 to index
      %parallel_loop3A_593 = arith.constant 48 : index
      %parallel_loop3A_594 = tpu.vector_load %arg6[%parallel_loop3A_590, %parallel_loop3A_591, %parallel_loop3A_592, %parallel_loop3A_593] {strides = array<i32>} : memref<3x2x128x128xf32, #tpu.memory_space<vmem>>, vector<16xf32>,
      %parallel_loop3A_595 = arith.addf %parallel_loop3A_585, %parallel_loop3A_594 : vector<16xf32>
      %parallel_loop3A_596 = arith.constant 2 : i32
      %parallel_loop3A_597 = arith.constant 1 : i32
      %parallel_loop3A_598 = arith.index_cast %parallel_loop3A_596 : i32 to index
      %parallel_loop3A_599 = arith.index_cast %parallel_loop3A_597 : i32 to index
      %parallel_loop3A_600 = arith.index_cast %parallel_loop3A_464 : i32 to index
      %parallel_loop3A_601 = arith.constant 48 : index
      %parallel_loop3A_602 = tpu.vector_load %arg6[%parallel_loop3A_598, %parallel_loop3A_599, %parallel_loop3A_600, %parallel_loop3A_601] {strides = array<i32>} : memref<3x2x128x128xf32, #tpu.memory_space<vmem>>, vector<16xf32>,
      %parallel_loop3A_603 = arith.addf %parallel_loop3A_595, %parallel_loop3A_602 : vector<16xf32>
      %parallel_loop3A_604 = arith.constant 64 : i32
      %parallel_loop3A_605 = arith.addi %parallel_loop3A_604, %parallel_loop3A_464 : i32
      %parallel_loop3A_606 = arith.constant 2 : i32
      %parallel_loop3A_607 = arith.constant 1 : i32
      %parallel_loop3A_608 = arith.index_cast %parallel_loop3A_606 : i32 to index
      %parallel_loop3A_609 = arith.index_cast %parallel_loop3A_607 : i32 to index
      %parallel_loop3A_610 = arith.index_cast %parallel_loop3A_605 : i32 to index
      %parallel_loop3A_611 = arith.constant 48 : index
      %parallel_loop3A_612 = tpu.vector_load %arg6[%parallel_loop3A_608, %parallel_loop3A_609, %parallel_loop3A_610, %parallel_loop3A_611] {strides = array<i32>} : memref<3x2x128x128xf32, #tpu.memory_space<vmem>>, vector<16xf32>,
      %parallel_loop3A_613 = arith.addf %parallel_loop3A_603, %parallel_loop3A_612 : vector<16xf32>
      %parallel_loop3A_614 = arith.index_cast %parallel_loop3A_464 : i32 to index
      %parallel_loop3A_615 = arith.constant 48 : index
      %parallel_loop3A_616 = tpu.vector_load %arg9[%parallel_loop3A_614, %parallel_loop3A_615] {strides = array<i32>} : memref<64x128xf32, #tpu.memory_space<vmem>>, vector<16xf32>,
      tpu.vector_store %arg9[%parallel_loop3A_614, %parallel_loop3A_615], %parallel_loop3A_613 {strides = array<i32>} : memref<64x128xf32, #tpu.memory_space<vmem>>, vector<16xf32>,
      %parallel_loop3A_617 = arith.constant 2 : i32
      %parallel_loop3A_618 = arith.constant 0 : i32
      %parallel_loop3A_619 = arith.index_cast %parallel_loop3A_617 : i32 to index
      %parallel_loop3A_620 = arith.index_cast %parallel_loop3A_618 : i32 to index
      %parallel_loop3A_621 = arith.index_cast %parallel_loop3A_464 : i32 to index
      %parallel_loop3A_622 = arith.constant 64 : index
      %parallel_loop3A_623 = tpu.vector_load %arg6[%parallel_loop3A_619, %parallel_loop3A_620, %parallel_loop3A_621, %parallel_loop3A_622] {strides = array<i32>} : memref<3x2x128x128xf32, #tpu.memory_space<vmem>>, vector<16xf32>,
      %parallel_loop3A_624 = arith.constant 64 : i32
      %parallel_loop3A_625 = arith.addi %parallel_loop3A_624, %parallel_loop3A_464 : i32
      %parallel_loop3A_626 = arith.constant 2 : i32
      %parallel_loop3A_627 = arith.constant 0 : i32
      %parallel_loop3A_628 = arith.index_cast %parallel_loop3A_626 : i32 to index
      %parallel_loop3A_629 = arith.index_cast %parallel_loop3A_627 : i32 to index
      %parallel_loop3A_630 = arith.index_cast %parallel_loop3A_625 : i32 to index
      %parallel_loop3A_631 = arith.constant 64 : index
      %parallel_loop3A_632 = tpu.vector_load %arg6[%parallel_loop3A_628, %parallel_loop3A_629, %parallel_loop3A_630, %parallel_loop3A_631] {strides = array<i32>} : memref<3x2x128x128xf32, #tpu.memory_space<vmem>>, vector<16xf32>,
      %parallel_loop3A_633 = arith.addf %parallel_loop3A_623, %parallel_loop3A_632 : vector<16xf32>
      %parallel_loop3A_634 = arith.constant 2 : i32
      %parallel_loop3A_635 = arith.constant 1 : i32
      %parallel_loop3A_636 = arith.index_cast %parallel_loop3A_634 : i32 to index
      %parallel_loop3A_637 = arith.index_cast %parallel_loop3A_635 : i32 to index
      %parallel_loop3A_638 = arith.index_cast %parallel_loop3A_464 : i32 to index
      %parallel_loop3A_639 = arith.constant 64 : index
      %parallel_loop3A_640 = tpu.vector_load %arg6[%parallel_loop3A_636, %parallel_loop3A_637, %parallel_loop3A_638, %parallel_loop3A_639] {strides = array<i32>} : memref<3x2x128x128xf32, #tpu.memory_space<vmem>>, vector<16xf32>,
      %parallel_loop3A_641 = arith.addf %parallel_loop3A_633, %parallel_loop3A_640 : vector<16xf32>
      %parallel_loop3A_642 = arith.constant 64 : i32
      %parallel_loop3A_643 = arith.addi %parallel_loop3A_642, %parallel_loop3A_464 : i32
      %parallel_loop3A_644 = arith.constant 2 : i32
      %parallel_loop3A_645 = arith.constant 1 : i32
      %parallel_loop3A_646 = arith.index_cast %parallel_loop3A_644 : i32 to index
      %parallel_loop3A_647 = arith.index_cast %parallel_loop3A_645 : i32 to index
      %parallel_loop3A_648 = arith.index_cast %parallel_loop3A_643 : i32 to index
      %parallel_loop3A_649 = arith.constant 64 : index
      %parallel_loop3A_650 = tpu.vector_load %arg6[%parallel_loop3A_646, %parallel_loop3A_647, %parallel_loop3A_648, %parallel_loop3A_649] {strides = array<i32>} : memref<3x2x128x128xf32, #tpu.memory_space<vmem>>, vector<16xf32>,
      %parallel_loop3A_651 = arith.addf %parallel_loop3A_641, %parallel_loop3A_650 : vector<16xf32>
      %parallel_loop3A_652 = arith.index_cast %parallel_loop3A_464 : i32 to index
      %parallel_loop3A_653 = arith.constant 64 : index
      %parallel_loop3A_654 = tpu.vector_load %arg9[%parallel_loop3A_652, %parallel_loop3A_653] {strides = array<i32>} : memref<64x128xf32, #tpu.memory_space<vmem>>, vector<16xf32>,
      tpu.vector_store %arg9[%parallel_loop3A_652, %parallel_loop3A_653], %parallel_loop3A_651 {strides = array<i32>} : memref<64x128xf32, #tpu.memory_space<vmem>>, vector<16xf32>,
      %parallel_loop3A_655 = arith.constant 2 : i32
      %parallel_loop3A_656 = arith.constant 0 : i32
      %parallel_loop3A_657 = arith.index_cast %parallel_loop3A_655 : i32 to index
      %parallel_loop3A_658 = arith.index_cast %parallel_loop3A_656 : i32 to index
      %parallel_loop3A_659 = arith.index_cast %parallel_loop3A_464 : i32 to index
      %parallel_loop3A_660 = arith.constant 80 : index
      %parallel_loop3A_661 = tpu.vector_load %arg6[%parallel_loop3A_657, %parallel_loop3A_658, %parallel_loop3A_659, %parallel_loop3A_660] {strides = array<i32>} : memref<3x2x128x128xf32, #tpu.memory_space<vmem>>, vector<16xf32>,
      %parallel_loop3A_662 = arith.constant 64 : i32
      %parallel_loop3A_663 = arith.addi %parallel_loop3A_662, %parallel_loop3A_464 : i32
      %parallel_loop3A_664 = arith.constant 2 : i32
      %parallel_loop3A_665 = arith.constant 0 : i32
      %parallel_loop3A_666 = arith.index_cast %parallel_loop3A_664 : i32 to index
      %parallel_loop3A_667 = arith.index_cast %parallel_loop3A_665 : i32 to index
      %parallel_loop3A_668 = arith.index_cast %parallel_loop3A_663 : i32 to index
      %parallel_loop3A_669 = arith.constant 80 : index
      %parallel_loop3A_670 = tpu.vector_load %arg6[%parallel_loop3A_666, %parallel_loop3A_667, %parallel_loop3A_668, %parallel_loop3A_669] {strides = array<i32>} : memref<3x2x128x128xf32, #tpu.memory_space<vmem>>, vector<16xf32>,
      %parallel_loop3A_671 = arith.addf %parallel_loop3A_661, %parallel_loop3A_670 : vector<16xf32>
      %parallel_loop3A_672 = arith.constant 2 : i32
      %parallel_loop3A_673 = arith.constant 1 : i32
      %parallel_loop3A_674 = arith.index_cast %parallel_loop3A_672 : i32 to index
      %parallel_loop3A_675 = arith.index_cast %parallel_loop3A_673 : i32 to index
      %parallel_loop3A_676 = arith.index_cast %parallel_loop3A_464 : i32 to index
      %parallel_loop3A_677 = arith.constant 80 : index
      %parallel_loop3A_678 = tpu.vector_load %arg6[%parallel_loop3A_674, %parallel_loop3A_675, %parallel_loop3A_676, %parallel_loop3A_677] {strides = array<i32>} : memref<3x2x128x128xf32, #tpu.memory_space<vmem>>, vector<16xf32>,
      %parallel_loop3A_679 = arith.addf %parallel_loop3A_671, %parallel_loop3A_678 : vector<16xf32>
      %parallel_loop3A_680 = arith.constant 64 : i32
      %parallel_loop3A_681 = arith.addi %parallel_loop3A_680, %parallel_loop3A_464 : i32
      %parallel_loop3A_682 = arith.constant 2 : i32
      %parallel_loop3A_683 = arith.constant 1 : i32
      %parallel_loop3A_684 = arith.index_cast %parallel_loop3A_682 : i32 to index
      %parallel_loop3A_685 = arith.index_cast %parallel_loop3A_683 : i32 to index
      %parallel_loop3A_686 = arith.index_cast %parallel_loop3A_681 : i32 to index
      %parallel_loop3A_687 = arith.constant 80 : index
      %parallel_loop3A_688 = tpu.vector_load %arg6[%parallel_loop3A_684, %parallel_loop3A_685, %parallel_loop3A_686, %parallel_loop3A_687] {strides = array<i32>} : memref<3x2x128x128xf32, #tpu.memory_space<vmem>>, vector<16xf32>,
      %parallel_loop3A_689 = arith.addf %parallel_loop3A_679, %parallel_loop3A_688 : vector<16xf32>
      %parallel_loop3A_690 = arith.index_cast %parallel_loop3A_464 : i32 to index
      %parallel_loop3A_691 = arith.constant 80 : index
      %parallel_loop3A_692 = tpu.vector_load %arg9[%parallel_loop3A_690, %parallel_loop3A_691] {strides = array<i32>} : memref<64x128xf32, #tpu.memory_space<vmem>>, vector<16xf32>,
      tpu.vector_store %arg9[%parallel_loop3A_690, %parallel_loop3A_691], %parallel_loop3A_689 {strides = array<i32>} : memref<64x128xf32, #tpu.memory_space<vmem>>, vector<16xf32>,
      %parallel_loop3A_693 = arith.constant 2 : i32
      %parallel_loop3A_694 = arith.constant 0 : i32
      %parallel_loop3A_695 = arith.index_cast %parallel_loop3A_693 : i32 to index
      %parallel_loop3A_696 = arith.index_cast %parallel_loop3A_694 : i32 to index
      %parallel_loop3A_697 = arith.index_cast %parallel_loop3A_464 : i32 to index
      %parallel_loop3A_698 = arith.constant 96 : index
      %parallel_loop3A_699 = tpu.vector_load %arg6[%parallel_loop3A_695, %parallel_loop3A_696, %parallel_loop3A_697, %parallel_loop3A_698] {strides = array<i32>} : memref<3x2x128x128xf32, #tpu.memory_space<vmem>>, vector<16xf32>,
      %parallel_loop3A_700 = arith.constant 64 : i32
      %parallel_loop3A_701 = arith.addi %parallel_loop3A_700, %parallel_loop3A_464 : i32
      %parallel_loop3A_702 = arith.constant 2 : i32
      %parallel_loop3A_703 = arith.constant 0 : i32
      %parallel_loop3A_704 = arith.index_cast %parallel_loop3A_702 : i32 to index
      %parallel_loop3A_705 = arith.index_cast %parallel_loop3A_703 : i32 to index
      %parallel_loop3A_706 = arith.index_cast %parallel_loop3A_701 : i32 to index
      %parallel_loop3A_707 = arith.constant 96 : index
      %parallel_loop3A_708 = tpu.vector_load %arg6[%parallel_loop3A_704, %parallel_loop3A_705, %parallel_loop3A_706, %parallel_loop3A_707] {strides = array<i32>} : memref<3x2x128x128xf32, #tpu.memory_space<vmem>>, vector<16xf32>,
      %parallel_loop3A_709 = arith.addf %parallel_loop3A_699, %parallel_loop3A_708 : vector<16xf32>
      %parallel_loop3A_710 = arith.constant 2 : i32
      %parallel_loop3A_711 = arith.constant 1 : i32
      %parallel_loop3A_712 = arith.index_cast %parallel_loop3A_710 : i32 to index
      %parallel_loop3A_713 = arith.index_cast %parallel_loop3A_711 : i32 to index
      %parallel_loop3A_714 = arith.index_cast %parallel_loop3A_464 : i32 to index
      %parallel_loop3A_715 = arith.constant 96 : index
      %parallel_loop3A_716 = tpu.vector_load %arg6[%parallel_loop3A_712, %parallel_loop3A_713, %parallel_loop3A_714, %parallel_loop3A_715] {strides = array<i32>} : memref<3x2x128x128xf32, #tpu.memory_space<vmem>>, vector<16xf32>,
      %parallel_loop3A_717 = arith.addf %parallel_loop3A_709, %parallel_loop3A_716 : vector<16xf32>
      %parallel_loop3A_718 = arith.constant 64 : i32
      %parallel_loop3A_719 = arith.addi %parallel_loop3A_718, %parallel_loop3A_464 : i32
      %parallel_loop3A_720 = arith.constant 2 : i32
      %parallel_loop3A_721 = arith.constant 1 : i32
      %parallel_loop3A_722 = arith.index_cast %parallel_loop3A_720 : i32 to index
      %parallel_loop3A_723 = arith.index_cast %parallel_loop3A_721 : i32 to index
      %parallel_loop3A_724 = arith.index_cast %parallel_loop3A_719 : i32 to index
      %parallel_loop3A_725 = arith.constant 96 : index
      %parallel_loop3A_726 = tpu.vector_load %arg6[%parallel_loop3A_722, %parallel_loop3A_723, %parallel_loop3A_724, %parallel_loop3A_725] {strides = array<i32>} : memref<3x2x128x128xf32, #tpu.memory_space<vmem>>, vector<16xf32>,
      %parallel_loop3A_727 = arith.addf %parallel_loop3A_717, %parallel_loop3A_726 : vector<16xf32>
      %parallel_loop3A_728 = arith.index_cast %parallel_loop3A_464 : i32 to index
      %parallel_loop3A_729 = arith.constant 96 : index
      %parallel_loop3A_730 = tpu.vector_load %arg9[%parallel_loop3A_728, %parallel_loop3A_729] {strides = array<i32>} : memref<64x128xf32, #tpu.memory_space<vmem>>, vector<16xf32>,
      tpu.vector_store %arg9[%parallel_loop3A_728, %parallel_loop3A_729], %parallel_loop3A_727 {strides = array<i32>} : memref<64x128xf32, #tpu.memory_space<vmem>>, vector<16xf32>,
      %parallel_loop3A_731 = arith.constant 2 : i32
      %parallel_loop3A_732 = arith.constant 0 : i32
      %parallel_loop3A_733 = arith.index_cast %parallel_loop3A_731 : i32 to index
      %parallel_loop3A_734 = arith.index_cast %parallel_loop3A_732 : i32 to index
      %parallel_loop3A_735 = arith.index_cast %parallel_loop3A_464 : i32 to index
      %parallel_loop3A_736 = arith.constant 112 : index
      %parallel_loop3A_737 = tpu.vector_load %arg6[%parallel_loop3A_733, %parallel_loop3A_734, %parallel_loop3A_735, %parallel_loop3A_736] {strides = array<i32>} : memref<3x2x128x128xf32, #tpu.memory_space<vmem>>, vector<16xf32>,
      %parallel_loop3A_738 = arith.constant 64 : i32
      %parallel_loop3A_739 = arith.addi %parallel_loop3A_738, %parallel_loop3A_464 : i32
      %parallel_loop3A_740 = arith.constant 2 : i32
      %parallel_loop3A_741 = arith.constant 0 : i32
      %parallel_loop3A_742 = arith.index_cast %parallel_loop3A_740 : i32 to index
      %parallel_loop3A_743 = arith.index_cast %parallel_loop3A_741 : i32 to index
      %parallel_loop3A_744 = arith.index_cast %parallel_loop3A_739 : i32 to index
      %parallel_loop3A_745 = arith.constant 112 : index
      %parallel_loop3A_746 = tpu.vector_load %arg6[%parallel_loop3A_742, %parallel_loop3A_743, %parallel_loop3A_744, %parallel_loop3A_745] {strides = array<i32>} : memref<3x2x128x128xf32, #tpu.memory_space<vmem>>, vector<16xf32>,
      %parallel_loop3A_747 = arith.addf %parallel_loop3A_737, %parallel_loop3A_746 : vector<16xf32>
      %parallel_loop3A_748 = arith.constant 2 : i32
      %parallel_loop3A_749 = arith.constant 1 : i32
      %parallel_loop3A_750 = arith.index_cast %parallel_loop3A_748 : i32 to index
      %parallel_loop3A_751 = arith.index_cast %parallel_loop3A_749 : i32 to index
      %parallel_loop3A_752 = arith.index_cast %parallel_loop3A_464 : i32 to index
      %parallel_loop3A_753 = arith.constant 112 : index
      %parallel_loop3A_754 = tpu.vector_load %arg6[%parallel_loop3A_750, %parallel_loop3A_751, %parallel_loop3A_752, %parallel_loop3A_753] {strides = array<i32>} : memref<3x2x128x128xf32, #tpu.memory_space<vmem>>, vector<16xf32>,
      %parallel_loop3A_755 = arith.addf %parallel_loop3A_747, %parallel_loop3A_754 : vector<16xf32>
      %parallel_loop3A_756 = arith.constant 64 : i32
      %parallel_loop3A_757 = arith.addi %parallel_loop3A_756, %parallel_loop3A_464 : i32
      %parallel_loop3A_758 = arith.constant 2 : i32
      %parallel_loop3A_759 = arith.constant 1 : i32
      %parallel_loop3A_760 = arith.index_cast %parallel_loop3A_758 : i32 to index
      %parallel_loop3A_761 = arith.index_cast %parallel_loop3A_759 : i32 to index
      %parallel_loop3A_762 = arith.index_cast %parallel_loop3A_757 : i32 to index
      %parallel_loop3A_763 = arith.constant 112 : index
      %parallel_loop3A_764 = tpu.vector_load %arg6[%parallel_loop3A_760, %parallel_loop3A_761, %parallel_loop3A_762, %parallel_loop3A_763] {strides = array<i32>} : memref<3x2x128x128xf32, #tpu.memory_space<vmem>>, vector<16xf32>,
      %parallel_loop3A_765 = arith.addf %parallel_loop3A_755, %parallel_loop3A_764 : vector<16xf32>
      %parallel_loop3A_766 = arith.index_cast %parallel_loop3A_464 : i32 to index
      %parallel_loop3A_767 = arith.constant 112 : index
      %parallel_loop3A_768 = tpu.vector_load %arg9[%parallel_loop3A_766, %parallel_loop3A_767] {strides = array<i32>} : memref<64x128xf32, #tpu.memory_space<vmem>>, vector<16xf32>,
      tpu.vector_store %arg9[%parallel_loop3A_766, %parallel_loop3A_767], %parallel_loop3A_765 {strides = array<i32>} : memref<64x128xf32, #tpu.memory_space<vmem>>, vector<16xf32>,
    } {sc.loop_unroll_factor = 2 : i64, sc.parallel_access}
    "tpu.trace_stop"() : () -> ()
    %add3A_205 = arith.constant 128 : i32
    %add3A_206 = arith.addi %mul3A_2, %add3A_205 : i32
    %dma_start3A_207 = arith.constant 0 : i32
    %dma_start3A_208 = tpu.memref_slice %arg4[%add3A_206, %dma_start3A_207] : memref<16384x128xf32, #tpu.memory_space<hbm>> -> memref<64x128xf32, #tpu.memory_space<hbm>>
    %dma_start3A_209 = arith.constant 0 : i32
    %dma_start3A_210 = tpu.memref_slice %arg4[%add3A_206, %dma_start3A_209] : memref<16384x128xf32, #tpu.memory_space<hbm>> -> memref<64x128xf32, #tpu.memory_space<hbm>>
    tpu.enqueue_dma source(%arg9 : memref<64x128xf32, #tpu.memory_space<vmem>>) target(%dma_start3A_210 : memref<64x128xf32, #tpu.memory_space<hbm>>) target_semaphore(%arg16 : memref<!tpu.dma_semaphore, #tpu.memory_space<semaphore_mem>>)
    %dma_start3A_211 = arith.constant 2 : i32
    %dma_start3A_212 = arith.constant 0 : i32
    %dma_start3A_213 = arith.constant 0 : i32
    %dma_start3A_214 = arith.constant 0 : i32
    %dma_start3A_215 = tpu.memref_slice %arg6[%dma_start3A_211, %dma_start3A_212, %dma_start3A_213, %dma_start3A_214] : memref<3x2x128x128xf32, #tpu.memory_space<vmem>> -> memref<1x1x128x128xf32, #tpu.memory_space<vmem>>
    %dma_start3A_216 = tpu.memref_squeeze %dma_start3A_215 : memref<1x1x128x128xf32, #tpu.memory_space<vmem>> -> memref<128x128xf32, #tpu.memory_space<vmem>>
    %dma_start3A_217 = arith.constant 1280 : i32
    %dma_start3A_218 = tpu.memref_slice %arg5[%dma_start3A_217] : memref<2048xi32, #tpu.memory_space<vmem>> -> memref<128xi32, #tpu.memory_space<vmem>>
    %dma_start3A_219 = arith.constant 0 : i32
    %dma_start3A_220 = arith.constant 0 : i32
    %dma_start3A_221 = tpu.memref_slice %arg10[%dma_start3A_219, %dma_start3A_220] : memref<512x128xf32, #tpu.memory_space<vmem_shared>> -> memref<512x128xf32, #tpu.memory_space<vmem_shared>>
    tpu.enqueue_indirect_dma source(%dma_start3A_221 : memref<512x128xf32, #tpu.memory_space<vmem_shared>>) target(%dma_start3A_216 : memref<128x128xf32, #tpu.memory_space<vmem>>) offsets(%dma_start3A_218 : memref<128xi32, #tpu.memory_space<vmem>>) semaphore(%arg13 : memref<!tpu.dma_semaphore, #tpu.memory_space<semaphore_mem>>)
    %dma_start3A_222 = arith.constant 2 : i32
    %dma_start3A_223 = arith.constant 1 : i32
    %dma_start3A_224 = arith.constant 0 : i32
    %dma_start3A_225 = arith.constant 0 : i32
    %dma_start3A_226 = tpu.memref_slice %arg6[%dma_start3A_222, %dma_start3A_223, %dma_start3A_224, %dma_start3A_225] : memref<3x2x128x128xf32, #tpu.memory_space<vmem>> -> memref<1x1x128x128xf32, #tpu.memory_space<vmem>>
    %dma_start3A_227 = tpu.memref_squeeze %dma_start3A_226 : memref<1x1x128x128xf32, #tpu.memory_space<vmem>> -> memref<128x128xf32, #tpu.memory_space<vmem>>
    %dma_start3A_228 = arith.constant 1408 : i32
    %dma_start3A_229 = tpu.memref_slice %arg5[%dma_start3A_228] : memref<2048xi32, #tpu.memory_space<vmem>> -> memref<128xi32, #tpu.memory_space<vmem>>
    %dma_start3A_230 = arith.constant 0 : i32
    %dma_start3A_231 = arith.constant 0 : i32
    %dma_start3A_232 = tpu.memref_slice %arg10[%dma_start3A_230, %dma_start3A_231] : memref<512x128xf32, #tpu.memory_space<vmem_shared>> -> memref<512x128xf32, #tpu.memory_space<vmem_shared>>
    tpu.enqueue_indirect_dma source(%dma_start3A_232 : memref<512x128xf32, #tpu.memory_space<vmem_shared>>) target(%dma_start3A_227 : memref<128x128xf32, #tpu.memory_space<vmem>>) offsets(%dma_start3A_229 : memref<128xi32, #tpu.memory_space<vmem>>) semaphore(%arg13 : memref<!tpu.dma_semaphore, #tpu.memory_space<semaphore_mem>>)
    %dma_wait3A_233 = arith.constant 0 : i32
    %dma_wait3A_234 = arith.constant 0 : i32
    "tpu.trace_start"() <{level = 10 : i32, message = "gwait"}> : () -> ()
    %dma_wait3A_235 = arith.constant 0 : i32
    %dma_wait3A_236 = arith.constant 0 : i32
    %dma_wait3A_237 = tpu.memref_slice %arg6[%dma_wait3A_233, %dma_wait3A_234, %dma_wait3A_235, %dma_wait3A_236] : memref<3x2x128x128xf32, #tpu.memory_space<vmem>> -> memref<1x1x128x128xf32, #tpu.memory_space<vmem>>
    %dma_wait3A_238 = tpu.memref_squeeze %dma_wait3A_237 : memref<1x1x128x128xf32, #tpu.memory_space<vmem>> -> memref<128x128xf32, #tpu.memory_space<vmem>>
    %dma_wait3A_239 = arith.constant 768 : i32
    %dma_wait3A_240 = tpu.memref_slice %arg5[%dma_wait3A_239] : memref<2048xi32, #tpu.memory_space<vmem>> -> memref<128xi32, #tpu.memory_space<vmem>>
    %dma_wait3A_241 = arith.constant 0 : i32
    %dma_wait3A_242 = arith.constant 0 : i32
    %dma_wait3A_243 = tpu.memref_slice %arg10[%dma_wait3A_241, %dma_wait3A_242] : memref<512x128xf32, #tpu.memory_space<vmem_shared>> -> memref<512x128xf32, #tpu.memory_space<vmem_shared>>
    tpu.wait_indirect_dma semaphore(%arg11 : memref<!tpu.dma_semaphore, #tpu.memory_space<semaphore_mem>>) src(%dma_wait3A_243 : memref<512x128xf32, #tpu.memory_space<vmem_shared>>) dst(%dma_wait3A_238 : memref<128x128xf32, #tpu.memory_space<vmem>>)
    %dma_wait3A_244 = arith.constant 0 : i32
    %dma_wait3A_245 = arith.constant 1 : i32
    %dma_wait3A_246 = arith.constant 0 : i32
    %dma_wait3A_247 = arith.constant 0 : i32
    %dma_wait3A_248 = tpu.memref_slice %arg6[%dma_wait3A_244, %dma_wait3A_245, %dma_wait3A_246, %dma_wait3A_247] : memref<3x2x128x128xf32, #tpu.memory_space<vmem>> -> memref<1x1x128x128xf32, #tpu.memory_space<vmem>>
    %dma_wait3A_249 = tpu.memref_squeeze %dma_wait3A_248 : memref<1x1x128x128xf32, #tpu.memory_space<vmem>> -> memref<128x128xf32, #tpu.memory_space<vmem>>
    %dma_wait3A_250 = arith.constant 896 : i32
    %dma_wait3A_251 = tpu.memref_slice %arg5[%dma_wait3A_250] : memref<2048xi32, #tpu.memory_space<vmem>> -> memref<128xi32, #tpu.memory_space<vmem>>
    %dma_wait3A_252 = arith.constant 0 : i32
    %dma_wait3A_253 = arith.constant 0 : i32
    %dma_wait3A_254 = tpu.memref_slice %arg10[%dma_wait3A_252, %dma_wait3A_253] : memref<512x128xf32, #tpu.memory_space<vmem_shared>> -> memref<512x128xf32, #tpu.memory_space<vmem_shared>>
    tpu.wait_indirect_dma semaphore(%arg11 : memref<!tpu.dma_semaphore, #tpu.memory_space<semaphore_mem>>) src(%dma_wait3A_254 : memref<512x128xf32, #tpu.memory_space<vmem_shared>>) dst(%dma_wait3A_249 : memref<128x128xf32, #tpu.memory_space<vmem>>)
    %dma_wait3A_255 = arith.constant 0 : i32
    %dma_wait3A_256 = tpu.memref_slice %arg4[%add3A_100, %dma_wait3A_255] : memref<16384x128xf32, #tpu.memory_space<hbm>> -> memref<64x128xf32, #tpu.memory_space<hbm>>
    %dma_wait3A_257 = arith.constant 0 : i32
    %dma_wait3A_258 = tpu.memref_slice %arg4[%add3A_100, %dma_wait3A_257] : memref<16384x128xf32, #tpu.memory_space<hbm>> -> memref<64x128xf32, #tpu.memory_space<hbm>>
    tpu.wait_dma2 semaphore(%arg14 : memref<!tpu.dma_semaphore, #tpu.memory_space<semaphore_mem>>) src(%arg7 : memref<64x128xf32, #tpu.memory_space<vmem>>) dst(%dma_wait3A_258 : memref<64x128xf32, #tpu.memory_space<hbm>>)
    %parallel_loop3A_259 = arith.constant 0 : i32
    %parallel_loop3A_260 = arith.constant 64 : i32
    %parallel_loop3A_261 = arith.constant 1 : i32
    "tpu.trace_stop"() : () -> ()
    "tpu.trace_start"() <{level = 10 : i32, message = "adds"}> : () -> ()
    scf.for %parallel_loop3A_464 = %parallel_loop3A_259 to %parallel_loop3A_260 step %parallel_loop3A_261  : i32 {
      %parallel_loop3A_465 = arith.constant 0 : i32
      %parallel_loop3A_466 = arith.constant 0 : i32
      %parallel_loop3A_467 = arith.index_cast %parallel_loop3A_465 : i32 to index
      %parallel_loop3A_468 = arith.index_cast %parallel_loop3A_466 : i32 to index
      %parallel_loop3A_469 = arith.index_cast %parallel_loop3A_464 : i32 to index
      %parallel_loop3A_470 = arith.constant 0 : index
      %parallel_loop3A_471 = tpu.vector_load %arg6[%parallel_loop3A_467, %parallel_loop3A_468, %parallel_loop3A_469, %parallel_loop3A_470] {strides = array<i32>} : memref<3x2x128x128xf32, #tpu.memory_space<vmem>>, vector<16xf32>,
      %parallel_loop3A_472 = arith.constant 64 : i32
      %parallel_loop3A_473 = arith.addi %parallel_loop3A_472, %parallel_loop3A_464 : i32
      %parallel_loop3A_474 = arith.constant 0 : i32
      %parallel_loop3A_475 = arith.constant 0 : i32
      %parallel_loop3A_476 = arith.index_cast %parallel_loop3A_474 : i32 to index
      %parallel_loop3A_477 = arith.index_cast %parallel_loop3A_475 : i32 to index
      %parallel_loop3A_478 = arith.index_cast %parallel_loop3A_473 : i32 to index
      %parallel_loop3A_479 = arith.constant 0 : index
      %parallel_loop3A_480 = tpu.vector_load %arg6[%parallel_loop3A_476, %parallel_loop3A_477, %parallel_loop3A_478, %parallel_loop3A_479] {strides = array<i32>} : memref<3x2x128x128xf32, #tpu.memory_space<vmem>>, vector<16xf32>,
      %parallel_loop3A_481 = arith.addf %parallel_loop3A_471, %parallel_loop3A_480 : vector<16xf32>
      %parallel_loop3A_482 = arith.constant 0 : i32
      %parallel_loop3A_483 = arith.constant 1 : i32
      %parallel_loop3A_484 = arith.index_cast %parallel_loop3A_482 : i32 to index
      %parallel_loop3A_485 = arith.index_cast %parallel_loop3A_483 : i32 to index
      %parallel_loop3A_486 = arith.index_cast %parallel_loop3A_464 : i32 to index
      %parallel_loop3A_487 = arith.constant 0 : index
      %parallel_loop3A_488 = tpu.vector_load %arg6[%parallel_loop3A_484, %parallel_loop3A_485, %parallel_loop3A_486, %parallel_loop3A_487] {strides = array<i32>} : memref<3x2x128x128xf32, #tpu.memory_space<vmem>>, vector<16xf32>,
      %parallel_loop3A_489 = arith.addf %parallel_loop3A_481, %parallel_loop3A_488 : vector<16xf32>
      %parallel_loop3A_490 = arith.constant 64 : i32
      %parallel_loop3A_491 = arith.addi %parallel_loop3A_490, %parallel_loop3A_464 : i32
      %parallel_loop3A_492 = arith.constant 0 : i32
      %parallel_loop3A_493 = arith.constant 1 : i32
      %parallel_loop3A_494 = arith.index_cast %parallel_loop3A_492 : i32 to index
      %parallel_loop3A_495 = arith.index_cast %parallel_loop3A_493 : i32 to index
      %parallel_loop3A_496 = arith.index_cast %parallel_loop3A_491 : i32 to index
      %parallel_loop3A_497 = arith.constant 0 : index
      %parallel_loop3A_498 = tpu.vector_load %arg6[%parallel_loop3A_494, %parallel_loop3A_495, %parallel_loop3A_496, %parallel_loop3A_497] {strides = array<i32>} : memref<3x2x128x128xf32, #tpu.memory_space<vmem>>, vector<16xf32>,
      %parallel_loop3A_499 = arith.addf %parallel_loop3A_489, %parallel_loop3A_498 : vector<16xf32>
      %parallel_loop3A_500 = arith.index_cast %parallel_loop3A_464 : i32 to index
      %parallel_loop3A_501 = arith.constant 0 : index
      %parallel_loop3A_502 = tpu.vector_load %arg7[%parallel_loop3A_500, %parallel_loop3A_501] {strides = array<i32>} : memref<64x128xf32, #tpu.memory_space<vmem>>, vector<16xf32>,
      tpu.vector_store %arg7[%parallel_loop3A_500, %parallel_loop3A_501], %parallel_loop3A_499 {strides = array<i32>} : memref<64x128xf32, #tpu.memory_space<vmem>>, vector<16xf32>,
      %parallel_loop3A_503 = arith.constant 0 : i32
      %parallel_loop3A_504 = arith.constant 0 : i32
      %parallel_loop3A_505 = arith.index_cast %parallel_loop3A_503 : i32 to index
      %parallel_loop3A_506 = arith.index_cast %parallel_loop3A_504 : i32 to index
      %parallel_loop3A_507 = arith.index_cast %parallel_loop3A_464 : i32 to index
      %parallel_loop3A_508 = arith.constant 16 : index
      %parallel_loop3A_509 = tpu.vector_load %arg6[%parallel_loop3A_505, %parallel_loop3A_506, %parallel_loop3A_507, %parallel_loop3A_508] {strides = array<i32>} : memref<3x2x128x128xf32, #tpu.memory_space<vmem>>, vector<16xf32>,
      %parallel_loop3A_510 = arith.constant 64 : i32
      %parallel_loop3A_511 = arith.addi %parallel_loop3A_510, %parallel_loop3A_464 : i32
      %parallel_loop3A_512 = arith.constant 0 : i32
      %parallel_loop3A_513 = arith.constant 0 : i32
      %parallel_loop3A_514 = arith.index_cast %parallel_loop3A_512 : i32 to index
      %parallel_loop3A_515 = arith.index_cast %parallel_loop3A_513 : i32 to index
      %parallel_loop3A_516 = arith.index_cast %parallel_loop3A_511 : i32 to index
      %parallel_loop3A_517 = arith.constant 16 : index
      %parallel_loop3A_518 = tpu.vector_load %arg6[%parallel_loop3A_514, %parallel_loop3A_515, %parallel_loop3A_516, %parallel_loop3A_517] {strides = array<i32>} : memref<3x2x128x128xf32, #tpu.memory_space<vmem>>, vector<16xf32>,
      %parallel_loop3A_519 = arith.addf %parallel_loop3A_509, %parallel_loop3A_518 : vector<16xf32>
      %parallel_loop3A_520 = arith.constant 0 : i32
      %parallel_loop3A_521 = arith.constant 1 : i32
      %parallel_loop3A_522 = arith.index_cast %parallel_loop3A_520 : i32 to index
      %parallel_loop3A_523 = arith.index_cast %parallel_loop3A_521 : i32 to index
      %parallel_loop3A_524 = arith.index_cast %parallel_loop3A_464 : i32 to index
      %parallel_loop3A_525 = arith.constant 16 : index
      %parallel_loop3A_526 = tpu.vector_load %arg6[%parallel_loop3A_522, %parallel_loop3A_523, %parallel_loop3A_524, %parallel_loop3A_525] {strides = array<i32>} : memref<3x2x128x128xf32, #tpu.memory_space<vmem>>, vector<16xf32>,
      %parallel_loop3A_527 = arith.addf %parallel_loop3A_519, %parallel_loop3A_526 : vector<16xf32>
      %parallel_loop3A_528 = arith.constant 64 : i32
      %parallel_loop3A_529 = arith.addi %parallel_loop3A_528, %parallel_loop3A_464 : i32
      %parallel_loop3A_530 = arith.constant 0 : i32
      %parallel_loop3A_531 = arith.constant 1 : i32
      %parallel_loop3A_532 = arith.index_cast %parallel_loop3A_530 : i32 to index
      %parallel_loop3A_533 = arith.index_cast %parallel_loop3A_531 : i32 to index
      %parallel_loop3A_534 = arith.index_cast %parallel_loop3A_529 : i32 to index
      %parallel_loop3A_535 = arith.constant 16 : index
      %parallel_loop3A_536 = tpu.vector_load %arg6[%parallel_loop3A_532, %parallel_loop3A_533, %parallel_loop3A_534, %parallel_loop3A_535] {strides = array<i32>} : memref<3x2x128x128xf32, #tpu.memory_space<vmem>>, vector<16xf32>,
      %parallel_loop3A_537 = arith.addf %parallel_loop3A_527, %parallel_loop3A_536 : vector<16xf32>
      %parallel_loop3A_538 = arith.index_cast %parallel_loop3A_464 : i32 to index
      %parallel_loop3A_539 = arith.constant 16 : index
      %parallel_loop3A_540 = tpu.vector_load %arg7[%parallel_loop3A_538, %parallel_loop3A_539] {strides = array<i32>} : memref<64x128xf32, #tpu.memory_space<vmem>>, vector<16xf32>,
      tpu.vector_store %arg7[%parallel_loop3A_538, %parallel_loop3A_539], %parallel_loop3A_537 {strides = array<i32>} : memref<64x128xf32, #tpu.memory_space<vmem>>, vector<16xf32>,
      %parallel_loop3A_541 = arith.constant 0 : i32
      %parallel_loop3A_542 = arith.constant 0 : i32
      %parallel_loop3A_543 = arith.index_cast %parallel_loop3A_541 : i32 to index
      %parallel_loop3A_544 = arith.index_cast %parallel_loop3A_542 : i32 to index
      %parallel_loop3A_545 = arith.index_cast %parallel_loop3A_464 : i32 to index
      %parallel_loop3A_546 = arith.constant 32 : index
      %parallel_loop3A_547 = tpu.vector_load %arg6[%parallel_loop3A_543, %parallel_loop3A_544, %parallel_loop3A_545, %parallel_loop3A_546] {strides = array<i32>} : memref<3x2x128x128xf32, #tpu.memory_space<vmem>>, vector<16xf32>,
      %parallel_loop3A_548 = arith.constant 64 : i32
      %parallel_loop3A_549 = arith.addi %parallel_loop3A_548, %parallel_loop3A_464 : i32
      %parallel_loop3A_550 = arith.constant 0 : i32
      %parallel_loop3A_551 = arith.constant 0 : i32
      %parallel_loop3A_552 = arith.index_cast %parallel_loop3A_550 : i32 to index
      %parallel_loop3A_553 = arith.index_cast %parallel_loop3A_551 : i32 to index
      %parallel_loop3A_554 = arith.index_cast %parallel_loop3A_549 : i32 to index
      %parallel_loop3A_555 = arith.constant 32 : index
      %parallel_loop3A_556 = tpu.vector_load %arg6[%parallel_loop3A_552, %parallel_loop3A_553, %parallel_loop3A_554, %parallel_loop3A_555] {strides = array<i32>} : memref<3x2x128x128xf32, #tpu.memory_space<vmem>>, vector<16xf32>,
      %parallel_loop3A_557 = arith.addf %parallel_loop3A_547, %parallel_loop3A_556 : vector<16xf32>
      %parallel_loop3A_558 = arith.constant 0 : i32
      %parallel_loop3A_559 = arith.constant 1 : i32
      %parallel_loop3A_560 = arith.index_cast %parallel_loop3A_558 : i32 to index
      %parallel_loop3A_561 = arith.index_cast %parallel_loop3A_559 : i32 to index
      %parallel_loop3A_562 = arith.index_cast %parallel_loop3A_464 : i32 to index
      %parallel_loop3A_563 = arith.constant 32 : index
      %parallel_loop3A_564 = tpu.vector_load %arg6[%parallel_loop3A_560, %parallel_loop3A_561, %parallel_loop3A_562, %parallel_loop3A_563] {strides = array<i32>} : memref<3x2x128x128xf32, #tpu.memory_space<vmem>>, vector<16xf32>,
      %parallel_loop3A_565 = arith.addf %parallel_loop3A_557, %parallel_loop3A_564 : vector<16xf32>
      %parallel_loop3A_566 = arith.constant 64 : i32
      %parallel_loop3A_567 = arith.addi %parallel_loop3A_566, %parallel_loop3A_464 : i32
      %parallel_loop3A_568 = arith.constant 0 : i32
      %parallel_loop3A_569 = arith.constant 1 : i32
      %parallel_loop3A_570 = arith.index_cast %parallel_loop3A_568 : i32 to index
      %parallel_loop3A_571 = arith.index_cast %parallel_loop3A_569 : i32 to index
      %parallel_loop3A_572 = arith.index_cast %parallel_loop3A_567 : i32 to index
      %parallel_loop3A_573 = arith.constant 32 : index
      %parallel_loop3A_574 = tpu.vector_load %arg6[%parallel_loop3A_570, %parallel_loop3A_571, %parallel_loop3A_572, %parallel_loop3A_573] {strides = array<i32>} : memref<3x2x128x128xf32, #tpu.memory_space<vmem>>, vector<16xf32>,
      %parallel_loop3A_575 = arith.addf %parallel_loop3A_565, %parallel_loop3A_574 : vector<16xf32>
      %parallel_loop3A_576 = arith.index_cast %parallel_loop3A_464 : i32 to index
      %parallel_loop3A_577 = arith.constant 32 : index
      %parallel_loop3A_578 = tpu.vector_load %arg7[%parallel_loop3A_576, %parallel_loop3A_577] {strides = array<i32>} : memref<64x128xf32, #tpu.memory_space<vmem>>, vector<16xf32>,
      tpu.vector_store %arg7[%parallel_loop3A_576, %parallel_loop3A_577], %parallel_loop3A_575 {strides = array<i32>} : memref<64x128xf32, #tpu.memory_space<vmem>>, vector<16xf32>,
      %parallel_loop3A_579 = arith.constant 0 : i32
      %parallel_loop3A_580 = arith.constant 0 : i32
      %parallel_loop3A_581 = arith.index_cast %parallel_loop3A_579 : i32 to index
      %parallel_loop3A_582 = arith.index_cast %parallel_loop3A_580 : i32 to index
      %parallel_loop3A_583 = arith.index_cast %parallel_loop3A_464 : i32 to index
      %parallel_loop3A_584 = arith.constant 48 : index
      %parallel_loop3A_585 = tpu.vector_load %arg6[%parallel_loop3A_581, %parallel_loop3A_582, %parallel_loop3A_583, %parallel_loop3A_584] {strides = array<i32>} : memref<3x2x128x128xf32, #tpu.memory_space<vmem>>, vector<16xf32>,
      %parallel_loop3A_586 = arith.constant 64 : i32
      %parallel_loop3A_587 = arith.addi %parallel_loop3A_586, %parallel_loop3A_464 : i32
      %parallel_loop3A_588 = arith.constant 0 : i32
      %parallel_loop3A_589 = arith.constant 0 : i32
      %parallel_loop3A_590 = arith.index_cast %parallel_loop3A_588 : i32 to index
      %parallel_loop3A_591 = arith.index_cast %parallel_loop3A_589 : i32 to index
      %parallel_loop3A_592 = arith.index_cast %parallel_loop3A_587 : i32 to index
      %parallel_loop3A_593 = arith.constant 48 : index
      %parallel_loop3A_594 = tpu.vector_load %arg6[%parallel_loop3A_590, %parallel_loop3A_591, %parallel_loop3A_592, %parallel_loop3A_593] {strides = array<i32>} : memref<3x2x128x128xf32, #tpu.memory_space<vmem>>, vector<16xf32>,
      %parallel_loop3A_595 = arith.addf %parallel_loop3A_585, %parallel_loop3A_594 : vector<16xf32>
      %parallel_loop3A_596 = arith.constant 0 : i32
      %parallel_loop3A_597 = arith.constant 1 : i32
      %parallel_loop3A_598 = arith.index_cast %parallel_loop3A_596 : i32 to index
      %parallel_loop3A_599 = arith.index_cast %parallel_loop3A_597 : i32 to index
      %parallel_loop3A_600 = arith.index_cast %parallel_loop3A_464 : i32 to index
      %parallel_loop3A_601 = arith.constant 48 : index
      %parallel_loop3A_602 = tpu.vector_load %arg6[%parallel_loop3A_598, %parallel_loop3A_599, %parallel_loop3A_600, %parallel_loop3A_601] {strides = array<i32>} : memref<3x2x128x128xf32, #tpu.memory_space<vmem>>, vector<16xf32>,
      %parallel_loop3A_603 = arith.addf %parallel_loop3A_595, %parallel_loop3A_602 : vector<16xf32>
      %parallel_loop3A_604 = arith.constant 64 : i32
      %parallel_loop3A_605 = arith.addi %parallel_loop3A_604, %parallel_loop3A_464 : i32
      %parallel_loop3A_606 = arith.constant 0 : i32
      %parallel_loop3A_607 = arith.constant 1 : i32
      %parallel_loop3A_608 = arith.index_cast %parallel_loop3A_606 : i32 to index
      %parallel_loop3A_609 = arith.index_cast %parallel_loop3A_607 : i32 to index
      %parallel_loop3A_610 = arith.index_cast %parallel_loop3A_605 : i32 to index
      %parallel_loop3A_611 = arith.constant 48 : index
      %parallel_loop3A_612 = tpu.vector_load %arg6[%parallel_loop3A_608, %parallel_loop3A_609, %parallel_loop3A_610, %parallel_loop3A_611] {strides = array<i32>} : memref<3x2x128x128xf32, #tpu.memory_space<vmem>>, vector<16xf32>,
      %parallel_loop3A_613 = arith.addf %parallel_loop3A_603, %parallel_loop3A_612 : vector<16xf32>
      %parallel_loop3A_614 = arith.index_cast %parallel_loop3A_464 : i32 to index
      %parallel_loop3A_615 = arith.constant 48 : index
      %parallel_loop3A_616 = tpu.vector_load %arg7[%parallel_loop3A_614, %parallel_loop3A_615] {strides = array<i32>} : memref<64x128xf32, #tpu.memory_space<vmem>>, vector<16xf32>,
      tpu.vector_store %arg7[%parallel_loop3A_614, %parallel_loop3A_615], %parallel_loop3A_613 {strides = array<i32>} : memref<64x128xf32, #tpu.memory_space<vmem>>, vector<16xf32>,
      %parallel_loop3A_617 = arith.constant 0 : i32
      %parallel_loop3A_618 = arith.constant 0 : i32
      %parallel_loop3A_619 = arith.index_cast %parallel_loop3A_617 : i32 to index
      %parallel_loop3A_620 = arith.index_cast %parallel_loop3A_618 : i32 to index
      %parallel_loop3A_621 = arith.index_cast %parallel_loop3A_464 : i32 to index
      %parallel_loop3A_622 = arith.constant 64 : index
      %parallel_loop3A_623 = tpu.vector_load %arg6[%parallel_loop3A_619, %parallel_loop3A_620, %parallel_loop3A_621, %parallel_loop3A_622] {strides = array<i32>} : memref<3x2x128x128xf32, #tpu.memory_space<vmem>>, vector<16xf32>,
      %parallel_loop3A_624 = arith.constant 64 : i32
      %parallel_loop3A_625 = arith.addi %parallel_loop3A_624, %parallel_loop3A_464 : i32
      %parallel_loop3A_626 = arith.constant 0 : i32
      %parallel_loop3A_627 = arith.constant 0 : i32
      %parallel_loop3A_628 = arith.index_cast %parallel_loop3A_626 : i32 to index
      %parallel_loop3A_629 = arith.index_cast %parallel_loop3A_627 : i32 to index
      %parallel_loop3A_630 = arith.index_cast %parallel_loop3A_625 : i32 to index
      %parallel_loop3A_631 = arith.constant 64 : index
      %parallel_loop3A_632 = tpu.vector_load %arg6[%parallel_loop3A_628, %parallel_loop3A_629, %parallel_loop3A_630, %parallel_loop3A_631] {strides = array<i32>} : memref<3x2x128x128xf32, #tpu.memory_space<vmem>>, vector<16xf32>,
      %parallel_loop3A_633 = arith.addf %parallel_loop3A_623, %parallel_loop3A_632 : vector<16xf32>
      %parallel_loop3A_634 = arith.constant 0 : i32
      %parallel_loop3A_635 = arith.constant 1 : i32
      %parallel_loop3A_636 = arith.index_cast %parallel_loop3A_634 : i32 to index
      %parallel_loop3A_637 = arith.index_cast %parallel_loop3A_635 : i32 to index
      %parallel_loop3A_638 = arith.index_cast %parallel_loop3A_464 : i32 to index
      %parallel_loop3A_639 = arith.constant 64 : index
      %parallel_loop3A_640 = tpu.vector_load %arg6[%parallel_loop3A_636, %parallel_loop3A_637, %parallel_loop3A_638, %parallel_loop3A_639] {strides = array<i32>} : memref<3x2x128x128xf32, #tpu.memory_space<vmem>>, vector<16xf32>,
      %parallel_loop3A_641 = arith.addf %parallel_loop3A_633, %parallel_loop3A_640 : vector<16xf32>
      %parallel_loop3A_642 = arith.constant 64 : i32
      %parallel_loop3A_643 = arith.addi %parallel_loop3A_642, %parallel_loop3A_464 : i32
      %parallel_loop3A_644 = arith.constant 0 : i32
      %parallel_loop3A_645 = arith.constant 1 : i32
      %parallel_loop3A_646 = arith.index_cast %parallel_loop3A_644 : i32 to index
      %parallel_loop3A_647 = arith.index_cast %parallel_loop3A_645 : i32 to index
      %parallel_loop3A_648 = arith.index_cast %parallel_loop3A_643 : i32 to index
      %parallel_loop3A_649 = arith.constant 64 : index
      %parallel_loop3A_650 = tpu.vector_load %arg6[%parallel_loop3A_646, %parallel_loop3A_647, %parallel_loop3A_648, %parallel_loop3A_649] {strides = array<i32>} : memref<3x2x128x128xf32, #tpu.memory_space<vmem>>, vector<16xf32>,
      %parallel_loop3A_651 = arith.addf %parallel_loop3A_641, %parallel_loop3A_650 : vector<16xf32>
      %parallel_loop3A_652 = arith.index_cast %parallel_loop3A_464 : i32 to index
      %parallel_loop3A_653 = arith.constant 64 : index
      %parallel_loop3A_654 = tpu.vector_load %arg7[%parallel_loop3A_652, %parallel_loop3A_653] {strides = array<i32>} : memref<64x128xf32, #tpu.memory_space<vmem>>, vector<16xf32>,
      tpu.vector_store %arg7[%parallel_loop3A_652, %parallel_loop3A_653], %parallel_loop3A_651 {strides = array<i32>} : memref<64x128xf32, #tpu.memory_space<vmem>>, vector<16xf32>,
      %parallel_loop3A_655 = arith.constant 0 : i32
      %parallel_loop3A_656 = arith.constant 0 : i32
      %parallel_loop3A_657 = arith.index_cast %parallel_loop3A_655 : i32 to index
      %parallel_loop3A_658 = arith.index_cast %parallel_loop3A_656 : i32 to index
      %parallel_loop3A_659 = arith.index_cast %parallel_loop3A_464 : i32 to index
      %parallel_loop3A_660 = arith.constant 80 : index
      %parallel_loop3A_661 = tpu.vector_load %arg6[%parallel_loop3A_657, %parallel_loop3A_658, %parallel_loop3A_659, %parallel_loop3A_660] {strides = array<i32>} : memref<3x2x128x128xf32, #tpu.memory_space<vmem>>, vector<16xf32>,
      %parallel_loop3A_662 = arith.constant 64 : i32
      %parallel_loop3A_663 = arith.addi %parallel_loop3A_662, %parallel_loop3A_464 : i32
      %parallel_loop3A_664 = arith.constant 0 : i32
      %parallel_loop3A_665 = arith.constant 0 : i32
      %parallel_loop3A_666 = arith.index_cast %parallel_loop3A_664 : i32 to index
      %parallel_loop3A_667 = arith.index_cast %parallel_loop3A_665 : i32 to index
      %parallel_loop3A_668 = arith.index_cast %parallel_loop3A_663 : i32 to index
      %parallel_loop3A_669 = arith.constant 80 : index
      %parallel_loop3A_670 = tpu.vector_load %arg6[%parallel_loop3A_666, %parallel_loop3A_667, %parallel_loop3A_668, %parallel_loop3A_669] {strides = array<i32>} : memref<3x2x128x128xf32, #tpu.memory_space<vmem>>, vector<16xf32>,
      %parallel_loop3A_671 = arith.addf %parallel_loop3A_661, %parallel_loop3A_670 : vector<16xf32>
      %parallel_loop3A_672 = arith.constant 0 : i32
      %parallel_loop3A_673 = arith.constant 1 : i32
      %parallel_loop3A_674 = arith.index_cast %parallel_loop3A_672 : i32 to index
      %parallel_loop3A_675 = arith.index_cast %parallel_loop3A_673 : i32 to index
      %parallel_loop3A_676 = arith.index_cast %parallel_loop3A_464 : i32 to index
      %parallel_loop3A_677 = arith.constant 80 : index
      %parallel_loop3A_678 = tpu.vector_load %arg6[%parallel_loop3A_674, %parallel_loop3A_675, %parallel_loop3A_676, %parallel_loop3A_677] {strides = array<i32>} : memref<3x2x128x128xf32, #tpu.memory_space<vmem>>, vector<16xf32>,
      %parallel_loop3A_679 = arith.addf %parallel_loop3A_671, %parallel_loop3A_678 : vector<16xf32>
      %parallel_loop3A_680 = arith.constant 64 : i32
      %parallel_loop3A_681 = arith.addi %parallel_loop3A_680, %parallel_loop3A_464 : i32
      %parallel_loop3A_682 = arith.constant 0 : i32
      %parallel_loop3A_683 = arith.constant 1 : i32
      %parallel_loop3A_684 = arith.index_cast %parallel_loop3A_682 : i32 to index
      %parallel_loop3A_685 = arith.index_cast %parallel_loop3A_683 : i32 to index
      %parallel_loop3A_686 = arith.index_cast %parallel_loop3A_681 : i32 to index
      %parallel_loop3A_687 = arith.constant 80 : index
      %parallel_loop3A_688 = tpu.vector_load %arg6[%parallel_loop3A_684, %parallel_loop3A_685, %parallel_loop3A_686, %parallel_loop3A_687] {strides = array<i32>} : memref<3x2x128x128xf32, #tpu.memory_space<vmem>>, vector<16xf32>,
      %parallel_loop3A_689 = arith.addf %parallel_loop3A_679, %parallel_loop3A_688 : vector<16xf32>
      %parallel_loop3A_690 = arith.index_cast %parallel_loop3A_464 : i32 to index
      %parallel_loop3A_691 = arith.constant 80 : index
      %parallel_loop3A_692 = tpu.vector_load %arg7[%parallel_loop3A_690, %parallel_loop3A_691] {strides = array<i32>} : memref<64x128xf32, #tpu.memory_space<vmem>>, vector<16xf32>,
      tpu.vector_store %arg7[%parallel_loop3A_690, %parallel_loop3A_691], %parallel_loop3A_689 {strides = array<i32>} : memref<64x128xf32, #tpu.memory_space<vmem>>, vector<16xf32>,
      %parallel_loop3A_693 = arith.constant 0 : i32
      %parallel_loop3A_694 = arith.constant 0 : i32
      %parallel_loop3A_695 = arith.index_cast %parallel_loop3A_693 : i32 to index
      %parallel_loop3A_696 = arith.index_cast %parallel_loop3A_694 : i32 to index
      %parallel_loop3A_697 = arith.index_cast %parallel_loop3A_464 : i32 to index
      %parallel_loop3A_698 = arith.constant 96 : index
      %parallel_loop3A_699 = tpu.vector_load %arg6[%parallel_loop3A_695, %parallel_loop3A_696, %parallel_loop3A_697, %parallel_loop3A_698] {strides = array<i32>} : memref<3x2x128x128xf32, #tpu.memory_space<vmem>>, vector<16xf32>,
      %parallel_loop3A_700 = arith.constant 64 : i32
      %parallel_loop3A_701 = arith.addi %parallel_loop3A_700, %parallel_loop3A_464 : i32
      %parallel_loop3A_702 = arith.constant 0 : i32
      %parallel_loop3A_703 = arith.constant 0 : i32
      %parallel_loop3A_704 = arith.index_cast %parallel_loop3A_702 : i32 to index
      %parallel_loop3A_705 = arith.index_cast %parallel_loop3A_703 : i32 to index
      %parallel_loop3A_706 = arith.index_cast %parallel_loop3A_701 : i32 to index
      %parallel_loop3A_707 = arith.constant 96 : index
      %parallel_loop3A_708 = tpu.vector_load %arg6[%parallel_loop3A_704, %parallel_loop3A_705, %parallel_loop3A_706, %parallel_loop3A_707] {strides = array<i32>} : memref<3x2x128x128xf32, #tpu.memory_space<vmem>>, vector<16xf32>,
      %parallel_loop3A_709 = arith.addf %parallel_loop3A_699, %parallel_loop3A_708 : vector<16xf32>
      %parallel_loop3A_710 = arith.constant 0 : i32
      %parallel_loop3A_711 = arith.constant 1 : i32
      %parallel_loop3A_712 = arith.index_cast %parallel_loop3A_710 : i32 to index
      %parallel_loop3A_713 = arith.index_cast %parallel_loop3A_711 : i32 to index
      %parallel_loop3A_714 = arith.index_cast %parallel_loop3A_464 : i32 to index
      %parallel_loop3A_715 = arith.constant 96 : index
      %parallel_loop3A_716 = tpu.vector_load %arg6[%parallel_loop3A_712, %parallel_loop3A_713, %parallel_loop3A_714, %parallel_loop3A_715] {strides = array<i32>} : memref<3x2x128x128xf32, #tpu.memory_space<vmem>>, vector<16xf32>,
      %parallel_loop3A_717 = arith.addf %parallel_loop3A_709, %parallel_loop3A_716 : vector<16xf32>
      %parallel_loop3A_718 = arith.constant 64 : i32
      %parallel_loop3A_719 = arith.addi %parallel_loop3A_718, %parallel_loop3A_464 : i32
      %parallel_loop3A_720 = arith.constant 0 : i32
      %parallel_loop3A_721 = arith.constant 1 : i32
      %parallel_loop3A_722 = arith.index_cast %parallel_loop3A_720 : i32 to index
      %parallel_loop3A_723 = arith.index_cast %parallel_loop3A_721 : i32 to index
      %parallel_loop3A_724 = arith.index_cast %parallel_loop3A_719 : i32 to index
      %parallel_loop3A_725 = arith.constant 96 : index
      %parallel_loop3A_726 = tpu.vector_load %arg6[%parallel_loop3A_722, %parallel_loop3A_723, %parallel_loop3A_724, %parallel_loop3A_725] {strides = array<i32>} : memref<3x2x128x128xf32, #tpu.memory_space<vmem>>, vector<16xf32>,
      %parallel_loop3A_727 = arith.addf %parallel_loop3A_717, %parallel_loop3A_726 : vector<16xf32>
      %parallel_loop3A_728 = arith.index_cast %parallel_loop3A_464 : i32 to index
      %parallel_loop3A_729 = arith.constant 96 : index
      %parallel_loop3A_730 = tpu.vector_load %arg7[%parallel_loop3A_728, %parallel_loop3A_729] {strides = array<i32>} : memref<64x128xf32, #tpu.memory_space<vmem>>, vector<16xf32>,
      tpu.vector_store %arg7[%parallel_loop3A_728, %parallel_loop3A_729], %parallel_loop3A_727 {strides = array<i32>} : memref<64x128xf32, #tpu.memory_space<vmem>>, vector<16xf32>,
      %parallel_loop3A_731 = arith.constant 0 : i32
      %parallel_loop3A_732 = arith.constant 0 : i32
      %parallel_loop3A_733 = arith.index_cast %parallel_loop3A_731 : i32 to index
      %parallel_loop3A_734 = arith.index_cast %parallel_loop3A_732 : i32 to index
      %parallel_loop3A_735 = arith.index_cast %parallel_loop3A_464 : i32 to index
      %parallel_loop3A_736 = arith.constant 112 : index
      %parallel_loop3A_737 = tpu.vector_load %arg6[%parallel_loop3A_733, %parallel_loop3A_734, %parallel_loop3A_735, %parallel_loop3A_736] {strides = array<i32>} : memref<3x2x128x128xf32, #tpu.memory_space<vmem>>, vector<16xf32>,
      %parallel_loop3A_738 = arith.constant 64 : i32
      %parallel_loop3A_739 = arith.addi %parallel_loop3A_738, %parallel_loop3A_464 : i32
      %parallel_loop3A_740 = arith.constant 0 : i32
      %parallel_loop3A_741 = arith.constant 0 : i32
      %parallel_loop3A_742 = arith.index_cast %parallel_loop3A_740 : i32 to index
      %parallel_loop3A_743 = arith.index_cast %parallel_loop3A_741 : i32 to index
      %parallel_loop3A_744 = arith.index_cast %parallel_loop3A_739 : i32 to index
      %parallel_loop3A_745 = arith.constant 112 : index
      %parallel_loop3A_746 = tpu.vector_load %arg6[%parallel_loop3A_742, %parallel_loop3A_743, %parallel_loop3A_744, %parallel_loop3A_745] {strides = array<i32>} : memref<3x2x128x128xf32, #tpu.memory_space<vmem>>, vector<16xf32>,
      %parallel_loop3A_747 = arith.addf %parallel_loop3A_737, %parallel_loop3A_746 : vector<16xf32>
      %parallel_loop3A_748 = arith.constant 0 : i32
      %parallel_loop3A_749 = arith.constant 1 : i32
      %parallel_loop3A_750 = arith.index_cast %parallel_loop3A_748 : i32 to index
      %parallel_loop3A_751 = arith.index_cast %parallel_loop3A_749 : i32 to index
      %parallel_loop3A_752 = arith.index_cast %parallel_loop3A_464 : i32 to index
      %parallel_loop3A_753 = arith.constant 112 : index
      %parallel_loop3A_754 = tpu.vector_load %arg6[%parallel_loop3A_750, %parallel_loop3A_751, %parallel_loop3A_752, %parallel_loop3A_753] {strides = array<i32>} : memref<3x2x128x128xf32, #tpu.memory_space<vmem>>, vector<16xf32>,
      %parallel_loop3A_755 = arith.addf %parallel_loop3A_747, %parallel_loop3A_754 : vector<16xf32>
      %parallel_loop3A_756 = arith.constant 64 : i32
      %parallel_loop3A_757 = arith.addi %parallel_loop3A_756, %parallel_loop3A_464 : i32
      %parallel_loop3A_758 = arith.constant 0 : i32
      %parallel_loop3A_759 = arith.constant 1 : i32
      %parallel_loop3A_760 = arith.index_cast %parallel_loop3A_758 : i32 to index
      %parallel_loop3A_761 = arith.index_cast %parallel_loop3A_759 : i32 to index
      %parallel_loop3A_762 = arith.index_cast %parallel_loop3A_757 : i32 to index
      %parallel_loop3A_763 = arith.constant 112 : index
      %parallel_loop3A_764 = tpu.vector_load %arg6[%parallel_loop3A_760, %parallel_loop3A_761, %parallel_loop3A_762, %parallel_loop3A_763] {strides = array<i32>} : memref<3x2x128x128xf32, #tpu.memory_space<vmem>>, vector<16xf32>,
      %parallel_loop3A_765 = arith.addf %parallel_loop3A_755, %parallel_loop3A_764 : vector<16xf32>
      %parallel_loop3A_766 = arith.index_cast %parallel_loop3A_464 : i32 to index
      %parallel_loop3A_767 = arith.constant 112 : index
      %parallel_loop3A_768 = tpu.vector_load %arg7[%parallel_loop3A_766, %parallel_loop3A_767] {strides = array<i32>} : memref<64x128xf32, #tpu.memory_space<vmem>>, vector<16xf32>,
      tpu.vector_store %arg7[%parallel_loop3A_766, %parallel_loop3A_767], %parallel_loop3A_765 {strides = array<i32>} : memref<64x128xf32, #tpu.memory_space<vmem>>, vector<16xf32>,
    } {sc.loop_unroll_factor = 2 : i64, sc.parallel_access}
    "tpu.trace_stop"() : () -> ()
    %add3A_262 = arith.constant 192 : i32
    %add3A_263 = arith.addi %mul3A_2, %add3A_262 : i32
    %dma_start3A_264 = arith.constant 0 : i32
    %dma_start3A_265 = tpu.memref_slice %arg4[%add3A_263, %dma_start3A_264] : memref<16384x128xf32, #tpu.memory_space<hbm>> -> memref<64x128xf32, #tpu.memory_space<hbm>>
    %dma_start3A_266 = arith.constant 0 : i32
    %dma_start3A_267 = tpu.memref_slice %arg4[%add3A_263, %dma_start3A_266] : memref<16384x128xf32, #tpu.memory_space<hbm>> -> memref<64x128xf32, #tpu.memory_space<hbm>>
    tpu.enqueue_dma source(%arg7 : memref<64x128xf32, #tpu.memory_space<vmem>>) target(%dma_start3A_267 : memref<64x128xf32, #tpu.memory_space<hbm>>) target_semaphore(%arg14 : memref<!tpu.dma_semaphore, #tpu.memory_space<semaphore_mem>>)
    %dma_start3A_268 = arith.constant 0 : i32
    %dma_start3A_269 = arith.constant 0 : i32
    %dma_start3A_270 = arith.constant 0 : i32
    %dma_start3A_271 = arith.constant 0 : i32
    %dma_start3A_272 = tpu.memref_slice %arg6[%dma_start3A_268, %dma_start3A_269, %dma_start3A_270, %dma_start3A_271] : memref<3x2x128x128xf32, #tpu.memory_space<vmem>> -> memref<1x1x128x128xf32, #tpu.memory_space<vmem>>
    %dma_start3A_273 = tpu.memref_squeeze %dma_start3A_272 : memref<1x1x128x128xf32, #tpu.memory_space<vmem>> -> memref<128x128xf32, #tpu.memory_space<vmem>>
    %dma_start3A_274 = arith.constant 1536 : i32
    %dma_start3A_275 = tpu.memref_slice %arg5[%dma_start3A_274] : memref<2048xi32, #tpu.memory_space<vmem>> -> memref<128xi32, #tpu.memory_space<vmem>>
    %dma_start3A_276 = arith.constant 0 : i32
    %dma_start3A_277 = arith.constant 0 : i32
    %dma_start3A_278 = tpu.memref_slice %arg10[%dma_start3A_276, %dma_start3A_277] : memref<512x128xf32, #tpu.memory_space<vmem_shared>> -> memref<512x128xf32, #tpu.memory_space<vmem_shared>>
    tpu.enqueue_indirect_dma source(%dma_start3A_278 : memref<512x128xf32, #tpu.memory_space<vmem_shared>>) target(%dma_start3A_273 : memref<128x128xf32, #tpu.memory_space<vmem>>) offsets(%dma_start3A_275 : memref<128xi32, #tpu.memory_space<vmem>>) semaphore(%arg11 : memref<!tpu.dma_semaphore, #tpu.memory_space<semaphore_mem>>)
    %dma_start3A_279 = arith.constant 0 : i32
    %dma_start3A_280 = arith.constant 1 : i32
    %dma_start3A_281 = arith.constant 0 : i32
    %dma_start3A_282 = arith.constant 0 : i32
    %dma_start3A_283 = tpu.memref_slice %arg6[%dma_start3A_279, %dma_start3A_280, %dma_start3A_281, %dma_start3A_282] : memref<3x2x128x128xf32, #tpu.memory_space<vmem>> -> memref<1x1x128x128xf32, #tpu.memory_space<vmem>>
    %dma_start3A_284 = tpu.memref_squeeze %dma_start3A_283 : memref<1x1x128x128xf32, #tpu.memory_space<vmem>> -> memref<128x128xf32, #tpu.memory_space<vmem>>
    %dma_start3A_285 = arith.constant 1664 : i32
    %dma_start3A_286 = tpu.memref_slice %arg5[%dma_start3A_285] : memref<2048xi32, #tpu.memory_space<vmem>> -> memref<128xi32, #tpu.memory_space<vmem>>
    %dma_start3A_287 = arith.constant 0 : i32
    %dma_start3A_288 = arith.constant 0 : i32
    %dma_start3A_289 = tpu.memref_slice %arg10[%dma_start3A_287, %dma_start3A_288] : memref<512x128xf32, #tpu.memory_space<vmem_shared>> -> memref<512x128xf32, #tpu.memory_space<vmem_shared>>
    tpu.enqueue_indirect_dma source(%dma_start3A_289 : memref<512x128xf32, #tpu.memory_space<vmem_shared>>) target(%dma_start3A_284 : memref<128x128xf32, #tpu.memory_space<vmem>>) offsets(%dma_start3A_286 : memref<128xi32, #tpu.memory_space<vmem>>) semaphore(%arg11 : memref<!tpu.dma_semaphore, #tpu.memory_space<semaphore_mem>>)
    %dma_wait3A_290 = arith.constant 1 : i32
    %dma_wait3A_291 = arith.constant 0 : i32
    "tpu.trace_start"() <{level = 10 : i32, message = "gwait"}> : () -> ()
    %dma_wait3A_292 = arith.constant 0 : i32
    %dma_wait3A_293 = arith.constant 0 : i32
    %dma_wait3A_294 = tpu.memref_slice %arg6[%dma_wait3A_290, %dma_wait3A_291, %dma_wait3A_292, %dma_wait3A_293] : memref<3x2x128x128xf32, #tpu.memory_space<vmem>> -> memref<1x1x128x128xf32, #tpu.memory_space<vmem>>
    %dma_wait3A_295 = tpu.memref_squeeze %dma_wait3A_294 : memref<1x1x128x128xf32, #tpu.memory_space<vmem>> -> memref<128x128xf32, #tpu.memory_space<vmem>>
    %dma_wait3A_296 = arith.constant 1024 : i32
    %dma_wait3A_297 = tpu.memref_slice %arg5[%dma_wait3A_296] : memref<2048xi32, #tpu.memory_space<vmem>> -> memref<128xi32, #tpu.memory_space<vmem>>
    %dma_wait3A_298 = arith.constant 0 : i32
    %dma_wait3A_299 = arith.constant 0 : i32
    %dma_wait3A_300 = tpu.memref_slice %arg10[%dma_wait3A_298, %dma_wait3A_299] : memref<512x128xf32, #tpu.memory_space<vmem_shared>> -> memref<512x128xf32, #tpu.memory_space<vmem_shared>>
    tpu.wait_indirect_dma semaphore(%arg12 : memref<!tpu.dma_semaphore, #tpu.memory_space<semaphore_mem>>) src(%dma_wait3A_300 : memref<512x128xf32, #tpu.memory_space<vmem_shared>>) dst(%dma_wait3A_295 : memref<128x128xf32, #tpu.memory_space<vmem>>)
    %dma_wait3A_301 = arith.constant 1 : i32
    %dma_wait3A_302 = arith.constant 1 : i32
    %dma_wait3A_303 = arith.constant 0 : i32
    %dma_wait3A_304 = arith.constant 0 : i32
    %dma_wait3A_305 = tpu.memref_slice %arg6[%dma_wait3A_301, %dma_wait3A_302, %dma_wait3A_303, %dma_wait3A_304] : memref<3x2x128x128xf32, #tpu.memory_space<vmem>> -> memref<1x1x128x128xf32, #tpu.memory_space<vmem>>
    %dma_wait3A_306 = tpu.memref_squeeze %dma_wait3A_305 : memref<1x1x128x128xf32, #tpu.memory_space<vmem>> -> memref<128x128xf32, #tpu.memory_space<vmem>>
    %dma_wait3A_307 = arith.constant 1152 : i32
    %dma_wait3A_308 = tpu.memref_slice %arg5[%dma_wait3A_307] : memref<2048xi32, #tpu.memory_space<vmem>> -> memref<128xi32, #tpu.memory_space<vmem>>
    %dma_wait3A_309 = arith.constant 0 : i32
    %dma_wait3A_310 = arith.constant 0 : i32
    %dma_wait3A_311 = tpu.memref_slice %arg10[%dma_wait3A_309, %dma_wait3A_310] : memref<512x128xf32, #tpu.memory_space<vmem_shared>> -> memref<512x128xf32, #tpu.memory_space<vmem_shared>>
    tpu.wait_indirect_dma semaphore(%arg12 : memref<!tpu.dma_semaphore, #tpu.memory_space<semaphore_mem>>) src(%dma_wait3A_311 : memref<512x128xf32, #tpu.memory_space<vmem_shared>>) dst(%dma_wait3A_306 : memref<128x128xf32, #tpu.memory_space<vmem>>)
    %dma_wait3A_312 = arith.constant 0 : i32
    %dma_wait3A_313 = tpu.memref_slice %arg4[%add3A_153, %dma_wait3A_312] : memref<16384x128xf32, #tpu.memory_space<hbm>> -> memref<64x128xf32, #tpu.memory_space<hbm>>
    %dma_wait3A_314 = arith.constant 0 : i32
    %dma_wait3A_315 = tpu.memref_slice %arg4[%add3A_153, %dma_wait3A_314] : memref<16384x128xf32, #tpu.memory_space<hbm>> -> memref<64x128xf32, #tpu.memory_space<hbm>>
    tpu.wait_dma2 semaphore(%arg15 : memref<!tpu.dma_semaphore, #tpu.memory_space<semaphore_mem>>) src(%arg8 : memref<64x128xf32, #tpu.memory_space<vmem>>) dst(%dma_wait3A_315 : memref<64x128xf32, #tpu.memory_space<hbm>>)
    %parallel_loop3A_316 = arith.constant 0 : i32
    %parallel_loop3A_317 = arith.constant 64 : i32
    %parallel_loop3A_318 = arith.constant 1 : i32
    "tpu.trace_stop"() : () -> ()
    "tpu.trace_start"() <{level = 10 : i32, message = "adds"}> : () -> ()
    scf.for %parallel_loop3A_464 = %parallel_loop3A_316 to %parallel_loop3A_317 step %parallel_loop3A_318  : i32 {
      %parallel_loop3A_465 = arith.constant 1 : i32
      %parallel_loop3A_466 = arith.constant 0 : i32
      %parallel_loop3A_467 = arith.index_cast %parallel_loop3A_465 : i32 to index
      %parallel_loop3A_468 = arith.index_cast %parallel_loop3A_466 : i32 to index
      %parallel_loop3A_469 = arith.index_cast %parallel_loop3A_464 : i32 to index
      %parallel_loop3A_470 = arith.constant 0 : index
      %parallel_loop3A_471 = tpu.vector_load %arg6[%parallel_loop3A_467, %parallel_loop3A_468, %parallel_loop3A_469, %parallel_loop3A_470] {strides = array<i32>} : memref<3x2x128x128xf32, #tpu.memory_space<vmem>>, vector<16xf32>,
      %parallel_loop3A_472 = arith.constant 64 : i32
      %parallel_loop3A_473 = arith.addi %parallel_loop3A_472, %parallel_loop3A_464 : i32
      %parallel_loop3A_474 = arith.constant 1 : i32
      %parallel_loop3A_475 = arith.constant 0 : i32
      %parallel_loop3A_476 = arith.index_cast %parallel_loop3A_474 : i32 to index
      %parallel_loop3A_477 = arith.index_cast %parallel_loop3A_475 : i32 to index
      %parallel_loop3A_478 = arith.index_cast %parallel_loop3A_473 : i32 to index
      %parallel_loop3A_479 = arith.constant 0 : index
      %parallel_loop3A_480 = tpu.vector_load %arg6[%parallel_loop3A_476, %parallel_loop3A_477, %parallel_loop3A_478, %parallel_loop3A_479] {strides = array<i32>} : memref<3x2x128x128xf32, #tpu.memory_space<vmem>>, vector<16xf32>,
      %parallel_loop3A_481 = arith.addf %parallel_loop3A_471, %parallel_loop3A_480 : vector<16xf32>
      %parallel_loop3A_482 = arith.constant 1 : i32
      %parallel_loop3A_483 = arith.constant 1 : i32
      %parallel_loop3A_484 = arith.index_cast %parallel_loop3A_482 : i32 to index
      %parallel_loop3A_485 = arith.index_cast %parallel_loop3A_483 : i32 to index
      %parallel_loop3A_486 = arith.index_cast %parallel_loop3A_464 : i32 to index
      %parallel_loop3A_487 = arith.constant 0 : index
      %parallel_loop3A_488 = tpu.vector_load %arg6[%parallel_loop3A_484, %parallel_loop3A_485, %parallel_loop3A_486, %parallel_loop3A_487] {strides = array<i32>} : memref<3x2x128x128xf32, #tpu.memory_space<vmem>>, vector<16xf32>,
      %parallel_loop3A_489 = arith.addf %parallel_loop3A_481, %parallel_loop3A_488 : vector<16xf32>
      %parallel_loop3A_490 = arith.constant 64 : i32
      %parallel_loop3A_491 = arith.addi %parallel_loop3A_490, %parallel_loop3A_464 : i32
      %parallel_loop3A_492 = arith.constant 1 : i32
      %parallel_loop3A_493 = arith.constant 1 : i32
      %parallel_loop3A_494 = arith.index_cast %parallel_loop3A_492 : i32 to index
      %parallel_loop3A_495 = arith.index_cast %parallel_loop3A_493 : i32 to index
      %parallel_loop3A_496 = arith.index_cast %parallel_loop3A_491 : i32 to index
      %parallel_loop3A_497 = arith.constant 0 : index
      %parallel_loop3A_498 = tpu.vector_load %arg6[%parallel_loop3A_494, %parallel_loop3A_495, %parallel_loop3A_496, %parallel_loop3A_497] {strides = array<i32>} : memref<3x2x128x128xf32, #tpu.memory_space<vmem>>, vector<16xf32>,
      %parallel_loop3A_499 = arith.addf %parallel_loop3A_489, %parallel_loop3A_498 : vector<16xf32>
      %parallel_loop3A_500 = arith.index_cast %parallel_loop3A_464 : i32 to index
      %parallel_loop3A_501 = arith.constant 0 : index
      %parallel_loop3A_502 = tpu.vector_load %arg8[%parallel_loop3A_500, %parallel_loop3A_501] {strides = array<i32>} : memref<64x128xf32, #tpu.memory_space<vmem>>, vector<16xf32>,
      tpu.vector_store %arg8[%parallel_loop3A_500, %parallel_loop3A_501], %parallel_loop3A_499 {strides = array<i32>} : memref<64x128xf32, #tpu.memory_space<vmem>>, vector<16xf32>,
      %parallel_loop3A_503 = arith.constant 1 : i32
      %parallel_loop3A_504 = arith.constant 0 : i32
      %parallel_loop3A_505 = arith.index_cast %parallel_loop3A_503 : i32 to index
      %parallel_loop3A_506 = arith.index_cast %parallel_loop3A_504 : i32 to index
      %parallel_loop3A_507 = arith.index_cast %parallel_loop3A_464 : i32 to index
      %parallel_loop3A_508 = arith.constant 16 : index
      %parallel_loop3A_509 = tpu.vector_load %arg6[%parallel_loop3A_505, %parallel_loop3A_506, %parallel_loop3A_507, %parallel_loop3A_508] {strides = array<i32>} : memref<3x2x128x128xf32, #tpu.memory_space<vmem>>, vector<16xf32>,
      %parallel_loop3A_510 = arith.constant 64 : i32
      %parallel_loop3A_511 = arith.addi %parallel_loop3A_510, %parallel_loop3A_464 : i32
      %parallel_loop3A_512 = arith.constant 1 : i32
      %parallel_loop3A_513 = arith.constant 0 : i32
      %parallel_loop3A_514 = arith.index_cast %parallel_loop3A_512 : i32 to index
      %parallel_loop3A_515 = arith.index_cast %parallel_loop3A_513 : i32 to index
      %parallel_loop3A_516 = arith.index_cast %parallel_loop3A_511 : i32 to index
      %parallel_loop3A_517 = arith.constant 16 : index
      %parallel_loop3A_518 = tpu.vector_load %arg6[%parallel_loop3A_514, %parallel_loop3A_515, %parallel_loop3A_516, %parallel_loop3A_517] {strides = array<i32>} : memref<3x2x128x128xf32, #tpu.memory_space<vmem>>, vector<16xf32>,
      %parallel_loop3A_519 = arith.addf %parallel_loop3A_509, %parallel_loop3A_518 : vector<16xf32>
      %parallel_loop3A_520 = arith.constant 1 : i32
      %parallel_loop3A_521 = arith.constant 1 : i32
      %parallel_loop3A_522 = arith.index_cast %parallel_loop3A_520 : i32 to index
      %parallel_loop3A_523 = arith.index_cast %parallel_loop3A_521 : i32 to index
      %parallel_loop3A_524 = arith.index_cast %parallel_loop3A_464 : i32 to index
      %parallel_loop3A_525 = arith.constant 16 : index
      %parallel_loop3A_526 = tpu.vector_load %arg6[%parallel_loop3A_522, %parallel_loop3A_523, %parallel_loop3A_524, %parallel_loop3A_525] {strides = array<i32>} : memref<3x2x128x128xf32, #tpu.memory_space<vmem>>, vector<16xf32>,
      %parallel_loop3A_527 = arith.addf %parallel_loop3A_519, %parallel_loop3A_526 : vector<16xf32>
      %parallel_loop3A_528 = arith.constant 64 : i32
      %parallel_loop3A_529 = arith.addi %parallel_loop3A_528, %parallel_loop3A_464 : i32
      %parallel_loop3A_530 = arith.constant 1 : i32
      %parallel_loop3A_531 = arith.constant 1 : i32
      %parallel_loop3A_532 = arith.index_cast %parallel_loop3A_530 : i32 to index
      %parallel_loop3A_533 = arith.index_cast %parallel_loop3A_531 : i32 to index
      %parallel_loop3A_534 = arith.index_cast %parallel_loop3A_529 : i32 to index
      %parallel_loop3A_535 = arith.constant 16 : index
      %parallel_loop3A_536 = tpu.vector_load %arg6[%parallel_loop3A_532, %parallel_loop3A_533, %parallel_loop3A_534, %parallel_loop3A_535] {strides = array<i32>} : memref<3x2x128x128xf32, #tpu.memory_space<vmem>>, vector<16xf32>,
      %parallel_loop3A_537 = arith.addf %parallel_loop3A_527, %parallel_loop3A_536 : vector<16xf32>
      %parallel_loop3A_538 = arith.index_cast %parallel_loop3A_464 : i32 to index
      %parallel_loop3A_539 = arith.constant 16 : index
      %parallel_loop3A_540 = tpu.vector_load %arg8[%parallel_loop3A_538, %parallel_loop3A_539] {strides = array<i32>} : memref<64x128xf32, #tpu.memory_space<vmem>>, vector<16xf32>,
      tpu.vector_store %arg8[%parallel_loop3A_538, %parallel_loop3A_539], %parallel_loop3A_537 {strides = array<i32>} : memref<64x128xf32, #tpu.memory_space<vmem>>, vector<16xf32>,
      %parallel_loop3A_541 = arith.constant 1 : i32
      %parallel_loop3A_542 = arith.constant 0 : i32
      %parallel_loop3A_543 = arith.index_cast %parallel_loop3A_541 : i32 to index
      %parallel_loop3A_544 = arith.index_cast %parallel_loop3A_542 : i32 to index
      %parallel_loop3A_545 = arith.index_cast %parallel_loop3A_464 : i32 to index
      %parallel_loop3A_546 = arith.constant 32 : index
      %parallel_loop3A_547 = tpu.vector_load %arg6[%parallel_loop3A_543, %parallel_loop3A_544, %parallel_loop3A_545, %parallel_loop3A_546] {strides = array<i32>} : memref<3x2x128x128xf32, #tpu.memory_space<vmem>>, vector<16xf32>,
      %parallel_loop3A_548 = arith.constant 64 : i32
      %parallel_loop3A_549 = arith.addi %parallel_loop3A_548, %parallel_loop3A_464 : i32
      %parallel_loop3A_550 = arith.constant 1 : i32
      %parallel_loop3A_551 = arith.constant 0 : i32
      %parallel_loop3A_552 = arith.index_cast %parallel_loop3A_550 : i32 to index
      %parallel_loop3A_553 = arith.index_cast %parallel_loop3A_551 : i32 to index
      %parallel_loop3A_554 = arith.index_cast %parallel_loop3A_549 : i32 to index
      %parallel_loop3A_555 = arith.constant 32 : index
      %parallel_loop3A_556 = tpu.vector_load %arg6[%parallel_loop3A_552, %parallel_loop3A_553, %parallel_loop3A_554, %parallel_loop3A_555] {strides = array<i32>} : memref<3x2x128x128xf32, #tpu.memory_space<vmem>>, vector<16xf32>,
      %parallel_loop3A_557 = arith.addf %parallel_loop3A_547, %parallel_loop3A_556 : vector<16xf32>
      %parallel_loop3A_558 = arith.constant 1 : i32
      %parallel_loop3A_559 = arith.constant 1 : i32
      %parallel_loop3A_560 = arith.index_cast %parallel_loop3A_558 : i32 to index
      %parallel_loop3A_561 = arith.index_cast %parallel_loop3A_559 : i32 to index
      %parallel_loop3A_562 = arith.index_cast %parallel_loop3A_464 : i32 to index
      %parallel_loop3A_563 = arith.constant 32 : index
      %parallel_loop3A_564 = tpu.vector_load %arg6[%parallel_loop3A_560, %parallel_loop3A_561, %parallel_loop3A_562, %parallel_loop3A_563] {strides = array<i32>} : memref<3x2x128x128xf32, #tpu.memory_space<vmem>>, vector<16xf32>,
      %parallel_loop3A_565 = arith.addf %parallel_loop3A_557, %parallel_loop3A_564 : vector<16xf32>
      %parallel_loop3A_566 = arith.constant 64 : i32
      %parallel_loop3A_567 = arith.addi %parallel_loop3A_566, %parallel_loop3A_464 : i32
      %parallel_loop3A_568 = arith.constant 1 : i32
      %parallel_loop3A_569 = arith.constant 1 : i32
      %parallel_loop3A_570 = arith.index_cast %parallel_loop3A_568 : i32 to index
      %parallel_loop3A_571 = arith.index_cast %parallel_loop3A_569 : i32 to index
      %parallel_loop3A_572 = arith.index_cast %parallel_loop3A_567 : i32 to index
      %parallel_loop3A_573 = arith.constant 32 : index
      %parallel_loop3A_574 = tpu.vector_load %arg6[%parallel_loop3A_570, %parallel_loop3A_571, %parallel_loop3A_572, %parallel_loop3A_573] {strides = array<i32>} : memref<3x2x128x128xf32, #tpu.memory_space<vmem>>, vector<16xf32>,
      %parallel_loop3A_575 = arith.addf %parallel_loop3A_565, %parallel_loop3A_574 : vector<16xf32>
      %parallel_loop3A_576 = arith.index_cast %parallel_loop3A_464 : i32 to index
      %parallel_loop3A_577 = arith.constant 32 : index
      %parallel_loop3A_578 = tpu.vector_load %arg8[%parallel_loop3A_576, %parallel_loop3A_577] {strides = array<i32>} : memref<64x128xf32, #tpu.memory_space<vmem>>, vector<16xf32>,
      tpu.vector_store %arg8[%parallel_loop3A_576, %parallel_loop3A_577], %parallel_loop3A_575 {strides = array<i32>} : memref<64x128xf32, #tpu.memory_space<vmem>>, vector<16xf32>,
      %parallel_loop3A_579 = arith.constant 1 : i32
      %parallel_loop3A_580 = arith.constant 0 : i32
      %parallel_loop3A_581 = arith.index_cast %parallel_loop3A_579 : i32 to index
      %parallel_loop3A_582 = arith.index_cast %parallel_loop3A_580 : i32 to index
      %parallel_loop3A_583 = arith.index_cast %parallel_loop3A_464 : i32 to index
      %parallel_loop3A_584 = arith.constant 48 : index
      %parallel_loop3A_585 = tpu.vector_load %arg6[%parallel_loop3A_581, %parallel_loop3A_582, %parallel_loop3A_583, %parallel_loop3A_584] {strides = array<i32>} : memref<3x2x128x128xf32, #tpu.memory_space<vmem>>, vector<16xf32>,
      %parallel_loop3A_586 = arith.constant 64 : i32
      %parallel_loop3A_587 = arith.addi %parallel_loop3A_586, %parallel_loop3A_464 : i32
      %parallel_loop3A_588 = arith.constant 1 : i32
      %parallel_loop3A_589 = arith.constant 0 : i32
      %parallel_loop3A_590 = arith.index_cast %parallel_loop3A_588 : i32 to index
      %parallel_loop3A_591 = arith.index_cast %parallel_loop3A_589 : i32 to index
      %parallel_loop3A_592 = arith.index_cast %parallel_loop3A_587 : i32 to index
      %parallel_loop3A_593 = arith.constant 48 : index
      %parallel_loop3A_594 = tpu.vector_load %arg6[%parallel_loop3A_590, %parallel_loop3A_591, %parallel_loop3A_592, %parallel_loop3A_593] {strides = array<i32>} : memref<3x2x128x128xf32, #tpu.memory_space<vmem>>, vector<16xf32>,
      %parallel_loop3A_595 = arith.addf %parallel_loop3A_585, %parallel_loop3A_594 : vector<16xf32>
      %parallel_loop3A_596 = arith.constant 1 : i32
      %parallel_loop3A_597 = arith.constant 1 : i32
      %parallel_loop3A_598 = arith.index_cast %parallel_loop3A_596 : i32 to index
      %parallel_loop3A_599 = arith.index_cast %parallel_loop3A_597 : i32 to index
      %parallel_loop3A_600 = arith.index_cast %parallel_loop3A_464 : i32 to index
      %parallel_loop3A_601 = arith.constant 48 : index
      %parallel_loop3A_602 = tpu.vector_load %arg6[%parallel_loop3A_598, %parallel_loop3A_599, %parallel_loop3A_600, %parallel_loop3A_601] {strides = array<i32>} : memref<3x2x128x128xf32, #tpu.memory_space<vmem>>, vector<16xf32>,
      %parallel_loop3A_603 = arith.addf %parallel_loop3A_595, %parallel_loop3A_602 : vector<16xf32>
      %parallel_loop3A_604 = arith.constant 64 : i32
      %parallel_loop3A_605 = arith.addi %parallel_loop3A_604, %parallel_loop3A_464 : i32
      %parallel_loop3A_606 = arith.constant 1 : i32
      %parallel_loop3A_607 = arith.constant 1 : i32
      %parallel_loop3A_608 = arith.index_cast %parallel_loop3A_606 : i32 to index
      %parallel_loop3A_609 = arith.index_cast %parallel_loop3A_607 : i32 to index
      %parallel_loop3A_610 = arith.index_cast %parallel_loop3A_605 : i32 to index
      %parallel_loop3A_611 = arith.constant 48 : index
      %parallel_loop3A_612 = tpu.vector_load %arg6[%parallel_loop3A_608, %parallel_loop3A_609, %parallel_loop3A_610, %parallel_loop3A_611] {strides = array<i32>} : memref<3x2x128x128xf32, #tpu.memory_space<vmem>>, vector<16xf32>,
      %parallel_loop3A_613 = arith.addf %parallel_loop3A_603, %parallel_loop3A_612 : vector<16xf32>
      %parallel_loop3A_614 = arith.index_cast %parallel_loop3A_464 : i32 to index
      %parallel_loop3A_615 = arith.constant 48 : index
      %parallel_loop3A_616 = tpu.vector_load %arg8[%parallel_loop3A_614, %parallel_loop3A_615] {strides = array<i32>} : memref<64x128xf32, #tpu.memory_space<vmem>>, vector<16xf32>,
      tpu.vector_store %arg8[%parallel_loop3A_614, %parallel_loop3A_615], %parallel_loop3A_613 {strides = array<i32>} : memref<64x128xf32, #tpu.memory_space<vmem>>, vector<16xf32>,
      %parallel_loop3A_617 = arith.constant 1 : i32
      %parallel_loop3A_618 = arith.constant 0 : i32
      %parallel_loop3A_619 = arith.index_cast %parallel_loop3A_617 : i32 to index
      %parallel_loop3A_620 = arith.index_cast %parallel_loop3A_618 : i32 to index
      %parallel_loop3A_621 = arith.index_cast %parallel_loop3A_464 : i32 to index
      %parallel_loop3A_622 = arith.constant 64 : index
      %parallel_loop3A_623 = tpu.vector_load %arg6[%parallel_loop3A_619, %parallel_loop3A_620, %parallel_loop3A_621, %parallel_loop3A_622] {strides = array<i32>} : memref<3x2x128x128xf32, #tpu.memory_space<vmem>>, vector<16xf32>,
      %parallel_loop3A_624 = arith.constant 64 : i32
      %parallel_loop3A_625 = arith.addi %parallel_loop3A_624, %parallel_loop3A_464 : i32
      %parallel_loop3A_626 = arith.constant 1 : i32
      %parallel_loop3A_627 = arith.constant 0 : i32
      %parallel_loop3A_628 = arith.index_cast %parallel_loop3A_626 : i32 to index
      %parallel_loop3A_629 = arith.index_cast %parallel_loop3A_627 : i32 to index
      %parallel_loop3A_630 = arith.index_cast %parallel_loop3A_625 : i32 to index
      %parallel_loop3A_631 = arith.constant 64 : index
      %parallel_loop3A_632 = tpu.vector_load %arg6[%parallel_loop3A_628, %parallel_loop3A_629, %parallel_loop3A_630, %parallel_loop3A_631] {strides = array<i32>} : memref<3x2x128x128xf32, #tpu.memory_space<vmem>>, vector<16xf32>,
      %parallel_loop3A_633 = arith.addf %parallel_loop3A_623, %parallel_loop3A_632 : vector<16xf32>
      %parallel_loop3A_634 = arith.constant 1 : i32
      %parallel_loop3A_635 = arith.constant 1 : i32
      %parallel_loop3A_636 = arith.index_cast %parallel_loop3A_634 : i32 to index
      %parallel_loop3A_637 = arith.index_cast %parallel_loop3A_635 : i32 to index
      %parallel_loop3A_638 = arith.index_cast %parallel_loop3A_464 : i32 to index
      %parallel_loop3A_639 = arith.constant 64 : index
      %parallel_loop3A_640 = tpu.vector_load %arg6[%parallel_loop3A_636, %parallel_loop3A_637, %parallel_loop3A_638, %parallel_loop3A_639] {strides = array<i32>} : memref<3x2x128x128xf32, #tpu.memory_space<vmem>>, vector<16xf32>,
      %parallel_loop3A_641 = arith.addf %parallel_loop3A_633, %parallel_loop3A_640 : vector<16xf32>
      %parallel_loop3A_642 = arith.constant 64 : i32
      %parallel_loop3A_643 = arith.addi %parallel_loop3A_642, %parallel_loop3A_464 : i32
      %parallel_loop3A_644 = arith.constant 1 : i32
      %parallel_loop3A_645 = arith.constant 1 : i32
      %parallel_loop3A_646 = arith.index_cast %parallel_loop3A_644 : i32 to index
      %parallel_loop3A_647 = arith.index_cast %parallel_loop3A_645 : i32 to index
      %parallel_loop3A_648 = arith.index_cast %parallel_loop3A_643 : i32 to index
      %parallel_loop3A_649 = arith.constant 64 : index
      %parallel_loop3A_650 = tpu.vector_load %arg6[%parallel_loop3A_646, %parallel_loop3A_647, %parallel_loop3A_648, %parallel_loop3A_649] {strides = array<i32>} : memref<3x2x128x128xf32, #tpu.memory_space<vmem>>, vector<16xf32>,
      %parallel_loop3A_651 = arith.addf %parallel_loop3A_641, %parallel_loop3A_650 : vector<16xf32>
      %parallel_loop3A_652 = arith.index_cast %parallel_loop3A_464 : i32 to index
      %parallel_loop3A_653 = arith.constant 64 : index
      %parallel_loop3A_654 = tpu.vector_load %arg8[%parallel_loop3A_652, %parallel_loop3A_653] {strides = array<i32>} : memref<64x128xf32, #tpu.memory_space<vmem>>, vector<16xf32>,
      tpu.vector_store %arg8[%parallel_loop3A_652, %parallel_loop3A_653], %parallel_loop3A_651 {strides = array<i32>} : memref<64x128xf32, #tpu.memory_space<vmem>>, vector<16xf32>,
      %parallel_loop3A_655 = arith.constant 1 : i32
      %parallel_loop3A_656 = arith.constant 0 : i32
      %parallel_loop3A_657 = arith.index_cast %parallel_loop3A_655 : i32 to index
      %parallel_loop3A_658 = arith.index_cast %parallel_loop3A_656 : i32 to index
      %parallel_loop3A_659 = arith.index_cast %parallel_loop3A_464 : i32 to index
      %parallel_loop3A_660 = arith.constant 80 : index
      %parallel_loop3A_661 = tpu.vector_load %arg6[%parallel_loop3A_657, %parallel_loop3A_658, %parallel_loop3A_659, %parallel_loop3A_660] {strides = array<i32>} : memref<3x2x128x128xf32, #tpu.memory_space<vmem>>, vector<16xf32>,
      %parallel_loop3A_662 = arith.constant 64 : i32
      %parallel_loop3A_663 = arith.addi %parallel_loop3A_662, %parallel_loop3A_464 : i32
      %parallel_loop3A_664 = arith.constant 1 : i32
      %parallel_loop3A_665 = arith.constant 0 : i32
      %parallel_loop3A_666 = arith.index_cast %parallel_loop3A_664 : i32 to index
      %parallel_loop3A_667 = arith.index_cast %parallel_loop3A_665 : i32 to index
      %parallel_loop3A_668 = arith.index_cast %parallel_loop3A_663 : i32 to index
      %parallel_loop3A_669 = arith.constant 80 : index
      %parallel_loop3A_670 = tpu.vector_load %arg6[%parallel_loop3A_666, %parallel_loop3A_667, %parallel_loop3A_668, %parallel_loop3A_669] {strides = array<i32>} : memref<3x2x128x128xf32, #tpu.memory_space<vmem>>, vector<16xf32>,
      %parallel_loop3A_671 = arith.addf %parallel_loop3A_661, %parallel_loop3A_670 : vector<16xf32>
      %parallel_loop3A_672 = arith.constant 1 : i32
      %parallel_loop3A_673 = arith.constant 1 : i32
      %parallel_loop3A_674 = arith.index_cast %parallel_loop3A_672 : i32 to index
      %parallel_loop3A_675 = arith.index_cast %parallel_loop3A_673 : i32 to index
      %parallel_loop3A_676 = arith.index_cast %parallel_loop3A_464 : i32 to index
      %parallel_loop3A_677 = arith.constant 80 : index
      %parallel_loop3A_678 = tpu.vector_load %arg6[%parallel_loop3A_674, %parallel_loop3A_675, %parallel_loop3A_676, %parallel_loop3A_677] {strides = array<i32>} : memref<3x2x128x128xf32, #tpu.memory_space<vmem>>, vector<16xf32>,
      %parallel_loop3A_679 = arith.addf %parallel_loop3A_671, %parallel_loop3A_678 : vector<16xf32>
      %parallel_loop3A_680 = arith.constant 64 : i32
      %parallel_loop3A_681 = arith.addi %parallel_loop3A_680, %parallel_loop3A_464 : i32
      %parallel_loop3A_682 = arith.constant 1 : i32
      %parallel_loop3A_683 = arith.constant 1 : i32
      %parallel_loop3A_684 = arith.index_cast %parallel_loop3A_682 : i32 to index
      %parallel_loop3A_685 = arith.index_cast %parallel_loop3A_683 : i32 to index
      %parallel_loop3A_686 = arith.index_cast %parallel_loop3A_681 : i32 to index
      %parallel_loop3A_687 = arith.constant 80 : index
      %parallel_loop3A_688 = tpu.vector_load %arg6[%parallel_loop3A_684, %parallel_loop3A_685, %parallel_loop3A_686, %parallel_loop3A_687] {strides = array<i32>} : memref<3x2x128x128xf32, #tpu.memory_space<vmem>>, vector<16xf32>,
      %parallel_loop3A_689 = arith.addf %parallel_loop3A_679, %parallel_loop3A_688 : vector<16xf32>
      %parallel_loop3A_690 = arith.index_cast %parallel_loop3A_464 : i32 to index
      %parallel_loop3A_691 = arith.constant 80 : index
      %parallel_loop3A_692 = tpu.vector_load %arg8[%parallel_loop3A_690, %parallel_loop3A_691] {strides = array<i32>} : memref<64x128xf32, #tpu.memory_space<vmem>>, vector<16xf32>,
      tpu.vector_store %arg8[%parallel_loop3A_690, %parallel_loop3A_691], %parallel_loop3A_689 {strides = array<i32>} : memref<64x128xf32, #tpu.memory_space<vmem>>, vector<16xf32>,
      %parallel_loop3A_693 = arith.constant 1 : i32
      %parallel_loop3A_694 = arith.constant 0 : i32
      %parallel_loop3A_695 = arith.index_cast %parallel_loop3A_693 : i32 to index
      %parallel_loop3A_696 = arith.index_cast %parallel_loop3A_694 : i32 to index
      %parallel_loop3A_697 = arith.index_cast %parallel_loop3A_464 : i32 to index
      %parallel_loop3A_698 = arith.constant 96 : index
      %parallel_loop3A_699 = tpu.vector_load %arg6[%parallel_loop3A_695, %parallel_loop3A_696, %parallel_loop3A_697, %parallel_loop3A_698] {strides = array<i32>} : memref<3x2x128x128xf32, #tpu.memory_space<vmem>>, vector<16xf32>,
      %parallel_loop3A_700 = arith.constant 64 : i32
      %parallel_loop3A_701 = arith.addi %parallel_loop3A_700, %parallel_loop3A_464 : i32
      %parallel_loop3A_702 = arith.constant 1 : i32
      %parallel_loop3A_703 = arith.constant 0 : i32
      %parallel_loop3A_704 = arith.index_cast %parallel_loop3A_702 : i32 to index
      %parallel_loop3A_705 = arith.index_cast %parallel_loop3A_703 : i32 to index
      %parallel_loop3A_706 = arith.index_cast %parallel_loop3A_701 : i32 to index
      %parallel_loop3A_707 = arith.constant 96 : index
      %parallel_loop3A_708 = tpu.vector_load %arg6[%parallel_loop3A_704, %parallel_loop3A_705, %parallel_loop3A_706, %parallel_loop3A_707] {strides = array<i32>} : memref<3x2x128x128xf32, #tpu.memory_space<vmem>>, vector<16xf32>,
      %parallel_loop3A_709 = arith.addf %parallel_loop3A_699, %parallel_loop3A_708 : vector<16xf32>
      %parallel_loop3A_710 = arith.constant 1 : i32
      %parallel_loop3A_711 = arith.constant 1 : i32
      %parallel_loop3A_712 = arith.index_cast %parallel_loop3A_710 : i32 to index
      %parallel_loop3A_713 = arith.index_cast %parallel_loop3A_711 : i32 to index
      %parallel_loop3A_714 = arith.index_cast %parallel_loop3A_464 : i32 to index
      %parallel_loop3A_715 = arith.constant 96 : index
      %parallel_loop3A_716 = tpu.vector_load %arg6[%parallel_loop3A_712, %parallel_loop3A_713, %parallel_loop3A_714, %parallel_loop3A_715] {strides = array<i32>} : memref<3x2x128x128xf32, #tpu.memory_space<vmem>>, vector<16xf32>,
      %parallel_loop3A_717 = arith.addf %parallel_loop3A_709, %parallel_loop3A_716 : vector<16xf32>
      %parallel_loop3A_718 = arith.constant 64 : i32
      %parallel_loop3A_719 = arith.addi %parallel_loop3A_718, %parallel_loop3A_464 : i32
      %parallel_loop3A_720 = arith.constant 1 : i32
      %parallel_loop3A_721 = arith.constant 1 : i32
      %parallel_loop3A_722 = arith.index_cast %parallel_loop3A_720 : i32 to index
      %parallel_loop3A_723 = arith.index_cast %parallel_loop3A_721 : i32 to index
      %parallel_loop3A_724 = arith.index_cast %parallel_loop3A_719 : i32 to index
      %parallel_loop3A_725 = arith.constant 96 : index
      %parallel_loop3A_726 = tpu.vector_load %arg6[%parallel_loop3A_722, %parallel_loop3A_723, %parallel_loop3A_724, %parallel_loop3A_725] {strides = array<i32>} : memref<3x2x128x128xf32, #tpu.memory_space<vmem>>, vector<16xf32>,
      %parallel_loop3A_727 = arith.addf %parallel_loop3A_717, %parallel_loop3A_726 : vector<16xf32>
      %parallel_loop3A_728 = arith.index_cast %parallel_loop3A_464 : i32 to index
      %parallel_loop3A_729 = arith.constant 96 : index
      %parallel_loop3A_730 = tpu.vector_load %arg8[%parallel_loop3A_728, %parallel_loop3A_729] {strides = array<i32>} : memref<64x128xf32, #tpu.memory_space<vmem>>, vector<16xf32>,
      tpu.vector_store %arg8[%parallel_loop3A_728, %parallel_loop3A_729], %parallel_loop3A_727 {strides = array<i32>} : memref<64x128xf32, #tpu.memory_space<vmem>>, vector<16xf32>,
      %parallel_loop3A_731 = arith.constant 1 : i32
      %parallel_loop3A_732 = arith.constant 0 : i32
      %parallel_loop3A_733 = arith.index_cast %parallel_loop3A_731 : i32 to index
      %parallel_loop3A_734 = arith.index_cast %parallel_loop3A_732 : i32 to index
      %parallel_loop3A_735 = arith.index_cast %parallel_loop3A_464 : i32 to index
      %parallel_loop3A_736 = arith.constant 112 : index
      %parallel_loop3A_737 = tpu.vector_load %arg6[%parallel_loop3A_733, %parallel_loop3A_734, %parallel_loop3A_735, %parallel_loop3A_736] {strides = array<i32>} : memref<3x2x128x128xf32, #tpu.memory_space<vmem>>, vector<16xf32>,
      %parallel_loop3A_738 = arith.constant 64 : i32
      %parallel_loop3A_739 = arith.addi %parallel_loop3A_738, %parallel_loop3A_464 : i32
      %parallel_loop3A_740 = arith.constant 1 : i32
      %parallel_loop3A_741 = arith.constant 0 : i32
      %parallel_loop3A_742 = arith.index_cast %parallel_loop3A_740 : i32 to index
      %parallel_loop3A_743 = arith.index_cast %parallel_loop3A_741 : i32 to index
      %parallel_loop3A_744 = arith.index_cast %parallel_loop3A_739 : i32 to index
      %parallel_loop3A_745 = arith.constant 112 : index
      %parallel_loop3A_746 = tpu.vector_load %arg6[%parallel_loop3A_742, %parallel_loop3A_743, %parallel_loop3A_744, %parallel_loop3A_745] {strides = array<i32>} : memref<3x2x128x128xf32, #tpu.memory_space<vmem>>, vector<16xf32>,
      %parallel_loop3A_747 = arith.addf %parallel_loop3A_737, %parallel_loop3A_746 : vector<16xf32>
      %parallel_loop3A_748 = arith.constant 1 : i32
      %parallel_loop3A_749 = arith.constant 1 : i32
      %parallel_loop3A_750 = arith.index_cast %parallel_loop3A_748 : i32 to index
      %parallel_loop3A_751 = arith.index_cast %parallel_loop3A_749 : i32 to index
      %parallel_loop3A_752 = arith.index_cast %parallel_loop3A_464 : i32 to index
      %parallel_loop3A_753 = arith.constant 112 : index
      %parallel_loop3A_754 = tpu.vector_load %arg6[%parallel_loop3A_750, %parallel_loop3A_751, %parallel_loop3A_752, %parallel_loop3A_753] {strides = array<i32>} : memref<3x2x128x128xf32, #tpu.memory_space<vmem>>, vector<16xf32>,
      %parallel_loop3A_755 = arith.addf %parallel_loop3A_747, %parallel_loop3A_754 : vector<16xf32>
      %parallel_loop3A_756 = arith.constant 64 : i32
      %parallel_loop3A_757 = arith.addi %parallel_loop3A_756, %parallel_loop3A_464 : i32
      %parallel_loop3A_758 = arith.constant 1 : i32
      %parallel_loop3A_759 = arith.constant 1 : i32
      %parallel_loop3A_760 = arith.index_cast %parallel_loop3A_758 : i32 to index
      %parallel_loop3A_761 = arith.index_cast %parallel_loop3A_759 : i32 to index
      %parallel_loop3A_762 = arith.index_cast %parallel_loop3A_757 : i32 to index
      %parallel_loop3A_763 = arith.constant 112 : index
      %parallel_loop3A_764 = tpu.vector_load %arg6[%parallel_loop3A_760, %parallel_loop3A_761, %parallel_loop3A_762, %parallel_loop3A_763] {strides = array<i32>} : memref<3x2x128x128xf32, #tpu.memory_space<vmem>>, vector<16xf32>,
      %parallel_loop3A_765 = arith.addf %parallel_loop3A_755, %parallel_loop3A_764 : vector<16xf32>
      %parallel_loop3A_766 = arith.index_cast %parallel_loop3A_464 : i32 to index
      %parallel_loop3A_767 = arith.constant 112 : index
      %parallel_loop3A_768 = tpu.vector_load %arg8[%parallel_loop3A_766, %parallel_loop3A_767] {strides = array<i32>} : memref<64x128xf32, #tpu.memory_space<vmem>>, vector<16xf32>,
      tpu.vector_store %arg8[%parallel_loop3A_766, %parallel_loop3A_767], %parallel_loop3A_765 {strides = array<i32>} : memref<64x128xf32, #tpu.memory_space<vmem>>, vector<16xf32>,
    } {sc.loop_unroll_factor = 2 : i64, sc.parallel_access}
    "tpu.trace_stop"() : () -> ()
    %add3A_319 = arith.constant 256 : i32
    %add3A_320 = arith.addi %mul3A_2, %add3A_319 : i32
    %dma_start3A_321 = arith.constant 0 : i32
    %dma_start3A_322 = tpu.memref_slice %arg4[%add3A_320, %dma_start3A_321] : memref<16384x128xf32, #tpu.memory_space<hbm>> -> memref<64x128xf32, #tpu.memory_space<hbm>>
    %dma_start3A_323 = arith.constant 0 : i32
    %dma_start3A_324 = tpu.memref_slice %arg4[%add3A_320, %dma_start3A_323] : memref<16384x128xf32, #tpu.memory_space<hbm>> -> memref<64x128xf32, #tpu.memory_space<hbm>>
    tpu.enqueue_dma source(%arg8 : memref<64x128xf32, #tpu.memory_space<vmem>>) target(%dma_start3A_324 : memref<64x128xf32, #tpu.memory_space<hbm>>) target_semaphore(%arg15 : memref<!tpu.dma_semaphore, #tpu.memory_space<semaphore_mem>>)
    %dma_start3A_325 = arith.constant 1 : i32
    %dma_start3A_326 = arith.constant 0 : i32
    %dma_start3A_327 = arith.constant 0 : i32
    %dma_start3A_328 = arith.constant 0 : i32
    %dma_start3A_329 = tpu.memref_slice %arg6[%dma_start3A_325, %dma_start3A_326, %dma_start3A_327, %dma_start3A_328] : memref<3x2x128x128xf32, #tpu.memory_space<vmem>> -> memref<1x1x128x128xf32, #tpu.memory_space<vmem>>
    %dma_start3A_330 = tpu.memref_squeeze %dma_start3A_329 : memref<1x1x128x128xf32, #tpu.memory_space<vmem>> -> memref<128x128xf32, #tpu.memory_space<vmem>>
    %dma_start3A_331 = arith.constant 1792 : i32
    %dma_start3A_332 = tpu.memref_slice %arg5[%dma_start3A_331] : memref<2048xi32, #tpu.memory_space<vmem>> -> memref<128xi32, #tpu.memory_space<vmem>>
    %dma_start3A_333 = arith.constant 0 : i32
    %dma_start3A_334 = arith.constant 0 : i32
    %dma_start3A_335 = tpu.memref_slice %arg10[%dma_start3A_333, %dma_start3A_334] : memref<512x128xf32, #tpu.memory_space<vmem_shared>> -> memref<512x128xf32, #tpu.memory_space<vmem_shared>>
    tpu.enqueue_indirect_dma source(%dma_start3A_335 : memref<512x128xf32, #tpu.memory_space<vmem_shared>>) target(%dma_start3A_330 : memref<128x128xf32, #tpu.memory_space<vmem>>) offsets(%dma_start3A_332 : memref<128xi32, #tpu.memory_space<vmem>>) semaphore(%arg12 : memref<!tpu.dma_semaphore, #tpu.memory_space<semaphore_mem>>)
    %dma_start3A_336 = arith.constant 1 : i32
    %dma_start3A_337 = arith.constant 1 : i32
    %dma_start3A_338 = arith.constant 0 : i32
    %dma_start3A_339 = arith.constant 0 : i32
    %dma_start3A_340 = tpu.memref_slice %arg6[%dma_start3A_336, %dma_start3A_337, %dma_start3A_338, %dma_start3A_339] : memref<3x2x128x128xf32, #tpu.memory_space<vmem>> -> memref<1x1x128x128xf32, #tpu.memory_space<vmem>>
    %dma_start3A_341 = tpu.memref_squeeze %dma_start3A_340 : memref<1x1x128x128xf32, #tpu.memory_space<vmem>> -> memref<128x128xf32, #tpu.memory_space<vmem>>
    %dma_start3A_342 = arith.constant 1920 : i32
    %dma_start3A_343 = tpu.memref_slice %arg5[%dma_start3A_342] : memref<2048xi32, #tpu.memory_space<vmem>> -> memref<128xi32, #tpu.memory_space<vmem>>
    %dma_start3A_344 = arith.constant 0 : i32
    %dma_start3A_345 = arith.constant 0 : i32
    %dma_start3A_346 = tpu.memref_slice %arg10[%dma_start3A_344, %dma_start3A_345] : memref<512x128xf32, #tpu.memory_space<vmem_shared>> -> memref<512x128xf32, #tpu.memory_space<vmem_shared>>
    tpu.enqueue_indirect_dma source(%dma_start3A_346 : memref<512x128xf32, #tpu.memory_space<vmem_shared>>) target(%dma_start3A_341 : memref<128x128xf32, #tpu.memory_space<vmem>>) offsets(%dma_start3A_343 : memref<128xi32, #tpu.memory_space<vmem>>) semaphore(%arg12 : memref<!tpu.dma_semaphore, #tpu.memory_space<semaphore_mem>>)
    %dma_wait3A_347 = arith.constant 2 : i32
    %dma_wait3A_348 = arith.constant 0 : i32
    "tpu.trace_start"() <{level = 10 : i32, message = "gwait"}> : () -> ()
    %dma_wait3A_349 = arith.constant 0 : i32
    %dma_wait3A_350 = arith.constant 0 : i32
    %dma_wait3A_351 = tpu.memref_slice %arg6[%dma_wait3A_347, %dma_wait3A_348, %dma_wait3A_349, %dma_wait3A_350] : memref<3x2x128x128xf32, #tpu.memory_space<vmem>> -> memref<1x1x128x128xf32, #tpu.memory_space<vmem>>
    %dma_wait3A_352 = tpu.memref_squeeze %dma_wait3A_351 : memref<1x1x128x128xf32, #tpu.memory_space<vmem>> -> memref<128x128xf32, #tpu.memory_space<vmem>>
    %dma_wait3A_353 = arith.constant 1280 : i32
    %dma_wait3A_354 = tpu.memref_slice %arg5[%dma_wait3A_353] : memref<2048xi32, #tpu.memory_space<vmem>> -> memref<128xi32, #tpu.memory_space<vmem>>
    %dma_wait3A_355 = arith.constant 0 : i32
    %dma_wait3A_356 = arith.constant 0 : i32
    %dma_wait3A_357 = tpu.memref_slice %arg10[%dma_wait3A_355, %dma_wait3A_356] : memref<512x128xf32, #tpu.memory_space<vmem_shared>> -> memref<512x128xf32, #tpu.memory_space<vmem_shared>>
    tpu.wait_indirect_dma semaphore(%arg13 : memref<!tpu.dma_semaphore, #tpu.memory_space<semaphore_mem>>) src(%dma_wait3A_357 : memref<512x128xf32, #tpu.memory_space<vmem_shared>>) dst(%dma_wait3A_352 : memref<128x128xf32, #tpu.memory_space<vmem>>)
    %dma_wait3A_358 = arith.constant 2 : i32
    %dma_wait3A_359 = arith.constant 1 : i32
    %dma_wait3A_360 = arith.constant 0 : i32
    %dma_wait3A_361 = arith.constant 0 : i32
    %dma_wait3A_362 = tpu.memref_slice %arg6[%dma_wait3A_358, %dma_wait3A_359, %dma_wait3A_360, %dma_wait3A_361] : memref<3x2x128x128xf32, #tpu.memory_space<vmem>> -> memref<1x1x128x128xf32, #tpu.memory_space<vmem>>
    %dma_wait3A_363 = tpu.memref_squeeze %dma_wait3A_362 : memref<1x1x128x128xf32, #tpu.memory_space<vmem>> -> memref<128x128xf32, #tpu.memory_space<vmem>>
    %dma_wait3A_364 = arith.constant 1408 : i32
    %dma_wait3A_365 = tpu.memref_slice %arg5[%dma_wait3A_364] : memref<2048xi32, #tpu.memory_space<vmem>> -> memref<128xi32, #tpu.memory_space<vmem>>
    %dma_wait3A_366 = arith.constant 0 : i32
    %dma_wait3A_367 = arith.constant 0 : i32
    %dma_wait3A_368 = tpu.memref_slice %arg10[%dma_wait3A_366, %dma_wait3A_367] : memref<512x128xf32, #tpu.memory_space<vmem_shared>> -> memref<512x128xf32, #tpu.memory_space<vmem_shared>>
    tpu.wait_indirect_dma semaphore(%arg13 : memref<!tpu.dma_semaphore, #tpu.memory_space<semaphore_mem>>) src(%dma_wait3A_368 : memref<512x128xf32, #tpu.memory_space<vmem_shared>>) dst(%dma_wait3A_363 : memref<128x128xf32, #tpu.memory_space<vmem>>)
    %dma_wait3A_369 = arith.constant 0 : i32
    %dma_wait3A_370 = tpu.memref_slice %arg4[%add3A_206, %dma_wait3A_369] : memref<16384x128xf32, #tpu.memory_space<hbm>> -> memref<64x128xf32, #tpu.memory_space<hbm>>
    %dma_wait3A_371 = arith.constant 0 : i32
    %dma_wait3A_372 = tpu.memref_slice %arg4[%add3A_206, %dma_wait3A_371] : memref<16384x128xf32, #tpu.memory_space<hbm>> -> memref<64x128xf32, #tpu.memory_space<hbm>>
    tpu.wait_dma2 semaphore(%arg16 : memref<!tpu.dma_semaphore, #tpu.memory_space<semaphore_mem>>) src(%arg9 : memref<64x128xf32, #tpu.memory_space<vmem>>) dst(%dma_wait3A_372 : memref<64x128xf32, #tpu.memory_space<hbm>>)
    %parallel_loop3A_373 = arith.constant 0 : i32
    %parallel_loop3A_374 = arith.constant 64 : i32
    %parallel_loop3A_375 = arith.constant 1 : i32
    "tpu.trace_stop"() : () -> ()
    "tpu.trace_start"() <{level = 10 : i32, message = "adds"}> : () -> ()
    scf.for %parallel_loop3A_464 = %parallel_loop3A_373 to %parallel_loop3A_374 step %parallel_loop3A_375  : i32 {
      %parallel_loop3A_465 = arith.constant 2 : i32
      %parallel_loop3A_466 = arith.constant 0 : i32
      %parallel_loop3A_467 = arith.index_cast %parallel_loop3A_465 : i32 to index
      %parallel_loop3A_468 = arith.index_cast %parallel_loop3A_466 : i32 to index
      %parallel_loop3A_469 = arith.index_cast %parallel_loop3A_464 : i32 to index
      %parallel_loop3A_470 = arith.constant 0 : index
      %parallel_loop3A_471 = tpu.vector_load %arg6[%parallel_loop3A_467, %parallel_loop3A_468, %parallel_loop3A_469, %parallel_loop3A_470] {strides = array<i32>} : memref<3x2x128x128xf32, #tpu.memory_space<vmem>>, vector<16xf32>,
      %parallel_loop3A_472 = arith.constant 64 : i32
      %parallel_loop3A_473 = arith.addi %parallel_loop3A_472, %parallel_loop3A_464 : i32
      %parallel_loop3A_474 = arith.constant 2 : i32
      %parallel_loop3A_475 = arith.constant 0 : i32
      %parallel_loop3A_476 = arith.index_cast %parallel_loop3A_474 : i32 to index
      %parallel_loop3A_477 = arith.index_cast %parallel_loop3A_475 : i32 to index
      %parallel_loop3A_478 = arith.index_cast %parallel_loop3A_473 : i32 to index
      %parallel_loop3A_479 = arith.constant 0 : index
      %parallel_loop3A_480 = tpu.vector_load %arg6[%parallel_loop3A_476, %parallel_loop3A_477, %parallel_loop3A_478, %parallel_loop3A_479] {strides = array<i32>} : memref<3x2x128x128xf32, #tpu.memory_space<vmem>>, vector<16xf32>,
      %parallel_loop3A_481 = arith.addf %parallel_loop3A_471, %parallel_loop3A_480 : vector<16xf32>
      %parallel_loop3A_482 = arith.constant 2 : i32
      %parallel_loop3A_483 = arith.constant 1 : i32
      %parallel_loop3A_484 = arith.index_cast %parallel_loop3A_482 : i32 to index
      %parallel_loop3A_485 = arith.index_cast %parallel_loop3A_483 : i32 to index
      %parallel_loop3A_486 = arith.index_cast %parallel_loop3A_464 : i32 to index
      %parallel_loop3A_487 = arith.constant 0 : index
      %parallel_loop3A_488 = tpu.vector_load %arg6[%parallel_loop3A_484, %parallel_loop3A_485, %parallel_loop3A_486, %parallel_loop3A_487] {strides = array<i32>} : memref<3x2x128x128xf32, #tpu.memory_space<vmem>>, vector<16xf32>,
      %parallel_loop3A_489 = arith.addf %parallel_loop3A_481, %parallel_loop3A_488 : vector<16xf32>
      %parallel_loop3A_490 = arith.constant 64 : i32
      %parallel_loop3A_491 = arith.addi %parallel_loop3A_490, %parallel_loop3A_464 : i32
      %parallel_loop3A_492 = arith.constant 2 : i32
      %parallel_loop3A_493 = arith.constant 1 : i32
      %parallel_loop3A_494 = arith.index_cast %parallel_loop3A_492 : i32 to index
      %parallel_loop3A_495 = arith.index_cast %parallel_loop3A_493 : i32 to index
      %parallel_loop3A_496 = arith.index_cast %parallel_loop3A_491 : i32 to index
      %parallel_loop3A_497 = arith.constant 0 : index
      %parallel_loop3A_498 = tpu.vector_load %arg6[%parallel_loop3A_494, %parallel_loop3A_495, %parallel_loop3A_496, %parallel_loop3A_497] {strides = array<i32>} : memref<3x2x128x128xf32, #tpu.memory_space<vmem>>, vector<16xf32>,
      %parallel_loop3A_499 = arith.addf %parallel_loop3A_489, %parallel_loop3A_498 : vector<16xf32>
      %parallel_loop3A_500 = arith.index_cast %parallel_loop3A_464 : i32 to index
      %parallel_loop3A_501 = arith.constant 0 : index
      %parallel_loop3A_502 = tpu.vector_load %arg9[%parallel_loop3A_500, %parallel_loop3A_501] {strides = array<i32>} : memref<64x128xf32, #tpu.memory_space<vmem>>, vector<16xf32>,
      tpu.vector_store %arg9[%parallel_loop3A_500, %parallel_loop3A_501], %parallel_loop3A_499 {strides = array<i32>} : memref<64x128xf32, #tpu.memory_space<vmem>>, vector<16xf32>,
      %parallel_loop3A_503 = arith.constant 2 : i32
      %parallel_loop3A_504 = arith.constant 0 : i32
      %parallel_loop3A_505 = arith.index_cast %parallel_loop3A_503 : i32 to index
      %parallel_loop3A_506 = arith.index_cast %parallel_loop3A_504 : i32 to index
      %parallel_loop3A_507 = arith.index_cast %parallel_loop3A_464 : i32 to index
      %parallel_loop3A_508 = arith.constant 16 : index
      %parallel_loop3A_509 = tpu.vector_load %arg6[%parallel_loop3A_505, %parallel_loop3A_506, %parallel_loop3A_507, %parallel_loop3A_508] {strides = array<i32>} : memref<3x2x128x128xf32, #tpu.memory_space<vmem>>, vector<16xf32>,
      %parallel_loop3A_510 = arith.constant 64 : i32
      %parallel_loop3A_511 = arith.addi %parallel_loop3A_510, %parallel_loop3A_464 : i32
      %parallel_loop3A_512 = arith.constant 2 : i32
      %parallel_loop3A_513 = arith.constant 0 : i32
      %parallel_loop3A_514 = arith.index_cast %parallel_loop3A_512 : i32 to index
      %parallel_loop3A_515 = arith.index_cast %parallel_loop3A_513 : i32 to index
      %parallel_loop3A_516 = arith.index_cast %parallel_loop3A_511 : i32 to index
      %parallel_loop3A_517 = arith.constant 16 : index
      %parallel_loop3A_518 = tpu.vector_load %arg6[%parallel_loop3A_514, %parallel_loop3A_515, %parallel_loop3A_516, %parallel_loop3A_517] {strides = array<i32>} : memref<3x2x128x128xf32, #tpu.memory_space<vmem>>, vector<16xf32>,
      %parallel_loop3A_519 = arith.addf %parallel_loop3A_509, %parallel_loop3A_518 : vector<16xf32>
      %parallel_loop3A_520 = arith.constant 2 : i32
      %parallel_loop3A_521 = arith.constant 1 : i32
      %parallel_loop3A_522 = arith.index_cast %parallel_loop3A_520 : i32 to index
      %parallel_loop3A_523 = arith.index_cast %parallel_loop3A_521 : i32 to index
      %parallel_loop3A_524 = arith.index_cast %parallel_loop3A_464 : i32 to index
      %parallel_loop3A_525 = arith.constant 16 : index
      %parallel_loop3A_526 = tpu.vector_load %arg6[%parallel_loop3A_522, %parallel_loop3A_523, %parallel_loop3A_524, %parallel_loop3A_525] {strides = array<i32>} : memref<3x2x128x128xf32, #tpu.memory_space<vmem>>, vector<16xf32>,
      %parallel_loop3A_527 = arith.addf %parallel_loop3A_519, %parallel_loop3A_526 : vector<16xf32>
      %parallel_loop3A_528 = arith.constant 64 : i32
      %parallel_loop3A_529 = arith.addi %parallel_loop3A_528, %parallel_loop3A_464 : i32
      %parallel_loop3A_530 = arith.constant 2 : i32
      %parallel_loop3A_531 = arith.constant 1 : i32
      %parallel_loop3A_532 = arith.index_cast %parallel_loop3A_530 : i32 to index
      %parallel_loop3A_533 = arith.index_cast %parallel_loop3A_531 : i32 to index
      %parallel_loop3A_534 = arith.index_cast %parallel_loop3A_529 : i32 to index
      %parallel_loop3A_535 = arith.constant 16 : index
      %parallel_loop3A_536 = tpu.vector_load %arg6[%parallel_loop3A_532, %parallel_loop3A_533, %parallel_loop3A_534, %parallel_loop3A_535] {strides = array<i32>} : memref<3x2x128x128xf32, #tpu.memory_space<vmem>>, vector<16xf32>,
      %parallel_loop3A_537 = arith.addf %parallel_loop3A_527, %parallel_loop3A_536 : vector<16xf32>
      %parallel_loop3A_538 = arith.index_cast %parallel_loop3A_464 : i32 to index
      %parallel_loop3A_539 = arith.constant 16 : index
      %parallel_loop3A_540 = tpu.vector_load %arg9[%parallel_loop3A_538, %parallel_loop3A_539] {strides = array<i32>} : memref<64x128xf32, #tpu.memory_space<vmem>>, vector<16xf32>,
      tpu.vector_store %arg9[%parallel_loop3A_538, %parallel_loop3A_539], %parallel_loop3A_537 {strides = array<i32>} : memref<64x128xf32, #tpu.memory_space<vmem>>, vector<16xf32>,
      %parallel_loop3A_541 = arith.constant 2 : i32
      %parallel_loop3A_542 = arith.constant 0 : i32
      %parallel_loop3A_543 = arith.index_cast %parallel_loop3A_541 : i32 to index
      %parallel_loop3A_544 = arith.index_cast %parallel_loop3A_542 : i32 to index
      %parallel_loop3A_545 = arith.index_cast %parallel_loop3A_464 : i32 to index
      %parallel_loop3A_546 = arith.constant 32 : index
      %parallel_loop3A_547 = tpu.vector_load %arg6[%parallel_loop3A_543, %parallel_loop3A_544, %parallel_loop3A_545, %parallel_loop3A_546] {strides = array<i32>} : memref<3x2x128x128xf32, #tpu.memory_space<vmem>>, vector<16xf32>,
      %parallel_loop3A_548 = arith.constant 64 : i32
      %parallel_loop3A_549 = arith.addi %parallel_loop3A_548, %parallel_loop3A_464 : i32
      %parallel_loop3A_550 = arith.constant 2 : i32
      %parallel_loop3A_551 = arith.constant 0 : i32
      %parallel_loop3A_552 = arith.index_cast %parallel_loop3A_550 : i32 to index
      %parallel_loop3A_553 = arith.index_cast %parallel_loop3A_551 : i32 to index
      %parallel_loop3A_554 = arith.index_cast %parallel_loop3A_549 : i32 to index
      %parallel_loop3A_555 = arith.constant 32 : index
      %parallel_loop3A_556 = tpu.vector_load %arg6[%parallel_loop3A_552, %parallel_loop3A_553, %parallel_loop3A_554, %parallel_loop3A_555] {strides = array<i32>} : memref<3x2x128x128xf32, #tpu.memory_space<vmem>>, vector<16xf32>,
      %parallel_loop3A_557 = arith.addf %parallel_loop3A_547, %parallel_loop3A_556 : vector<16xf32>
      %parallel_loop3A_558 = arith.constant 2 : i32
      %parallel_loop3A_559 = arith.constant 1 : i32
      %parallel_loop3A_560 = arith.index_cast %parallel_loop3A_558 : i32 to index
      %parallel_loop3A_561 = arith.index_cast %parallel_loop3A_559 : i32 to index
      %parallel_loop3A_562 = arith.index_cast %parallel_loop3A_464 : i32 to index
      %parallel_loop3A_563 = arith.constant 32 : index
      %parallel_loop3A_564 = tpu.vector_load %arg6[%parallel_loop3A_560, %parallel_loop3A_561, %parallel_loop3A_562, %parallel_loop3A_563] {strides = array<i32>} : memref<3x2x128x128xf32, #tpu.memory_space<vmem>>, vector<16xf32>,
      %parallel_loop3A_565 = arith.addf %parallel_loop3A_557, %parallel_loop3A_564 : vector<16xf32>
      %parallel_loop3A_566 = arith.constant 64 : i32
      %parallel_loop3A_567 = arith.addi %parallel_loop3A_566, %parallel_loop3A_464 : i32
      %parallel_loop3A_568 = arith.constant 2 : i32
      %parallel_loop3A_569 = arith.constant 1 : i32
      %parallel_loop3A_570 = arith.index_cast %parallel_loop3A_568 : i32 to index
      %parallel_loop3A_571 = arith.index_cast %parallel_loop3A_569 : i32 to index
      %parallel_loop3A_572 = arith.index_cast %parallel_loop3A_567 : i32 to index
      %parallel_loop3A_573 = arith.constant 32 : index
      %parallel_loop3A_574 = tpu.vector_load %arg6[%parallel_loop3A_570, %parallel_loop3A_571, %parallel_loop3A_572, %parallel_loop3A_573] {strides = array<i32>} : memref<3x2x128x128xf32, #tpu.memory_space<vmem>>, vector<16xf32>,
      %parallel_loop3A_575 = arith.addf %parallel_loop3A_565, %parallel_loop3A_574 : vector<16xf32>
      %parallel_loop3A_576 = arith.index_cast %parallel_loop3A_464 : i32 to index
      %parallel_loop3A_577 = arith.constant 32 : index
      %parallel_loop3A_578 = tpu.vector_load %arg9[%parallel_loop3A_576, %parallel_loop3A_577] {strides = array<i32>} : memref<64x128xf32, #tpu.memory_space<vmem>>, vector<16xf32>,
      tpu.vector_store %arg9[%parallel_loop3A_576, %parallel_loop3A_577], %parallel_loop3A_575 {strides = array<i32>} : memref<64x128xf32, #tpu.memory_space<vmem>>, vector<16xf32>,
      %parallel_loop3A_579 = arith.constant 2 : i32
      %parallel_loop3A_580 = arith.constant 0 : i32
      %parallel_loop3A_581 = arith.index_cast %parallel_loop3A_579 : i32 to index
      %parallel_loop3A_582 = arith.index_cast %parallel_loop3A_580 : i32 to index
      %parallel_loop3A_583 = arith.index_cast %parallel_loop3A_464 : i32 to index
      %parallel_loop3A_584 = arith.constant 48 : index
      %parallel_loop3A_585 = tpu.vector_load %arg6[%parallel_loop3A_581, %parallel_loop3A_582, %parallel_loop3A_583, %parallel_loop3A_584] {strides = array<i32>} : memref<3x2x128x128xf32, #tpu.memory_space<vmem>>, vector<16xf32>,
      %parallel_loop3A_586 = arith.constant 64 : i32
      %parallel_loop3A_587 = arith.addi %parallel_loop3A_586, %parallel_loop3A_464 : i32
      %parallel_loop3A_588 = arith.constant 2 : i32
      %parallel_loop3A_589 = arith.constant 0 : i32
      %parallel_loop3A_590 = arith.index_cast %parallel_loop3A_588 : i32 to index
      %parallel_loop3A_591 = arith.index_cast %parallel_loop3A_589 : i32 to index
      %parallel_loop3A_592 = arith.index_cast %parallel_loop3A_587 : i32 to index
      %parallel_loop3A_593 = arith.constant 48 : index
      %parallel_loop3A_594 = tpu.vector_load %arg6[%parallel_loop3A_590, %parallel_loop3A_591, %parallel_loop3A_592, %parallel_loop3A_593] {strides = array<i32>} : memref<3x2x128x128xf32, #tpu.memory_space<vmem>>, vector<16xf32>,
      %parallel_loop3A_595 = arith.addf %parallel_loop3A_585, %parallel_loop3A_594 : vector<16xf32>
      %parallel_loop3A_596 = arith.constant 2 : i32
      %parallel_loop3A_597 = arith.constant 1 : i32
      %parallel_loop3A_598 = arith.index_cast %parallel_loop3A_596 : i32 to index
      %parallel_loop3A_599 = arith.index_cast %parallel_loop3A_597 : i32 to index
      %parallel_loop3A_600 = arith.index_cast %parallel_loop3A_464 : i32 to index
      %parallel_loop3A_601 = arith.constant 48 : index
      %parallel_loop3A_602 = tpu.vector_load %arg6[%parallel_loop3A_598, %parallel_loop3A_599, %parallel_loop3A_600, %parallel_loop3A_601] {strides = array<i32>} : memref<3x2x128x128xf32, #tpu.memory_space<vmem>>, vector<16xf32>,
      %parallel_loop3A_603 = arith.addf %parallel_loop3A_595, %parallel_loop3A_602 : vector<16xf32>
      %parallel_loop3A_604 = arith.constant 64 : i32
      %parallel_loop3A_605 = arith.addi %parallel_loop3A_604, %parallel_loop3A_464 : i32
      %parallel_loop3A_606 = arith.constant 2 : i32
      %parallel_loop3A_607 = arith.constant 1 : i32
      %parallel_loop3A_608 = arith.index_cast %parallel_loop3A_606 : i32 to index
      %parallel_loop3A_609 = arith.index_cast %parallel_loop3A_607 : i32 to index
      %parallel_loop3A_610 = arith.index_cast %parallel_loop3A_605 : i32 to index
      %parallel_loop3A_611 = arith.constant 48 : index
      %parallel_loop3A_612 = tpu.vector_load %arg6[%parallel_loop3A_608, %parallel_loop3A_609, %parallel_loop3A_610, %parallel_loop3A_611] {strides = array<i32>} : memref<3x2x128x128xf32, #tpu.memory_space<vmem>>, vector<16xf32>,
      %parallel_loop3A_613 = arith.addf %parallel_loop3A_603, %parallel_loop3A_612 : vector<16xf32>
      %parallel_loop3A_614 = arith.index_cast %parallel_loop3A_464 : i32 to index
      %parallel_loop3A_615 = arith.constant 48 : index
      %parallel_loop3A_616 = tpu.vector_load %arg9[%parallel_loop3A_614, %parallel_loop3A_615] {strides = array<i32>} : memref<64x128xf32, #tpu.memory_space<vmem>>, vector<16xf32>,
      tpu.vector_store %arg9[%parallel_loop3A_614, %parallel_loop3A_615], %parallel_loop3A_613 {strides = array<i32>} : memref<64x128xf32, #tpu.memory_space<vmem>>, vector<16xf32>,
      %parallel_loop3A_617 = arith.constant 2 : i32
      %parallel_loop3A_618 = arith.constant 0 : i32
      %parallel_loop3A_619 = arith.index_cast %parallel_loop3A_617 : i32 to index
      %parallel_loop3A_620 = arith.index_cast %parallel_loop3A_618 : i32 to index
      %parallel_loop3A_621 = arith.index_cast %parallel_loop3A_464 : i32 to index
      %parallel_loop3A_622 = arith.constant 64 : index
      %parallel_loop3A_623 = tpu.vector_load %arg6[%parallel_loop3A_619, %parallel_loop3A_620, %parallel_loop3A_621, %parallel_loop3A_622] {strides = array<i32>} : memref<3x2x128x128xf32, #tpu.memory_space<vmem>>, vector<16xf32>,
      %parallel_loop3A_624 = arith.constant 64 : i32
      %parallel_loop3A_625 = arith.addi %parallel_loop3A_624, %parallel_loop3A_464 : i32
      %parallel_loop3A_626 = arith.constant 2 : i32
      %parallel_loop3A_627 = arith.constant 0 : i32
      %parallel_loop3A_628 = arith.index_cast %parallel_loop3A_626 : i32 to index
      %parallel_loop3A_629 = arith.index_cast %parallel_loop3A_627 : i32 to index
      %parallel_loop3A_630 = arith.index_cast %parallel_loop3A_625 : i32 to index
      %parallel_loop3A_631 = arith.constant 64 : index
      %parallel_loop3A_632 = tpu.vector_load %arg6[%parallel_loop3A_628, %parallel_loop3A_629, %parallel_loop3A_630, %parallel_loop3A_631] {strides = array<i32>} : memref<3x2x128x128xf32, #tpu.memory_space<vmem>>, vector<16xf32>,
      %parallel_loop3A_633 = arith.addf %parallel_loop3A_623, %parallel_loop3A_632 : vector<16xf32>
      %parallel_loop3A_634 = arith.constant 2 : i32
      %parallel_loop3A_635 = arith.constant 1 : i32
      %parallel_loop3A_636 = arith.index_cast %parallel_loop3A_634 : i32 to index
      %parallel_loop3A_637 = arith.index_cast %parallel_loop3A_635 : i32 to index
      %parallel_loop3A_638 = arith.index_cast %parallel_loop3A_464 : i32 to index
      %parallel_loop3A_639 = arith.constant 64 : index
      %parallel_loop3A_640 = tpu.vector_load %arg6[%parallel_loop3A_636, %parallel_loop3A_637, %parallel_loop3A_638, %parallel_loop3A_639] {strides = array<i32>} : memref<3x2x128x128xf32, #tpu.memory_space<vmem>>, vector<16xf32>,
      %parallel_loop3A_641 = arith.addf %parallel_loop3A_633, %parallel_loop3A_640 : vector<16xf32>
      %parallel_loop3A_642 = arith.constant 64 : i32
      %parallel_loop3A_643 = arith.addi %parallel_loop3A_642, %parallel_loop3A_464 : i32
      %parallel_loop3A_644 = arith.constant 2 : i32
      %parallel_loop3A_645 = arith.constant 1 : i32
      %parallel_loop3A_646 = arith.index_cast %parallel_loop3A_644 : i32 to index
      %parallel_loop3A_647 = arith.index_cast %parallel_loop3A_645 : i32 to index
      %parallel_loop3A_648 = arith.index_cast %parallel_loop3A_643 : i32 to index
      %parallel_loop3A_649 = arith.constant 64 : index
      %parallel_loop3A_650 = tpu.vector_load %arg6[%parallel_loop3A_646, %parallel_loop3A_647, %parallel_loop3A_648, %parallel_loop3A_649] {strides = array<i32>} : memref<3x2x128x128xf32, #tpu.memory_space<vmem>>, vector<16xf32>,
      %parallel_loop3A_651 = arith.addf %parallel_loop3A_641, %parallel_loop3A_650 : vector<16xf32>
      %parallel_loop3A_652 = arith.index_cast %parallel_loop3A_464 : i32 to index
      %parallel_loop3A_653 = arith.constant 64 : index
      %parallel_loop3A_654 = tpu.vector_load %arg9[%parallel_loop3A_652, %parallel_loop3A_653] {strides = array<i32>} : memref<64x128xf32, #tpu.memory_space<vmem>>, vector<16xf32>,
      tpu.vector_store %arg9[%parallel_loop3A_652, %parallel_loop3A_653], %parallel_loop3A_651 {strides = array<i32>} : memref<64x128xf32, #tpu.memory_space<vmem>>, vector<16xf32>,
      %parallel_loop3A_655 = arith.constant 2 : i32
      %parallel_loop3A_656 = arith.constant 0 : i32
      %parallel_loop3A_657 = arith.index_cast %parallel_loop3A_655 : i32 to index
      %parallel_loop3A_658 = arith.index_cast %parallel_loop3A_656 : i32 to index
      %parallel_loop3A_659 = arith.index_cast %parallel_loop3A_464 : i32 to index
      %parallel_loop3A_660 = arith.constant 80 : index
      %parallel_loop3A_661 = tpu.vector_load %arg6[%parallel_loop3A_657, %parallel_loop3A_658, %parallel_loop3A_659, %parallel_loop3A_660] {strides = array<i32>} : memref<3x2x128x128xf32, #tpu.memory_space<vmem>>, vector<16xf32>,
      %parallel_loop3A_662 = arith.constant 64 : i32
      %parallel_loop3A_663 = arith.addi %parallel_loop3A_662, %parallel_loop3A_464 : i32
      %parallel_loop3A_664 = arith.constant 2 : i32
      %parallel_loop3A_665 = arith.constant 0 : i32
      %parallel_loop3A_666 = arith.index_cast %parallel_loop3A_664 : i32 to index
      %parallel_loop3A_667 = arith.index_cast %parallel_loop3A_665 : i32 to index
      %parallel_loop3A_668 = arith.index_cast %parallel_loop3A_663 : i32 to index
      %parallel_loop3A_669 = arith.constant 80 : index
      %parallel_loop3A_670 = tpu.vector_load %arg6[%parallel_loop3A_666, %parallel_loop3A_667, %parallel_loop3A_668, %parallel_loop3A_669] {strides = array<i32>} : memref<3x2x128x128xf32, #tpu.memory_space<vmem>>, vector<16xf32>,
      %parallel_loop3A_671 = arith.addf %parallel_loop3A_661, %parallel_loop3A_670 : vector<16xf32>
      %parallel_loop3A_672 = arith.constant 2 : i32
      %parallel_loop3A_673 = arith.constant 1 : i32
      %parallel_loop3A_674 = arith.index_cast %parallel_loop3A_672 : i32 to index
      %parallel_loop3A_675 = arith.index_cast %parallel_loop3A_673 : i32 to index
      %parallel_loop3A_676 = arith.index_cast %parallel_loop3A_464 : i32 to index
      %parallel_loop3A_677 = arith.constant 80 : index
      %parallel_loop3A_678 = tpu.vector_load %arg6[%parallel_loop3A_674, %parallel_loop3A_675, %parallel_loop3A_676, %parallel_loop3A_677] {strides = array<i32>} : memref<3x2x128x128xf32, #tpu.memory_space<vmem>>, vector<16xf32>,
      %parallel_loop3A_679 = arith.addf %parallel_loop3A_671, %parallel_loop3A_678 : vector<16xf32>
      %parallel_loop3A_680 = arith.constant 64 : i32
      %parallel_loop3A_681 = arith.addi %parallel_loop3A_680, %parallel_loop3A_464 : i32
      %parallel_loop3A_682 = arith.constant 2 : i32
      %parallel_loop3A_683 = arith.constant 1 : i32
      %parallel_loop3A_684 = arith.index_cast %parallel_loop3A_682 : i32 to index
      %parallel_loop3A_685 = arith.index_cast %parallel_loop3A_683 : i32 to index
      %parallel_loop3A_686 = arith.index_cast %parallel_loop3A_681 : i32 to index
      %parallel_loop3A_687 = arith.constant 80 : index
      %parallel_loop3A_688 = tpu.vector_load %arg6[%parallel_loop3A_684, %parallel_loop3A_685, %parallel_loop3A_686, %parallel_loop3A_687] {strides = array<i32>} : memref<3x2x128x128xf32, #tpu.memory_space<vmem>>, vector<16xf32>,
      %parallel_loop3A_689 = arith.addf %parallel_loop3A_679, %parallel_loop3A_688 : vector<16xf32>
      %parallel_loop3A_690 = arith.index_cast %parallel_loop3A_464 : i32 to index
      %parallel_loop3A_691 = arith.constant 80 : index
      %parallel_loop3A_692 = tpu.vector_load %arg9[%parallel_loop3A_690, %parallel_loop3A_691] {strides = array<i32>} : memref<64x128xf32, #tpu.memory_space<vmem>>, vector<16xf32>,
      tpu.vector_store %arg9[%parallel_loop3A_690, %parallel_loop3A_691], %parallel_loop3A_689 {strides = array<i32>} : memref<64x128xf32, #tpu.memory_space<vmem>>, vector<16xf32>,
      %parallel_loop3A_693 = arith.constant 2 : i32
      %parallel_loop3A_694 = arith.constant 0 : i32
      %parallel_loop3A_695 = arith.index_cast %parallel_loop3A_693 : i32 to index
      %parallel_loop3A_696 = arith.index_cast %parallel_loop3A_694 : i32 to index
      %parallel_loop3A_697 = arith.index_cast %parallel_loop3A_464 : i32 to index
      %parallel_loop3A_698 = arith.constant 96 : index
      %parallel_loop3A_699 = tpu.vector_load %arg6[%parallel_loop3A_695, %parallel_loop3A_696, %parallel_loop3A_697, %parallel_loop3A_698] {strides = array<i32>} : memref<3x2x128x128xf32, #tpu.memory_space<vmem>>, vector<16xf32>,
      %parallel_loop3A_700 = arith.constant 64 : i32
      %parallel_loop3A_701 = arith.addi %parallel_loop3A_700, %parallel_loop3A_464 : i32
      %parallel_loop3A_702 = arith.constant 2 : i32
      %parallel_loop3A_703 = arith.constant 0 : i32
      %parallel_loop3A_704 = arith.index_cast %parallel_loop3A_702 : i32 to index
      %parallel_loop3A_705 = arith.index_cast %parallel_loop3A_703 : i32 to index
      %parallel_loop3A_706 = arith.index_cast %parallel_loop3A_701 : i32 to index
      %parallel_loop3A_707 = arith.constant 96 : index
      %parallel_loop3A_708 = tpu.vector_load %arg6[%parallel_loop3A_704, %parallel_loop3A_705, %parallel_loop3A_706, %parallel_loop3A_707] {strides = array<i32>} : memref<3x2x128x128xf32, #tpu.memory_space<vmem>>, vector<16xf32>,
      %parallel_loop3A_709 = arith.addf %parallel_loop3A_699, %parallel_loop3A_708 : vector<16xf32>
      %parallel_loop3A_710 = arith.constant 2 : i32
      %parallel_loop3A_711 = arith.constant 1 : i32
      %parallel_loop3A_712 = arith.index_cast %parallel_loop3A_710 : i32 to index
      %parallel_loop3A_713 = arith.index_cast %parallel_loop3A_711 : i32 to index
      %parallel_loop3A_714 = arith.index_cast %parallel_loop3A_464 : i32 to index
      %parallel_loop3A_715 = arith.constant 96 : index
      %parallel_loop3A_716 = tpu.vector_load %arg6[%parallel_loop3A_712, %parallel_loop3A_713, %parallel_loop3A_714, %parallel_loop3A_715] {strides = array<i32>} : memref<3x2x128x128xf32, #tpu.memory_space<vmem>>, vector<16xf32>,
      %parallel_loop3A_717 = arith.addf %parallel_loop3A_709, %parallel_loop3A_716 : vector<16xf32>
      %parallel_loop3A_718 = arith.constant 64 : i32
      %parallel_loop3A_719 = arith.addi %parallel_loop3A_718, %parallel_loop3A_464 : i32
      %parallel_loop3A_720 = arith.constant 2 : i32
      %parallel_loop3A_721 = arith.constant 1 : i32
      %parallel_loop3A_722 = arith.index_cast %parallel_loop3A_720 : i32 to index
      %parallel_loop3A_723 = arith.index_cast %parallel_loop3A_721 : i32 to index
      %parallel_loop3A_724 = arith.index_cast %parallel_loop3A_719 : i32 to index
      %parallel_loop3A_725 = arith.constant 96 : index
      %parallel_loop3A_726 = tpu.vector_load %arg6[%parallel_loop3A_722, %parallel_loop3A_723, %parallel_loop3A_724, %parallel_loop3A_725] {strides = array<i32>} : memref<3x2x128x128xf32, #tpu.memory_space<vmem>>, vector<16xf32>,
      %parallel_loop3A_727 = arith.addf %parallel_loop3A_717, %parallel_loop3A_726 : vector<16xf32>
      %parallel_loop3A_728 = arith.index_cast %parallel_loop3A_464 : i32 to index
      %parallel_loop3A_729 = arith.constant 96 : index
      %parallel_loop3A_730 = tpu.vector_load %arg9[%parallel_loop3A_728, %parallel_loop3A_729] {strides = array<i32>} : memref<64x128xf32, #tpu.memory_space<vmem>>, vector<16xf32>,
      tpu.vector_store %arg9[%parallel_loop3A_728, %parallel_loop3A_729], %parallel_loop3A_727 {strides = array<i32>} : memref<64x128xf32, #tpu.memory_space<vmem>>, vector<16xf32>,
      %parallel_loop3A_731 = arith.constant 2 : i32
      %parallel_loop3A_732 = arith.constant 0 : i32
      %parallel_loop3A_733 = arith.index_cast %parallel_loop3A_731 : i32 to index
      %parallel_loop3A_734 = arith.index_cast %parallel_loop3A_732 : i32 to index
      %parallel_loop3A_735 = arith.index_cast %parallel_loop3A_464 : i32 to index
      %parallel_loop3A_736 = arith.constant 112 : index
      %parallel_loop3A_737 = tpu.vector_load %arg6[%parallel_loop3A_733, %parallel_loop3A_734, %parallel_loop3A_735, %parallel_loop3A_736] {strides = array<i32>} : memref<3x2x128x128xf32, #tpu.memory_space<vmem>>, vector<16xf32>,
      %parallel_loop3A_738 = arith.constant 64 : i32
      %parallel_loop3A_739 = arith.addi %parallel_loop3A_738, %parallel_loop3A_464 : i32
      %parallel_loop3A_740 = arith.constant 2 : i32
      %parallel_loop3A_741 = arith.constant 0 : i32
      %parallel_loop3A_742 = arith.index_cast %parallel_loop3A_740 : i32 to index
      %parallel_loop3A_743 = arith.index_cast %parallel_loop3A_741 : i32 to index
      %parallel_loop3A_744 = arith.index_cast %parallel_loop3A_739 : i32 to index
      %parallel_loop3A_745 = arith.constant 112 : index
      %parallel_loop3A_746 = tpu.vector_load %arg6[%parallel_loop3A_742, %parallel_loop3A_743, %parallel_loop3A_744, %parallel_loop3A_745] {strides = array<i32>} : memref<3x2x128x128xf32, #tpu.memory_space<vmem>>, vector<16xf32>,
      %parallel_loop3A_747 = arith.addf %parallel_loop3A_737, %parallel_loop3A_746 : vector<16xf32>
      %parallel_loop3A_748 = arith.constant 2 : i32
      %parallel_loop3A_749 = arith.constant 1 : i32
      %parallel_loop3A_750 = arith.index_cast %parallel_loop3A_748 : i32 to index
      %parallel_loop3A_751 = arith.index_cast %parallel_loop3A_749 : i32 to index
      %parallel_loop3A_752 = arith.index_cast %parallel_loop3A_464 : i32 to index
      %parallel_loop3A_753 = arith.constant 112 : index
      %parallel_loop3A_754 = tpu.vector_load %arg6[%parallel_loop3A_750, %parallel_loop3A_751, %parallel_loop3A_752, %parallel_loop3A_753] {strides = array<i32>} : memref<3x2x128x128xf32, #tpu.memory_space<vmem>>, vector<16xf32>,
      %parallel_loop3A_755 = arith.addf %parallel_loop3A_747, %parallel_loop3A_754 : vector<16xf32>
      %parallel_loop3A_756 = arith.constant 64 : i32
      %parallel_loop3A_757 = arith.addi %parallel_loop3A_756, %parallel_loop3A_464 : i32
      %parallel_loop3A_758 = arith.constant 2 : i32
      %parallel_loop3A_759 = arith.constant 1 : i32
      %parallel_loop3A_760 = arith.index_cast %parallel_loop3A_758 : i32 to index
      %parallel_loop3A_761 = arith.index_cast %parallel_loop3A_759 : i32 to index
      %parallel_loop3A_762 = arith.index_cast %parallel_loop3A_757 : i32 to index
      %parallel_loop3A_763 = arith.constant 112 : index
      %parallel_loop3A_764 = tpu.vector_load %arg6[%parallel_loop3A_760, %parallel_loop3A_761, %parallel_loop3A_762, %parallel_loop3A_763] {strides = array<i32>} : memref<3x2x128x128xf32, #tpu.memory_space<vmem>>, vector<16xf32>,
      %parallel_loop3A_765 = arith.addf %parallel_loop3A_755, %parallel_loop3A_764 : vector<16xf32>
      %parallel_loop3A_766 = arith.index_cast %parallel_loop3A_464 : i32 to index
      %parallel_loop3A_767 = arith.constant 112 : index
      %parallel_loop3A_768 = tpu.vector_load %arg9[%parallel_loop3A_766, %parallel_loop3A_767] {strides = array<i32>} : memref<64x128xf32, #tpu.memory_space<vmem>>, vector<16xf32>,
      tpu.vector_store %arg9[%parallel_loop3A_766, %parallel_loop3A_767], %parallel_loop3A_765 {strides = array<i32>} : memref<64x128xf32, #tpu.memory_space<vmem>>, vector<16xf32>,
    } {sc.loop_unroll_factor = 2 : i64, sc.parallel_access}
    "tpu.trace_stop"() : () -> ()
    %add3A_376 = arith.constant 320 : i32
    %add3A_377 = arith.addi %mul3A_2, %add3A_376 : i32
    %dma_start3A_378 = arith.constant 0 : i32
    %dma_start3A_379 = tpu.memref_slice %arg4[%add3A_377, %dma_start3A_378] : memref<16384x128xf32, #tpu.memory_space<hbm>> -> memref<64x128xf32, #tpu.memory_space<hbm>>
    %dma_start3A_380 = arith.constant 0 : i32
    %dma_start3A_381 = tpu.memref_slice %arg4[%add3A_377, %dma_start3A_380] : memref<16384x128xf32, #tpu.memory_space<hbm>> -> memref<64x128xf32, #tpu.memory_space<hbm>>
    tpu.enqueue_dma source(%arg9 : memref<64x128xf32, #tpu.memory_space<vmem>>) target(%dma_start3A_381 : memref<64x128xf32, #tpu.memory_space<hbm>>) target_semaphore(%arg16 : memref<!tpu.dma_semaphore, #tpu.memory_space<semaphore_mem>>)
    %dma_wait3A_382 = arith.constant 0 : i32
    %dma_wait3A_383 = arith.constant 0 : i32
    "tpu.trace_start"() <{level = 10 : i32, message = "gwait"}> : () -> ()
    %dma_wait3A_384 = arith.constant 0 : i32
    %dma_wait3A_385 = arith.constant 0 : i32
    %dma_wait3A_386 = tpu.memref_slice %arg6[%dma_wait3A_382, %dma_wait3A_383, %dma_wait3A_384, %dma_wait3A_385] : memref<3x2x128x128xf32, #tpu.memory_space<vmem>> -> memref<1x1x128x128xf32, #tpu.memory_space<vmem>>
    %dma_wait3A_387 = tpu.memref_squeeze %dma_wait3A_386 : memref<1x1x128x128xf32, #tpu.memory_space<vmem>> -> memref<128x128xf32, #tpu.memory_space<vmem>>
    %dma_wait3A_388 = arith.constant 1536 : i32
    %dma_wait3A_389 = tpu.memref_slice %arg5[%dma_wait3A_388] : memref<2048xi32, #tpu.memory_space<vmem>> -> memref<128xi32, #tpu.memory_space<vmem>>
    %dma_wait3A_390 = arith.constant 0 : i32
    %dma_wait3A_391 = arith.constant 0 : i32
    %dma_wait3A_392 = tpu.memref_slice %arg10[%dma_wait3A_390, %dma_wait3A_391] : memref<512x128xf32, #tpu.memory_space<vmem_shared>> -> memref<512x128xf32, #tpu.memory_space<vmem_shared>>
    tpu.wait_indirect_dma semaphore(%arg11 : memref<!tpu.dma_semaphore, #tpu.memory_space<semaphore_mem>>) src(%dma_wait3A_392 : memref<512x128xf32, #tpu.memory_space<vmem_shared>>) dst(%dma_wait3A_387 : memref<128x128xf32, #tpu.memory_space<vmem>>)
    %dma_wait3A_393 = arith.constant 0 : i32
    %dma_wait3A_394 = arith.constant 1 : i32
    %dma_wait3A_395 = arith.constant 0 : i32
    %dma_wait3A_396 = arith.constant 0 : i32
    %dma_wait3A_397 = tpu.memref_slice %arg6[%dma_wait3A_393, %dma_wait3A_394, %dma_wait3A_395, %dma_wait3A_396] : memref<3x2x128x128xf32, #tpu.memory_space<vmem>> -> memref<1x1x128x128xf32, #tpu.memory_space<vmem>>
    %dma_wait3A_398 = tpu.memref_squeeze %dma_wait3A_397 : memref<1x1x128x128xf32, #tpu.memory_space<vmem>> -> memref<128x128xf32, #tpu.memory_space<vmem>>
    %dma_wait3A_399 = arith.constant 1664 : i32
    %dma_wait3A_400 = tpu.memref_slice %arg5[%dma_wait3A_399] : memref<2048xi32, #tpu.memory_space<vmem>> -> memref<128xi32, #tpu.memory_space<vmem>>
    %dma_wait3A_401 = arith.constant 0 : i32
    %dma_wait3A_402 = arith.constant 0 : i32
    %dma_wait3A_403 = tpu.memref_slice %arg10[%dma_wait3A_401, %dma_wait3A_402] : memref<512x128xf32, #tpu.memory_space<vmem_shared>> -> memref<512x128xf32, #tpu.memory_space<vmem_shared>>
    tpu.wait_indirect_dma semaphore(%arg11 : memref<!tpu.dma_semaphore, #tpu.memory_space<semaphore_mem>>) src(%dma_wait3A_403 : memref<512x128xf32, #tpu.memory_space<vmem_shared>>) dst(%dma_wait3A_398 : memref<128x128xf32, #tpu.memory_space<vmem>>)
    %dma_wait3A_404 = arith.constant 0 : i32
    %dma_wait3A_405 = tpu.memref_slice %arg4[%add3A_263, %dma_wait3A_404] : memref<16384x128xf32, #tpu.memory_space<hbm>> -> memref<64x128xf32, #tpu.memory_space<hbm>>
    %dma_wait3A_406 = arith.constant 0 : i32
    %dma_wait3A_407 = tpu.memref_slice %arg4[%add3A_263, %dma_wait3A_406] : memref<16384x128xf32, #tpu.memory_space<hbm>> -> memref<64x128xf32, #tpu.memory_space<hbm>>
    tpu.wait_dma2 semaphore(%arg14 : memref<!tpu.dma_semaphore, #tpu.memory_space<semaphore_mem>>) src(%arg7 : memref<64x128xf32, #tpu.memory_space<vmem>>) dst(%dma_wait3A_407 : memref<64x128xf32, #tpu.memory_space<hbm>>)
    %parallel_loop3A_408 = arith.constant 0 : i32
    %parallel_loop3A_409 = arith.constant 64 : i32
    %parallel_loop3A_410 = arith.constant 1 : i32
    "tpu.trace_stop"() : () -> ()
    "tpu.trace_start"() <{level = 10 : i32, message = "adds"}> : () -> ()
    scf.for %parallel_loop3A_464 = %parallel_loop3A_408 to %parallel_loop3A_409 step %parallel_loop3A_410  : i32 {
      %parallel_loop3A_465 = arith.constant 0 : i32
      %parallel_loop3A_466 = arith.constant 0 : i32
      %parallel_loop3A_467 = arith.index_cast %parallel_loop3A_465 : i32 to index
      %parallel_loop3A_468 = arith.index_cast %parallel_loop3A_466 : i32 to index
      %parallel_loop3A_469 = arith.index_cast %parallel_loop3A_464 : i32 to index
      %parallel_loop3A_470 = arith.constant 0 : index
      %parallel_loop3A_471 = tpu.vector_load %arg6[%parallel_loop3A_467, %parallel_loop3A_468, %parallel_loop3A_469, %parallel_loop3A_470] {strides = array<i32>} : memref<3x2x128x128xf32, #tpu.memory_space<vmem>>, vector<16xf32>,
      %parallel_loop3A_472 = arith.constant 64 : i32
      %parallel_loop3A_473 = arith.addi %parallel_loop3A_472, %parallel_loop3A_464 : i32
      %parallel_loop3A_474 = arith.constant 0 : i32
      %parallel_loop3A_475 = arith.constant 0 : i32
      %parallel_loop3A_476 = arith.index_cast %parallel_loop3A_474 : i32 to index
      %parallel_loop3A_477 = arith.index_cast %parallel_loop3A_475 : i32 to index
      %parallel_loop3A_478 = arith.index_cast %parallel_loop3A_473 : i32 to index
      %parallel_loop3A_479 = arith.constant 0 : index
      %parallel_loop3A_480 = tpu.vector_load %arg6[%parallel_loop3A_476, %parallel_loop3A_477, %parallel_loop3A_478, %parallel_loop3A_479] {strides = array<i32>} : memref<3x2x128x128xf32, #tpu.memory_space<vmem>>, vector<16xf32>,
      %parallel_loop3A_481 = arith.addf %parallel_loop3A_471, %parallel_loop3A_480 : vector<16xf32>
      %parallel_loop3A_482 = arith.constant 0 : i32
      %parallel_loop3A_483 = arith.constant 1 : i32
      %parallel_loop3A_484 = arith.index_cast %parallel_loop3A_482 : i32 to index
      %parallel_loop3A_485 = arith.index_cast %parallel_loop3A_483 : i32 to index
      %parallel_loop3A_486 = arith.index_cast %parallel_loop3A_464 : i32 to index
      %parallel_loop3A_487 = arith.constant 0 : index
      %parallel_loop3A_488 = tpu.vector_load %arg6[%parallel_loop3A_484, %parallel_loop3A_485, %parallel_loop3A_486, %parallel_loop3A_487] {strides = array<i32>} : memref<3x2x128x128xf32, #tpu.memory_space<vmem>>, vector<16xf32>,
      %parallel_loop3A_489 = arith.addf %parallel_loop3A_481, %parallel_loop3A_488 : vector<16xf32>
      %parallel_loop3A_490 = arith.constant 64 : i32
      %parallel_loop3A_491 = arith.addi %parallel_loop3A_490, %parallel_loop3A_464 : i32
      %parallel_loop3A_492 = arith.constant 0 : i32
      %parallel_loop3A_493 = arith.constant 1 : i32
      %parallel_loop3A_494 = arith.index_cast %parallel_loop3A_492 : i32 to index
      %parallel_loop3A_495 = arith.index_cast %parallel_loop3A_493 : i32 to index
      %parallel_loop3A_496 = arith.index_cast %parallel_loop3A_491 : i32 to index
      %parallel_loop3A_497 = arith.constant 0 : index
      %parallel_loop3A_498 = tpu.vector_load %arg6[%parallel_loop3A_494, %parallel_loop3A_495, %parallel_loop3A_496, %parallel_loop3A_497] {strides = array<i32>} : memref<3x2x128x128xf32, #tpu.memory_space<vmem>>, vector<16xf32>,
      %parallel_loop3A_499 = arith.addf %parallel_loop3A_489, %parallel_loop3A_498 : vector<16xf32>
      %parallel_loop3A_500 = arith.index_cast %parallel_loop3A_464 : i32 to index
      %parallel_loop3A_501 = arith.constant 0 : index
      %parallel_loop3A_502 = tpu.vector_load %arg7[%parallel_loop3A_500, %parallel_loop3A_501] {strides = array<i32>} : memref<64x128xf32, #tpu.memory_space<vmem>>, vector<16xf32>,
      tpu.vector_store %arg7[%parallel_loop3A_500, %parallel_loop3A_501], %parallel_loop3A_499 {strides = array<i32>} : memref<64x128xf32, #tpu.memory_space<vmem>>, vector<16xf32>,
      %parallel_loop3A_503 = arith.constant 0 : i32
      %parallel_loop3A_504 = arith.constant 0 : i32
      %parallel_loop3A_505 = arith.index_cast %parallel_loop3A_503 : i32 to index
      %parallel_loop3A_506 = arith.index_cast %parallel_loop3A_504 : i32 to index
      %parallel_loop3A_507 = arith.index_cast %parallel_loop3A_464 : i32 to index
      %parallel_loop3A_508 = arith.constant 16 : index
      %parallel_loop3A_509 = tpu.vector_load %arg6[%parallel_loop3A_505, %parallel_loop3A_506, %parallel_loop3A_507, %parallel_loop3A_508] {strides = array<i32>} : memref<3x2x128x128xf32, #tpu.memory_space<vmem>>, vector<16xf32>,
      %parallel_loop3A_510 = arith.constant 64 : i32
      %parallel_loop3A_511 = arith.addi %parallel_loop3A_510, %parallel_loop3A_464 : i32
      %parallel_loop3A_512 = arith.constant 0 : i32
      %parallel_loop3A_513 = arith.constant 0 : i32
      %parallel_loop3A_514 = arith.index_cast %parallel_loop3A_512 : i32 to index
      %parallel_loop3A_515 = arith.index_cast %parallel_loop3A_513 : i32 to index
      %parallel_loop3A_516 = arith.index_cast %parallel_loop3A_511 : i32 to index
      %parallel_loop3A_517 = arith.constant 16 : index
      %parallel_loop3A_518 = tpu.vector_load %arg6[%parallel_loop3A_514, %parallel_loop3A_515, %parallel_loop3A_516, %parallel_loop3A_517] {strides = array<i32>} : memref<3x2x128x128xf32, #tpu.memory_space<vmem>>, vector<16xf32>,
      %parallel_loop3A_519 = arith.addf %parallel_loop3A_509, %parallel_loop3A_518 : vector<16xf32>
      %parallel_loop3A_520 = arith.constant 0 : i32
      %parallel_loop3A_521 = arith.constant 1 : i32
      %parallel_loop3A_522 = arith.index_cast %parallel_loop3A_520 : i32 to index
      %parallel_loop3A_523 = arith.index_cast %parallel_loop3A_521 : i32 to index
      %parallel_loop3A_524 = arith.index_cast %parallel_loop3A_464 : i32 to index
      %parallel_loop3A_525 = arith.constant 16 : index
      %parallel_loop3A_526 = tpu.vector_load %arg6[%parallel_loop3A_522, %parallel_loop3A_523, %parallel_loop3A_524, %parallel_loop3A_525] {strides = array<i32>} : memref<3x2x128x128xf32, #tpu.memory_space<vmem>>, vector<16xf32>,
      %parallel_loop3A_527 = arith.addf %parallel_loop3A_519, %parallel_loop3A_526 : vector<16xf32>
      %parallel_loop3A_528 = arith.constant 64 : i32
      %parallel_loop3A_529 = arith.addi %parallel_loop3A_528, %parallel_loop3A_464 : i32
      %parallel_loop3A_530 = arith.constant 0 : i32
      %parallel_loop3A_531 = arith.constant 1 : i32
      %parallel_loop3A_532 = arith.index_cast %parallel_loop3A_530 : i32 to index
      %parallel_loop3A_533 = arith.index_cast %parallel_loop3A_531 : i32 to index
      %parallel_loop3A_534 = arith.index_cast %parallel_loop3A_529 : i32 to index
      %parallel_loop3A_535 = arith.constant 16 : index
      %parallel_loop3A_536 = tpu.vector_load %arg6[%parallel_loop3A_532, %parallel_loop3A_533, %parallel_loop3A_534, %parallel_loop3A_535] {strides = array<i32>} : memref<3x2x128x128xf32, #tpu.memory_space<vmem>>, vector<16xf32>,
      %parallel_loop3A_537 = arith.addf %parallel_loop3A_527, %parallel_loop3A_536 : vector<16xf32>
      %parallel_loop3A_538 = arith.index_cast %parallel_loop3A_464 : i32 to index
      %parallel_loop3A_539 = arith.constant 16 : index
      %parallel_loop3A_540 = tpu.vector_load %arg7[%parallel_loop3A_538, %parallel_loop3A_539] {strides = array<i32>} : memref<64x128xf32, #tpu.memory_space<vmem>>, vector<16xf32>,
      tpu.vector_store %arg7[%parallel_loop3A_538, %parallel_loop3A_539], %parallel_loop3A_537 {strides = array<i32>} : memref<64x128xf32, #tpu.memory_space<vmem>>, vector<16xf32>,
      %parallel_loop3A_541 = arith.constant 0 : i32
      %parallel_loop3A_542 = arith.constant 0 : i32
      %parallel_loop3A_543 = arith.index_cast %parallel_loop3A_541 : i32 to index
      %parallel_loop3A_544 = arith.index_cast %parallel_loop3A_542 : i32 to index
      %parallel_loop3A_545 = arith.index_cast %parallel_loop3A_464 : i32 to index
      %parallel_loop3A_546 = arith.constant 32 : index
      %parallel_loop3A_547 = tpu.vector_load %arg6[%parallel_loop3A_543, %parallel_loop3A_544, %parallel_loop3A_545, %parallel_loop3A_546] {strides = array<i32>} : memref<3x2x128x128xf32, #tpu.memory_space<vmem>>, vector<16xf32>,
      %parallel_loop3A_548 = arith.constant 64 : i32
      %parallel_loop3A_549 = arith.addi %parallel_loop3A_548, %parallel_loop3A_464 : i32
      %parallel_loop3A_550 = arith.constant 0 : i32
      %parallel_loop3A_551 = arith.constant 0 : i32
      %parallel_loop3A_552 = arith.index_cast %parallel_loop3A_550 : i32 to index
      %parallel_loop3A_553 = arith.index_cast %parallel_loop3A_551 : i32 to index
      %parallel_loop3A_554 = arith.index_cast %parallel_loop3A_549 : i32 to index
      %parallel_loop3A_555 = arith.constant 32 : index
      %parallel_loop3A_556 = tpu.vector_load %arg6[%parallel_loop3A_552, %parallel_loop3A_553, %parallel_loop3A_554, %parallel_loop3A_555] {strides = array<i32>} : memref<3x2x128x128xf32, #tpu.memory_space<vmem>>, vector<16xf32>,
      %parallel_loop3A_557 = arith.addf %parallel_loop3A_547, %parallel_loop3A_556 : vector<16xf32>
      %parallel_loop3A_558 = arith.constant 0 : i32
      %parallel_loop3A_559 = arith.constant 1 : i32
      %parallel_loop3A_560 = arith.index_cast %parallel_loop3A_558 : i32 to index
      %parallel_loop3A_561 = arith.index_cast %parallel_loop3A_559 : i32 to index
      %parallel_loop3A_562 = arith.index_cast %parallel_loop3A_464 : i32 to index
      %parallel_loop3A_563 = arith.constant 32 : index
      %parallel_loop3A_564 = tpu.vector_load %arg6[%parallel_loop3A_560, %parallel_loop3A_561, %parallel_loop3A_562, %parallel_loop3A_563] {strides = array<i32>} : memref<3x2x128x128xf32, #tpu.memory_space<vmem>>, vector<16xf32>,
      %parallel_loop3A_565 = arith.addf %parallel_loop3A_557, %parallel_loop3A_564 : vector<16xf32>
      %parallel_loop3A_566 = arith.constant 64 : i32
      %parallel_loop3A_567 = arith.addi %parallel_loop3A_566, %parallel_loop3A_464 : i32
      %parallel_loop3A_568 = arith.constant 0 : i32
      %parallel_loop3A_569 = arith.constant 1 : i32
      %parallel_loop3A_570 = arith.index_cast %parallel_loop3A_568 : i32 to index
      %parallel_loop3A_571 = arith.index_cast %parallel_loop3A_569 : i32 to index
      %parallel_loop3A_572 = arith.index_cast %parallel_loop3A_567 : i32 to index
      %parallel_loop3A_573 = arith.constant 32 : index
      %parallel_loop3A_574 = tpu.vector_load %arg6[%parallel_loop3A_570, %parallel_loop3A_571, %parallel_loop3A_572, %parallel_loop3A_573] {strides = array<i32>} : memref<3x2x128x128xf32, #tpu.memory_space<vmem>>, vector<16xf32>,
      %parallel_loop3A_575 = arith.addf %parallel_loop3A_565, %parallel_loop3A_574 : vector<16xf32>
      %parallel_loop3A_576 = arith.index_cast %parallel_loop3A_464 : i32 to index
      %parallel_loop3A_577 = arith.constant 32 : index
      %parallel_loop3A_578 = tpu.vector_load %arg7[%parallel_loop3A_576, %parallel_loop3A_577] {strides = array<i32>} : memref<64x128xf32, #tpu.memory_space<vmem>>, vector<16xf32>,
      tpu.vector_store %arg7[%parallel_loop3A_576, %parallel_loop3A_577], %parallel_loop3A_575 {strides = array<i32>} : memref<64x128xf32, #tpu.memory_space<vmem>>, vector<16xf32>,
      %parallel_loop3A_579 = arith.constant 0 : i32
      %parallel_loop3A_580 = arith.constant 0 : i32
      %parallel_loop3A_581 = arith.index_cast %parallel_loop3A_579 : i32 to index
      %parallel_loop3A_582 = arith.index_cast %parallel_loop3A_580 : i32 to index
      %parallel_loop3A_583 = arith.index_cast %parallel_loop3A_464 : i32 to index
      %parallel_loop3A_584 = arith.constant 48 : index
      %parallel_loop3A_585 = tpu.vector_load %arg6[%parallel_loop3A_581, %parallel_loop3A_582, %parallel_loop3A_583, %parallel_loop3A_584] {strides = array<i32>} : memref<3x2x128x128xf32, #tpu.memory_space<vmem>>, vector<16xf32>,
      %parallel_loop3A_586 = arith.constant 64 : i32
      %parallel_loop3A_587 = arith.addi %parallel_loop3A_586, %parallel_loop3A_464 : i32
      %parallel_loop3A_588 = arith.constant 0 : i32
      %parallel_loop3A_589 = arith.constant 0 : i32
      %parallel_loop3A_590 = arith.index_cast %parallel_loop3A_588 : i32 to index
      %parallel_loop3A_591 = arith.index_cast %parallel_loop3A_589 : i32 to index
      %parallel_loop3A_592 = arith.index_cast %parallel_loop3A_587 : i32 to index
      %parallel_loop3A_593 = arith.constant 48 : index
      %parallel_loop3A_594 = tpu.vector_load %arg6[%parallel_loop3A_590, %parallel_loop3A_591, %parallel_loop3A_592, %parallel_loop3A_593] {strides = array<i32>} : memref<3x2x128x128xf32, #tpu.memory_space<vmem>>, vector<16xf32>,
      %parallel_loop3A_595 = arith.addf %parallel_loop3A_585, %parallel_loop3A_594 : vector<16xf32>
      %parallel_loop3A_596 = arith.constant 0 : i32
      %parallel_loop3A_597 = arith.constant 1 : i32
      %parallel_loop3A_598 = arith.index_cast %parallel_loop3A_596 : i32 to index
      %parallel_loop3A_599 = arith.index_cast %parallel_loop3A_597 : i32 to index
      %parallel_loop3A_600 = arith.index_cast %parallel_loop3A_464 : i32 to index
      %parallel_loop3A_601 = arith.constant 48 : index
      %parallel_loop3A_602 = tpu.vector_load %arg6[%parallel_loop3A_598, %parallel_loop3A_599, %parallel_loop3A_600, %parallel_loop3A_601] {strides = array<i32>} : memref<3x2x128x128xf32, #tpu.memory_space<vmem>>, vector<16xf32>,
      %parallel_loop3A_603 = arith.addf %parallel_loop3A_595, %parallel_loop3A_602 : vector<16xf32>
      %parallel_loop3A_604 = arith.constant 64 : i32
      %parallel_loop3A_605 = arith.addi %parallel_loop3A_604, %parallel_loop3A_464 : i32
      %parallel_loop3A_606 = arith.constant 0 : i32
      %parallel_loop3A_607 = arith.constant 1 : i32
      %parallel_loop3A_608 = arith.index_cast %parallel_loop3A_606 : i32 to index
      %parallel_loop3A_609 = arith.index_cast %parallel_loop3A_607 : i32 to index
      %parallel_loop3A_610 = arith.index_cast %parallel_loop3A_605 : i32 to index
      %parallel_loop3A_611 = arith.constant 48 : index
      %parallel_loop3A_612 = tpu.vector_load %arg6[%parallel_loop3A_608, %parallel_loop3A_609, %parallel_loop3A_610, %parallel_loop3A_611] {strides = array<i32>} : memref<3x2x128x128xf32, #tpu.memory_space<vmem>>, vector<16xf32>,
      %parallel_loop3A_613 = arith.addf %parallel_loop3A_603, %parallel_loop3A_612 : vector<16xf32>
      %parallel_loop3A_614 = arith.index_cast %parallel_loop3A_464 : i32 to index
      %parallel_loop3A_615 = arith.constant 48 : index
      %parallel_loop3A_616 = tpu.vector_load %arg7[%parallel_loop3A_614, %parallel_loop3A_615] {strides = array<i32>} : memref<64x128xf32, #tpu.memory_space<vmem>>, vector<16xf32>,
      tpu.vector_store %arg7[%parallel_loop3A_614, %parallel_loop3A_615], %parallel_loop3A_613 {strides = array<i32>} : memref<64x128xf32, #tpu.memory_space<vmem>>, vector<16xf32>,
      %parallel_loop3A_617 = arith.constant 0 : i32
      %parallel_loop3A_618 = arith.constant 0 : i32
      %parallel_loop3A_619 = arith.index_cast %parallel_loop3A_617 : i32 to index
      %parallel_loop3A_620 = arith.index_cast %parallel_loop3A_618 : i32 to index
      %parallel_loop3A_621 = arith.index_cast %parallel_loop3A_464 : i32 to index
      %parallel_loop3A_622 = arith.constant 64 : index
      %parallel_loop3A_623 = tpu.vector_load %arg6[%parallel_loop3A_619, %parallel_loop3A_620, %parallel_loop3A_621, %parallel_loop3A_622] {strides = array<i32>} : memref<3x2x128x128xf32, #tpu.memory_space<vmem>>, vector<16xf32>,
      %parallel_loop3A_624 = arith.constant 64 : i32
      %parallel_loop3A_625 = arith.addi %parallel_loop3A_624, %parallel_loop3A_464 : i32
      %parallel_loop3A_626 = arith.constant 0 : i32
      %parallel_loop3A_627 = arith.constant 0 : i32
      %parallel_loop3A_628 = arith.index_cast %parallel_loop3A_626 : i32 to index
      %parallel_loop3A_629 = arith.index_cast %parallel_loop3A_627 : i32 to index
      %parallel_loop3A_630 = arith.index_cast %parallel_loop3A_625 : i32 to index
      %parallel_loop3A_631 = arith.constant 64 : index
      %parallel_loop3A_632 = tpu.vector_load %arg6[%parallel_loop3A_628, %parallel_loop3A_629, %parallel_loop3A_630, %parallel_loop3A_631] {strides = array<i32>} : memref<3x2x128x128xf32, #tpu.memory_space<vmem>>, vector<16xf32>,
      %parallel_loop3A_633 = arith.addf %parallel_loop3A_623, %parallel_loop3A_632 : vector<16xf32>
      %parallel_loop3A_634 = arith.constant 0 : i32
      %parallel_loop3A_635 = arith.constant 1 : i32
      %parallel_loop3A_636 = arith.index_cast %parallel_loop3A_634 : i32 to index
      %parallel_loop3A_637 = arith.index_cast %parallel_loop3A_635 : i32 to index
      %parallel_loop3A_638 = arith.index_cast %parallel_loop3A_464 : i32 to index
      %parallel_loop3A_639 = arith.constant 64 : index
      %parallel_loop3A_640 = tpu.vector_load %arg6[%parallel_loop3A_636, %parallel_loop3A_637, %parallel_loop3A_638, %parallel_loop3A_639] {strides = array<i32>} : memref<3x2x128x128xf32, #tpu.memory_space<vmem>>, vector<16xf32>,
      %parallel_loop3A_641 = arith.addf %parallel_loop3A_633, %parallel_loop3A_640 : vector<16xf32>
      %parallel_loop3A_642 = arith.constant 64 : i32
      %parallel_loop3A_643 = arith.addi %parallel_loop3A_642, %parallel_loop3A_464 : i32
      %parallel_loop3A_644 = arith.constant 0 : i32
      %parallel_loop3A_645 = arith.constant 1 : i32
      %parallel_loop3A_646 = arith.index_cast %parallel_loop3A_644 : i32 to index
      %parallel_loop3A_647 = arith.index_cast %parallel_loop3A_645 : i32 to index
      %parallel_loop3A_648 = arith.index_cast %parallel_loop3A_643 : i32 to index
      %parallel_loop3A_649 = arith.constant 64 : index
      %parallel_loop3A_650 = tpu.vector_load %arg6[%parallel_loop3A_646, %parallel_loop3A_647, %parallel_loop3A_648, %parallel_loop3A_649] {strides = array<i32>} : memref<3x2x128x128xf32, #tpu.memory_space<vmem>>, vector<16xf32>,
      %parallel_loop3A_651 = arith.addf %parallel_loop3A_641, %parallel_loop3A_650 : vector<16xf32>
      %parallel_loop3A_652 = arith.index_cast %parallel_loop3A_464 : i32 to index
      %parallel_loop3A_653 = arith.constant 64 : index
      %parallel_loop3A_654 = tpu.vector_load %arg7[%parallel_loop3A_652, %parallel_loop3A_653] {strides = array<i32>} : memref<64x128xf32, #tpu.memory_space<vmem>>, vector<16xf32>,
      tpu.vector_store %arg7[%parallel_loop3A_652, %parallel_loop3A_653], %parallel_loop3A_651 {strides = array<i32>} : memref<64x128xf32, #tpu.memory_space<vmem>>, vector<16xf32>,
      %parallel_loop3A_655 = arith.constant 0 : i32
      %parallel_loop3A_656 = arith.constant 0 : i32
      %parallel_loop3A_657 = arith.index_cast %parallel_loop3A_655 : i32 to index
      %parallel_loop3A_658 = arith.index_cast %parallel_loop3A_656 : i32 to index
      %parallel_loop3A_659 = arith.index_cast %parallel_loop3A_464 : i32 to index
      %parallel_loop3A_660 = arith.constant 80 : index
      %parallel_loop3A_661 = tpu.vector_load %arg6[%parallel_loop3A_657, %parallel_loop3A_658, %parallel_loop3A_659, %parallel_loop3A_660] {strides = array<i32>} : memref<3x2x128x128xf32, #tpu.memory_space<vmem>>, vector<16xf32>,
      %parallel_loop3A_662 = arith.constant 64 : i32
      %parallel_loop3A_663 = arith.addi %parallel_loop3A_662, %parallel_loop3A_464 : i32
      %parallel_loop3A_664 = arith.constant 0 : i32
      %parallel_loop3A_665 = arith.constant 0 : i32
      %parallel_loop3A_666 = arith.index_cast %parallel_loop3A_664 : i32 to index
      %parallel_loop3A_667 = arith.index_cast %parallel_loop3A_665 : i32 to index
      %parallel_loop3A_668 = arith.index_cast %parallel_loop3A_663 : i32 to index
      %parallel_loop3A_669 = arith.constant 80 : index
      %parallel_loop3A_670 = tpu.vector_load %arg6[%parallel_loop3A_666, %parallel_loop3A_667, %parallel_loop3A_668, %parallel_loop3A_669] {strides = array<i32>} : memref<3x2x128x128xf32, #tpu.memory_space<vmem>>, vector<16xf32>,
      %parallel_loop3A_671 = arith.addf %parallel_loop3A_661, %parallel_loop3A_670 : vector<16xf32>
      %parallel_loop3A_672 = arith.constant 0 : i32
      %parallel_loop3A_673 = arith.constant 1 : i32
      %parallel_loop3A_674 = arith.index_cast %parallel_loop3A_672 : i32 to index
      %parallel_loop3A_675 = arith.index_cast %parallel_loop3A_673 : i32 to index
      %parallel_loop3A_676 = arith.index_cast %parallel_loop3A_464 : i32 to index
      %parallel_loop3A_677 = arith.constant 80 : index
      %parallel_loop3A_678 = tpu.vector_load %arg6[%parallel_loop3A_674, %parallel_loop3A_675, %parallel_loop3A_676, %parallel_loop3A_677] {strides = array<i32>} : memref<3x2x128x128xf32, #tpu.memory_space<vmem>>, vector<16xf32>,
      %parallel_loop3A_679 = arith.addf %parallel_loop3A_671, %parallel_loop3A_678 : vector<16xf32>
      %parallel_loop3A_680 = arith.constant 64 : i32
      %parallel_loop3A_681 = arith.addi %parallel_loop3A_680, %parallel_loop3A_464 : i32
      %parallel_loop3A_682 = arith.constant 0 : i32
      %parallel_loop3A_683 = arith.constant 1 : i32
      %parallel_loop3A_684 = arith.index_cast %parallel_loop3A_682 : i32 to index
      %parallel_loop3A_685 = arith.index_cast %parallel_loop3A_683 : i32 to index
      %parallel_loop3A_686 = arith.index_cast %parallel_loop3A_681 : i32 to index
      %parallel_loop3A_687 = arith.constant 80 : index
      %parallel_loop3A_688 = tpu.vector_load %arg6[%parallel_loop3A_684, %parallel_loop3A_685, %parallel_loop3A_686, %parallel_loop3A_687] {strides = array<i32>} : memref<3x2x128x128xf32, #tpu.memory_space<vmem>>, vector<16xf32>,
      %parallel_loop3A_689 = arith.addf %parallel_loop3A_679, %parallel_loop3A_688 : vector<16xf32>
      %parallel_loop3A_690 = arith.index_cast %parallel_loop3A_464 : i32 to index
      %parallel_loop3A_691 = arith.constant 80 : index
      %parallel_loop3A_692 = tpu.vector_load %arg7[%parallel_loop3A_690, %parallel_loop3A_691] {strides = array<i32>} : memref<64x128xf32, #tpu.memory_space<vmem>>, vector<16xf32>,
      tpu.vector_store %arg7[%parallel_loop3A_690, %parallel_loop3A_691], %parallel_loop3A_689 {strides = array<i32>} : memref<64x128xf32, #tpu.memory_space<vmem>>, vector<16xf32>,
      %parallel_loop3A_693 = arith.constant 0 : i32
      %parallel_loop3A_694 = arith.constant 0 : i32
      %parallel_loop3A_695 = arith.index_cast %parallel_loop3A_693 : i32 to index
      %parallel_loop3A_696 = arith.index_cast %parallel_loop3A_694 : i32 to index
      %parallel_loop3A_697 = arith.index_cast %parallel_loop3A_464 : i32 to index
      %parallel_loop3A_698 = arith.constant 96 : index
      %parallel_loop3A_699 = tpu.vector_load %arg6[%parallel_loop3A_695, %parallel_loop3A_696, %parallel_loop3A_697, %parallel_loop3A_698] {strides = array<i32>} : memref<3x2x128x128xf32, #tpu.memory_space<vmem>>, vector<16xf32>,
      %parallel_loop3A_700 = arith.constant 64 : i32
      %parallel_loop3A_701 = arith.addi %parallel_loop3A_700, %parallel_loop3A_464 : i32
      %parallel_loop3A_702 = arith.constant 0 : i32
      %parallel_loop3A_703 = arith.constant 0 : i32
      %parallel_loop3A_704 = arith.index_cast %parallel_loop3A_702 : i32 to index
      %parallel_loop3A_705 = arith.index_cast %parallel_loop3A_703 : i32 to index
      %parallel_loop3A_706 = arith.index_cast %parallel_loop3A_701 : i32 to index
      %parallel_loop3A_707 = arith.constant 96 : index
      %parallel_loop3A_708 = tpu.vector_load %arg6[%parallel_loop3A_704, %parallel_loop3A_705, %parallel_loop3A_706, %parallel_loop3A_707] {strides = array<i32>} : memref<3x2x128x128xf32, #tpu.memory_space<vmem>>, vector<16xf32>,
      %parallel_loop3A_709 = arith.addf %parallel_loop3A_699, %parallel_loop3A_708 : vector<16xf32>
      %parallel_loop3A_710 = arith.constant 0 : i32
      %parallel_loop3A_711 = arith.constant 1 : i32
      %parallel_loop3A_712 = arith.index_cast %parallel_loop3A_710 : i32 to index
      %parallel_loop3A_713 = arith.index_cast %parallel_loop3A_711 : i32 to index
      %parallel_loop3A_714 = arith.index_cast %parallel_loop3A_464 : i32 to index
      %parallel_loop3A_715 = arith.constant 96 : index
      %parallel_loop3A_716 = tpu.vector_load %arg6[%parallel_loop3A_712, %parallel_loop3A_713, %parallel_loop3A_714, %parallel_loop3A_715] {strides = array<i32>} : memref<3x2x128x128xf32, #tpu.memory_space<vmem>>, vector<16xf32>,
      %parallel_loop3A_717 = arith.addf %parallel_loop3A_709, %parallel_loop3A_716 : vector<16xf32>
      %parallel_loop3A_718 = arith.constant 64 : i32
      %parallel_loop3A_719 = arith.addi %parallel_loop3A_718, %parallel_loop3A_464 : i32
      %parallel_loop3A_720 = arith.constant 0 : i32
      %parallel_loop3A_721 = arith.constant 1 : i32
      %parallel_loop3A_722 = arith.index_cast %parallel_loop3A_720 : i32 to index
      %parallel_loop3A_723 = arith.index_cast %parallel_loop3A_721 : i32 to index
      %parallel_loop3A_724 = arith.index_cast %parallel_loop3A_719 : i32 to index
      %parallel_loop3A_725 = arith.constant 96 : index
      %parallel_loop3A_726 = tpu.vector_load %arg6[%parallel_loop3A_722, %parallel_loop3A_723, %parallel_loop3A_724, %parallel_loop3A_725] {strides = array<i32>} : memref<3x2x128x128xf32, #tpu.memory_space<vmem>>, vector<16xf32>,
      %parallel_loop3A_727 = arith.addf %parallel_loop3A_717, %parallel_loop3A_726 : vector<16xf32>
      %parallel_loop3A_728 = arith.index_cast %parallel_loop3A_464 : i32 to index
      %parallel_loop3A_729 = arith.constant 96 : index
      %parallel_loop3A_730 = tpu.vector_load %arg7[%parallel_loop3A_728, %parallel_loop3A_729] {strides = array<i32>} : memref<64x128xf32, #tpu.memory_space<vmem>>, vector<16xf32>,
      tpu.vector_store %arg7[%parallel_loop3A_728, %parallel_loop3A_729], %parallel_loop3A_727 {strides = array<i32>} : memref<64x128xf32, #tpu.memory_space<vmem>>, vector<16xf32>,
      %parallel_loop3A_731 = arith.constant 0 : i32
      %parallel_loop3A_732 = arith.constant 0 : i32
      %parallel_loop3A_733 = arith.index_cast %parallel_loop3A_731 : i32 to index
      %parallel_loop3A_734 = arith.index_cast %parallel_loop3A_732 : i32 to index
      %parallel_loop3A_735 = arith.index_cast %parallel_loop3A_464 : i32 to index
      %parallel_loop3A_736 = arith.constant 112 : index
      %parallel_loop3A_737 = tpu.vector_load %arg6[%parallel_loop3A_733, %parallel_loop3A_734, %parallel_loop3A_735, %parallel_loop3A_736] {strides = array<i32>} : memref<3x2x128x128xf32, #tpu.memory_space<vmem>>, vector<16xf32>,
      %parallel_loop3A_738 = arith.constant 64 : i32
      %parallel_loop3A_739 = arith.addi %parallel_loop3A_738, %parallel_loop3A_464 : i32
      %parallel_loop3A_740 = arith.constant 0 : i32
      %parallel_loop3A_741 = arith.constant 0 : i32
      %parallel_loop3A_742 = arith.index_cast %parallel_loop3A_740 : i32 to index
      %parallel_loop3A_743 = arith.index_cast %parallel_loop3A_741 : i32 to index
      %parallel_loop3A_744 = arith.index_cast %parallel_loop3A_739 : i32 to index
      %parallel_loop3A_745 = arith.constant 112 : index
      %parallel_loop3A_746 = tpu.vector_load %arg6[%parallel_loop3A_742, %parallel_loop3A_743, %parallel_loop3A_744, %parallel_loop3A_745] {strides = array<i32>} : memref<3x2x128x128xf32, #tpu.memory_space<vmem>>, vector<16xf32>,
      %parallel_loop3A_747 = arith.addf %parallel_loop3A_737, %parallel_loop3A_746 : vector<16xf32>
      %parallel_loop3A_748 = arith.constant 0 : i32
      %parallel_loop3A_749 = arith.constant 1 : i32
      %parallel_loop3A_750 = arith.index_cast %parallel_loop3A_748 : i32 to index
      %parallel_loop3A_751 = arith.index_cast %parallel_loop3A_749 : i32 to index
      %parallel_loop3A_752 = arith.index_cast %parallel_loop3A_464 : i32 to index
      %parallel_loop3A_753 = arith.constant 112 : index
      %parallel_loop3A_754 = tpu.vector_load %arg6[%parallel_loop3A_750, %parallel_loop3A_751, %parallel_loop3A_752, %parallel_loop3A_753] {strides = array<i32>} : memref<3x2x128x128xf32, #tpu.memory_space<vmem>>, vector<16xf32>,
      %parallel_loop3A_755 = arith.addf %parallel_loop3A_747, %parallel_loop3A_754 : vector<16xf32>
      %parallel_loop3A_756 = arith.constant 64 : i32
      %parallel_loop3A_757 = arith.addi %parallel_loop3A_756, %parallel_loop3A_464 : i32
      %parallel_loop3A_758 = arith.constant 0 : i32
      %parallel_loop3A_759 = arith.constant 1 : i32
      %parallel_loop3A_760 = arith.index_cast %parallel_loop3A_758 : i32 to index
      %parallel_loop3A_761 = arith.index_cast %parallel_loop3A_759 : i32 to index
      %parallel_loop3A_762 = arith.index_cast %parallel_loop3A_757 : i32 to index
      %parallel_loop3A_763 = arith.constant 112 : index
      %parallel_loop3A_764 = tpu.vector_load %arg6[%parallel_loop3A_760, %parallel_loop3A_761, %parallel_loop3A_762, %parallel_loop3A_763] {strides = array<i32>} : memref<3x2x128x128xf32, #tpu.memory_space<vmem>>, vector<16xf32>,
      %parallel_loop3A_765 = arith.addf %parallel_loop3A_755, %parallel_loop3A_764 : vector<16xf32>
      %parallel_loop3A_766 = arith.index_cast %parallel_loop3A_464 : i32 to index
      %parallel_loop3A_767 = arith.constant 112 : index
      %parallel_loop3A_768 = tpu.vector_load %arg7[%parallel_loop3A_766, %parallel_loop3A_767] {strides = array<i32>} : memref<64x128xf32, #tpu.memory_space<vmem>>, vector<16xf32>,
      tpu.vector_store %arg7[%parallel_loop3A_766, %parallel_loop3A_767], %parallel_loop3A_765 {strides = array<i32>} : memref<64x128xf32, #tpu.memory_space<vmem>>, vector<16xf32>,
    } {sc.loop_unroll_factor = 2 : i64, sc.parallel_access}
    "tpu.trace_stop"() : () -> ()
    %add3A_411 = arith.constant 384 : i32
    %add3A_412 = arith.addi %mul3A_2, %add3A_411 : i32
    %dma_start3A_413 = arith.constant 0 : i32
    %dma_start3A_414 = tpu.memref_slice %arg4[%add3A_412, %dma_start3A_413] : memref<16384x128xf32, #tpu.memory_space<hbm>> -> memref<64x128xf32, #tpu.memory_space<hbm>>
    %dma_start3A_415 = arith.constant 0 : i32
    %dma_start3A_416 = tpu.memref_slice %arg4[%add3A_412, %dma_start3A_415] : memref<16384x128xf32, #tpu.memory_space<hbm>> -> memref<64x128xf32, #tpu.memory_space<hbm>>
    tpu.enqueue_dma source(%arg7 : memref<64x128xf32, #tpu.memory_space<vmem>>) target(%dma_start3A_416 : memref<64x128xf32, #tpu.memory_space<hbm>>) target_semaphore(%arg14 : memref<!tpu.dma_semaphore, #tpu.memory_space<semaphore_mem>>)
    %dma_wait3A_417 = arith.constant 1 : i32
    %dma_wait3A_418 = arith.constant 0 : i32
    "tpu.trace_start"() <{level = 10 : i32, message = "gwait"}> : () -> ()
    %dma_wait3A_419 = arith.constant 0 : i32
    %dma_wait3A_420 = arith.constant 0 : i32
    %dma_wait3A_421 = tpu.memref_slice %arg6[%dma_wait3A_417, %dma_wait3A_418, %dma_wait3A_419, %dma_wait3A_420] : memref<3x2x128x128xf32, #tpu.memory_space<vmem>> -> memref<1x1x128x128xf32, #tpu.memory_space<vmem>>
    %dma_wait3A_422 = tpu.memref_squeeze %dma_wait3A_421 : memref<1x1x128x128xf32, #tpu.memory_space<vmem>> -> memref<128x128xf32, #tpu.memory_space<vmem>>
    %dma_wait3A_423 = arith.constant 1792 : i32
    %dma_wait3A_424 = tpu.memref_slice %arg5[%dma_wait3A_423] : memref<2048xi32, #tpu.memory_space<vmem>> -> memref<128xi32, #tpu.memory_space<vmem>>
    %dma_wait3A_425 = arith.constant 0 : i32
    %dma_wait3A_426 = arith.constant 0 : i32
    %dma_wait3A_427 = tpu.memref_slice %arg10[%dma_wait3A_425, %dma_wait3A_426] : memref<512x128xf32, #tpu.memory_space<vmem_shared>> -> memref<512x128xf32, #tpu.memory_space<vmem_shared>>
    tpu.wait_indirect_dma semaphore(%arg12 : memref<!tpu.dma_semaphore, #tpu.memory_space<semaphore_mem>>) src(%dma_wait3A_427 : memref<512x128xf32, #tpu.memory_space<vmem_shared>>) dst(%dma_wait3A_422 : memref<128x128xf32, #tpu.memory_space<vmem>>)
    %dma_wait3A_428 = arith.constant 1 : i32
    %dma_wait3A_429 = arith.constant 1 : i32
    %dma_wait3A_430 = arith.constant 0 : i32
    %dma_wait3A_431 = arith.constant 0 : i32
    %dma_wait3A_432 = tpu.memref_slice %arg6[%dma_wait3A_428, %dma_wait3A_429, %dma_wait3A_430, %dma_wait3A_431] : memref<3x2x128x128xf32, #tpu.memory_space<vmem>> -> memref<1x1x128x128xf32, #tpu.memory_space<vmem>>
    %dma_wait3A_433 = tpu.memref_squeeze %dma_wait3A_432 : memref<1x1x128x128xf32, #tpu.memory_space<vmem>> -> memref<128x128xf32, #tpu.memory_space<vmem>>
    %dma_wait3A_434 = arith.constant 1920 : i32
    %dma_wait3A_435 = tpu.memref_slice %arg5[%dma_wait3A_434] : memref<2048xi32, #tpu.memory_space<vmem>> -> memref<128xi32, #tpu.memory_space<vmem>>
    %dma_wait3A_436 = arith.constant 0 : i32
    %dma_wait3A_437 = arith.constant 0 : i32
    %dma_wait3A_438 = tpu.memref_slice %arg10[%dma_wait3A_436, %dma_wait3A_437] : memref<512x128xf32, #tpu.memory_space<vmem_shared>> -> memref<512x128xf32, #tpu.memory_space<vmem_shared>>
    tpu.wait_indirect_dma semaphore(%arg12 : memref<!tpu.dma_semaphore, #tpu.memory_space<semaphore_mem>>) src(%dma_wait3A_438 : memref<512x128xf32, #tpu.memory_space<vmem_shared>>) dst(%dma_wait3A_433 : memref<128x128xf32, #tpu.memory_space<vmem>>)
    %dma_wait3A_439 = arith.constant 0 : i32
    %dma_wait3A_440 = tpu.memref_slice %arg4[%add3A_320, %dma_wait3A_439] : memref<16384x128xf32, #tpu.memory_space<hbm>> -> memref<64x128xf32, #tpu.memory_space<hbm>>
    %dma_wait3A_441 = arith.constant 0 : i32
    %dma_wait3A_442 = tpu.memref_slice %arg4[%add3A_320, %dma_wait3A_441] : memref<16384x128xf32, #tpu.memory_space<hbm>> -> memref<64x128xf32, #tpu.memory_space<hbm>>
    tpu.wait_dma2 semaphore(%arg15 : memref<!tpu.dma_semaphore, #tpu.memory_space<semaphore_mem>>) src(%arg8 : memref<64x128xf32, #tpu.memory_space<vmem>>) dst(%dma_wait3A_442 : memref<64x128xf32, #tpu.memory_space<hbm>>)
    %parallel_loop3A_443 = arith.constant 0 : i32
    %parallel_loop3A_444 = arith.constant 64 : i32
    %parallel_loop3A_445 = arith.constant 1 : i32
    "tpu.trace_stop"() : () -> ()
    "tpu.trace_start"() <{level = 10 : i32, message = "adds"}> : () -> ()
    scf.for %parallel_loop3A_464 = %parallel_loop3A_443 to %parallel_loop3A_444 step %parallel_loop3A_445  : i32 {
      %parallel_loop3A_465 = arith.constant 1 : i32
      %parallel_loop3A_466 = arith.constant 0 : i32
      %parallel_loop3A_467 = arith.index_cast %parallel_loop3A_465 : i32 to index
      %parallel_loop3A_468 = arith.index_cast %parallel_loop3A_466 : i32 to index
      %parallel_loop3A_469 = arith.index_cast %parallel_loop3A_464 : i32 to index
      %parallel_loop3A_470 = arith.constant 0 : index
      %parallel_loop3A_471 = tpu.vector_load %arg6[%parallel_loop3A_467, %parallel_loop3A_468, %parallel_loop3A_469, %parallel_loop3A_470] {strides = array<i32>} : memref<3x2x128x128xf32, #tpu.memory_space<vmem>>, vector<16xf32>,
      %parallel_loop3A_472 = arith.constant 64 : i32
      %parallel_loop3A_473 = arith.addi %parallel_loop3A_472, %parallel_loop3A_464 : i32
      %parallel_loop3A_474 = arith.constant 1 : i32
      %parallel_loop3A_475 = arith.constant 0 : i32
      %parallel_loop3A_476 = arith.index_cast %parallel_loop3A_474 : i32 to index
      %parallel_loop3A_477 = arith.index_cast %parallel_loop3A_475 : i32 to index
      %parallel_loop3A_478 = arith.index_cast %parallel_loop3A_473 : i32 to index
      %parallel_loop3A_479 = arith.constant 0 : index
      %parallel_loop3A_480 = tpu.vector_load %arg6[%parallel_loop3A_476, %parallel_loop3A_477, %parallel_loop3A_478, %parallel_loop3A_479] {strides = array<i32>} : memref<3x2x128x128xf32, #tpu.memory_space<vmem>>, vector<16xf32>,
      %parallel_loop3A_481 = arith.addf %parallel_loop3A_471, %parallel_loop3A_480 : vector<16xf32>
      %parallel_loop3A_482 = arith.constant 1 : i32
      %parallel_loop3A_483 = arith.constant 1 : i32
      %parallel_loop3A_484 = arith.index_cast %parallel_loop3A_482 : i32 to index
      %parallel_loop3A_485 = arith.index_cast %parallel_loop3A_483 : i32 to index
      %parallel_loop3A_486 = arith.index_cast %parallel_loop3A_464 : i32 to index
      %parallel_loop3A_487 = arith.constant 0 : index
      %parallel_loop3A_488 = tpu.vector_load %arg6[%parallel_loop3A_484, %parallel_loop3A_485, %parallel_loop3A_486, %parallel_loop3A_487] {strides = array<i32>} : memref<3x2x128x128xf32, #tpu.memory_space<vmem>>, vector<16xf32>,
      %parallel_loop3A_489 = arith.addf %parallel_loop3A_481, %parallel_loop3A_488 : vector<16xf32>
      %parallel_loop3A_490 = arith.constant 64 : i32
      %parallel_loop3A_491 = arith.addi %parallel_loop3A_490, %parallel_loop3A_464 : i32
      %parallel_loop3A_492 = arith.constant 1 : i32
      %parallel_loop3A_493 = arith.constant 1 : i32
      %parallel_loop3A_494 = arith.index_cast %parallel_loop3A_492 : i32 to index
      %parallel_loop3A_495 = arith.index_cast %parallel_loop3A_493 : i32 to index
      %parallel_loop3A_496 = arith.index_cast %parallel_loop3A_491 : i32 to index
      %parallel_loop3A_497 = arith.constant 0 : index
      %parallel_loop3A_498 = tpu.vector_load %arg6[%parallel_loop3A_494, %parallel_loop3A_495, %parallel_loop3A_496, %parallel_loop3A_497] {strides = array<i32>} : memref<3x2x128x128xf32, #tpu.memory_space<vmem>>, vector<16xf32>,
      %parallel_loop3A_499 = arith.addf %parallel_loop3A_489, %parallel_loop3A_498 : vector<16xf32>
      %parallel_loop3A_500 = arith.index_cast %parallel_loop3A_464 : i32 to index
      %parallel_loop3A_501 = arith.constant 0 : index
      %parallel_loop3A_502 = tpu.vector_load %arg8[%parallel_loop3A_500, %parallel_loop3A_501] {strides = array<i32>} : memref<64x128xf32, #tpu.memory_space<vmem>>, vector<16xf32>,
      tpu.vector_store %arg8[%parallel_loop3A_500, %parallel_loop3A_501], %parallel_loop3A_499 {strides = array<i32>} : memref<64x128xf32, #tpu.memory_space<vmem>>, vector<16xf32>,
      %parallel_loop3A_503 = arith.constant 1 : i32
      %parallel_loop3A_504 = arith.constant 0 : i32
      %parallel_loop3A_505 = arith.index_cast %parallel_loop3A_503 : i32 to index
      %parallel_loop3A_506 = arith.index_cast %parallel_loop3A_504 : i32 to index
      %parallel_loop3A_507 = arith.index_cast %parallel_loop3A_464 : i32 to index
      %parallel_loop3A_508 = arith.constant 16 : index
      %parallel_loop3A_509 = tpu.vector_load %arg6[%parallel_loop3A_505, %parallel_loop3A_506, %parallel_loop3A_507, %parallel_loop3A_508] {strides = array<i32>} : memref<3x2x128x128xf32, #tpu.memory_space<vmem>>, vector<16xf32>,
      %parallel_loop3A_510 = arith.constant 64 : i32
      %parallel_loop3A_511 = arith.addi %parallel_loop3A_510, %parallel_loop3A_464 : i32
      %parallel_loop3A_512 = arith.constant 1 : i32
      %parallel_loop3A_513 = arith.constant 0 : i32
      %parallel_loop3A_514 = arith.index_cast %parallel_loop3A_512 : i32 to index
      %parallel_loop3A_515 = arith.index_cast %parallel_loop3A_513 : i32 to index
      %parallel_loop3A_516 = arith.index_cast %parallel_loop3A_511 : i32 to index
      %parallel_loop3A_517 = arith.constant 16 : index
      %parallel_loop3A_518 = tpu.vector_load %arg6[%parallel_loop3A_514, %parallel_loop3A_515, %parallel_loop3A_516, %parallel_loop3A_517] {strides = array<i32>} : memref<3x2x128x128xf32, #tpu.memory_space<vmem>>, vector<16xf32>,
      %parallel_loop3A_519 = arith.addf %parallel_loop3A_509, %parallel_loop3A_518 : vector<16xf32>
      %parallel_loop3A_520 = arith.constant 1 : i32
      %parallel_loop3A_521 = arith.constant 1 : i32
      %parallel_loop3A_522 = arith.index_cast %parallel_loop3A_520 : i32 to index
      %parallel_loop3A_523 = arith.index_cast %parallel_loop3A_521 : i32 to index
      %parallel_loop3A_524 = arith.index_cast %parallel_loop3A_464 : i32 to index
      %parallel_loop3A_525 = arith.constant 16 : index
      %parallel_loop3A_526 = tpu.vector_load %arg6[%parallel_loop3A_522, %parallel_loop3A_523, %parallel_loop3A_524, %parallel_loop3A_525] {strides = array<i32>} : memref<3x2x128x128xf32, #tpu.memory_space<vmem>>, vector<16xf32>,
      %parallel_loop3A_527 = arith.addf %parallel_loop3A_519, %parallel_loop3A_526 : vector<16xf32>
      %parallel_loop3A_528 = arith.constant 64 : i32
      %parallel_loop3A_529 = arith.addi %parallel_loop3A_528, %parallel_loop3A_464 : i32
      %parallel_loop3A_530 = arith.constant 1 : i32
      %parallel_loop3A_531 = arith.constant 1 : i32
      %parallel_loop3A_532 = arith.index_cast %parallel_loop3A_530 : i32 to index
      %parallel_loop3A_533 = arith.index_cast %parallel_loop3A_531 : i32 to index
      %parallel_loop3A_534 = arith.index_cast %parallel_loop3A_529 : i32 to index
      %parallel_loop3A_535 = arith.constant 16 : index
      %parallel_loop3A_536 = tpu.vector_load %arg6[%parallel_loop3A_532, %parallel_loop3A_533, %parallel_loop3A_534, %parallel_loop3A_535] {strides = array<i32>} : memref<3x2x128x128xf32, #tpu.memory_space<vmem>>, vector<16xf32>,
      %parallel_loop3A_537 = arith.addf %parallel_loop3A_527, %parallel_loop3A_536 : vector<16xf32>
      %parallel_loop3A_538 = arith.index_cast %parallel_loop3A_464 : i32 to index
      %parallel_loop3A_539 = arith.constant 16 : index
      %parallel_loop3A_540 = tpu.vector_load %arg8[%parallel_loop3A_538, %parallel_loop3A_539] {strides = array<i32>} : memref<64x128xf32, #tpu.memory_space<vmem>>, vector<16xf32>,
      tpu.vector_store %arg8[%parallel_loop3A_538, %parallel_loop3A_539], %parallel_loop3A_537 {strides = array<i32>} : memref<64x128xf32, #tpu.memory_space<vmem>>, vector<16xf32>,
      %parallel_loop3A_541 = arith.constant 1 : i32
      %parallel_loop3A_542 = arith.constant 0 : i32
      %parallel_loop3A_543 = arith.index_cast %parallel_loop3A_541 : i32 to index
      %parallel_loop3A_544 = arith.index_cast %parallel_loop3A_542 : i32 to index
      %parallel_loop3A_545 = arith.index_cast %parallel_loop3A_464 : i32 to index
      %parallel_loop3A_546 = arith.constant 32 : index
      %parallel_loop3A_547 = tpu.vector_load %arg6[%parallel_loop3A_543, %parallel_loop3A_544, %parallel_loop3A_545, %parallel_loop3A_546] {strides = array<i32>} : memref<3x2x128x128xf32, #tpu.memory_space<vmem>>, vector<16xf32>,
      %parallel_loop3A_548 = arith.constant 64 : i32
      %parallel_loop3A_549 = arith.addi %parallel_loop3A_548, %parallel_loop3A_464 : i32
      %parallel_loop3A_550 = arith.constant 1 : i32
      %parallel_loop3A_551 = arith.constant 0 : i32
      %parallel_loop3A_552 = arith.index_cast %parallel_loop3A_550 : i32 to index
      %parallel_loop3A_553 = arith.index_cast %parallel_loop3A_551 : i32 to index
      %parallel_loop3A_554 = arith.index_cast %parallel_loop3A_549 : i32 to index
      %parallel_loop3A_555 = arith.constant 32 : index
      %parallel_loop3A_556 = tpu.vector_load %arg6[%parallel_loop3A_552, %parallel_loop3A_553, %parallel_loop3A_554, %parallel_loop3A_555] {strides = array<i32>} : memref<3x2x128x128xf32, #tpu.memory_space<vmem>>, vector<16xf32>,
      %parallel_loop3A_557 = arith.addf %parallel_loop3A_547, %parallel_loop3A_556 : vector<16xf32>
      %parallel_loop3A_558 = arith.constant 1 : i32
      %parallel_loop3A_559 = arith.constant 1 : i32
      %parallel_loop3A_560 = arith.index_cast %parallel_loop3A_558 : i32 to index
      %parallel_loop3A_561 = arith.index_cast %parallel_loop3A_559 : i32 to index
      %parallel_loop3A_562 = arith.index_cast %parallel_loop3A_464 : i32 to index
      %parallel_loop3A_563 = arith.constant 32 : index
      %parallel_loop3A_564 = tpu.vector_load %arg6[%parallel_loop3A_560, %parallel_loop3A_561, %parallel_loop3A_562, %parallel_loop3A_563] {strides = array<i32>} : memref<3x2x128x128xf32, #tpu.memory_space<vmem>>, vector<16xf32>,
      %parallel_loop3A_565 = arith.addf %parallel_loop3A_557, %parallel_loop3A_564 : vector<16xf32>
      %parallel_loop3A_566 = arith.constant 64 : i32
      %parallel_loop3A_567 = arith.addi %parallel_loop3A_566, %parallel_loop3A_464 : i32
      %parallel_loop3A_568 = arith.constant 1 : i32
      %parallel_loop3A_569 = arith.constant 1 : i32
      %parallel_loop3A_570 = arith.index_cast %parallel_loop3A_568 : i32 to index
      %parallel_loop3A_571 = arith.index_cast %parallel_loop3A_569 : i32 to index
      %parallel_loop3A_572 = arith.index_cast %parallel_loop3A_567 : i32 to index
      %parallel_loop3A_573 = arith.constant 32 : index
      %parallel_loop3A_574 = tpu.vector_load %arg6[%parallel_loop3A_570, %parallel_loop3A_571, %parallel_loop3A_572, %parallel_loop3A_573] {strides = array<i32>} : memref<3x2x128x128xf32, #tpu.memory_space<vmem>>, vector<16xf32>,
      %parallel_loop3A_575 = arith.addf %parallel_loop3A_565, %parallel_loop3A_574 : vector<16xf32>
      %parallel_loop3A_576 = arith.index_cast %parallel_loop3A_464 : i32 to index
      %parallel_loop3A_577 = arith.constant 32 : index
      %parallel_loop3A_578 = tpu.vector_load %arg8[%parallel_loop3A_576, %parallel_loop3A_577] {strides = array<i32>} : memref<64x128xf32, #tpu.memory_space<vmem>>, vector<16xf32>,
      tpu.vector_store %arg8[%parallel_loop3A_576, %parallel_loop3A_577], %parallel_loop3A_575 {strides = array<i32>} : memref<64x128xf32, #tpu.memory_space<vmem>>, vector<16xf32>,
      %parallel_loop3A_579 = arith.constant 1 : i32
      %parallel_loop3A_580 = arith.constant 0 : i32
      %parallel_loop3A_581 = arith.index_cast %parallel_loop3A_579 : i32 to index
      %parallel_loop3A_582 = arith.index_cast %parallel_loop3A_580 : i32 to index
      %parallel_loop3A_583 = arith.index_cast %parallel_loop3A_464 : i32 to index
      %parallel_loop3A_584 = arith.constant 48 : index
      %parallel_loop3A_585 = tpu.vector_load %arg6[%parallel_loop3A_581, %parallel_loop3A_582, %parallel_loop3A_583, %parallel_loop3A_584] {strides = array<i32>} : memref<3x2x128x128xf32, #tpu.memory_space<vmem>>, vector<16xf32>,
      %parallel_loop3A_586 = arith.constant 64 : i32
      %parallel_loop3A_587 = arith.addi %parallel_loop3A_586, %parallel_loop3A_464 : i32
      %parallel_loop3A_588 = arith.constant 1 : i32
      %parallel_loop3A_589 = arith.constant 0 : i32
      %parallel_loop3A_590 = arith.index_cast %parallel_loop3A_588 : i32 to index
      %parallel_loop3A_591 = arith.index_cast %parallel_loop3A_589 : i32 to index
      %parallel_loop3A_592 = arith.index_cast %parallel_loop3A_587 : i32 to index
      %parallel_loop3A_593 = arith.constant 48 : index
      %parallel_loop3A_594 = tpu.vector_load %arg6[%parallel_loop3A_590, %parallel_loop3A_591, %parallel_loop3A_592, %parallel_loop3A_593] {strides = array<i32>} : memref<3x2x128x128xf32, #tpu.memory_space<vmem>>, vector<16xf32>,
      %parallel_loop3A_595 = arith.addf %parallel_loop3A_585, %parallel_loop3A_594 : vector<16xf32>
      %parallel_loop3A_596 = arith.constant 1 : i32
      %parallel_loop3A_597 = arith.constant 1 : i32
      %parallel_loop3A_598 = arith.index_cast %parallel_loop3A_596 : i32 to index
      %parallel_loop3A_599 = arith.index_cast %parallel_loop3A_597 : i32 to index
      %parallel_loop3A_600 = arith.index_cast %parallel_loop3A_464 : i32 to index
      %parallel_loop3A_601 = arith.constant 48 : index
      %parallel_loop3A_602 = tpu.vector_load %arg6[%parallel_loop3A_598, %parallel_loop3A_599, %parallel_loop3A_600, %parallel_loop3A_601] {strides = array<i32>} : memref<3x2x128x128xf32, #tpu.memory_space<vmem>>, vector<16xf32>,
      %parallel_loop3A_603 = arith.addf %parallel_loop3A_595, %parallel_loop3A_602 : vector<16xf32>
      %parallel_loop3A_604 = arith.constant 64 : i32
      %parallel_loop3A_605 = arith.addi %parallel_loop3A_604, %parallel_loop3A_464 : i32
      %parallel_loop3A_606 = arith.constant 1 : i32
      %parallel_loop3A_607 = arith.constant 1 : i32
      %parallel_loop3A_608 = arith.index_cast %parallel_loop3A_606 : i32 to index
      %parallel_loop3A_609 = arith.index_cast %parallel_loop3A_607 : i32 to index
      %parallel_loop3A_610 = arith.index_cast %parallel_loop3A_605 : i32 to index
      %parallel_loop3A_611 = arith.constant 48 : index
      %parallel_loop3A_612 = tpu.vector_load %arg6[%parallel_loop3A_608, %parallel_loop3A_609, %parallel_loop3A_610, %parallel_loop3A_611] {strides = array<i32>} : memref<3x2x128x128xf32, #tpu.memory_space<vmem>>, vector<16xf32>,
      %parallel_loop3A_613 = arith.addf %parallel_loop3A_603, %parallel_loop3A_612 : vector<16xf32>
      %parallel_loop3A_614 = arith.index_cast %parallel_loop3A_464 : i32 to index
      %parallel_loop3A_615 = arith.constant 48 : index
      %parallel_loop3A_616 = tpu.vector_load %arg8[%parallel_loop3A_614, %parallel_loop3A_615] {strides = array<i32>} : memref<64x128xf32, #tpu.memory_space<vmem>>, vector<16xf32>,
      tpu.vector_store %arg8[%parallel_loop3A_614, %parallel_loop3A_615], %parallel_loop3A_613 {strides = array<i32>} : memref<64x128xf32, #tpu.memory_space<vmem>>, vector<16xf32>,
      %parallel_loop3A_617 = arith.constant 1 : i32
      %parallel_loop3A_618 = arith.constant 0 : i32
      %parallel_loop3A_619 = arith.index_cast %parallel_loop3A_617 : i32 to index
      %parallel_loop3A_620 = arith.index_cast %parallel_loop3A_618 : i32 to index
      %parallel_loop3A_621 = arith.index_cast %parallel_loop3A_464 : i32 to index
      %parallel_loop3A_622 = arith.constant 64 : index
      %parallel_loop3A_623 = tpu.vector_load %arg6[%parallel_loop3A_619, %parallel_loop3A_620, %parallel_loop3A_621, %parallel_loop3A_622] {strides = array<i32>} : memref<3x2x128x128xf32, #tpu.memory_space<vmem>>, vector<16xf32>,
      %parallel_loop3A_624 = arith.constant 64 : i32
      %parallel_loop3A_625 = arith.addi %parallel_loop3A_624, %parallel_loop3A_464 : i32
      %parallel_loop3A_626 = arith.constant 1 : i32
      %parallel_loop3A_627 = arith.constant 0 : i32
      %parallel_loop3A_628 = arith.index_cast %parallel_loop3A_626 : i32 to index
      %parallel_loop3A_629 = arith.index_cast %parallel_loop3A_627 : i32 to index
      %parallel_loop3A_630 = arith.index_cast %parallel_loop3A_625 : i32 to index
      %parallel_loop3A_631 = arith.constant 64 : index
      %parallel_loop3A_632 = tpu.vector_load %arg6[%parallel_loop3A_628, %parallel_loop3A_629, %parallel_loop3A_630, %parallel_loop3A_631] {strides = array<i32>} : memref<3x2x128x128xf32, #tpu.memory_space<vmem>>, vector<16xf32>,
      %parallel_loop3A_633 = arith.addf %parallel_loop3A_623, %parallel_loop3A_632 : vector<16xf32>
      %parallel_loop3A_634 = arith.constant 1 : i32
      %parallel_loop3A_635 = arith.constant 1 : i32
      %parallel_loop3A_636 = arith.index_cast %parallel_loop3A_634 : i32 to index
      %parallel_loop3A_637 = arith.index_cast %parallel_loop3A_635 : i32 to index
      %parallel_loop3A_638 = arith.index_cast %parallel_loop3A_464 : i32 to index
      %parallel_loop3A_639 = arith.constant 64 : index
      %parallel_loop3A_640 = tpu.vector_load %arg6[%parallel_loop3A_636, %parallel_loop3A_637, %parallel_loop3A_638, %parallel_loop3A_639] {strides = array<i32>} : memref<3x2x128x128xf32, #tpu.memory_space<vmem>>, vector<16xf32>,
      %parallel_loop3A_641 = arith.addf %parallel_loop3A_633, %parallel_loop3A_640 : vector<16xf32>
      %parallel_loop3A_642 = arith.constant 64 : i32
      %parallel_loop3A_643 = arith.addi %parallel_loop3A_642, %parallel_loop3A_464 : i32
      %parallel_loop3A_644 = arith.constant 1 : i32
      %parallel_loop3A_645 = arith.constant 1 : i32
      %parallel_loop3A_646 = arith.index_cast %parallel_loop3A_644 : i32 to index
      %parallel_loop3A_647 = arith.index_cast %parallel_loop3A_645 : i32 to index
      %parallel_loop3A_648 = arith.index_cast %parallel_loop3A_643 : i32 to index
      %parallel_loop3A_649 = arith.constant 64 : index
      %parallel_loop3A_650 = tpu.vector_load %arg6[%parallel_loop3A_646, %parallel_loop3A_647, %parallel_loop3A_648, %parallel_loop3A_649] {strides = array<i32>} : memref<3x2x128x128xf32, #tpu.memory_space<vmem>>, vector<16xf32>,
      %parallel_loop3A_651 = arith.addf %parallel_loop3A_641, %parallel_loop3A_650 : vector<16xf32>
      %parallel_loop3A_652 = arith.index_cast %parallel_loop3A_464 : i32 to index
      %parallel_loop3A_653 = arith.constant 64 : index
      %parallel_loop3A_654 = tpu.vector_load %arg8[%parallel_loop3A_652, %parallel_loop3A_653] {strides = array<i32>} : memref<64x128xf32, #tpu.memory_space<vmem>>, vector<16xf32>,
      tpu.vector_store %arg8[%parallel_loop3A_652, %parallel_loop3A_653], %parallel_loop3A_651 {strides = array<i32>} : memref<64x128xf32, #tpu.memory_space<vmem>>, vector<16xf32>,
      %parallel_loop3A_655 = arith.constant 1 : i32
      %parallel_loop3A_656 = arith.constant 0 : i32
      %parallel_loop3A_657 = arith.index_cast %parallel_loop3A_655 : i32 to index
      %parallel_loop3A_658 = arith.index_cast %parallel_loop3A_656 : i32 to index
      %parallel_loop3A_659 = arith.index_cast %parallel_loop3A_464 : i32 to index
      %parallel_loop3A_660 = arith.constant 80 : index
      %parallel_loop3A_661 = tpu.vector_load %arg6[%parallel_loop3A_657, %parallel_loop3A_658, %parallel_loop3A_659, %parallel_loop3A_660] {strides = array<i32>} : memref<3x2x128x128xf32, #tpu.memory_space<vmem>>, vector<16xf32>,
      %parallel_loop3A_662 = arith.constant 64 : i32
      %parallel_loop3A_663 = arith.addi %parallel_loop3A_662, %parallel_loop3A_464 : i32
      %parallel_loop3A_664 = arith.constant 1 : i32
      %parallel_loop3A_665 = arith.constant 0 : i32
      %parallel_loop3A_666 = arith.index_cast %parallel_loop3A_664 : i32 to index
      %parallel_loop3A_667 = arith.index_cast %parallel_loop3A_665 : i32 to index
      %parallel_loop3A_668 = arith.index_cast %parallel_loop3A_663 : i32 to index
      %parallel_loop3A_669 = arith.constant 80 : index
      %parallel_loop3A_670 = tpu.vector_load %arg6[%parallel_loop3A_666, %parallel_loop3A_667, %parallel_loop3A_668, %parallel_loop3A_669] {strides = array<i32>} : memref<3x2x128x128xf32, #tpu.memory_space<vmem>>, vector<16xf32>,
      %parallel_loop3A_671 = arith.addf %parallel_loop3A_661, %parallel_loop3A_670 : vector<16xf32>
      %parallel_loop3A_672 = arith.constant 1 : i32
      %parallel_loop3A_673 = arith.constant 1 : i32
      %parallel_loop3A_674 = arith.index_cast %parallel_loop3A_672 : i32 to index
      %parallel_loop3A_675 = arith.index_cast %parallel_loop3A_673 : i32 to index
      %parallel_loop3A_676 = arith.index_cast %parallel_loop3A_464 : i32 to index
      %parallel_loop3A_677 = arith.constant 80 : index
      %parallel_loop3A_678 = tpu.vector_load %arg6[%parallel_loop3A_674, %parallel_loop3A_675, %parallel_loop3A_676, %parallel_loop3A_677] {strides = array<i32>} : memref<3x2x128x128xf32, #tpu.memory_space<vmem>>, vector<16xf32>,
      %parallel_loop3A_679 = arith.addf %parallel_loop3A_671, %parallel_loop3A_678 : vector<16xf32>
      %parallel_loop3A_680 = arith.constant 64 : i32
      %parallel_loop3A_681 = arith.addi %parallel_loop3A_680, %parallel_loop3A_464 : i32
      %parallel_loop3A_682 = arith.constant 1 : i32
      %parallel_loop3A_683 = arith.constant 1 : i32
      %parallel_loop3A_684 = arith.index_cast %parallel_loop3A_682 : i32 to index
      %parallel_loop3A_685 = arith.index_cast %parallel_loop3A_683 : i32 to index
      %parallel_loop3A_686 = arith.index_cast %parallel_loop3A_681 : i32 to index
      %parallel_loop3A_687 = arith.constant 80 : index
      %parallel_loop3A_688 = tpu.vector_load %arg6[%parallel_loop3A_684, %parallel_loop3A_685, %parallel_loop3A_686, %parallel_loop3A_687] {strides = array<i32>} : memref<3x2x128x128xf32, #tpu.memory_space<vmem>>, vector<16xf32>,
      %parallel_loop3A_689 = arith.addf %parallel_loop3A_679, %parallel_loop3A_688 : vector<16xf32>
      %parallel_loop3A_690 = arith.index_cast %parallel_loop3A_464 : i32 to index
      %parallel_loop3A_691 = arith.constant 80 : index
      %parallel_loop3A_692 = tpu.vector_load %arg8[%parallel_loop3A_690, %parallel_loop3A_691] {strides = array<i32>} : memref<64x128xf32, #tpu.memory_space<vmem>>, vector<16xf32>,
      tpu.vector_store %arg8[%parallel_loop3A_690, %parallel_loop3A_691], %parallel_loop3A_689 {strides = array<i32>} : memref<64x128xf32, #tpu.memory_space<vmem>>, vector<16xf32>,
      %parallel_loop3A_693 = arith.constant 1 : i32
      %parallel_loop3A_694 = arith.constant 0 : i32
      %parallel_loop3A_695 = arith.index_cast %parallel_loop3A_693 : i32 to index
      %parallel_loop3A_696 = arith.index_cast %parallel_loop3A_694 : i32 to index
      %parallel_loop3A_697 = arith.index_cast %parallel_loop3A_464 : i32 to index
      %parallel_loop3A_698 = arith.constant 96 : index
      %parallel_loop3A_699 = tpu.vector_load %arg6[%parallel_loop3A_695, %parallel_loop3A_696, %parallel_loop3A_697, %parallel_loop3A_698] {strides = array<i32>} : memref<3x2x128x128xf32, #tpu.memory_space<vmem>>, vector<16xf32>,
      %parallel_loop3A_700 = arith.constant 64 : i32
      %parallel_loop3A_701 = arith.addi %parallel_loop3A_700, %parallel_loop3A_464 : i32
      %parallel_loop3A_702 = arith.constant 1 : i32
      %parallel_loop3A_703 = arith.constant 0 : i32
      %parallel_loop3A_704 = arith.index_cast %parallel_loop3A_702 : i32 to index
      %parallel_loop3A_705 = arith.index_cast %parallel_loop3A_703 : i32 to index
      %parallel_loop3A_706 = arith.index_cast %parallel_loop3A_701 : i32 to index
      %parallel_loop3A_707 = arith.constant 96 : index
      %parallel_loop3A_708 = tpu.vector_load %arg6[%parallel_loop3A_704, %parallel_loop3A_705, %parallel_loop3A_706, %parallel_loop3A_707] {strides = array<i32>} : memref<3x2x128x128xf32, #tpu.memory_space<vmem>>, vector<16xf32>,
      %parallel_loop3A_709 = arith.addf %parallel_loop3A_699, %parallel_loop3A_708 : vector<16xf32>
      %parallel_loop3A_710 = arith.constant 1 : i32
      %parallel_loop3A_711 = arith.constant 1 : i32
      %parallel_loop3A_712 = arith.index_cast %parallel_loop3A_710 : i32 to index
      %parallel_loop3A_713 = arith.index_cast %parallel_loop3A_711 : i32 to index
      %parallel_loop3A_714 = arith.index_cast %parallel_loop3A_464 : i32 to index
      %parallel_loop3A_715 = arith.constant 96 : index
      %parallel_loop3A_716 = tpu.vector_load %arg6[%parallel_loop3A_712, %parallel_loop3A_713, %parallel_loop3A_714, %parallel_loop3A_715] {strides = array<i32>} : memref<3x2x128x128xf32, #tpu.memory_space<vmem>>, vector<16xf32>,
      %parallel_loop3A_717 = arith.addf %parallel_loop3A_709, %parallel_loop3A_716 : vector<16xf32>
      %parallel_loop3A_718 = arith.constant 64 : i32
      %parallel_loop3A_719 = arith.addi %parallel_loop3A_718, %parallel_loop3A_464 : i32
      %parallel_loop3A_720 = arith.constant 1 : i32
      %parallel_loop3A_721 = arith.constant 1 : i32
      %parallel_loop3A_722 = arith.index_cast %parallel_loop3A_720 : i32 to index
      %parallel_loop3A_723 = arith.index_cast %parallel_loop3A_721 : i32 to index
      %parallel_loop3A_724 = arith.index_cast %parallel_loop3A_719 : i32 to index
      %parallel_loop3A_725 = arith.constant 96 : index
      %parallel_loop3A_726 = tpu.vector_load %arg6[%parallel_loop3A_722, %parallel_loop3A_723, %parallel_loop3A_724, %parallel_loop3A_725] {strides = array<i32>} : memref<3x2x128x128xf32, #tpu.memory_space<vmem>>, vector<16xf32>,
      %parallel_loop3A_727 = arith.addf %parallel_loop3A_717, %parallel_loop3A_726 : vector<16xf32>
      %parallel_loop3A_728 = arith.index_cast %parallel_loop3A_464 : i32 to index
      %parallel_loop3A_729 = arith.constant 96 : index
      %parallel_loop3A_730 = tpu.vector_load %arg8[%parallel_loop3A_728, %parallel_loop3A_729] {strides = array<i32>} : memref<64x128xf32, #tpu.memory_space<vmem>>, vector<16xf32>,
      tpu.vector_store %arg8[%parallel_loop3A_728, %parallel_loop3A_729], %parallel_loop3A_727 {strides = array<i32>} : memref<64x128xf32, #tpu.memory_space<vmem>>, vector<16xf32>,
      %parallel_loop3A_731 = arith.constant 1 : i32
      %parallel_loop3A_732 = arith.constant 0 : i32
      %parallel_loop3A_733 = arith.index_cast %parallel_loop3A_731 : i32 to index
      %parallel_loop3A_734 = arith.index_cast %parallel_loop3A_732 : i32 to index
      %parallel_loop3A_735 = arith.index_cast %parallel_loop3A_464 : i32 to index
      %parallel_loop3A_736 = arith.constant 112 : index
      %parallel_loop3A_737 = tpu.vector_load %arg6[%parallel_loop3A_733, %parallel_loop3A_734, %parallel_loop3A_735, %parallel_loop3A_736] {strides = array<i32>} : memref<3x2x128x128xf32, #tpu.memory_space<vmem>>, vector<16xf32>,
      %parallel_loop3A_738 = arith.constant 64 : i32
      %parallel_loop3A_739 = arith.addi %parallel_loop3A_738, %parallel_loop3A_464 : i32
      %parallel_loop3A_740 = arith.constant 1 : i32
      %parallel_loop3A_741 = arith.constant 0 : i32
      %parallel_loop3A_742 = arith.index_cast %parallel_loop3A_740 : i32 to index
      %parallel_loop3A_743 = arith.index_cast %parallel_loop3A_741 : i32 to index
      %parallel_loop3A_744 = arith.index_cast %parallel_loop3A_739 : i32 to index
      %parallel_loop3A_745 = arith.constant 112 : index
      %parallel_loop3A_746 = tpu.vector_load %arg6[%parallel_loop3A_742, %parallel_loop3A_743, %parallel_loop3A_744, %parallel_loop3A_745] {strides = array<i32>} : memref<3x2x128x128xf32, #tpu.memory_space<vmem>>, vector<16xf32>,
      %parallel_loop3A_747 = arith.addf %parallel_loop3A_737, %parallel_loop3A_746 : vector<16xf32>
      %parallel_loop3A_748 = arith.constant 1 : i32
      %parallel_loop3A_749 = arith.constant 1 : i32
      %parallel_loop3A_750 = arith.index_cast %parallel_loop3A_748 : i32 to index
      %parallel_loop3A_751 = arith.index_cast %parallel_loop3A_749 : i32 to index
      %parallel_loop3A_752 = arith.index_cast %parallel_loop3A_464 : i32 to index
      %parallel_loop3A_753 = arith.constant 112 : index
      %parallel_loop3A_754 = tpu.vector_load %arg6[%parallel_loop3A_750, %parallel_loop3A_751, %parallel_loop3A_752, %parallel_loop3A_753] {strides = array<i32>} : memref<3x2x128x128xf32, #tpu.memory_space<vmem>>, vector<16xf32>,
      %parallel_loop3A_755 = arith.addf %parallel_loop3A_747, %parallel_loop3A_754 : vector<16xf32>
      %parallel_loop3A_756 = arith.constant 64 : i32
      %parallel_loop3A_757 = arith.addi %parallel_loop3A_756, %parallel_loop3A_464 : i32
      %parallel_loop3A_758 = arith.constant 1 : i32
      %parallel_loop3A_759 = arith.constant 1 : i32
      %parallel_loop3A_760 = arith.index_cast %parallel_loop3A_758 : i32 to index
      %parallel_loop3A_761 = arith.index_cast %parallel_loop3A_759 : i32 to index
      %parallel_loop3A_762 = arith.index_cast %parallel_loop3A_757 : i32 to index
      %parallel_loop3A_763 = arith.constant 112 : index
      %parallel_loop3A_764 = tpu.vector_load %arg6[%parallel_loop3A_760, %parallel_loop3A_761, %parallel_loop3A_762, %parallel_loop3A_763] {strides = array<i32>} : memref<3x2x128x128xf32, #tpu.memory_space<vmem>>, vector<16xf32>,
      %parallel_loop3A_765 = arith.addf %parallel_loop3A_755, %parallel_loop3A_764 : vector<16xf32>
      %parallel_loop3A_766 = arith.index_cast %parallel_loop3A_464 : i32 to index
      %parallel_loop3A_767 = arith.constant 112 : index
      %parallel_loop3A_768 = tpu.vector_load %arg8[%parallel_loop3A_766, %parallel_loop3A_767] {strides = array<i32>} : memref<64x128xf32, #tpu.memory_space<vmem>>, vector<16xf32>,
      tpu.vector_store %arg8[%parallel_loop3A_766, %parallel_loop3A_767], %parallel_loop3A_765 {strides = array<i32>} : memref<64x128xf32, #tpu.memory_space<vmem>>, vector<16xf32>,
    } {sc.loop_unroll_factor = 2 : i64, sc.parallel_access}
    "tpu.trace_stop"() : () -> ()
    %add3A_446 = arith.constant 448 : i32
    %add3A_447 = arith.addi %mul3A_2, %add3A_446 : i32
    %dma_start3A_448 = arith.constant 0 : i32
    %dma_start3A_449 = tpu.memref_slice %arg4[%add3A_447, %dma_start3A_448] : memref<16384x128xf32, #tpu.memory_space<hbm>> -> memref<64x128xf32, #tpu.memory_space<hbm>>
    %dma_start3A_450 = arith.constant 0 : i32
    %dma_start3A_451 = tpu.memref_slice %arg4[%add3A_447, %dma_start3A_450] : memref<16384x128xf32, #tpu.memory_space<hbm>> -> memref<64x128xf32, #tpu.memory_space<hbm>>
    tpu.enqueue_dma source(%arg8 : memref<64x128xf32, #tpu.memory_space<vmem>>) target(%dma_start3A_451 : memref<64x128xf32, #tpu.memory_space<hbm>>) target_semaphore(%arg15 : memref<!tpu.dma_semaphore, #tpu.memory_space<semaphore_mem>>)
    %dma_wait3A_452 = arith.constant 0 : i32
    %dma_wait3A_453 = tpu.memref_slice %arg4[%add3A_412, %dma_wait3A_452] : memref<16384x128xf32, #tpu.memory_space<hbm>> -> memref<64x128xf32, #tpu.memory_space<hbm>>
    %dma_wait3A_454 = arith.constant 0 : i32
    %dma_wait3A_455 = tpu.memref_slice %arg4[%add3A_412, %dma_wait3A_454] : memref<16384x128xf32, #tpu.memory_space<hbm>> -> memref<64x128xf32, #tpu.memory_space<hbm>>
    tpu.wait_dma2 semaphore(%arg14 : memref<!tpu.dma_semaphore, #tpu.memory_space<semaphore_mem>>) src(%arg7 : memref<64x128xf32, #tpu.memory_space<vmem>>) dst(%dma_wait3A_455 : memref<64x128xf32, #tpu.memory_space<hbm>>)
    %dma_wait3A_456 = arith.constant 0 : i32
    %dma_wait3A_457 = tpu.memref_slice %arg4[%add3A_447, %dma_wait3A_456] : memref<16384x128xf32, #tpu.memory_space<hbm>> -> memref<64x128xf32, #tpu.memory_space<hbm>>
    %dma_wait3A_458 = arith.constant 0 : i32
    %dma_wait3A_459 = tpu.memref_slice %arg4[%add3A_447, %dma_wait3A_458] : memref<16384x128xf32, #tpu.memory_space<hbm>> -> memref<64x128xf32, #tpu.memory_space<hbm>>
    tpu.wait_dma2 semaphore(%arg15 : memref<!tpu.dma_semaphore, #tpu.memory_space<semaphore_mem>>) src(%arg8 : memref<64x128xf32, #tpu.memory_space<vmem>>) dst(%dma_wait3A_459 : memref<64x128xf32, #tpu.memory_space<hbm>>)
    %dma_wait3A_460 = arith.constant 0 : i32
    %dma_wait3A_461 = tpu.memref_slice %arg4[%add3A_377, %dma_wait3A_460] : memref<16384x128xf32, #tpu.memory_space<hbm>> -> memref<64x128xf32, #tpu.memory_space<hbm>>
    %dma_wait3A_462 = arith.constant 0 : i32
    %dma_wait3A_463 = tpu.memref_slice %arg4[%add3A_377, %dma_wait3A_462] : memref<16384x128xf32, #tpu.memory_space<hbm>> -> memref<64x128xf32, #tpu.memory_space<hbm>>
    tpu.wait_dma2 semaphore(%arg16 : memref<!tpu.dma_semaphore, #tpu.memory_space<semaphore_mem>>) src(%arg9 : memref<64x128xf32, #tpu.memory_space<vmem>>) dst(%dma_wait3A_463 : memref<64x128xf32, #tpu.memory_space<hbm>>)
    return
  }
}

</mosaic_0001>

<sc_bundles>
// kernel: kernel.3.cloned.1.call-start
scs
__scs_entry_jumppad:
0x0: {  	(pc) =	sbr.rel $0x88, $3  }
0x1: {  	(tag) =	ssettag $0x0;
	lr =	simm.s32 $0x1  }
0x2: {  	[smem:$0x3F9C] =	sst lr;
	_ =	strace $0xD0000000  }
0x3: {  	_ = 	snop  }
0x4: {  	_ = 	snop  }
0x5: {  	_ = 	snop  }
0x6: {  	_ = 	snop  }
0x7: {  	_ = 	snop  }
__scs_overlays_trampoline_lowered:
0x8: {  	[smem:$0x3FAB] =	sst s0  }
0x9: {  	[smem:$0x3FAC] =	sst s1  }
0xa: {  	[smem:$0x3FAD] =	sst s2  }
0xb: {  	[smem:$0x3FAE] =	sst s3  }
0xc: {  	[smem:$0x3FAF] =	sst s4  }
0xd: {  	[smem:$0x3FB0] =	sst s5  }
0xe: {  	[smem:$0x3FB1] =	sst s6  }
0xf: {  	[smem:$0x3FB2] =	sst s7  }
0x10: {  	[smem:$0x3FB3] =	sst s8  }
0x11: {  	[smem:$0x3FB4] =	sst s9;
	s0 =	simm.s32 @!p0 $0x0  }
0x12: {  	s1 =	sld [smem:$0x3F9A];
	s0 =	simm.s32 @p0 $0x1  }
0x13: {  	[smem:$0x3FB5] =	sst s0;
	s0 =	simm.s32 @!p1 $0x0  }
0x14: {  	s2 =	sld [smem:$0x3F99];
	s0 =	simm.s32 @p1 $0x1  }
0x15: {  	[smem:$0x3FB6] =	sst s0;
	s0 =	simm.s32 @!p2 $0x0  }
0x16: {  	s3 =	sld [smem:$0x3FDB];
	s0 =	simm.s32 @p2 $0x1  }
0x17: {  	s4 =	simm.s32 $0x1BF5;
	[smem:$0x3FB8] =	sst s0  }
0x18: {  	s0 =	sld [smem:$0x3F9B];
	_ =	swait.ge [sflag:s4], $0x0  }
0x19: {  	s7 =	sld [smem:$0x3F9C]  }
0x1a: {  	s8 =	sadd.s32 $0xFFFFE003, lr  }
0x1b: {  	s9 =	sadd.s32 $0xFFFFFEF7, lr;
	s5 =	simm.s32 $0xFFFFFFFF;
	p2 =	slt.u32 s8, $0xFFFFF086  }
0x1c: {  	p1 =	slt.u32 s9, $0xF7A;
	s5 =	simm.s32 @!p2 $0x0  }
0x1d: {  	s5 =	simm.s32 @p1 $0x1;
	p0 =	seq.s32 s7, s2  }
0x1e: {  	s7 =	smul.u32 @!p0 $0xF7A, s2;
	p2 =	seq.s32 @!p0 s5, $0x0  }
0x1f: {  	s9 =	smul.u32 $0xF7A, s1;
	s8 =	simm.s32 @!p0 $0x1BF5;
	p2 =	por !p2, p0  }
0x20: {  	[sflag:s8] =	ssyncset.s32 @!p0 $0xFFFFF086;
	s6 =	sadd.s32 @!p0 s3, s7;
	s7 =	simm.s32 @!p0 $0x108  }
0x21: {  	s3 =	sadd.s32 s3, s9;
	s6 =	sadd.s32 @!p0 $0x88, s6;
	s7 =	simm.s32 @p2 $0x1082  }
0x22: {  	[simem:s7], [sflag:s8] =	dma.local @!p0 [hbm:s6], $0xF7A  }
0x23: {  	s9 =	sor.u32 $0xD0000000, s2;
	s6 =	simm.s32 $0x108;
	_ =	swait.ge @!p0 [sflag:s8], $0x0  }
0x24: {  	s3 =	sadd.s32 $0x88, s3;
	s6 =	simm.s32 @!p1 $0x1082;
	[sflag:s4] =	ssyncset.s32 $0xFFFFF086  }
0x25: {  	[simem:s6], [sflag:s4] =	dma.local [hbm:s3], $0xF7A  }
0x26: {  	[smem:$0x3F9C] =	sst s1;
	(tag) =	ssettag s2;
	_ =	strace s9  }
0x27: {  	s1 =	sld [smem:$0x3FAC]  }
0x28: {  	s2 =	sld [smem:$0x3FAD]  }
0x29: {  	s4 =	sld [smem:$0x3FAF]  }
0x2a: {  	p0 =	seq.s32 s5, $0x0;
	s5 =	sld [smem:$0x3FB0]  }
0x2b: {  	s6 =	sld [smem:$0x3FB1]  }
0x2c: {  	s7 =	sld [smem:$0x3FB2]  }
0x2d: {  	s3 =	simm.s32 $0x108;
	s8 =	sld [smem:$0x3FB3]  }
0x2e: {  	s3 =	simm.s32 @!p0 $0x1082;
	s9 =	sld [smem:$0x3FB4]  }
0x2f: {  	lr =	sadd.s32 s0, s3;
	s0 =	sld [smem:$0x3FAB]  }
0x30: {  	s3 =	sld [smem:$0x3FAE]  }
0x31: {  	[smem:$0x3FB7] =	sst s10  }
0x32: {  	s10 =	sld [smem:$0x3FB5];
	_ =	sdelay $0x3  }
0x33: {  	p0 =	seq.s32 s10, $0x1;
	s10 =	sld [smem:$0x3FB7];
	_ =	sdelay $0x3  }
0x34: {  	[smem:$0x3FB7] =	sst s10  }
0x35: {  	s10 =	sld [smem:$0x3FB6];
	_ =	sdelay $0x3  }
0x36: {  	p1 =	seq.s32 s10, $0x1;
	s10 =	sld [smem:$0x3FB7];
	_ =	sdelay $0x3  }
0x37: {  	[smem:$0x3FB7] =	sst s10  }
0x38: {  	s10 =	sld [smem:$0x3FB8]  }
0x39: {  	_ = 	snop;
	(pc) =	sbr.ind lr, $3  }
0x3a: {  	_ = 	snop  }
0x3b: {  	_ = 	snop  }
0x3c: {  	p2 =	seq.s32 s10, $0x1;
	s10 =	sld [smem:$0x3FB7]  }
0x3d: {  	_ =	shalt  }
0x3e: {  	_ =	shalt  }
0x3f: {  	_ =	shalt  }
0x40: {  	_ =	shalt  }
0x41: {  	_ =	shalt  }
0x42: {  	_ =	shalt  }
0x43: {  	_ =	shalt  }
0x44: {  	_ =	shalt  }
0x45: {  	_ =	shalt  }
0x46: {  	_ =	shalt  }
0x47: {  	_ =	shalt  }
0x48: {  	_ =	shalt  }
0x49: {  	_ =	shalt  }
0x4a: {  	_ =	shalt  }
0x4b: {  	_ =	shalt  }
0x4c: {  	_ =	shalt  }
0x4d: {  	_ =	shalt  }
0x4e: {  	_ =	shalt  }
0x4f: {  	_ =	shalt  }
0x50: {  	_ =	shalt  }
0x51: {  	_ =	shalt  }
0x52: {  	_ =	shalt  }
0x53: {  	_ =	shalt  }
0x54: {  	_ =	shalt  }
0x55: {  	_ =	shalt  }
0x56: {  	_ =	shalt  }
0x57: {  	_ =	shalt  }
0x58: {  	_ =	shalt  }
0x59: {  	_ =	shalt  }
0x5a: {  	_ =	shalt  }
0x5b: {  	_ =	shalt  }
0x5c: {  	_ =	shalt  }
0x5d: {  	_ =	shalt  }
0x5e: {  	_ =	shalt  }
0x5f: {  	_ =	shalt  }
0x60: {  	_ =	shalt  }
0x61: {  	_ =	shalt  }
0x62: {  	_ =	shalt  }
0x63: {  	_ =	shalt  }
0x64: {  	_ =	shalt  }
0x65: {  	_ =	shalt  }
0x66: {  	_ =	shalt  }
0x67: {  	_ =	shalt  }
0x68: {  	_ =	shalt  }
0x69: {  	_ =	shalt  }
0x6a: {  	_ =	shalt  }
0x6b: {  	_ =	shalt  }
0x6c: {  	_ =	shalt  }
0x6d: {  	_ =	shalt  }
0x6e: {  	_ =	shalt  }
0x6f: {  	_ =	shalt  }
0x70: {  	_ =	shalt  }
0x71: {  	_ =	shalt  }
0x72: {  	_ =	shalt  }
0x73: {  	_ =	shalt  }
0x74: {  	_ =	shalt  }
0x75: {  	_ =	shalt  }
0x76: {  	_ =	shalt  }
0x77: {  	_ =	shalt  }
0x78: {  	_ =	shalt  }
0x79: {  	_ =	shalt  }
0x7a: {  	_ =	shalt  }
0x7b: {  	_ =	shalt  }
0x7c: {  	_ =	shalt  }
0x7d: {  	_ =	shalt  }
0x7e: {  	_ =	shalt  }
0x7f: {  	_ =	shalt  }
0x80: {  	_ =	shalt  }
0x81: {  	_ =	shalt  }
0x82: {  	_ =	shalt  }
0x83: {  	_ =	shalt  }
0x84: {  	_ =	shalt  }
0x85: {  	_ =	shalt  }
0x86: {  	_ =	shalt  }
0x87: {  	_ =	shalt  }
.Lfunc_end0:
.L_simem_size_0:
called_computation_lowered:
.L_overlay_start_0:
0x88: {  	s2 =	sld [smem:$0x3FD9]  }
0x89: {  	s3 =	sld [smem:$0x3FFE];
	_ =	sdelay $0x1  }
0x8a: {  	s1 =	srdreg.scid  }
0x8b: {  	s0 =	sand.u32 $0x1, s1  }
0x8c: {  	s17 =	sshll.u32 s0, $0xA;
	s2 =	sadd.s32 s3, s2  }
0x8d: {  	s2 =	sadd.s32 s2, s17  }
0x8e: {  	[smem:$0x3FC3] =	sst s2  }
0x8f: {  	_ = 	snop  }
0x90: {  	s2 =	sld [smem:$0x3FD0];
	(tm) =	ssettm $0x1  }
0x91: {  	s18 =	sld [smem:$0x3FFB];
	_ =	sdelay $0x3  }
0x92: {  	_ =	strace s18  }
0x93: {  	s3 =	sld [smem:$0x3FFC];
	_ =	sdelay $0x3  }
0x94: {  	_ =	strace s3  }
0x95: {  	s3 =	sld [smem:$0x3FFD];
	_ =	sdelay $0x3  }
0x96: {  	_ =	strace s3  }
0x97: {  	_ =	strace $0x8FFFFFFF  }
0x98: {  	s19 =	sld [smem:$0x3FDB];
	_ =	sdelay $0x1  }
0x99: {  	s4 =	simm.s32 $_scs_section_size  }
0x9a: {  	s5 =	simm.s32 $_size__tile_overlayer_lowered;
	s6 =	simm.s32 $_tile_overlayer_lowered  }
0x9b: {  	s22 =	simm.s32 $0x1BFF;
	s21 =	sshll.u32 s6, $0x1;
	s3 =	sadd.s32 s4, s19  }
0x9c: {  	s7 =	simm.s32 $0x0;
	s20 =	sshll.u32 s5, $0x1;
	s5 =	sadd.s32 s21, s3  }
0x9d: {  	[timem:s7], [sflag:s22] =	dma.local [hbm:s5], s20  }
0x9e: {  	_ =	swait.ge [sflag:s22], s20  }
0x9f: {  	s4 =	ssub.s32 $0x0, s20;
	[sflag:s22] =	ssyncset.done $0x0  }
0xa0: {  	[sflag:s22] =	ssyncadd.s32 s4;
	_ =	sdelay $0x1  }
0xa1: {  	s23 =	simm.s32 $0x1B8B  }
0xa2: {  	_ =	swait.ge [sflag:s23], $0x1  }
0xa3: {  	[sflag:s23] =	ssyncset.done $0x0  }
0xa4: {  	s25 =	simm.s32 $0x1B8E;
	s24 =	sld [smem:$0x3FFE];
	[sflag:s23] =	ssyncadd.s32 $0xFFFFFFFF  }
0xa5: {  	s26 =	simm.s32 $execute0_lowered;
	[smem:$0x3FD2] =	sst s25  }
0xa6: {  	s5 =	sshll.u32 s26, $0x1;
	_ =	strace $0x80000046;
	[dreg:$0x1] =	wrdreg $0xFFFFFFFF  }
0xa7: {  	s28 =	simm.s32 $_size_execute0_lowered;
	s3 =	sadd.s32 s3, s5;
	[dreg:$0x0] =	wrdreg $0x0  }
0xa8: {  	s5 =	sshll.u32 s28, $0x1;
	[dreg:$0x2] =	wrdreg s3  }
0xa9: {  	[dreg:$0x3] =	wrdreg s5  }
0xaa: {  	[dreg:$0x4] =	wrdreg $0xC0  }
0xab: {  	_ =	task [dreg:s7], $0x5FFFF  }
0xac: {  	[dreg:$0x1] =	wrdreg $0xFFFFFFFF  }
0xad: {  	[dreg:$0x0] =	wrdreg $0x60  }
0xae: {  	[dreg:$0x2] =	wrdreg s24  }
0xaf: {  	[dreg:$0x3] =	wrdreg s2  }
0xb0: {  	[dreg:$0x4] =	wrdreg $0x1E8000  }
0xb1: {  	[dreg:$0x5] =	wrdreg $0x9  }
0xb2: {  	_ =	task.clear_ibuf [dreg:s7], $0x6FFFF;
	_ =	strace $0x90000046  }
0xb3: {  	s29 =	simm.s32 $0x9;
	_ =	strace $0x80000058  }
0xb4: {  	_ =	swait.ge [sflag:s29], $0x1  }
0xb5: {  	[sflag:s29] =	ssyncadd.s32 $0xFFFFFFFF  }
0xb6: {  	_ =	strace $0x90000058  }
0xb7: {  	_ =	sfence  }
0xb8: {  	s30 =	sld [smem:$0x0];
	_ =	sdelay $0x2  }
0xb9: {  	s31 =	sshll.u32 s1, $0xD;
	s1 =	sshrl.u32 s1, $0x2  }
0xba: {  	s3 =	sand.u32 $0x4000, s31;
	s1 =	sadd.s32 s1, s30  }
0xbb: {  	s0 =	sor.u32 s3, s0;
	s1 =	sshll.u32 s1, $0x11  }
0xbc: {  	s0 =	sor.u32 s1, s0  }
0xbd: {  	s0 =	sadd.s32 $0x8F2B, s0  }
0xbe: {  	[sflag:s0] =	ssyncadd.remote.s32 $0x1  }
0xbf: {  	_ =	sfence.sel $0xFFFF  }
0xc0: {  	[dreg:$0x0] =	wrdreg $0xFFFFFFFF;
	(pc) =	sbr.abs _section_cstart, $3  }
0xc1: {  	[dreg:$0x1] =	wrdreg $0xFFFFFFFF  }
0xc2: {  	_ =	task.clear_ibuf [dreg:s7], $0x2FFFF;
	_ =	strace $0x9FFFFFFF  }
0xc3: {  	(tm) =	ssettm $0x7FFFFFFF  }
tec
execute0_lowered:
.L_overlay_start_1:
0x0: {  	(tag) =	ssettag $0x1  }
0x1: {  	s0 =	rddreg [dreg:$0x0]  }
0x2: {  	s1 =	rddreg [dreg:$0x1]  }
0x3: {  	s2 =	rddreg [dreg:$0x2]  }
0x4: {  	s4 =	srdreg.scid;
	s16 =	stileid.u32  }
0x5: {  	s3 =	simm.s32 $0x0;
	s15 =	simm.s32 $0x7;
	s18 =	simm.s32 $0x80  }
0x6: {  	s19 =	simm.s32 $0x800;
	s20 =	simm.s32 $0x4800;
	s22 =	simm.s32 $0x8800  }
0x7: {  	s30 =	simm.s32 $0x1;
	s31 =	simm.s32 $0x18800;
	s21 =	simm.s32 $0x2  }
0x8: {  	s28 =	simm.s32 $0x5;
	s29 =	simm.s32 $0x0;
	s4 =	sand.u32 $0x1, s4  }
0x9: {  	s5 =	sshll.u32 s16, $0x1;
	[smem:$0x7FF] =	sst s3;
	s7 =	sshll.u32 s16, $0x9  }
0xa: {  	s23 =	sshll.u32 s16, $0xC;
	s26 =	sshll.u32 s16, $0x6;
	s5 =	sor.u32 s4, s5  }
0xb: {  	_ =	strace $0x80000047;
	s4 =	ssub.s32 $0x2, s4;
	s24 =	sadd.s32 s23, s2  }
0xc: {  	s16 =	sor.u32 $0x1C07, s26;
	s23 =	simm.s32 $0x1A800;
	s26 =	simm.s32 $0x6  }
0xd: {  	s6 =	sshll.u32 s5, $0x8;
	s8 =	sshrl.u32 s4, $0x1;
	s5 =	sshll.u32 s5, $0xD  }
0xe: {  	s17 =	sshrl.u32 s24, $0x3;
	s24 =	simm.s32 $0xC800;
	s6 =	sadd.s32 s6, s0  }
0xf: {  	s0 =	sadd.s32 s7, s0;
	s4 =	ssub.s32 s4, s8;
	s5 =	sadd.s32 s1, s5  }
0x10: {  	s6 =	sadd.s32 $0x400, s6;
	s0 =	sadd.s32 $0x2400, s0;
	s25 =	sadd.s32 $0x400, s5  }
0x11: {  	s8 =	sadd.s32 $0x800, s5;
	s9 =	sadd.s32 $0xC00, s5;
	s10 =	sadd.s32 $0x1000, s5  }
0x12: {  	s11 =	sadd.s32 $0x1400, s5;
	s12 =	sadd.s32 $0x1800, s5;
	[dreg:$0x4] =	wrdreg s6  }
0x13: {  	s13 =	sadd.s32 $0x1C00, s5;
	s14 =	smax.u32 s4, $0x1;
	[dreg:$0x5] =	wrdreg s0  }
0x14: {  	[dreg:$0x6] =	wrdreg s25;
	s0 =	simm.s32 $0x3;
	s25 =	simm.s32 $0x4  }
.LBB2_1:
0x15: {  	s1 =	rddreg [dreg:$0x4]  }
0x16: {  	[tilespmem:s3], [sflag:$0x7] =	stream.linear.gather [hbm4b:s1+s3], $0x800, $0x38;
	[tilespmem:$0x1F800] =	vst v63  }
0x17: {  	_ =	swait.ge [sflag:s15], $0x800  }
0x18: {  	[sflag:s15] =	ssyncset.done $0x0  }
0x19: {  	s7 =	rddreg [dreg:$0x5];
	[sflag:s15] =	ssyncadd.s32 $0xFFFFF800  }
0x1a: {  	[spmem:s17], [sflag:s16] =	dma.local [hbm:s7], $0x200  }
0x1b: {  	_ =	swait.ge [sflag:s15], $0x200  }
0x1c: {  	[sflag:s15] =	ssyncset.done $0x0  }
0x1d: {  	[sflag:s15] =	ssyncadd.s32 $0xFFFFFE00  }
0x1e: {  	[bflag:$0x0] =	sbarrier.arrive $0xFFFF  }
0x1f: {  	[tilespmem:s19], [sflag:$0x1] =	stream.indirect.gather [spmem:s2], $0x80, s3, s18, $0xb8;
	[tilespmem:$0x1F800] =	vst v63  }
0x20: {  	_ = 	snop  }
0x21: {  	[tilespmem:s20], [sflag:$0x1] =	stream.indirect.gather [spmem:s2], $0x80, s18, s18, $0xb8;
	[tilespmem:$0x1F800] =	vst v63  }
0x22: {  	s4 =	simm.s32 $0x100  }
0x23: {  	[tilespmem:s22], [sflag:$0x2] =	stream.indirect.gather [spmem:s2], $0x80, s4, s18, $0xb8;
	[tilespmem:$0x1F800] =	vst v63  }
0x24: {  	s6 =	simm.s32 $0x180  }
0x25: {  	[tilespmem:s24], [sflag:$0x2] =	stream.indirect.gather [spmem:s2], $0x80, s6, s18, $0xb8;
	[tilespmem:$0x1F800] =	vst v63  }
0x26: {  	s7 =	simm.s32 $0x200;
	s4 =	simm.s32 $0x10800  }
0x27: {  	[tilespmem:s4], [sflag:$0x3] =	stream.indirect.gather [spmem:s2], $0x80, s7, s18, $0xb8;
	[tilespmem:$0x1F800] =	vst v63  }
0x28: {  	s6 =	simm.s32 $0x280;
	s7 =	simm.s32 $0x14800  }
0x29: {  	[tilespmem:s7], [sflag:$0x3] =	stream.indirect.gather [spmem:s2], $0x80, s6, s18, $0xb8;
	[tilespmem:$0x1F800] =	vst v63  }
0x2a: {  	_ =	strace $0x80000048  }
0x2b: {  	_ =	swait.ge [sflag:s30], $0x4000  }
0x2c: {  	[sflag:s30] =	ssyncset.done $0x0  }
0x2d: {  	[sflag:s30] =	ssyncadd.s32 $0xFFFFC000  }
0x2e: {  	_ =	swait.ge [sflag:s30], $0x4000  }
0x2f: {  	[sflag:s30] =	ssyncset.done $0x0  }
0x30: {  	[sflag:s30] =	ssyncadd.s32 $0xFFFFC000  }
0x31: {  	_ =	strace $0x90000048  }
0x32: {  	s1 =	simm.s32 $0x0;
	_ =	strace $0x80000049  }
0x33: {  	v0 =	vld [tilespmem:s1+$0x8F0]  }
0x34: {  	v1 =	vld [tilespmem:s1+$0x28F0]  }
0x35: {  	v2 =	vld [tilespmem:s1+$0x800]  }
0x36: {  	v3 =	vld [tilespmem:s1+$0x48F0]  }
0x37: {  	v4 =	vld [tilespmem:s1+$0x2800]  }
0x38: {  	v5 =	vld [tilespmem:s1+$0x68F0]  }
0x39: {  	v6 =	vld [tilespmem:s1+$0x810]  }
0x3a: {  	v7 =	vld [tilespmem:s1+$0x2810]  }
0x3b: {  	v8 =	vld [tilespmem:s1+$0x820]  }
0x3c: {  	v9 =	vld [tilespmem:s1+$0x2820]  }
0x3d: {  	v10 =	vld [tilespmem:s1+$0x830]  }
0x3e: {  	v11 =	vld [tilespmem:s1+$0x2830]  }
0x3f: {  	v12 =	vld [tilespmem:s1+$0x840]  }
0x40: {  	v13 =	vld [tilespmem:s1+$0x850]  }
0x41: {  	v14 =	vld [tilespmem:s1+$0x860]  }
0x42: {  	v15 =	vld [tilespmem:s1+$0x870]  }
0x43: {  	v16 =	vld [tilespmem:s1+$0x880]  }
0x44: {  	v17 =	vld [tilespmem:s1+$0x2880]  }
0x45: {  	v18 =	vld [tilespmem:s1+$0x890]  }
0x46: {  	v19 =	vld [tilespmem:s1+$0x2890]  }
0x47: {  	v20 =	vld [tilespmem:s1+$0x8A0]  }
0x48: {  	v21 =	vld [tilespmem:s1+$0x28A0]  }
0x49: {  	v22 =	vld [tilespmem:s1+$0x8B0]  }
0x4a: {  	v23 =	vld [tilespmem:s1+$0x28B0]  }
0x4b: {  	v24 =	vld [tilespmem:s1+$0x8C0]  }
0x4c: {  	v25 =	vld [tilespmem:s1+$0x28C0]  }
0x4d: {  	v26 =	vld [tilespmem:s1+$0x8D0]  }
0x4e: {  	v27 =	vld [tilespmem:s1+$0x28D0]  }
0x4f: {  	v28 =	vld [tilespmem:s1+$0x8E0]  }
0x50: {  	v29 =	vld [tilespmem:s1+$0x28E0]  }
0x51: {  	v30 =	vld [tilespmem:s1+$0x4800]  }
0x52: {  	v31 =	vld [tilespmem:s1+$0x4810]  }
0x53: {  	v32 =	vld [tilespmem:s1+$0x4820]  }
0x54: {  	v33 =	vld [tilespmem:s1+$0x4830]  }
0x55: {  	v34 =	vld [tilespmem:s1+$0x4840]  }
0x56: {  	v35 =	vld [tilespmem:s1+$0x4850]  }
0x57: {  	v36 =	vld [tilespmem:s1+$0x4860]  }
0x58: {  	v37 =	vld [tilespmem:s1+$0x4870]  }
0x59: {  	v38 =	vld [tilespmem:s1+$0x4880]  }
0x5a: {  	v50 =	vld [tilespmem:s1+$0x6800]  }
0x5b: {  	v53 =	vld [tilespmem:s1+$0x6810]  }
0x5c: {  	v56 =	vld [tilespmem:s1+$0x6820]  }
0x5d: {  	v57 =	vld [tilespmem:s1+$0x6830];
	v0 =	vadd.f32 v1, v0;
	v2 =	vadd.f32 v4, v2  }
0x5e: {  	v58 =	vld [tilespmem:s1+$0x6840];
	v6 =	vadd.f32 v7, v6;
	v7 =	vadd.f32 v9, v8  }
0x5f: {  	v1 =	vld [tilespmem:s1+$0x2840];
	v9 =	vadd.f32 v11, v10;
	v51 =	vadd.f32 v23, v22  }
0x60: {  	v59 =	vld [tilespmem:s1+$0x6850];
	v52 =	vadd.f32 v25, v24;
	v0 =	vadd.f32 v3, v0  }
0x61: {  	v54 =	vadd.f32 v27, v26;
	v55 =	vadd.f32 v29, v28;
	v3 =	vld [tilespmem:s1+$0x2850]  }
0x62: {  	v2 =	vadd.f32 v30, v2;
	v0 =	vadd.f32 v5, v0;
	v5 =	vld [tilespmem:s1+$0x2860]  }
0x63: {  	v61 =	vld [tilespmem:s1+$0x6860];
	v6 =	vadd.f32 v31, v6;
	v7 =	vadd.f32 v32, v7  }
0x64: {  	v9 =	vadd.f32 v33, v9;
	v1 =	vadd.f32 v1, v12;
	[tilespmem:s1+$0x188F0] =	vst v0;
	v0 =	vld [tilespmem:s1+$0x2870]  }
0x65: {  	v4 =	vld [tilespmem:s1+$0x4890];
	v2 =	vadd.f32 v50, v2;
	v12 =	vadd.f32 v17, v16  }
0x66: {  	v8 =	vld [tilespmem:s1+$0x48A0];
	v3 =	vadd.f32 v3, v13;
	v1 =	vadd.f32 v34, v1  }
0x67: {  	v10 =	vld [tilespmem:s1+$0x48B0];
	v63 =	vadd.f32 v38, v12;
	v5 =	vadd.f32 v5, v14  }
0x68: {  	v11 =	vld [tilespmem:s1+$0x48C0];
	v14 =	vadd.f32 v19, v18;
	v60 =	vadd.f32 v35, v3  }
0x69: {  	[tilespmem:s1+$0x18800] =	vst v2;
	v2 =	vld [tilespmem:s1+$0x48E0];
	v0 =	vadd.f32 v0, v15;
	v15 =	vadd.f32 v21, v20  }
0x6a: {  	v13 =	vld [tilespmem:s1+$0x48D0];
	v3 =	vadd.f32 v4, v14;
	v4 =	vadd.f32 v57, v9  }
0x6b: {  	v12 =	vld [tilespmem:s1+$0x6870];
	v62 =	vadd.f32 v37, v0;
	v0 =	vadd.f32 v53, v6  }
0x6c: {  	v5 =	vadd.f32 v36, v5;
	v14 =	vld [tilespmem:s1+$0x6880];
	v6 =	vadd.f32 v56, v7;
	[tilespmem:s1+$0x18830] =	vst v4  }
0x6d: {  	v7 =	vld [tilespmem:s1+$0x6890];
	[tilespmem:s1+$0x18810] =	vst v0;
	v0 =	vadd.f32 v8, v15;
	v8 =	vadd.f32 v58, v1  }
0x6e: {  	v9 =	vadd.f32 v59, v60;
	v2 =	vadd.f32 v2, v55;
	[tilespmem:s1+$0x18820] =	vst v6;
	v6 =	vld [tilespmem:s1+$0x68A0]  }
0x6f: {  	v1 =	vadd.f32 v10, v51;
	v10 =	vadd.f32 v61, v5;
	[tilespmem:s1+$0x18840] =	vst v8;
	v8 =	vld [tilespmem:s1+$0x68B0]  }
0x70: {  	v4 =	vadd.f32 v11, v52;
	[tilespmem:s1+$0x18850] =	vst v9;
	v9 =	vld [tilespmem:s1+$0x68C0];
	v12 =	vadd.f32 v12, v62  }
0x71: {  	s4 =	simm.s32 $0x0;
	s6 =	simm.s32 $0x400;
	v5 =	vadd.f32 v13, v54;
	v11 =	vadd.f32 v14, v63;
	[tilespmem:s1+$0x18860] =	vst v10;
	v10 =	vld [tilespmem:s1+$0x68D0]  }
.LBB2_2:
0x72: {  	s7 =	sshra.s32 s6, $0x2;
	[tilespmem:s1+$0x18870] =	vst v12;
	v3 =	vadd.f32 v7, v3;
	v7 =	vld [tilespmem:s1+$0x68E0]  }
0x73: {  	s4 =	sadd.s32 $0x2, s4;
	v12 =	vld [tilespmem:s7+$0x8F0];
	[tilespmem:s1+$0x18880] =	vst v11;
	v0 =	vadd.f32 v6, v0  }
0x74: {  	p0 =	slt.u32 s4, $0x3E;
	v6 =	vld [tilespmem:s7+$0x28F0];
	[tilespmem:s1+$0x18890] =	vst v3;
	v1 =	vadd.f32 v8, v1  }
0x75: {  	v3 =	vld [tilespmem:s7+$0x800];
	[tilespmem:s1+$0x188A0] =	vst v0;
	v0 =	vadd.f32 v9, v4  }
0x76: {  	v4 =	vld [tilespmem:s7+$0x48F0];
	[tilespmem:s1+$0x188B0] =	vst v1;
	v1 =	vadd.f32 v10, v5  }
0x77: {  	v5 =	vld [tilespmem:s7+$0x2800];
	[tilespmem:s1+$0x188C0] =	vst v0;
	v0 =	vadd.f32 v7, v2  }
0x78: {  	v2 =	vld [tilespmem:s7+$0x68F0];
	[tilespmem:s1+$0x188D0] =	vst v1  }
0x79: {  	v1 =	vld [tilespmem:s7+$0x810];
	v6 =	vadd.f32 v6, v12;
	[tilespmem:s1+$0x188E0] =	vst v0;
	s1 =	smov.u32 s7  }
0x7a: {  	v0 =	vld [tilespmem:s1+$0x2810]  }
0x7b: {  	v7 =	vld [tilespmem:s1+$0x820];
	v4 =	vadd.f32 v4, v6  }
0x7c: {  	v3 =	vadd.f32 v5, v3;
	v5 =	vld [tilespmem:s1+$0x2820]  }
0x7d: {  	v6 =	vld [tilespmem:s1+$0x830];
	v2 =	vadd.f32 v2, v4  }
0x7e: {  	v4 =	vld [tilespmem:s1+$0x2830]  }
0x7f: {  	v0 =	vadd.f32 v0, v1;
	v1 =	vld [tilespmem:s1+$0x840];
	[tilespmem:s1+$0x188F0] =	vst v2  }
0x80: {  	v2 =	vld [tilespmem:s1+$0x2840]  }
0x81: {  	v5 =	vadd.f32 v5, v7;
	v7 =	vld [tilespmem:s1+$0x850]  }
0x82: {  	v8 =	vld [tilespmem:s1+$0x2850]  }
0x83: {  	v4 =	vadd.f32 v4, v6;
	v6 =	vld [tilespmem:s1+$0x860]  }
0x84: {  	v9 =	vld [tilespmem:s1+$0x2860]  }
0x85: {  	v1 =	vadd.f32 v2, v1;
	v2 =	vld [tilespmem:s1+$0x870]  }
0x86: {  	v10 =	vld [tilespmem:s1+$0x2870]  }
0x87: {  	v7 =	vadd.f32 v8, v7;
	v8 =	vld [tilespmem:s1+$0x880]  }
0x88: {  	v11 =	vld [tilespmem:s1+$0x2880]  }
0x89: {  	v6 =	vadd.f32 v9, v6;
	v9 =	vld [tilespmem:s1+$0x890]  }
0x8a: {  	v12 =	vld [tilespmem:s1+$0x2890]  }
0x8b: {  	v2 =	vadd.f32 v10, v2;
	v10 =	vld [tilespmem:s1+$0x8A0]  }
0x8c: {  	v13 =	vld [tilespmem:s1+$0x28A0]  }
0x8d: {  	v8 =	vadd.f32 v11, v8;
	v11 =	vld [tilespmem:s1+$0x8B0]  }
0x8e: {  	v14 =	vld [tilespmem:s1+$0x28B0]  }
0x8f: {  	v9 =	vadd.f32 v12, v9;
	v12 =	vld [tilespmem:s1+$0x8C0]  }
0x90: {  	v15 =	vld [tilespmem:s1+$0x28C0]  }
0x91: {  	v10 =	vadd.f32 v13, v10;
	v13 =	vld [tilespmem:s1+$0x8D0]  }
0x92: {  	v16 =	vld [tilespmem:s1+$0x28D0]  }
0x93: {  	v11 =	vadd.f32 v14, v11;
	v14 =	vld [tilespmem:s1+$0x8E0]  }
0x94: {  	v17 =	vld [tilespmem:s1+$0x28E0]  }
0x95: {  	v18 =	vld [tilespmem:s1+$0x4800];
	v12 =	vadd.f32 v15, v12  }
0x96: {  	v15 =	vld [tilespmem:s1+$0x4810]  }
0x97: {  	v19 =	vld [tilespmem:s1+$0x4820];
	v13 =	vadd.f32 v16, v13  }
0x98: {  	v16 =	vld [tilespmem:s1+$0x4830]  }
0x99: {  	v20 =	vld [tilespmem:s1+$0x4840];
	v14 =	vadd.f32 v17, v14  }
0x9a: {  	v17 =	vadd.f32 v18, v3;
	v3 =	vld [tilespmem:s1+$0x4850]  }
0x9b: {  	v15 =	vadd.f32 v15, v0;
	v0 =	vld [tilespmem:s1+$0x4860]  }
0x9c: {  	v18 =	vadd.f32 v19, v5;
	v5 =	vld [tilespmem:s1+$0x4870]  }
0x9d: {  	v16 =	vadd.f32 v16, v4;
	v4 =	vld [tilespmem:s1+$0x4880]  }
0x9e: {  	v19 =	vadd.f32 v20, v1;
	v1 =	vld [tilespmem:s1+$0x4890]  }
0x9f: {  	v20 =	vadd.f32 v3, v7;
	v7 =	vld [tilespmem:s1+$0x48A0]  }
0xa0: {  	v21 =	vadd.f32 v0, v6;
	v6 =	vld [tilespmem:s1+$0x48B0]  }
0xa1: {  	v22 =	vadd.f32 v5, v2;
	v2 =	vld [tilespmem:s1+$0x48C0]  }
0xa2: {  	v23 =	vadd.f32 v4, v8;
	v5 =	vld [tilespmem:s1+$0x48D0]  }
0xa3: {  	v3 =	vadd.f32 v1, v9;
	v8 =	vld [tilespmem:s1+$0x48E0]  }
0xa4: {  	v9 =	vld [tilespmem:s1+$0x6800];
	v0 =	vadd.f32 v7, v10  }
0xa5: {  	v7 =	vld [tilespmem:s1+$0x6810];
	v1 =	vadd.f32 v6, v11  }
0xa6: {  	v6 =	vld [tilespmem:s1+$0x6820];
	v4 =	vadd.f32 v2, v12  }
0xa7: {  	v10 =	vld [tilespmem:s1+$0x6830];
	v5 =	vadd.f32 v5, v13  }
0xa8: {  	v11 =	vld [tilespmem:s1+$0x6840];
	v2 =	vadd.f32 v8, v14  }
0xa9: {  	v8 =	vadd.f32 v9, v17;
	v9 =	vld [tilespmem:s1+$0x6850]  }
0xaa: {  	v7 =	vadd.f32 v7, v15;
	v12 =	vld [tilespmem:s1+$0x6860]  }
0xab: {  	[tilespmem:s1+$0x18800] =	vst v8;
	v6 =	vadd.f32 v6, v18;
	v13 =	vld [tilespmem:s1+$0x6870]  }
0xac: {  	[tilespmem:s1+$0x18810] =	vst v7;
	v8 =	vadd.f32 v10, v16;
	v10 =	vld [tilespmem:s1+$0x6880]  }
.Ltmp0:
0xad: {  	[tilespmem:s1+$0x18820] =	vst v6;
	v11 =	vadd.f32 v11, v19;
	v7 =	vld [tilespmem:s1+$0x6890];
	(pc) =	sbr.rel @p0 .LBB2_2-.Ltmp0, $4  }
0xae: {  	[tilespmem:s1+$0x18830] =	vst v8;
	v9 =	vadd.f32 v9, v20;
	v6 =	vld [tilespmem:s1+$0x68A0]  }
0xaf: {  	[tilespmem:s1+$0x18840] =	vst v11;
	v11 =	vadd.f32 v12, v21;
	v8 =	vld [tilespmem:s1+$0x68B0]  }
0xb0: {  	[tilespmem:s1+$0x18850] =	vst v9;
	v12 =	vadd.f32 v13, v22;
	v9 =	vld [tilespmem:s1+$0x68C0]  }
0xb1: {  	s6 =	sadd.s32 $0x400, s6;
	[tilespmem:s1+$0x18860] =	vst v11;
	v11 =	vadd.f32 v10, v23;
	v10 =	vld [tilespmem:s1+$0x68D0]  }
0xb2: {  	[tilespmem:s1+$0x18870] =	vst v12;
	v3 =	vadd.f32 v7, v3;
	v7 =	vld [tilespmem:s1+$0x68E0]  }
0xb3: {  	[tilespmem:s1+$0x18880] =	vst v11;
	v0 =	vadd.f32 v6, v0  }
0xb4: {  	[tilespmem:s1+$0x18890] =	vst v3;
	v1 =	vadd.f32 v8, v1  }
0xb5: {  	[tilespmem:s1+$0x188A0] =	vst v0;
	v0 =	vadd.f32 v9, v4  }
0xb6: {  	[tilespmem:s1+$0x188B0] =	vst v1;
	v1 =	vadd.f32 v10, v5  }
0xb7: {  	[tilespmem:s1+$0x188C0] =	vst v0;
	v0 =	vadd.f32 v7, v2  }
0xb8: {  	[tilespmem:s1+$0x188D0] =	vst v1  }
0xb9: {  	[tilespmem:s1+$0x188E0] =	vst v0  }
0xba: {  	s4 =	simm.s32 $0x0;
	_ =	strace $0x90000049  }
0xbb: {  	[hbm4b:s5+s4] =	stream.linear.scatter [tilespmem:s31], [sflag:$0x4], $0x2000, $0x38;
	[tilespmem:$0x1F800] =	vst v63  }
0xbc: {  	s6 =	simm.s32 $0x300  }
0xbd: {  	[tilespmem:s19], [sflag:$0x1] =	stream.indirect.gather [spmem:s2], $0x80, s6, s18, $0xb8;
	[tilespmem:$0x1F800] =	vst v63  }
0xbe: {  	s7 =	simm.s32 $0x380  }
0xbf: {  	[tilespmem:s20], [sflag:$0x1] =	stream.indirect.gather [spmem:s2], $0x80, s7, s18, $0xb8;
	[tilespmem:$0x1F800] =	vst v63  }
0xc0: {  	_ =	strace $0x8000004A  }
0xc1: {  	_ =	swait.ge [sflag:s21], $0x4000  }
0xc2: {  	[sflag:s21] =	ssyncset.done $0x0  }
0xc3: {  	[sflag:s21] =	ssyncadd.s32 $0xFFFFC000  }
0xc4: {  	_ =	swait.ge [sflag:s21], $0x4000  }
0xc5: {  	[sflag:s21] =	ssyncset.done $0x0  }
0xc6: {  	[sflag:s21] =	ssyncadd.s32 $0xFFFFC000  }
0xc7: {  	_ =	strace $0x9000004A  }
0xc8: {  	s1 =	simm.s32 $0x0;
	_ =	strace $0x8000004B  }
0xc9: {  	v0 =	vld [tilespmem:s1+$0x88F0]  }
0xca: {  	v1 =	vld [tilespmem:s1+$0xA8F0]  }
0xcb: {  	v2 =	vld [tilespmem:s1+$0x8800]  }
0xcc: {  	v3 =	vld [tilespmem:s1+$0xC8F0]  }
0xcd: {  	v4 =	vld [tilespmem:s1+$0xA800]  }
0xce: {  	v5 =	vld [tilespmem:s1+$0xE8F0]  }
0xcf: {  	v6 =	vld [tilespmem:s1+$0x8810]  }
0xd0: {  	v7 =	vld [tilespmem:s1+$0xA810]  }
0xd1: {  	v8 =	vld [tilespmem:s1+$0x8820]  }
0xd2: {  	v9 =	vld [tilespmem:s1+$0xA820]  }
0xd3: {  	v10 =	vld [tilespmem:s1+$0x8830]  }
0xd4: {  	v11 =	vld [tilespmem:s1+$0xA830]  }
0xd5: {  	v12 =	vld [tilespmem:s1+$0x8840]  }
0xd6: {  	v13 =	vld [tilespmem:s1+$0x8850]  }
0xd7: {  	v14 =	vld [tilespmem:s1+$0x8860]  }
0xd8: {  	v15 =	vld [tilespmem:s1+$0x8870]  }
0xd9: {  	v16 =	vld [tilespmem:s1+$0x8880]  }
0xda: {  	v17 =	vld [tilespmem:s1+$0xA880]  }
0xdb: {  	v18 =	vld [tilespmem:s1+$0x8890]  }
0xdc: {  	v19 =	vld [tilespmem:s1+$0xA890]  }
0xdd: {  	v20 =	vld [tilespmem:s1+$0x88A0]  }
0xde: {  	v21 =	vld [tilespmem:s1+$0xA8A0]  }
0xdf: {  	v22 =	vld [tilespmem:s1+$0x88B0]  }
0xe0: {  	v23 =	vld [tilespmem:s1+$0xA8B0]  }
0xe1: {  	v24 =	vld [tilespmem:s1+$0x88C0]  }
0xe2: {  	v25 =	vld [tilespmem:s1+$0xA8C0]  }
0xe3: {  	v26 =	vld [tilespmem:s1+$0x88D0]  }
0xe4: {  	v27 =	vld [tilespmem:s1+$0xA8D0]  }
0xe5: {  	v28 =	vld [tilespmem:s1+$0x88E0]  }
0xe6: {  	v29 =	vld [tilespmem:s1+$0xA8E0]  }
0xe7: {  	v30 =	vld [tilespmem:s1+$0xC800]  }
0xe8: {  	v31 =	vld [tilespmem:s1+$0xC810]  }
0xe9: {  	v32 =	vld [tilespmem:s1+$0xC820]  }
0xea: {  	v33 =	vld [tilespmem:s1+$0xC830]  }
0xeb: {  	v34 =	vld [tilespmem:s1+$0xC840]  }
0xec: {  	v35 =	vld [tilespmem:s1+$0xC850]  }
0xed: {  	v36 =	vld [tilespmem:s1+$0xC860]  }
0xee: {  	v37 =	vld [tilespmem:s1+$0xC870]  }
0xef: {  	v38 =	vld [tilespmem:s1+$0xC880]  }
0xf0: {  	v50 =	vld [tilespmem:s1+$0xE800]  }
0xf1: {  	v53 =	vld [tilespmem:s1+$0xE810]  }
0xf2: {  	v56 =	vld [tilespmem:s1+$0xE820]  }
0xf3: {  	v57 =	vld [tilespmem:s1+$0xE830];
	v0 =	vadd.f32 v1, v0;
	v2 =	vadd.f32 v4, v2  }
0xf4: {  	v58 =	vld [tilespmem:s1+$0xE840];
	v6 =	vadd.f32 v7, v6;
	v7 =	vadd.f32 v9, v8  }
0xf5: {  	v1 =	vld [tilespmem:s1+$0xA840];
	v9 =	vadd.f32 v11, v10;
	v51 =	vadd.f32 v23, v22  }
0xf6: {  	v59 =	vld [tilespmem:s1+$0xE850];
	v52 =	vadd.f32 v25, v24;
	v0 =	vadd.f32 v3, v0  }
0xf7: {  	v54 =	vadd.f32 v27, v26;
	v55 =	vadd.f32 v29, v28;
	v3 =	vld [tilespmem:s1+$0xA850]  }
0xf8: {  	v2 =	vadd.f32 v30, v2;
	v0 =	vadd.f32 v5, v0;
	v5 =	vld [tilespmem:s1+$0xA860]  }
0xf9: {  	v61 =	vld [tilespmem:s1+$0xE860];
	v6 =	vadd.f32 v31, v6;
	v7 =	vadd.f32 v32, v7  }
0xfa: {  	v9 =	vadd.f32 v33, v9;
	v1 =	vadd.f32 v1, v12;
	[tilespmem:s1+$0x1A8F0] =	vst v0;
	v0 =	vld [tilespmem:s1+$0xA870]  }
0xfb: {  	v4 =	vld [tilespmem:s1+$0xC890];
	v2 =	vadd.f32 v50, v2;
	v12 =	vadd.f32 v17, v16  }
0xfc: {  	v8 =	vld [tilespmem:s1+$0xC8A0];
	v3 =	vadd.f32 v3, v13;
	v1 =	vadd.f32 v34, v1  }
0xfd: {  	v10 =	vld [tilespmem:s1+$0xC8B0];
	v63 =	vadd.f32 v38, v12;
	v5 =	vadd.f32 v5, v14  }
0xfe: {  	v11 =	vld [tilespmem:s1+$0xC8C0];
	v14 =	vadd.f32 v19, v18;
	v60 =	vadd.f32 v35, v3  }
0xff: {  	[tilespmem:s1+$0x1A800] =	vst v2;
	v2 =	vld [tilespmem:s1+$0xC8E0];
	v0 =	vadd.f32 v0, v15;
	v15 =	vadd.f32 v21, v20  }
0x100: {  	v13 =	vld [tilespmem:s1+$0xC8D0];
	v3 =	vadd.f32 v4, v14;
	v4 =	vadd.f32 v57, v9  }
0x101: {  	v12 =	vld [tilespmem:s1+$0xE870];
	v62 =	vadd.f32 v37, v0;
	v0 =	vadd.f32 v53, v6  }
0x102: {  	v5 =	vadd.f32 v36, v5;
	v14 =	vld [tilespmem:s1+$0xE880];
	v6 =	vadd.f32 v56, v7;
	[tilespmem:s1+$0x1A830] =	vst v4  }
0x103: {  	v7 =	vld [tilespmem:s1+$0xE890];
	[tilespmem:s1+$0x1A810] =	vst v0;
	v0 =	vadd.f32 v8, v15;
	v8 =	vadd.f32 v58, v1  }
0x104: {  	v9 =	vadd.f32 v59, v60;
	v2 =	vadd.f32 v2, v55;
	[tilespmem:s1+$0x1A820] =	vst v6;
	v6 =	vld [tilespmem:s1+$0xE8A0]  }
0x105: {  	v1 =	vadd.f32 v10, v51;
	v10 =	vadd.f32 v61, v5;
	[tilespmem:s1+$0x1A840] =	vst v8;
	v8 =	vld [tilespmem:s1+$0xE8B0]  }
0x106: {  	v4 =	vadd.f32 v11, v52;
	[tilespmem:s1+$0x1A850] =	vst v9;
	v9 =	vld [tilespmem:s1+$0xE8C0];
	v12 =	vadd.f32 v12, v62  }
0x107: {  	s4 =	simm.s32 $0x0;
	s6 =	simm.s32 $0x400;
	v5 =	vadd.f32 v13, v54;
	v11 =	vadd.f32 v14, v63;
	[tilespmem:s1+$0x1A860] =	vst v10;
	v10 =	vld [tilespmem:s1+$0xE8D0]  }
.LBB2_4:
0x108: {  	s7 =	sshra.s32 s6, $0x2;
	[tilespmem:s1+$0x1A870] =	vst v12;
	v3 =	vadd.f32 v7, v3;
	v7 =	vld [tilespmem:s1+$0xE8E0]  }
0x109: {  	s4 =	sadd.s32 $0x2, s4;
	v12 =	vld [tilespmem:s7+$0x88F0];
	[tilespmem:s1+$0x1A880] =	vst v11;
	v0 =	vadd.f32 v6, v0  }
0x10a: {  	p0 =	slt.u32 s4, $0x3E;
	v6 =	vld [tilespmem:s7+$0xA8F0];
	[tilespmem:s1+$0x1A890] =	vst v3;
	v1 =	vadd.f32 v8, v1  }
0x10b: {  	v3 =	vld [tilespmem:s7+$0x8800];
	[tilespmem:s1+$0x1A8A0] =	vst v0;
	v0 =	vadd.f32 v9, v4  }
0x10c: {  	v4 =	vld [tilespmem:s7+$0xC8F0];
	[tilespmem:s1+$0x1A8B0] =	vst v1;
	v1 =	vadd.f32 v10, v5  }
0x10d: {  	v5 =	vld [tilespmem:s7+$0xA800];
	[tilespmem:s1+$0x1A8C0] =	vst v0;
	v0 =	vadd.f32 v7, v2  }
0x10e: {  	v2 =	vld [tilespmem:s7+$0xE8F0];
	[tilespmem:s1+$0x1A8D0] =	vst v1  }
0x10f: {  	v1 =	vld [tilespmem:s7+$0x8810];
	v6 =	vadd.f32 v6, v12;
	[tilespmem:s1+$0x1A8E0] =	vst v0;
	s1 =	smov.u32 s7  }
0x110: {  	v0 =	vld [tilespmem:s1+$0xA810]  }
0x111: {  	v7 =	vld [tilespmem:s1+$0x8820];
	v4 =	vadd.f32 v4, v6  }
0x112: {  	v3 =	vadd.f32 v5, v3;
	v5 =	vld [tilespmem:s1+$0xA820]  }
0x113: {  	v6 =	vld [tilespmem:s1+$0x8830];
	v2 =	vadd.f32 v2, v4  }
0x114: {  	v4 =	vld [tilespmem:s1+$0xA830]  }
0x115: {  	v0 =	vadd.f32 v0, v1;
	v1 =	vld [tilespmem:s1+$0x8840];
	[tilespmem:s1+$0x1A8F0] =	vst v2  }
0x116: {  	v2 =	vld [tilespmem:s1+$0xA840]  }
0x117: {  	v5 =	vadd.f32 v5, v7;
	v7 =	vld [tilespmem:s1+$0x8850]  }
0x118: {  	v8 =	vld [tilespmem:s1+$0xA850]  }
0x119: {  	v4 =	vadd.f32 v4, v6;
	v6 =	vld [tilespmem:s1+$0x8860]  }
0x11a: {  	v9 =	vld [tilespmem:s1+$0xA860]  }
0x11b: {  	v1 =	vadd.f32 v2, v1;
	v2 =	vld [tilespmem:s1+$0x8870]  }
0x11c: {  	v10 =	vld [tilespmem:s1+$0xA870]  }
0x11d: {  	v7 =	vadd.f32 v8, v7;
	v8 =	vld [tilespmem:s1+$0x8880]  }
0x11e: {  	v11 =	vld [tilespmem:s1+$0xA880]  }
0x11f: {  	v6 =	vadd.f32 v9, v6;
	v9 =	vld [tilespmem:s1+$0x8890]  }
0x120: {  	v12 =	vld [tilespmem:s1+$0xA890]  }
0x121: {  	v2 =	vadd.f32 v10, v2;
	v10 =	vld [tilespmem:s1+$0x88A0]  }
0x122: {  	v13 =	vld [tilespmem:s1+$0xA8A0]  }
0x123: {  	v8 =	vadd.f32 v11, v8;
	v11 =	vld [tilespmem:s1+$0x88B0]  }
0x124: {  	v14 =	vld [tilespmem:s1+$0xA8B0]  }
0x125: {  	v9 =	vadd.f32 v12, v9;
	v12 =	vld [tilespmem:s1+$0x88C0]  }
0x126: {  	v15 =	vld [tilespmem:s1+$0xA8C0]  }
0x127: {  	v10 =	vadd.f32 v13, v10;
	v13 =	vld [tilespmem:s1+$0x88D0]  }
0x128: {  	v16 =	vld [tilespmem:s1+$0xA8D0]  }
0x129: {  	v11 =	vadd.f32 v14, v11;
	v14 =	vld [tilespmem:s1+$0x88E0]  }
0x12a: {  	v17 =	vld [tilespmem:s1+$0xA8E0]  }
0x12b: {  	v18 =	vld [tilespmem:s1+$0xC800];
	v12 =	vadd.f32 v15, v12  }
0x12c: {  	v15 =	vld [tilespmem:s1+$0xC810]  }
0x12d: {  	v19 =	vld [tilespmem:s1+$0xC820];
	v13 =	vadd.f32 v16, v13  }
0x12e: {  	v16 =	vld [tilespmem:s1+$0xC830]  }
0x12f: {  	v20 =	vld [tilespmem:s1+$0xC840];
	v14 =	vadd.f32 v17, v14  }
0x130: {  	v17 =	vadd.f32 v18, v3;
	v3 =	vld [tilespmem:s1+$0xC850]  }
0x131: {  	v15 =	vadd.f32 v15, v0;
	v0 =	vld [tilespmem:s1+$0xC860]  }
0x132: {  	v18 =	vadd.f32 v19, v5;
	v5 =	vld [tilespmem:s1+$0xC870]  }
0x133: {  	v16 =	vadd.f32 v16, v4;
	v4 =	vld [tilespmem:s1+$0xC880]  }
0x134: {  	v19 =	vadd.f32 v20, v1;
	v1 =	vld [tilespmem:s1+$0xC890]  }
0x135: {  	v20 =	vadd.f32 v3, v7;
	v7 =	vld [tilespmem:s1+$0xC8A0]  }
0x136: {  	v21 =	vadd.f32 v0, v6;
	v6 =	vld [tilespmem:s1+$0xC8B0]  }
0x137: {  	v22 =	vadd.f32 v5, v2;
	v2 =	vld [tilespmem:s1+$0xC8C0]  }
0x138: {  	v23 =	vadd.f32 v4, v8;
	v5 =	vld [tilespmem:s1+$0xC8D0]  }
0x139: {  	v3 =	vadd.f32 v1, v9;
	v8 =	vld [tilespmem:s1+$0xC8E0]  }
0x13a: {  	v9 =	vld [tilespmem:s1+$0xE800];
	v0 =	vadd.f32 v7, v10  }
0x13b: {  	v7 =	vld [tilespmem:s1+$0xE810];
	v1 =	vadd.f32 v6, v11  }
0x13c: {  	v6 =	vld [tilespmem:s1+$0xE820];
	v4 =	vadd.f32 v2, v12  }
0x13d: {  	v10 =	vld [tilespmem:s1+$0xE830];
	v5 =	vadd.f32 v5, v13  }
0x13e: {  	v11 =	vld [tilespmem:s1+$0xE840];
	v2 =	vadd.f32 v8, v14  }
0x13f: {  	v8 =	vadd.f32 v9, v17;
	v9 =	vld [tilespmem:s1+$0xE850]  }
0x140: {  	v7 =	vadd.f32 v7, v15;
	v12 =	vld [tilespmem:s1+$0xE860]  }
0x141: {  	[tilespmem:s1+$0x1A800] =	vst v8;
	v6 =	vadd.f32 v6, v18;
	v13 =	vld [tilespmem:s1+$0xE870]  }
0x142: {  	[tilespmem:s1+$0x1A810] =	vst v7;
	v8 =	vadd.f32 v10, v16;
	v10 =	vld [tilespmem:s1+$0xE880]  }
.Ltmp1:
0x143: {  	[tilespmem:s1+$0x1A820] =	vst v6;
	v11 =	vadd.f32 v11, v19;
	v7 =	vld [tilespmem:s1+$0xE890];
	(pc) =	sbr.rel @p0 .LBB2_4-.Ltmp1, $4  }
0x144: {  	[tilespmem:s1+$0x1A830] =	vst v8;
	v9 =	vadd.f32 v9, v20;
	v6 =	vld [tilespmem:s1+$0xE8A0]  }
0x145: {  	[tilespmem:s1+$0x1A840] =	vst v11;
	v11 =	vadd.f32 v12, v21;
	v8 =	vld [tilespmem:s1+$0xE8B0]  }
0x146: {  	[tilespmem:s1+$0x1A850] =	vst v9;
	v12 =	vadd.f32 v13, v22;
	v9 =	vld [tilespmem:s1+$0xE8C0]  }
0x147: {  	s6 =	sadd.s32 $0x400, s6;
	[tilespmem:s1+$0x1A860] =	vst v11;
	v11 =	vadd.f32 v10, v23;
	v10 =	vld [tilespmem:s1+$0xE8D0]  }
0x148: {  	[tilespmem:s1+$0x1A870] =	vst v12;
	v3 =	vadd.f32 v7, v3;
	v7 =	vld [tilespmem:s1+$0xE8E0]  }
0x149: {  	[tilespmem:s1+$0x1A880] =	vst v11;
	v0 =	vadd.f32 v6, v0  }
0x14a: {  	[tilespmem:s1+$0x1A890] =	vst v3;
	v1 =	vadd.f32 v8, v1  }
0x14b: {  	[tilespmem:s1+$0x1A8A0] =	vst v0;
	v0 =	vadd.f32 v9, v4  }
0x14c: {  	[tilespmem:s1+$0x1A8B0] =	vst v1;
	v1 =	vadd.f32 v10, v5  }
0x14d: {  	[tilespmem:s1+$0x1A8C0] =	vst v0;
	v0 =	vadd.f32 v7, v2  }
0x14e: {  	[tilespmem:s1+$0x1A8D0] =	vst v1  }
0x14f: {  	[tilespmem:s1+$0x1A8E0] =	vst v0  }
0x150: {  	_ =	strace $0x9000004B  }
0x151: {  	s7 =	simm.s32 $0x0;
	s4 =	rddreg [dreg:$0x6]  }
0x152: {  	[hbm4b:s4+s7] =	stream.linear.scatter [tilespmem:s23], [sflag:$0x5], $0x2000, $0x38;
	[tilespmem:$0x1F800] =	vst v63  }
0x153: {  	s6 =	simm.s32 $0x400  }
0x154: {  	[tilespmem:s22], [sflag:$0x2] =	stream.indirect.gather [spmem:s2], $0x80, s6, s18, $0xb8;
	[tilespmem:$0x1F800] =	vst v63  }
0x155: {  	s7 =	simm.s32 $0x480  }
0x156: {  	[tilespmem:s24], [sflag:$0x2] =	stream.indirect.gather [spmem:s2], $0x80, s7, s18, $0xb8;
	[tilespmem:$0x1F800] =	vst v63  }
0x157: {  	_ =	strace $0x8000004C  }
0x158: {  	_ =	swait.ge [sflag:s0], $0x4000  }
0x159: {  	[sflag:s0] =	ssyncset.done $0x0  }
0x15a: {  	[sflag:s0] =	ssyncadd.s32 $0xFFFFC000  }
0x15b: {  	_ =	swait.ge [sflag:s0], $0x4000  }
0x15c: {  	[sflag:s0] =	ssyncset.done $0x0  }
0x15d: {  	[sflag:s0] =	ssyncadd.s32 $0xFFFFC000  }
0x15e: {  	_ =	strace $0x9000004C  }
0x15f: {  	s1 =	simm.s32 $0x0;
	_ =	strace $0x8000004D  }
0x160: {  	v0 =	vld [tilespmem:s1+$0x108F0]  }
0x161: {  	v1 =	vld [tilespmem:s1+$0x128F0]  }
0x162: {  	v2 =	vld [tilespmem:s1+$0x10800]  }
0x163: {  	v3 =	vld [tilespmem:s1+$0x148F0]  }
0x164: {  	v4 =	vld [tilespmem:s1+$0x12800]  }
0x165: {  	v5 =	vld [tilespmem:s1+$0x168F0]  }
0x166: {  	v6 =	vld [tilespmem:s1+$0x10810]  }
0x167: {  	v7 =	vld [tilespmem:s1+$0x12810]  }
0x168: {  	v8 =	vld [tilespmem:s1+$0x10820]  }
0x169: {  	v9 =	vld [tilespmem:s1+$0x12820]  }
0x16a: {  	v10 =	vld [tilespmem:s1+$0x10830]  }
0x16b: {  	v11 =	vld [tilespmem:s1+$0x12830]  }
0x16c: {  	v12 =	vld [tilespmem:s1+$0x10840]  }
0x16d: {  	v13 =	vld [tilespmem:s1+$0x10850]  }
0x16e: {  	v14 =	vld [tilespmem:s1+$0x10860]  }
0x16f: {  	v15 =	vld [tilespmem:s1+$0x10870]  }
0x170: {  	v16 =	vld [tilespmem:s1+$0x10880]  }
0x171: {  	v17 =	vld [tilespmem:s1+$0x12880]  }
0x172: {  	v18 =	vld [tilespmem:s1+$0x10890]  }
0x173: {  	v19 =	vld [tilespmem:s1+$0x12890]  }
0x174: {  	v20 =	vld [tilespmem:s1+$0x108A0]  }
0x175: {  	v21 =	vld [tilespmem:s1+$0x128A0]  }
0x176: {  	v22 =	vld [tilespmem:s1+$0x108B0]  }
0x177: {  	v23 =	vld [tilespmem:s1+$0x128B0]  }
0x178: {  	v24 =	vld [tilespmem:s1+$0x108C0]  }
0x179: {  	v25 =	vld [tilespmem:s1+$0x128C0]  }
0x17a: {  	v26 =	vld [tilespmem:s1+$0x108D0]  }
0x17b: {  	v27 =	vld [tilespmem:s1+$0x128D0]  }
0x17c: {  	v28 =	vld [tilespmem:s1+$0x108E0]  }
0x17d: {  	v29 =	vld [tilespmem:s1+$0x128E0]  }
0x17e: {  	v30 =	vld [tilespmem:s1+$0x14800]  }
0x17f: {  	v31 =	vld [tilespmem:s1+$0x14810]  }
0x180: {  	v32 =	vld [tilespmem:s1+$0x14820]  }
0x181: {  	v33 =	vld [tilespmem:s1+$0x14830]  }
0x182: {  	v34 =	vld [tilespmem:s1+$0x14840]  }
0x183: {  	v35 =	vld [tilespmem:s1+$0x14850]  }
0x184: {  	v36 =	vld [tilespmem:s1+$0x14860]  }
0x185: {  	v37 =	vld [tilespmem:s1+$0x14870]  }
0x186: {  	v38 =	vld [tilespmem:s1+$0x14880]  }
0x187: {  	v50 =	vld [tilespmem:s1+$0x16800]  }
0x188: {  	v53 =	vld [tilespmem:s1+$0x16810]  }
0x189: {  	v56 =	vld [tilespmem:s1+$0x16820]  }
0x18a: {  	v57 =	vld [tilespmem:s1+$0x16830];
	v0 =	vadd.f32 v1, v0;
	v2 =	vadd.f32 v4, v2  }
0x18b: {  	v58 =	vld [tilespmem:s1+$0x16840];
	v6 =	vadd.f32 v7, v6;
	v7 =	vadd.f32 v9, v8  }
0x18c: {  	v1 =	vld [tilespmem:s1+$0x12840];
	v9 =	vadd.f32 v11, v10;
	v51 =	vadd.f32 v23, v22  }
0x18d: {  	v59 =	vld [tilespmem:s1+$0x16850];
	v52 =	vadd.f32 v25, v24;
	v0 =	vadd.f32 v3, v0  }
0x18e: {  	v54 =	vadd.f32 v27, v26;
	v55 =	vadd.f32 v29, v28;
	v3 =	vld [tilespmem:s1+$0x12850]  }
0x18f: {  	v2 =	vadd.f32 v30, v2;
	v0 =	vadd.f32 v5, v0;
	v5 =	vld [tilespmem:s1+$0x12860]  }
0x190: {  	v61 =	vld [tilespmem:s1+$0x16860];
	v6 =	vadd.f32 v31, v6;
	v7 =	vadd.f32 v32, v7  }
0x191: {  	v9 =	vadd.f32 v33, v9;
	v1 =	vadd.f32 v1, v12;
	[tilespmem:s1+$0x1C8F0] =	vst v0;
	v0 =	vld [tilespmem:s1+$0x12870]  }
0x192: {  	v4 =	vld [tilespmem:s1+$0x14890];
	v2 =	vadd.f32 v50, v2;
	v12 =	vadd.f32 v17, v16  }
0x193: {  	v8 =	vld [tilespmem:s1+$0x148A0];
	v3 =	vadd.f32 v3, v13;
	v1 =	vadd.f32 v34, v1  }
0x194: {  	v10 =	vld [tilespmem:s1+$0x148B0];
	v63 =	vadd.f32 v38, v12;
	v5 =	vadd.f32 v5, v14  }
0x195: {  	v11 =	vld [tilespmem:s1+$0x148C0];
	v14 =	vadd.f32 v19, v18;
	v60 =	vadd.f32 v35, v3  }
0x196: {  	[tilespmem:s1+$0x1C800] =	vst v2;
	v2 =	vld [tilespmem:s1+$0x148E0];
	v0 =	vadd.f32 v0, v15;
	v15 =	vadd.f32 v21, v20  }
0x197: {  	v13 =	vld [tilespmem:s1+$0x148D0];
	v3 =	vadd.f32 v4, v14;
	v4 =	vadd.f32 v57, v9  }
0x198: {  	v12 =	vld [tilespmem:s1+$0x16870];
	v62 =	vadd.f32 v37, v0;
	v0 =	vadd.f32 v53, v6  }
0x199: {  	v5 =	vadd.f32 v36, v5;
	v14 =	vld [tilespmem:s1+$0x16880];
	v6 =	vadd.f32 v56, v7;
	[tilespmem:s1+$0x1C830] =	vst v4  }
0x19a: {  	v7 =	vld [tilespmem:s1+$0x16890];
	[tilespmem:s1+$0x1C810] =	vst v0;
	v0 =	vadd.f32 v8, v15;
	v8 =	vadd.f32 v58, v1  }
0x19b: {  	v9 =	vadd.f32 v59, v60;
	v2 =	vadd.f32 v2, v55;
	[tilespmem:s1+$0x1C820] =	vst v6;
	v6 =	vld [tilespmem:s1+$0x168A0]  }
0x19c: {  	v1 =	vadd.f32 v10, v51;
	v10 =	vadd.f32 v61, v5;
	[tilespmem:s1+$0x1C840] =	vst v8;
	v8 =	vld [tilespmem:s1+$0x168B0]  }
0x19d: {  	v4 =	vadd.f32 v11, v52;
	[tilespmem:s1+$0x1C850] =	vst v9;
	v9 =	vld [tilespmem:s1+$0x168C0];
	v12 =	vadd.f32 v12, v62  }
0x19e: {  	s4 =	simm.s32 $0x0;
	s6 =	simm.s32 $0x400;
	v5 =	vadd.f32 v13, v54;
	v11 =	vadd.f32 v14, v63;
	[tilespmem:s1+$0x1C860] =	vst v10;
	v10 =	vld [tilespmem:s1+$0x168D0]  }
.LBB2_6:
0x19f: {  	s7 =	sshra.s32 s6, $0x2;
	[tilespmem:s1+$0x1C870] =	vst v12;
	v3 =	vadd.f32 v7, v3;
	v7 =	vld [tilespmem:s1+$0x168E0]  }
0x1a0: {  	s4 =	sadd.s32 $0x2, s4;
	v12 =	vld [tilespmem:s7+$0x108F0];
	[tilespmem:s1+$0x1C880] =	vst v11;
	v0 =	vadd.f32 v6, v0  }
0x1a1: {  	p0 =	slt.u32 s4, $0x3E;
	v6 =	vld [tilespmem:s7+$0x128F0];
	[tilespmem:s1+$0x1C890] =	vst v3;
	v1 =	vadd.f32 v8, v1  }
0x1a2: {  	v3 =	vld [tilespmem:s7+$0x10800];
	[tilespmem:s1+$0x1C8A0] =	vst v0;
	v0 =	vadd.f32 v9, v4  }
0x1a3: {  	v4 =	vld [tilespmem:s7+$0x148F0];
	[tilespmem:s1+$0x1C8B0] =	vst v1;
	v1 =	vadd.f32 v10, v5  }
0x1a4: {  	v5 =	vld [tilespmem:s7+$0x12800];
	[tilespmem:s1+$0x1C8C0] =	vst v0;
	v0 =	vadd.f32 v7, v2  }
0x1a5: {  	v2 =	vld [tilespmem:s7+$0x168F0];
	[tilespmem:s1+$0x1C8D0] =	vst v1  }
0x1a6: {  	v1 =	vld [tilespmem:s7+$0x10810];
	v6 =	vadd.f32 v6, v12;
	[tilespmem:s1+$0x1C8E0] =	vst v0;
	s1 =	smov.u32 s7  }
0x1a7: {  	v0 =	vld [tilespmem:s1+$0x12810]  }
0x1a8: {  	v7 =	vld [tilespmem:s1+$0x10820];
	v4 =	vadd.f32 v4, v6  }
0x1a9: {  	v3 =	vadd.f32 v5, v3;
	v5 =	vld [tilespmem:s1+$0x12820]  }
0x1aa: {  	v6 =	vld [tilespmem:s1+$0x10830];
	v2 =	vadd.f32 v2, v4  }
0x1ab: {  	v4 =	vld [tilespmem:s1+$0x12830]  }
0x1ac: {  	v0 =	vadd.f32 v0, v1;
	v1 =	vld [tilespmem:s1+$0x10840];
	[tilespmem:s1+$0x1C8F0] =	vst v2  }
0x1ad: {  	v2 =	vld [tilespmem:s1+$0x12840]  }
0x1ae: {  	v5 =	vadd.f32 v5, v7;
	v7 =	vld [tilespmem:s1+$0x10850]  }
0x1af: {  	v8 =	vld [tilespmem:s1+$0x12850]  }
0x1b0: {  	v4 =	vadd.f32 v4, v6;
	v6 =	vld [tilespmem:s1+$0x10860]  }
0x1b1: {  	v9 =	vld [tilespmem:s1+$0x12860]  }
0x1b2: {  	v1 =	vadd.f32 v2, v1;
	v2 =	vld [tilespmem:s1+$0x10870]  }
0x1b3: {  	v10 =	vld [tilespmem:s1+$0x12870]  }
0x1b4: {  	v7 =	vadd.f32 v8, v7;
	v8 =	vld [tilespmem:s1+$0x10880]  }
0x1b5: {  	v11 =	vld [tilespmem:s1+$0x12880]  }
0x1b6: {  	v6 =	vadd.f32 v9, v6;
	v9 =	vld [tilespmem:s1+$0x10890]  }
0x1b7: {  	v12 =	vld [tilespmem:s1+$0x12890]  }
0x1b8: {  	v2 =	vadd.f32 v10, v2;
	v10 =	vld [tilespmem:s1+$0x108A0]  }
0x1b9: {  	v13 =	vld [tilespmem:s1+$0x128A0]  }
0x1ba: {  	v8 =	vadd.f32 v11, v8;
	v11 =	vld [tilespmem:s1+$0x108B0]  }
0x1bb: {  	v14 =	vld [tilespmem:s1+$0x128B0]  }
0x1bc: {  	v9 =	vadd.f32 v12, v9;
	v12 =	vld [tilespmem:s1+$0x108C0]  }
0x1bd: {  	v15 =	vld [tilespmem:s1+$0x128C0]  }
0x1be: {  	v10 =	vadd.f32 v13, v10;
	v13 =	vld [tilespmem:s1+$0x108D0]  }
0x1bf: {  	v16 =	vld [tilespmem:s1+$0x128D0]  }
0x1c0: {  	v11 =	vadd.f32 v14, v11;
	v14 =	vld [tilespmem:s1+$0x108E0]  }
0x1c1: {  	v17 =	vld [tilespmem:s1+$0x128E0]  }
0x1c2: {  	v18 =	vld [tilespmem:s1+$0x14800];
	v12 =	vadd.f32 v15, v12  }
0x1c3: {  	v15 =	vld [tilespmem:s1+$0x14810]  }
0x1c4: {  	v19 =	vld [tilespmem:s1+$0x14820];
	v13 =	vadd.f32 v16, v13  }
0x1c5: {  	v16 =	vld [tilespmem:s1+$0x14830]  }
0x1c6: {  	v20 =	vld [tilespmem:s1+$0x14840];
	v14 =	vadd.f32 v17, v14  }
0x1c7: {  	v17 =	vadd.f32 v18, v3;
	v3 =	vld [tilespmem:s1+$0x14850]  }
0x1c8: {  	v15 =	vadd.f32 v15, v0;
	v0 =	vld [tilespmem:s1+$0x14860]  }
0x1c9: {  	v18 =	vadd.f32 v19, v5;
	v5 =	vld [tilespmem:s1+$0x14870]  }
0x1ca: {  	v16 =	vadd.f32 v16, v4;
	v4 =	vld [tilespmem:s1+$0x14880]  }
0x1cb: {  	v19 =	vadd.f32 v20, v1;
	v1 =	vld [tilespmem:s1+$0x14890]  }
0x1cc: {  	v20 =	vadd.f32 v3, v7;
	v7 =	vld [tilespmem:s1+$0x148A0]  }
0x1cd: {  	v21 =	vadd.f32 v0, v6;
	v6 =	vld [tilespmem:s1+$0x148B0]  }
0x1ce: {  	v22 =	vadd.f32 v5, v2;
	v2 =	vld [tilespmem:s1+$0x148C0]  }
0x1cf: {  	v23 =	vadd.f32 v4, v8;
	v5 =	vld [tilespmem:s1+$0x148D0]  }
0x1d0: {  	v3 =	vadd.f32 v1, v9;
	v8 =	vld [tilespmem:s1+$0x148E0]  }
0x1d1: {  	v9 =	vld [tilespmem:s1+$0x16800];
	v0 =	vadd.f32 v7, v10  }
0x1d2: {  	v7 =	vld [tilespmem:s1+$0x16810];
	v1 =	vadd.f32 v6, v11  }
0x1d3: {  	v6 =	vld [tilespmem:s1+$0x16820];
	v4 =	vadd.f32 v2, v12  }
0x1d4: {  	v10 =	vld [tilespmem:s1+$0x16830];
	v5 =	vadd.f32 v5, v13  }
0x1d5: {  	v11 =	vld [tilespmem:s1+$0x16840];
	v2 =	vadd.f32 v8, v14  }
0x1d6: {  	v8 =	vadd.f32 v9, v17;
	v9 =	vld [tilespmem:s1+$0x16850]  }
0x1d7: {  	v7 =	vadd.f32 v7, v15;
	v12 =	vld [tilespmem:s1+$0x16860]  }
0x1d8: {  	[tilespmem:s1+$0x1C800] =	vst v8;
	v6 =	vadd.f32 v6, v18;
	v13 =	vld [tilespmem:s1+$0x16870]  }
0x1d9: {  	[tilespmem:s1+$0x1C810] =	vst v7;
	v8 =	vadd.f32 v10, v16;
	v10 =	vld [tilespmem:s1+$0x16880]  }
.Ltmp2:
0x1da: {  	[tilespmem:s1+$0x1C820] =	vst v6;
	v11 =	vadd.f32 v11, v19;
	v7 =	vld [tilespmem:s1+$0x16890];
	(pc) =	sbr.rel @p0 .LBB2_6-.Ltmp2, $4  }
0x1db: {  	[tilespmem:s1+$0x1C830] =	vst v8;
	v9 =	vadd.f32 v9, v20;
	v6 =	vld [tilespmem:s1+$0x168A0]  }
0x1dc: {  	[tilespmem:s1+$0x1C840] =	vst v11;
	v11 =	vadd.f32 v12, v21;
	v8 =	vld [tilespmem:s1+$0x168B0]  }
0x1dd: {  	[tilespmem:s1+$0x1C850] =	vst v9;
	v12 =	vadd.f32 v13, v22;
	v9 =	vld [tilespmem:s1+$0x168C0]  }
0x1de: {  	s6 =	sadd.s32 $0x400, s6;
	[tilespmem:s1+$0x1C860] =	vst v11;
	v11 =	vadd.f32 v10, v23;
	v10 =	vld [tilespmem:s1+$0x168D0]  }
0x1df: {  	[tilespmem:s1+$0x1C870] =	vst v12;
	v3 =	vadd.f32 v7, v3;
	v7 =	vld [tilespmem:s1+$0x168E0]  }
0x1e0: {  	[tilespmem:s1+$0x1C880] =	vst v11;
	v0 =	vadd.f32 v6, v0  }
0x1e1: {  	[tilespmem:s1+$0x1C890] =	vst v3;
	v1 =	vadd.f32 v8, v1  }
0x1e2: {  	[tilespmem:s1+$0x1C8A0] =	vst v0;
	v0 =	vadd.f32 v9, v4  }
0x1e3: {  	[tilespmem:s1+$0x1C8B0] =	vst v1;
	v1 =	vadd.f32 v10, v5  }
0x1e4: {  	[tilespmem:s1+$0x1C8C0] =	vst v0;
	v0 =	vadd.f32 v7, v2  }
0x1e5: {  	[tilespmem:s1+$0x1C8D0] =	vst v1  }
0x1e6: {  	[tilespmem:s1+$0x1C8E0] =	vst v0  }
0x1e7: {  	s7 =	simm.s32 $0x0;
	s4 =	simm.s32 $0x1C800;
	_ =	strace $0x9000004D  }
0x1e8: {  	[hbm4b:s8+s7] =	stream.linear.scatter [tilespmem:s4], [sflag:$0x6], $0x2000, $0x38;
	[tilespmem:$0x1F800] =	vst v63  }
0x1e9: {  	s6 =	simm.s32 $0x10800;
	s7 =	simm.s32 $0x500  }
0x1ea: {  	[tilespmem:s6], [sflag:$0x3] =	stream.indirect.gather [spmem:s2], $0x80, s7, s18, $0xb8;
	[tilespmem:$0x1F800] =	vst v63  }
0x1eb: {  	s6 =	simm.s32 $0x14800;
	s7 =	simm.s32 $0x580  }
0x1ec: {  	[tilespmem:s6], [sflag:$0x3] =	stream.indirect.gather [spmem:s2], $0x80, s7, s18, $0xb8;
	[tilespmem:$0x1F800] =	vst v63  }
0x1ed: {  	_ =	strace $0x8000004E  }
0x1ee: {  	_ =	swait.ge [sflag:s30], $0x4000  }
0x1ef: {  	[sflag:s30] =	ssyncset.done $0x0  }
0x1f0: {  	[sflag:s30] =	ssyncadd.s32 $0xFFFFC000  }
0x1f1: {  	_ =	swait.ge [sflag:s30], $0x4000  }
0x1f2: {  	[sflag:s30] =	ssyncset.done $0x0  }
0x1f3: {  	[sflag:s30] =	ssyncadd.s32 $0xFFFFC000  }
0x1f4: {  	_ =	swait.ge [sflag:s25], $0x2000  }
0x1f5: {  	[sflag:s25] =	ssyncset.done $0x0  }
0x1f6: {  	[sflag:s25] =	ssyncadd.s32 $0xFFFFE000  }
0x1f7: {  	_ =	strace $0x9000004E  }
0x1f8: {  	s1 =	simm.s32 $0x0;
	_ =	strace $0x8000004F  }
0x1f9: {  	v0 =	vld [tilespmem:s1+$0x8F0]  }
0x1fa: {  	v1 =	vld [tilespmem:s1+$0x28F0]  }
0x1fb: {  	v2 =	vld [tilespmem:s1+$0x800]  }
0x1fc: {  	v3 =	vld [tilespmem:s1+$0x48F0]  }
0x1fd: {  	v4 =	vld [tilespmem:s1+$0x2800]  }
0x1fe: {  	v5 =	vld [tilespmem:s1+$0x68F0]  }
0x1ff: {  	v6 =	vld [tilespmem:s1+$0x810]  }
0x200: {  	v7 =	vld [tilespmem:s1+$0x2810]  }
0x201: {  	v8 =	vld [tilespmem:s1+$0x820]  }
0x202: {  	v9 =	vld [tilespmem:s1+$0x2820]  }
0x203: {  	v10 =	vld [tilespmem:s1+$0x830]  }
0x204: {  	v11 =	vld [tilespmem:s1+$0x2830]  }
0x205: {  	v12 =	vld [tilespmem:s1+$0x840]  }
0x206: {  	v13 =	vld [tilespmem:s1+$0x850]  }
0x207: {  	v14 =	vld [tilespmem:s1+$0x860]  }
0x208: {  	v15 =	vld [tilespmem:s1+$0x870]  }
0x209: {  	v16 =	vld [tilespmem:s1+$0x880]  }
0x20a: {  	v17 =	vld [tilespmem:s1+$0x2880]  }
0x20b: {  	v18 =	vld [tilespmem:s1+$0x890]  }
0x20c: {  	v19 =	vld [tilespmem:s1+$0x2890]  }
0x20d: {  	v20 =	vld [tilespmem:s1+$0x8A0]  }
0x20e: {  	v21 =	vld [tilespmem:s1+$0x28A0]  }
0x20f: {  	v22 =	vld [tilespmem:s1+$0x8B0]  }
0x210: {  	v23 =	vld [tilespmem:s1+$0x28B0]  }
0x211: {  	v24 =	vld [tilespmem:s1+$0x8C0]  }
0x212: {  	v25 =	vld [tilespmem:s1+$0x28C0]  }
0x213: {  	v26 =	vld [tilespmem:s1+$0x8D0]  }
0x214: {  	v27 =	vld [tilespmem:s1+$0x28D0]  }
0x215: {  	v28 =	vld [tilespmem:s1+$0x8E0]  }
0x216: {  	v29 =	vld [tilespmem:s1+$0x28E0]  }
0x217: {  	v30 =	vld [tilespmem:s1+$0x4800]  }
0x218: {  	v31 =	vld [tilespmem:s1+$0x4810]  }
0x219: {  	v32 =	vld [tilespmem:s1+$0x4820]  }
0x21a: {  	v33 =	vld [tilespmem:s1+$0x4830]  }
0x21b: {  	v34 =	vld [tilespmem:s1+$0x4840]  }
0x21c: {  	v35 =	vld [tilespmem:s1+$0x4850]  }
0x21d: {  	v36 =	vld [tilespmem:s1+$0x4860]  }
0x21e: {  	v37 =	vld [tilespmem:s1+$0x4870]  }
0x21f: {  	v38 =	vld [tilespmem:s1+$0x4880]  }
0x220: {  	v50 =	vld [tilespmem:s1+$0x6800]  }
0x221: {  	v53 =	vld [tilespmem:s1+$0x6810]  }
0x222: {  	v56 =	vld [tilespmem:s1+$0x6820]  }
0x223: {  	v57 =	vld [tilespmem:s1+$0x6830];
	v0 =	vadd.f32 v1, v0;
	v2 =	vadd.f32 v4, v2  }
0x224: {  	v58 =	vld [tilespmem:s1+$0x6840];
	v6 =	vadd.f32 v7, v6;
	v7 =	vadd.f32 v9, v8  }
0x225: {  	v1 =	vld [tilespmem:s1+$0x2840];
	v9 =	vadd.f32 v11, v10;
	v51 =	vadd.f32 v23, v22  }
0x226: {  	v59 =	vld [tilespmem:s1+$0x6850];
	v52 =	vadd.f32 v25, v24;
	v0 =	vadd.f32 v3, v0  }
0x227: {  	v54 =	vadd.f32 v27, v26;
	v55 =	vadd.f32 v29, v28;
	v3 =	vld [tilespmem:s1+$0x2850]  }
0x228: {  	v2 =	vadd.f32 v30, v2;
	v0 =	vadd.f32 v5, v0;
	v5 =	vld [tilespmem:s1+$0x2860]  }
0x229: {  	v61 =	vld [tilespmem:s1+$0x6860];
	v6 =	vadd.f32 v31, v6;
	v7 =	vadd.f32 v32, v7  }
0x22a: {  	v9 =	vadd.f32 v33, v9;
	v1 =	vadd.f32 v1, v12;
	[tilespmem:s1+$0x188F0] =	vst v0;
	v0 =	vld [tilespmem:s1+$0x2870]  }
0x22b: {  	v4 =	vld [tilespmem:s1+$0x4890];
	v2 =	vadd.f32 v50, v2;
	v12 =	vadd.f32 v17, v16  }
0x22c: {  	v8 =	vld [tilespmem:s1+$0x48A0];
	v3 =	vadd.f32 v3, v13;
	v1 =	vadd.f32 v34, v1  }
0x22d: {  	v10 =	vld [tilespmem:s1+$0x48B0];
	v63 =	vadd.f32 v38, v12;
	v5 =	vadd.f32 v5, v14  }
0x22e: {  	v11 =	vld [tilespmem:s1+$0x48C0];
	v14 =	vadd.f32 v19, v18;
	v60 =	vadd.f32 v35, v3  }
0x22f: {  	[tilespmem:s1+$0x18800] =	vst v2;
	v2 =	vld [tilespmem:s1+$0x48E0];
	v0 =	vadd.f32 v0, v15;
	v15 =	vadd.f32 v21, v20  }
0x230: {  	v13 =	vld [tilespmem:s1+$0x48D0];
	v3 =	vadd.f32 v4, v14;
	v4 =	vadd.f32 v57, v9  }
0x231: {  	v12 =	vld [tilespmem:s1+$0x6870];
	v62 =	vadd.f32 v37, v0;
	v0 =	vadd.f32 v53, v6  }
0x232: {  	v5 =	vadd.f32 v36, v5;
	v14 =	vld [tilespmem:s1+$0x6880];
	v6 =	vadd.f32 v56, v7;
	[tilespmem:s1+$0x18830] =	vst v4  }
0x233: {  	v7 =	vld [tilespmem:s1+$0x6890];
	[tilespmem:s1+$0x18810] =	vst v0;
	v0 =	vadd.f32 v8, v15;
	v8 =	vadd.f32 v58, v1  }
0x234: {  	v9 =	vadd.f32 v59, v60;
	v2 =	vadd.f32 v2, v55;
	[tilespmem:s1+$0x18820] =	vst v6;
	v6 =	vld [tilespmem:s1+$0x68A0]  }
0x235: {  	v1 =	vadd.f32 v10, v51;
	v10 =	vadd.f32 v61, v5;
	[tilespmem:s1+$0x18840] =	vst v8;
	v8 =	vld [tilespmem:s1+$0x68B0]  }
0x236: {  	v4 =	vadd.f32 v11, v52;
	[tilespmem:s1+$0x18850] =	vst v9;
	v9 =	vld [tilespmem:s1+$0x68C0];
	v12 =	vadd.f32 v12, v62  }
0x237: {  	s4 =	simm.s32 $0x0;
	s6 =	simm.s32 $0x400;
	v5 =	vadd.f32 v13, v54;
	v11 =	vadd.f32 v14, v63;
	[tilespmem:s1+$0x18860] =	vst v10;
	v10 =	vld [tilespmem:s1+$0x68D0]  }
.LBB2_8:
0x238: {  	s7 =	sshra.s32 s6, $0x2;
	[tilespmem:s1+$0x18870] =	vst v12;
	v3 =	vadd.f32 v7, v3;
	v7 =	vld [tilespmem:s1+$0x68E0]  }
0x239: {  	s4 =	sadd.s32 $0x2, s4;
	v12 =	vld [tilespmem:s7+$0x8F0];
	[tilespmem:s1+$0x18880] =	vst v11;
	v0 =	vadd.f32 v6, v0  }
0x23a: {  	p0 =	slt.u32 s4, $0x3E;
	v6 =	vld [tilespmem:s7+$0x28F0];
	[tilespmem:s1+$0x18890] =	vst v3;
	v1 =	vadd.f32 v8, v1  }
0x23b: {  	v3 =	vld [tilespmem:s7+$0x800];
	[tilespmem:s1+$0x188A0] =	vst v0;
	v0 =	vadd.f32 v9, v4  }
0x23c: {  	v4 =	vld [tilespmem:s7+$0x48F0];
	[tilespmem:s1+$0x188B0] =	vst v1;
	v1 =	vadd.f32 v10, v5  }
0x23d: {  	v5 =	vld [tilespmem:s7+$0x2800];
	[tilespmem:s1+$0x188C0] =	vst v0;
	v0 =	vadd.f32 v7, v2  }
0x23e: {  	v2 =	vld [tilespmem:s7+$0x68F0];
	[tilespmem:s1+$0x188D0] =	vst v1  }
0x23f: {  	v1 =	vld [tilespmem:s7+$0x810];
	v6 =	vadd.f32 v6, v12;
	[tilespmem:s1+$0x188E0] =	vst v0;
	s1 =	smov.u32 s7  }
0x240: {  	v0 =	vld [tilespmem:s1+$0x2810]  }
0x241: {  	v7 =	vld [tilespmem:s1+$0x820];
	v4 =	vadd.f32 v4, v6  }
0x242: {  	v3 =	vadd.f32 v5, v3;
	v5 =	vld [tilespmem:s1+$0x2820]  }
0x243: {  	v6 =	vld [tilespmem:s1+$0x830];
	v2 =	vadd.f32 v2, v4  }
0x244: {  	v4 =	vld [tilespmem:s1+$0x2830]  }
0x245: {  	v0 =	vadd.f32 v0, v1;
	v1 =	vld [tilespmem:s1+$0x840];
	[tilespmem:s1+$0x188F0] =	vst v2  }
0x246: {  	v2 =	vld [tilespmem:s1+$0x2840]  }
0x247: {  	v5 =	vadd.f32 v5, v7;
	v7 =	vld [tilespmem:s1+$0x850]  }
0x248: {  	v8 =	vld [tilespmem:s1+$0x2850]  }
0x249: {  	v4 =	vadd.f32 v4, v6;
	v6 =	vld [tilespmem:s1+$0x860]  }
0x24a: {  	v9 =	vld [tilespmem:s1+$0x2860]  }
0x24b: {  	v1 =	vadd.f32 v2, v1;
	v2 =	vld [tilespmem:s1+$0x870]  }
0x24c: {  	v10 =	vld [tilespmem:s1+$0x2870]  }
0x24d: {  	v7 =	vadd.f32 v8, v7;
	v8 =	vld [tilespmem:s1+$0x880]  }
0x24e: {  	v11 =	vld [tilespmem:s1+$0x2880]  }
0x24f: {  	v6 =	vadd.f32 v9, v6;
	v9 =	vld [tilespmem:s1+$0x890]  }
0x250: {  	v12 =	vld [tilespmem:s1+$0x2890]  }
0x251: {  	v2 =	vadd.f32 v10, v2;
	v10 =	vld [tilespmem:s1+$0x8A0]  }
0x252: {  	v13 =	vld [tilespmem:s1+$0x28A0]  }
0x253: {  	v8 =	vadd.f32 v11, v8;
	v11 =	vld [tilespmem:s1+$0x8B0]  }
0x254: {  	v14 =	vld [tilespmem:s1+$0x28B0]  }
0x255: {  	v9 =	vadd.f32 v12, v9;
	v12 =	vld [tilespmem:s1+$0x8C0]  }
0x256: {  	v15 =	vld [tilespmem:s1+$0x28C0]  }
0x257: {  	v10 =	vadd.f32 v13, v10;
	v13 =	vld [tilespmem:s1+$0x8D0]  }
0x258: {  	v16 =	vld [tilespmem:s1+$0x28D0]  }
0x259: {  	v11 =	vadd.f32 v14, v11;
	v14 =	vld [tilespmem:s1+$0x8E0]  }
0x25a: {  	v17 =	vld [tilespmem:s1+$0x28E0]  }
0x25b: {  	v18 =	vld [tilespmem:s1+$0x4800];
	v12 =	vadd.f32 v15, v12  }
0x25c: {  	v15 =	vld [tilespmem:s1+$0x4810]  }
0x25d: {  	v19 =	vld [tilespmem:s1+$0x4820];
	v13 =	vadd.f32 v16, v13  }
0x25e: {  	v16 =	vld [tilespmem:s1+$0x4830]  }
0x25f: {  	v20 =	vld [tilespmem:s1+$0x4840];
	v14 =	vadd.f32 v17, v14  }
0x260: {  	v17 =	vadd.f32 v18, v3;
	v3 =	vld [tilespmem:s1+$0x4850]  }
0x261: {  	v15 =	vadd.f32 v15, v0;
	v0 =	vld [tilespmem:s1+$0x4860]  }
0x262: {  	v18 =	vadd.f32 v19, v5;
	v5 =	vld [tilespmem:s1+$0x4870]  }
0x263: {  	v16 =	vadd.f32 v16, v4;
	v4 =	vld [tilespmem:s1+$0x4880]  }
0x264: {  	v19 =	vadd.f32 v20, v1;
	v1 =	vld [tilespmem:s1+$0x4890]  }
0x265: {  	v20 =	vadd.f32 v3, v7;
	v7 =	vld [tilespmem:s1+$0x48A0]  }
0x266: {  	v21 =	vadd.f32 v0, v6;
	v6 =	vld [tilespmem:s1+$0x48B0]  }
0x267: {  	v22 =	vadd.f32 v5, v2;
	v2 =	vld [tilespmem:s1+$0x48C0]  }
0x268: {  	v23 =	vadd.f32 v4, v8;
	v5 =	vld [tilespmem:s1+$0x48D0]  }
0x269: {  	v3 =	vadd.f32 v1, v9;
	v8 =	vld [tilespmem:s1+$0x48E0]  }
0x26a: {  	v9 =	vld [tilespmem:s1+$0x6800];
	v0 =	vadd.f32 v7, v10  }
0x26b: {  	v7 =	vld [tilespmem:s1+$0x6810];
	v1 =	vadd.f32 v6, v11  }
0x26c: {  	v6 =	vld [tilespmem:s1+$0x6820];
	v4 =	vadd.f32 v2, v12  }
0x26d: {  	v10 =	vld [tilespmem:s1+$0x6830];
	v5 =	vadd.f32 v5, v13  }
0x26e: {  	v11 =	vld [tilespmem:s1+$0x6840];
	v2 =	vadd.f32 v8, v14  }
0x26f: {  	v8 =	vadd.f32 v9, v17;
	v9 =	vld [tilespmem:s1+$0x6850]  }
0x270: {  	v7 =	vadd.f32 v7, v15;
	v12 =	vld [tilespmem:s1+$0x6860]  }
0x271: {  	[tilespmem:s1+$0x18800] =	vst v8;
	v6 =	vadd.f32 v6, v18;
	v13 =	vld [tilespmem:s1+$0x6870]  }
0x272: {  	[tilespmem:s1+$0x18810] =	vst v7;
	v8 =	vadd.f32 v10, v16;
	v10 =	vld [tilespmem:s1+$0x6880]  }
.Ltmp3:
0x273: {  	[tilespmem:s1+$0x18820] =	vst v6;
	v11 =	vadd.f32 v11, v19;
	v7 =	vld [tilespmem:s1+$0x6890];
	(pc) =	sbr.rel @p0 .LBB2_8-.Ltmp3, $4  }
0x274: {  	[tilespmem:s1+$0x18830] =	vst v8;
	v9 =	vadd.f32 v9, v20;
	v6 =	vld [tilespmem:s1+$0x68A0]  }
0x275: {  	[tilespmem:s1+$0x18840] =	vst v11;
	v11 =	vadd.f32 v12, v21;
	v8 =	vld [tilespmem:s1+$0x68B0]  }
0x276: {  	[tilespmem:s1+$0x18850] =	vst v9;
	v12 =	vadd.f32 v13, v22;
	v9 =	vld [tilespmem:s1+$0x68C0]  }
0x277: {  	s6 =	sadd.s32 $0x400, s6;
	[tilespmem:s1+$0x18860] =	vst v11;
	v11 =	vadd.f32 v10, v23;
	v10 =	vld [tilespmem:s1+$0x68D0]  }
0x278: {  	[tilespmem:s1+$0x18870] =	vst v12;
	v3 =	vadd.f32 v7, v3;
	v7 =	vld [tilespmem:s1+$0x68E0]  }
0x279: {  	[tilespmem:s1+$0x18880] =	vst v11;
	v0 =	vadd.f32 v6, v0  }
0x27a: {  	[tilespmem:s1+$0x18890] =	vst v3;
	v1 =	vadd.f32 v8, v1  }
0x27b: {  	[tilespmem:s1+$0x188A0] =	vst v0;
	v0 =	vadd.f32 v9, v4  }
0x27c: {  	[tilespmem:s1+$0x188B0] =	vst v1;
	v1 =	vadd.f32 v10, v5  }
0x27d: {  	[tilespmem:s1+$0x188C0] =	vst v0;
	v0 =	vadd.f32 v7, v2  }
0x27e: {  	[tilespmem:s1+$0x188D0] =	vst v1  }
0x27f: {  	[tilespmem:s1+$0x188E0] =	vst v0  }
0x280: {  	s4 =	simm.s32 $0x0;
	_ =	strace $0x9000004F  }
0x281: {  	[hbm4b:s9+s4] =	stream.linear.scatter [tilespmem:s31], [sflag:$0x4], $0x2000, $0x38;
	[tilespmem:$0x1F800] =	vst v63  }
0x282: {  	s6 =	simm.s32 $0x600  }
0x283: {  	[tilespmem:s19], [sflag:$0x1] =	stream.indirect.gather [spmem:s2], $0x80, s6, s18, $0xb8;
	[tilespmem:$0x1F800] =	vst v63  }
0x284: {  	s7 =	simm.s32 $0x680  }
0x285: {  	[tilespmem:s20], [sflag:$0x1] =	stream.indirect.gather [spmem:s2], $0x80, s7, s18, $0xb8;
	[tilespmem:$0x1F800] =	vst v63  }
0x286: {  	_ =	strace $0x80000050  }
0x287: {  	_ =	swait.ge [sflag:s21], $0x4000  }
0x288: {  	[sflag:s21] =	ssyncset.done $0x0  }
0x289: {  	[sflag:s21] =	ssyncadd.s32 $0xFFFFC000  }
0x28a: {  	_ =	swait.ge [sflag:s21], $0x4000  }
0x28b: {  	[sflag:s21] =	ssyncset.done $0x0  }
0x28c: {  	[sflag:s21] =	ssyncadd.s32 $0xFFFFC000  }
0x28d: {  	_ =	swait.ge [sflag:s28], $0x2000  }
0x28e: {  	[sflag:s28] =	ssyncset.done $0x0  }
0x28f: {  	[sflag:s28] =	ssyncadd.s32 $0xFFFFE000  }
0x290: {  	_ =	strace $0x90000050  }
0x291: {  	s1 =	simm.s32 $0x0;
	_ =	strace $0x80000051  }
0x292: {  	v0 =	vld [tilespmem:s1+$0x88F0]  }
0x293: {  	v1 =	vld [tilespmem:s1+$0xA8F0]  }
0x294: {  	v2 =	vld [tilespmem:s1+$0x8800]  }
0x295: {  	v3 =	vld [tilespmem:s1+$0xC8F0]  }
0x296: {  	v4 =	vld [tilespmem:s1+$0xA800]  }
0x297: {  	v5 =	vld [tilespmem:s1+$0xE8F0]  }
0x298: {  	v6 =	vld [tilespmem:s1+$0x8810]  }
0x299: {  	v7 =	vld [tilespmem:s1+$0xA810]  }
0x29a: {  	v8 =	vld [tilespmem:s1+$0x8820]  }
0x29b: {  	v9 =	vld [tilespmem:s1+$0xA820]  }
0x29c: {  	v10 =	vld [tilespmem:s1+$0x8830]  }
0x29d: {  	v11 =	vld [tilespmem:s1+$0xA830]  }
0x29e: {  	v12 =	vld [tilespmem:s1+$0x8840]  }
0x29f: {  	v13 =	vld [tilespmem:s1+$0x8850]  }
0x2a0: {  	v14 =	vld [tilespmem:s1+$0x8860]  }
0x2a1: {  	v15 =	vld [tilespmem:s1+$0x8870]  }
0x2a2: {  	v16 =	vld [tilespmem:s1+$0x8880]  }
0x2a3: {  	v17 =	vld [tilespmem:s1+$0xA880]  }
0x2a4: {  	v18 =	vld [tilespmem:s1+$0x8890]  }
0x2a5: {  	v19 =	vld [tilespmem:s1+$0xA890]  }
0x2a6: {  	v20 =	vld [tilespmem:s1+$0x88A0]  }
0x2a7: {  	v21 =	vld [tilespmem:s1+$0xA8A0]  }
0x2a8: {  	v22 =	vld [tilespmem:s1+$0x88B0]  }
0x2a9: {  	v23 =	vld [tilespmem:s1+$0xA8B0]  }
0x2aa: {  	v24 =	vld [tilespmem:s1+$0x88C0]  }
0x2ab: {  	v25 =	vld [tilespmem:s1+$0xA8C0]  }
0x2ac: {  	v26 =	vld [tilespmem:s1+$0x88D0]  }
0x2ad: {  	v27 =	vld [tilespmem:s1+$0xA8D0]  }
0x2ae: {  	v28 =	vld [tilespmem:s1+$0x88E0]  }
0x2af: {  	v29 =	vld [tilespmem:s1+$0xA8E0]  }
0x2b0: {  	v30 =	vld [tilespmem:s1+$0xC800]  }
0x2b1: {  	v31 =	vld [tilespmem:s1+$0xC810]  }
0x2b2: {  	v32 =	vld [tilespmem:s1+$0xC820]  }
0x2b3: {  	v33 =	vld [tilespmem:s1+$0xC830]  }
0x2b4: {  	v34 =	vld [tilespmem:s1+$0xC840]  }
0x2b5: {  	v35 =	vld [tilespmem:s1+$0xC850]  }
0x2b6: {  	v36 =	vld [tilespmem:s1+$0xC860]  }
0x2b7: {  	v37 =	vld [tilespmem:s1+$0xC870]  }
0x2b8: {  	v38 =	vld [tilespmem:s1+$0xC880]  }
0x2b9: {  	v50 =	vld [tilespmem:s1+$0xE800]  }
0x2ba: {  	v53 =	vld [tilespmem:s1+$0xE810]  }
0x2bb: {  	v56 =	vld [tilespmem:s1+$0xE820]  }
0x2bc: {  	v57 =	vld [tilespmem:s1+$0xE830];
	v0 =	vadd.f32 v1, v0;
	v2 =	vadd.f32 v4, v2  }
0x2bd: {  	v58 =	vld [tilespmem:s1+$0xE840];
	v6 =	vadd.f32 v7, v6;
	v7 =	vadd.f32 v9, v8  }
0x2be: {  	v1 =	vld [tilespmem:s1+$0xA840];
	v9 =	vadd.f32 v11, v10;
	v51 =	vadd.f32 v23, v22  }
0x2bf: {  	v59 =	vld [tilespmem:s1+$0xE850];
	v52 =	vadd.f32 v25, v24;
	v0 =	vadd.f32 v3, v0  }
0x2c0: {  	v54 =	vadd.f32 v27, v26;
	v55 =	vadd.f32 v29, v28;
	v3 =	vld [tilespmem:s1+$0xA850]  }
0x2c1: {  	v2 =	vadd.f32 v30, v2;
	v0 =	vadd.f32 v5, v0;
	v5 =	vld [tilespmem:s1+$0xA860]  }
0x2c2: {  	v61 =	vld [tilespmem:s1+$0xE860];
	v6 =	vadd.f32 v31, v6;
	v7 =	vadd.f32 v32, v7  }
0x2c3: {  	v9 =	vadd.f32 v33, v9;
	v1 =	vadd.f32 v1, v12;
	[tilespmem:s1+$0x1A8F0] =	vst v0;
	v0 =	vld [tilespmem:s1+$0xA870]  }
0x2c4: {  	v4 =	vld [tilespmem:s1+$0xC890];
	v2 =	vadd.f32 v50, v2;
	v12 =	vadd.f32 v17, v16  }
0x2c5: {  	v8 =	vld [tilespmem:s1+$0xC8A0];
	v3 =	vadd.f32 v3, v13;
	v1 =	vadd.f32 v34, v1  }
0x2c6: {  	v10 =	vld [tilespmem:s1+$0xC8B0];
	v63 =	vadd.f32 v38, v12;
	v5 =	vadd.f32 v5, v14  }
0x2c7: {  	v11 =	vld [tilespmem:s1+$0xC8C0];
	v14 =	vadd.f32 v19, v18;
	v60 =	vadd.f32 v35, v3  }
0x2c8: {  	[tilespmem:s1+$0x1A800] =	vst v2;
	v2 =	vld [tilespmem:s1+$0xC8E0];
	v0 =	vadd.f32 v0, v15;
	v15 =	vadd.f32 v21, v20  }
0x2c9: {  	v13 =	vld [tilespmem:s1+$0xC8D0];
	v3 =	vadd.f32 v4, v14;
	v4 =	vadd.f32 v57, v9  }
0x2ca: {  	v12 =	vld [tilespmem:s1+$0xE870];
	v62 =	vadd.f32 v37, v0;
	v0 =	vadd.f32 v53, v6  }
0x2cb: {  	v5 =	vadd.f32 v36, v5;
	v14 =	vld [tilespmem:s1+$0xE880];
	v6 =	vadd.f32 v56, v7;
	[tilespmem:s1+$0x1A830] =	vst v4  }
0x2cc: {  	v7 =	vld [tilespmem:s1+$0xE890];
	[tilespmem:s1+$0x1A810] =	vst v0;
	v0 =	vadd.f32 v8, v15;
	v8 =	vadd.f32 v58, v1  }
0x2cd: {  	v9 =	vadd.f32 v59, v60;
	v2 =	vadd.f32 v2, v55;
	[tilespmem:s1+$0x1A820] =	vst v6;
	v6 =	vld [tilespmem:s1+$0xE8A0]  }
0x2ce: {  	v1 =	vadd.f32 v10, v51;
	v10 =	vadd.f32 v61, v5;
	[tilespmem:s1+$0x1A840] =	vst v8;
	v8 =	vld [tilespmem:s1+$0xE8B0]  }
0x2cf: {  	v4 =	vadd.f32 v11, v52;
	[tilespmem:s1+$0x1A850] =	vst v9;
	v9 =	vld [tilespmem:s1+$0xE8C0];
	v12 =	vadd.f32 v12, v62  }
0x2d0: {  	s4 =	simm.s32 $0x0;
	s6 =	simm.s32 $0x400;
	v5 =	vadd.f32 v13, v54;
	v11 =	vadd.f32 v14, v63;
	[tilespmem:s1+$0x1A860] =	vst v10;
	v10 =	vld [tilespmem:s1+$0xE8D0]  }
.LBB2_10:
0x2d1: {  	s7 =	sshra.s32 s6, $0x2;
	[tilespmem:s1+$0x1A870] =	vst v12;
	v3 =	vadd.f32 v7, v3;
	v7 =	vld [tilespmem:s1+$0xE8E0]  }
0x2d2: {  	s4 =	sadd.s32 $0x2, s4;
	v12 =	vld [tilespmem:s7+$0x88F0];
	[tilespmem:s1+$0x1A880] =	vst v11;
	v0 =	vadd.f32 v6, v0  }
0x2d3: {  	p0 =	slt.u32 s4, $0x3E;
	v6 =	vld [tilespmem:s7+$0xA8F0];
	[tilespmem:s1+$0x1A890] =	vst v3;
	v1 =	vadd.f32 v8, v1  }
0x2d4: {  	v3 =	vld [tilespmem:s7+$0x8800];
	[tilespmem:s1+$0x1A8A0] =	vst v0;
	v0 =	vadd.f32 v9, v4  }
0x2d5: {  	v4 =	vld [tilespmem:s7+$0xC8F0];
	[tilespmem:s1+$0x1A8B0] =	vst v1;
	v1 =	vadd.f32 v10, v5  }
0x2d6: {  	v5 =	vld [tilespmem:s7+$0xA800];
	[tilespmem:s1+$0x1A8C0] =	vst v0;
	v0 =	vadd.f32 v7, v2  }
0x2d7: {  	v2 =	vld [tilespmem:s7+$0xE8F0];
	[tilespmem:s1+$0x1A8D0] =	vst v1  }
0x2d8: {  	v1 =	vld [tilespmem:s7+$0x8810];
	v6 =	vadd.f32 v6, v12;
	[tilespmem:s1+$0x1A8E0] =	vst v0;
	s1 =	smov.u32 s7  }
0x2d9: {  	v0 =	vld [tilespmem:s1+$0xA810]  }
0x2da: {  	v7 =	vld [tilespmem:s1+$0x8820];
	v4 =	vadd.f32 v4, v6  }
0x2db: {  	v3 =	vadd.f32 v5, v3;
	v5 =	vld [tilespmem:s1+$0xA820]  }
0x2dc: {  	v6 =	vld [tilespmem:s1+$0x8830];
	v2 =	vadd.f32 v2, v4  }
0x2dd: {  	v4 =	vld [tilespmem:s1+$0xA830]  }
0x2de: {  	v0 =	vadd.f32 v0, v1;
	v1 =	vld [tilespmem:s1+$0x8840];
	[tilespmem:s1+$0x1A8F0] =	vst v2  }
0x2df: {  	v2 =	vld [tilespmem:s1+$0xA840]  }
0x2e0: {  	v5 =	vadd.f32 v5, v7;
	v7 =	vld [tilespmem:s1+$0x8850]  }
0x2e1: {  	v8 =	vld [tilespmem:s1+$0xA850]  }
0x2e2: {  	v4 =	vadd.f32 v4, v6;
	v6 =	vld [tilespmem:s1+$0x8860]  }
0x2e3: {  	v9 =	vld [tilespmem:s1+$0xA860]  }
0x2e4: {  	v1 =	vadd.f32 v2, v1;
	v2 =	vld [tilespmem:s1+$0x8870]  }
0x2e5: {  	v10 =	vld [tilespmem:s1+$0xA870]  }
0x2e6: {  	v7 =	vadd.f32 v8, v7;
	v8 =	vld [tilespmem:s1+$0x8880]  }
0x2e7: {  	v11 =	vld [tilespmem:s1+$0xA880]  }
0x2e8: {  	v6 =	vadd.f32 v9, v6;
	v9 =	vld [tilespmem:s1+$0x8890]  }
0x2e9: {  	v12 =	vld [tilespmem:s1+$0xA890]  }
0x2ea: {  	v2 =	vadd.f32 v10, v2;
	v10 =	vld [tilespmem:s1+$0x88A0]  }
0x2eb: {  	v13 =	vld [tilespmem:s1+$0xA8A0]  }
0x2ec: {  	v8 =	vadd.f32 v11, v8;
	v11 =	vld [tilespmem:s1+$0x88B0]  }
0x2ed: {  	v14 =	vld [tilespmem:s1+$0xA8B0]  }
0x2ee: {  	v9 =	vadd.f32 v12, v9;
	v12 =	vld [tilespmem:s1+$0x88C0]  }
0x2ef: {  	v15 =	vld [tilespmem:s1+$0xA8C0]  }
0x2f0: {  	v10 =	vadd.f32 v13, v10;
	v13 =	vld [tilespmem:s1+$0x88D0]  }
0x2f1: {  	v16 =	vld [tilespmem:s1+$0xA8D0]  }
0x2f2: {  	v11 =	vadd.f32 v14, v11;
	v14 =	vld [tilespmem:s1+$0x88E0]  }
0x2f3: {  	v17 =	vld [tilespmem:s1+$0xA8E0]  }
0x2f4: {  	v18 =	vld [tilespmem:s1+$0xC800];
	v12 =	vadd.f32 v15, v12  }
0x2f5: {  	v15 =	vld [tilespmem:s1+$0xC810]  }
0x2f6: {  	v19 =	vld [tilespmem:s1+$0xC820];
	v13 =	vadd.f32 v16, v13  }
0x2f7: {  	v16 =	vld [tilespmem:s1+$0xC830]  }
0x2f8: {  	v20 =	vld [tilespmem:s1+$0xC840];
	v14 =	vadd.f32 v17, v14  }
0x2f9: {  	v17 =	vadd.f32 v18, v3;
	v3 =	vld [tilespmem:s1+$0xC850]  }
0x2fa: {  	v15 =	vadd.f32 v15, v0;
	v0 =	vld [tilespmem:s1+$0xC860]  }
0x2fb: {  	v18 =	vadd.f32 v19, v5;
	v5 =	vld [tilespmem:s1+$0xC870]  }
0x2fc: {  	v16 =	vadd.f32 v16, v4;
	v4 =	vld [tilespmem:s1+$0xC880]  }
0x2fd: {  	v19 =	vadd.f32 v20, v1;
	v1 =	vld [tilespmem:s1+$0xC890]  }
0x2fe: {  	v20 =	vadd.f32 v3, v7;
	v7 =	vld [tilespmem:s1+$0xC8A0]  }
0x2ff: {  	v21 =	vadd.f32 v0, v6;
	v6 =	vld [tilespmem:s1+$0xC8B0]  }
0x300: {  	v22 =	vadd.f32 v5, v2;
	v2 =	vld [tilespmem:s1+$0xC8C0]  }
0x301: {  	v23 =	vadd.f32 v4, v8;
	v5 =	vld [tilespmem:s1+$0xC8D0]  }
0x302: {  	v3 =	vadd.f32 v1, v9;
	v8 =	vld [tilespmem:s1+$0xC8E0]  }
0x303: {  	v9 =	vld [tilespmem:s1+$0xE800];
	v0 =	vadd.f32 v7, v10  }
0x304: {  	v7 =	vld [tilespmem:s1+$0xE810];
	v1 =	vadd.f32 v6, v11  }
0x305: {  	v6 =	vld [tilespmem:s1+$0xE820];
	v4 =	vadd.f32 v2, v12  }
0x306: {  	v10 =	vld [tilespmem:s1+$0xE830];
	v5 =	vadd.f32 v5, v13  }
0x307: {  	v11 =	vld [tilespmem:s1+$0xE840];
	v2 =	vadd.f32 v8, v14  }
0x308: {  	v8 =	vadd.f32 v9, v17;
	v9 =	vld [tilespmem:s1+$0xE850]  }
0x309: {  	v7 =	vadd.f32 v7, v15;
	v12 =	vld [tilespmem:s1+$0xE860]  }
0x30a: {  	[tilespmem:s1+$0x1A800] =	vst v8;
	v6 =	vadd.f32 v6, v18;
	v13 =	vld [tilespmem:s1+$0xE870]  }
0x30b: {  	[tilespmem:s1+$0x1A810] =	vst v7;
	v8 =	vadd.f32 v10, v16;
	v10 =	vld [tilespmem:s1+$0xE880]  }
.Ltmp4:
0x30c: {  	[tilespmem:s1+$0x1A820] =	vst v6;
	v11 =	vadd.f32 v11, v19;
	v7 =	vld [tilespmem:s1+$0xE890];
	(pc) =	sbr.rel @p0 .LBB2_10-.Ltmp4, $4  }
0x30d: {  	[tilespmem:s1+$0x1A830] =	vst v8;
	v9 =	vadd.f32 v9, v20;
	v6 =	vld [tilespmem:s1+$0xE8A0]  }
0x30e: {  	[tilespmem:s1+$0x1A840] =	vst v11;
	v11 =	vadd.f32 v12, v21;
	v8 =	vld [tilespmem:s1+$0xE8B0]  }
0x30f: {  	[tilespmem:s1+$0x1A850] =	vst v9;
	v12 =	vadd.f32 v13, v22;
	v9 =	vld [tilespmem:s1+$0xE8C0]  }
0x310: {  	s6 =	sadd.s32 $0x400, s6;
	[tilespmem:s1+$0x1A860] =	vst v11;
	v11 =	vadd.f32 v10, v23;
	v10 =	vld [tilespmem:s1+$0xE8D0]  }
0x311: {  	[tilespmem:s1+$0x1A870] =	vst v12;
	v3 =	vadd.f32 v7, v3;
	v7 =	vld [tilespmem:s1+$0xE8E0]  }
0x312: {  	[tilespmem:s1+$0x1A880] =	vst v11;
	v0 =	vadd.f32 v6, v0  }
0x313: {  	[tilespmem:s1+$0x1A890] =	vst v3;
	v1 =	vadd.f32 v8, v1  }
0x314: {  	[tilespmem:s1+$0x1A8A0] =	vst v0;
	v0 =	vadd.f32 v9, v4  }
0x315: {  	[tilespmem:s1+$0x1A8B0] =	vst v1;
	v1 =	vadd.f32 v10, v5  }
0x316: {  	[tilespmem:s1+$0x1A8C0] =	vst v0;
	v0 =	vadd.f32 v7, v2  }
0x317: {  	[tilespmem:s1+$0x1A8D0] =	vst v1  }
0x318: {  	[tilespmem:s1+$0x1A8E0] =	vst v0  }
0x319: {  	s4 =	simm.s32 $0x0;
	_ =	strace $0x90000051  }
0x31a: {  	[hbm4b:s10+s4] =	stream.linear.scatter [tilespmem:s23], [sflag:$0x5], $0x2000, $0x38;
	[tilespmem:$0x1F800] =	vst v63  }
0x31b: {  	s6 =	simm.s32 $0x700  }
0x31c: {  	[tilespmem:s22], [sflag:$0x2] =	stream.indirect.gather [spmem:s2], $0x80, s6, s18, $0xb8;
	[tilespmem:$0x1F800] =	vst v63  }
0x31d: {  	s7 =	simm.s32 $0x780  }
0x31e: {  	[tilespmem:s24], [sflag:$0x2] =	stream.indirect.gather [spmem:s2], $0x80, s7, s18, $0xb8;
	[tilespmem:$0x1F800] =	vst v63  }
0x31f: {  	_ =	strace $0x80000052  }
0x320: {  	_ =	swait.ge [sflag:s0], $0x4000  }
0x321: {  	[sflag:s0] =	ssyncset.done $0x0  }
0x322: {  	[sflag:s0] =	ssyncadd.s32 $0xFFFFC000  }
0x323: {  	_ =	swait.ge [sflag:s0], $0x4000  }
0x324: {  	[sflag:s0] =	ssyncset.done $0x0  }
0x325: {  	[sflag:s0] =	ssyncadd.s32 $0xFFFFC000  }
0x326: {  	_ =	swait.ge [sflag:s26], $0x2000  }
0x327: {  	[sflag:s26] =	ssyncset.done $0x0  }
0x328: {  	[sflag:s26] =	ssyncadd.s32 $0xFFFFE000  }
0x329: {  	_ =	strace $0x90000052  }
0x32a: {  	s1 =	simm.s32 $0x0;
	_ =	strace $0x80000053  }
0x32b: {  	v0 =	vld [tilespmem:s1+$0x108F0]  }
0x32c: {  	v1 =	vld [tilespmem:s1+$0x128F0]  }
0x32d: {  	v2 =	vld [tilespmem:s1+$0x10800]  }
0x32e: {  	v3 =	vld [tilespmem:s1+$0x148F0]  }
0x32f: {  	v4 =	vld [tilespmem:s1+$0x12800]  }
0x330: {  	v5 =	vld [tilespmem:s1+$0x168F0]  }
0x331: {  	v6 =	vld [tilespmem:s1+$0x10810]  }
0x332: {  	v7 =	vld [tilespmem:s1+$0x12810]  }
0x333: {  	v8 =	vld [tilespmem:s1+$0x10820]  }
0x334: {  	v9 =	vld [tilespmem:s1+$0x12820]  }
0x335: {  	v10 =	vld [tilespmem:s1+$0x10830]  }
0x336: {  	v11 =	vld [tilespmem:s1+$0x12830]  }
0x337: {  	v12 =	vld [tilespmem:s1+$0x10840]  }
0x338: {  	v13 =	vld [tilespmem:s1+$0x10850]  }
0x339: {  	v14 =	vld [tilespmem:s1+$0x10860]  }
0x33a: {  	v15 =	vld [tilespmem:s1+$0x10870]  }
0x33b: {  	v16 =	vld [tilespmem:s1+$0x10880]  }
0x33c: {  	v17 =	vld [tilespmem:s1+$0x12880]  }
0x33d: {  	v18 =	vld [tilespmem:s1+$0x10890]  }
0x33e: {  	v19 =	vld [tilespmem:s1+$0x12890]  }
0x33f: {  	v20 =	vld [tilespmem:s1+$0x108A0]  }
0x340: {  	v21 =	vld [tilespmem:s1+$0x128A0]  }
0x341: {  	v22 =	vld [tilespmem:s1+$0x108B0]  }
0x342: {  	v23 =	vld [tilespmem:s1+$0x128B0]  }
0x343: {  	v24 =	vld [tilespmem:s1+$0x108C0]  }
0x344: {  	v25 =	vld [tilespmem:s1+$0x128C0]  }
0x345: {  	v26 =	vld [tilespmem:s1+$0x108D0]  }
0x346: {  	v27 =	vld [tilespmem:s1+$0x128D0]  }
0x347: {  	v28 =	vld [tilespmem:s1+$0x108E0]  }
0x348: {  	v29 =	vld [tilespmem:s1+$0x128E0]  }
0x349: {  	v30 =	vld [tilespmem:s1+$0x14800]  }
0x34a: {  	v31 =	vld [tilespmem:s1+$0x14810]  }
0x34b: {  	v32 =	vld [tilespmem:s1+$0x14820]  }
0x34c: {  	v33 =	vld [tilespmem:s1+$0x14830]  }
0x34d: {  	v34 =	vld [tilespmem:s1+$0x14840]  }
0x34e: {  	v35 =	vld [tilespmem:s1+$0x14850]  }
0x34f: {  	v36 =	vld [tilespmem:s1+$0x14860]  }
0x350: {  	v37 =	vld [tilespmem:s1+$0x14870]  }
0x351: {  	v38 =	vld [tilespmem:s1+$0x14880]  }
0x352: {  	v50 =	vld [tilespmem:s1+$0x16800]  }
0x353: {  	v53 =	vld [tilespmem:s1+$0x16810]  }
0x354: {  	v56 =	vld [tilespmem:s1+$0x16820]  }
0x355: {  	v57 =	vld [tilespmem:s1+$0x16830];
	v0 =	vadd.f32 v1, v0;
	v2 =	vadd.f32 v4, v2  }
0x356: {  	v58 =	vld [tilespmem:s1+$0x16840];
	v6 =	vadd.f32 v7, v6;
	v7 =	vadd.f32 v9, v8  }
0x357: {  	v1 =	vld [tilespmem:s1+$0x12840];
	v9 =	vadd.f32 v11, v10;
	v51 =	vadd.f32 v23, v22  }
0x358: {  	v59 =	vld [tilespmem:s1+$0x16850];
	v52 =	vadd.f32 v25, v24;
	v0 =	vadd.f32 v3, v0  }
0x359: {  	v54 =	vadd.f32 v27, v26;
	v55 =	vadd.f32 v29, v28;
	v3 =	vld [tilespmem:s1+$0x12850]  }
0x35a: {  	v2 =	vadd.f32 v30, v2;
	v0 =	vadd.f32 v5, v0;
	v5 =	vld [tilespmem:s1+$0x12860]  }
0x35b: {  	v61 =	vld [tilespmem:s1+$0x16860];
	v6 =	vadd.f32 v31, v6;
	v7 =	vadd.f32 v32, v7  }
0x35c: {  	v9 =	vadd.f32 v33, v9;
	v1 =	vadd.f32 v1, v12;
	[tilespmem:s1+$0x1C8F0] =	vst v0;
	v0 =	vld [tilespmem:s1+$0x12870]  }
0x35d: {  	v4 =	vld [tilespmem:s1+$0x14890];
	v2 =	vadd.f32 v50, v2;
	v12 =	vadd.f32 v17, v16  }
0x35e: {  	v8 =	vld [tilespmem:s1+$0x148A0];
	v3 =	vadd.f32 v3, v13;
	v1 =	vadd.f32 v34, v1  }
0x35f: {  	v10 =	vld [tilespmem:s1+$0x148B0];
	v63 =	vadd.f32 v38, v12;
	v5 =	vadd.f32 v5, v14  }
0x360: {  	v11 =	vld [tilespmem:s1+$0x148C0];
	v14 =	vadd.f32 v19, v18;
	v60 =	vadd.f32 v35, v3  }
0x361: {  	[tilespmem:s1+$0x1C800] =	vst v2;
	v2 =	vld [tilespmem:s1+$0x148E0];
	v0 =	vadd.f32 v0, v15;
	v15 =	vadd.f32 v21, v20  }
0x362: {  	v13 =	vld [tilespmem:s1+$0x148D0];
	v3 =	vadd.f32 v4, v14;
	v4 =	vadd.f32 v57, v9  }
0x363: {  	v12 =	vld [tilespmem:s1+$0x16870];
	v62 =	vadd.f32 v37, v0;
	v0 =	vadd.f32 v53, v6  }
0x364: {  	v5 =	vadd.f32 v36, v5;
	v14 =	vld [tilespmem:s1+$0x16880];
	v6 =	vadd.f32 v56, v7;
	[tilespmem:s1+$0x1C830] =	vst v4  }
0x365: {  	v7 =	vld [tilespmem:s1+$0x16890];
	[tilespmem:s1+$0x1C810] =	vst v0;
	v0 =	vadd.f32 v8, v15;
	v8 =	vadd.f32 v58, v1  }
0x366: {  	v9 =	vadd.f32 v59, v60;
	v2 =	vadd.f32 v2, v55;
	[tilespmem:s1+$0x1C820] =	vst v6;
	v6 =	vld [tilespmem:s1+$0x168A0]  }
0x367: {  	v1 =	vadd.f32 v10, v51;
	v10 =	vadd.f32 v61, v5;
	[tilespmem:s1+$0x1C840] =	vst v8;
	v8 =	vld [tilespmem:s1+$0x168B0]  }
0x368: {  	v4 =	vadd.f32 v11, v52;
	[tilespmem:s1+$0x1C850] =	vst v9;
	v9 =	vld [tilespmem:s1+$0x168C0];
	v12 =	vadd.f32 v12, v62  }
0x369: {  	s4 =	simm.s32 $0x0;
	s6 =	simm.s32 $0x400;
	v5 =	vadd.f32 v13, v54;
	v11 =	vadd.f32 v14, v63;
	[tilespmem:s1+$0x1C860] =	vst v10;
	v10 =	vld [tilespmem:s1+$0x168D0]  }
.LBB2_12:
0x36a: {  	s7 =	sshra.s32 s6, $0x2;
	[tilespmem:s1+$0x1C870] =	vst v12;
	v3 =	vadd.f32 v7, v3;
	v7 =	vld [tilespmem:s1+$0x168E0]  }
0x36b: {  	s4 =	sadd.s32 $0x2, s4;
	v12 =	vld [tilespmem:s7+$0x108F0];
	[tilespmem:s1+$0x1C880] =	vst v11;
	v0 =	vadd.f32 v6, v0  }
0x36c: {  	p0 =	slt.u32 s4, $0x3E;
	v6 =	vld [tilespmem:s7+$0x128F0];
	[tilespmem:s1+$0x1C890] =	vst v3;
	v1 =	vadd.f32 v8, v1  }
0x36d: {  	v3 =	vld [tilespmem:s7+$0x10800];
	[tilespmem:s1+$0x1C8A0] =	vst v0;
	v0 =	vadd.f32 v9, v4  }
0x36e: {  	v4 =	vld [tilespmem:s7+$0x148F0];
	[tilespmem:s1+$0x1C8B0] =	vst v1;
	v1 =	vadd.f32 v10, v5  }
0x36f: {  	v5 =	vld [tilespmem:s7+$0x12800];
	[tilespmem:s1+$0x1C8C0] =	vst v0;
	v0 =	vadd.f32 v7, v2  }
0x370: {  	v2 =	vld [tilespmem:s7+$0x168F0];
	[tilespmem:s1+$0x1C8D0] =	vst v1  }
0x371: {  	v1 =	vld [tilespmem:s7+$0x10810];
	v6 =	vadd.f32 v6, v12;
	[tilespmem:s1+$0x1C8E0] =	vst v0;
	s1 =	smov.u32 s7  }
0x372: {  	v0 =	vld [tilespmem:s1+$0x12810]  }
0x373: {  	v7 =	vld [tilespmem:s1+$0x10820];
	v4 =	vadd.f32 v4, v6  }
0x374: {  	v3 =	vadd.f32 v5, v3;
	v5 =	vld [tilespmem:s1+$0x12820]  }
0x375: {  	v6 =	vld [tilespmem:s1+$0x10830];
	v2 =	vadd.f32 v2, v4  }
0x376: {  	v4 =	vld [tilespmem:s1+$0x12830]  }
0x377: {  	v0 =	vadd.f32 v0, v1;
	v1 =	vld [tilespmem:s1+$0x10840];
	[tilespmem:s1+$0x1C8F0] =	vst v2  }
0x378: {  	v2 =	vld [tilespmem:s1+$0x12840]  }
0x379: {  	v5 =	vadd.f32 v5, v7;
	v7 =	vld [tilespmem:s1+$0x10850]  }
0x37a: {  	v8 =	vld [tilespmem:s1+$0x12850]  }
0x37b: {  	v4 =	vadd.f32 v4, v6;
	v6 =	vld [tilespmem:s1+$0x10860]  }
0x37c: {  	v9 =	vld [tilespmem:s1+$0x12860]  }
0x37d: {  	v1 =	vadd.f32 v2, v1;
	v2 =	vld [tilespmem:s1+$0x10870]  }
0x37e: {  	v10 =	vld [tilespmem:s1+$0x12870]  }
0x37f: {  	v7 =	vadd.f32 v8, v7;
	v8 =	vld [tilespmem:s1+$0x10880]  }
0x380: {  	v11 =	vld [tilespmem:s1+$0x12880]  }
0x381: {  	v6 =	vadd.f32 v9, v6;
	v9 =	vld [tilespmem:s1+$0x10890]  }
0x382: {  	v12 =	vld [tilespmem:s1+$0x12890]  }
0x383: {  	v2 =	vadd.f32 v10, v2;
	v10 =	vld [tilespmem:s1+$0x108A0]  }
0x384: {  	v13 =	vld [tilespmem:s1+$0x128A0]  }
0x385: {  	v8 =	vadd.f32 v11, v8;
	v11 =	vld [tilespmem:s1+$0x108B0]  }
0x386: {  	v14 =	vld [tilespmem:s1+$0x128B0]  }
0x387: {  	v9 =	vadd.f32 v12, v9;
	v12 =	vld [tilespmem:s1+$0x108C0]  }
0x388: {  	v15 =	vld [tilespmem:s1+$0x128C0]  }
0x389: {  	v10 =	vadd.f32 v13, v10;
	v13 =	vld [tilespmem:s1+$0x108D0]  }
0x38a: {  	v16 =	vld [tilespmem:s1+$0x128D0]  }
0x38b: {  	v11 =	vadd.f32 v14, v11;
	v14 =	vld [tilespmem:s1+$0x108E0]  }
0x38c: {  	v17 =	vld [tilespmem:s1+$0x128E0]  }
0x38d: {  	v18 =	vld [tilespmem:s1+$0x14800];
	v12 =	vadd.f32 v15, v12  }
0x38e: {  	v15 =	vld [tilespmem:s1+$0x14810]  }
0x38f: {  	v19 =	vld [tilespmem:s1+$0x14820];
	v13 =	vadd.f32 v16, v13  }
0x390: {  	v16 =	vld [tilespmem:s1+$0x14830]  }
0x391: {  	v20 =	vld [tilespmem:s1+$0x14840];
	v14 =	vadd.f32 v17, v14  }
0x392: {  	v17 =	vadd.f32 v18, v3;
	v3 =	vld [tilespmem:s1+$0x14850]  }
0x393: {  	v15 =	vadd.f32 v15, v0;
	v0 =	vld [tilespmem:s1+$0x14860]  }
0x394: {  	v18 =	vadd.f32 v19, v5;
	v5 =	vld [tilespmem:s1+$0x14870]  }
0x395: {  	v16 =	vadd.f32 v16, v4;
	v4 =	vld [tilespmem:s1+$0x14880]  }
0x396: {  	v19 =	vadd.f32 v20, v1;
	v1 =	vld [tilespmem:s1+$0x14890]  }
0x397: {  	v20 =	vadd.f32 v3, v7;
	v7 =	vld [tilespmem:s1+$0x148A0]  }
0x398: {  	v21 =	vadd.f32 v0, v6;
	v6 =	vld [tilespmem:s1+$0x148B0]  }
0x399: {  	v22 =	vadd.f32 v5, v2;
	v2 =	vld [tilespmem:s1+$0x148C0]  }
0x39a: {  	v23 =	vadd.f32 v4, v8;
	v5 =	vld [tilespmem:s1+$0x148D0]  }
0x39b: {  	v3 =	vadd.f32 v1, v9;
	v8 =	vld [tilespmem:s1+$0x148E0]  }
0x39c: {  	v9 =	vld [tilespmem:s1+$0x16800];
	v0 =	vadd.f32 v7, v10  }
0x39d: {  	v7 =	vld [tilespmem:s1+$0x16810];
	v1 =	vadd.f32 v6, v11  }
0x39e: {  	v6 =	vld [tilespmem:s1+$0x16820];
	v4 =	vadd.f32 v2, v12  }
0x39f: {  	v10 =	vld [tilespmem:s1+$0x16830];
	v5 =	vadd.f32 v5, v13  }
0x3a0: {  	v11 =	vld [tilespmem:s1+$0x16840];
	v2 =	vadd.f32 v8, v14  }
0x3a1: {  	v8 =	vadd.f32 v9, v17;
	v9 =	vld [tilespmem:s1+$0x16850]  }
0x3a2: {  	v7 =	vadd.f32 v7, v15;
	v12 =	vld [tilespmem:s1+$0x16860]  }
0x3a3: {  	[tilespmem:s1+$0x1C800] =	vst v8;
	v6 =	vadd.f32 v6, v18;
	v13 =	vld [tilespmem:s1+$0x16870]  }
0x3a4: {  	[tilespmem:s1+$0x1C810] =	vst v7;
	v8 =	vadd.f32 v10, v16;
	v10 =	vld [tilespmem:s1+$0x16880]  }
.Ltmp5:
0x3a5: {  	[tilespmem:s1+$0x1C820] =	vst v6;
	v11 =	vadd.f32 v11, v19;
	v7 =	vld [tilespmem:s1+$0x16890];
	(pc) =	sbr.rel @p0 .LBB2_12-.Ltmp5, $4  }
0x3a6: {  	[tilespmem:s1+$0x1C830] =	vst v8;
	v9 =	vadd.f32 v9, v20;
	v6 =	vld [tilespmem:s1+$0x168A0]  }
0x3a7: {  	[tilespmem:s1+$0x1C840] =	vst v11;
	v11 =	vadd.f32 v12, v21;
	v8 =	vld [tilespmem:s1+$0x168B0]  }
0x3a8: {  	[tilespmem:s1+$0x1C850] =	vst v9;
	v12 =	vadd.f32 v13, v22;
	v9 =	vld [tilespmem:s1+$0x168C0]  }
0x3a9: {  	s6 =	sadd.s32 $0x400, s6;
	[tilespmem:s1+$0x1C860] =	vst v11;
	v11 =	vadd.f32 v10, v23;
	v10 =	vld [tilespmem:s1+$0x168D0]  }
0x3aa: {  	[tilespmem:s1+$0x1C870] =	vst v12;
	v3 =	vadd.f32 v7, v3;
	v7 =	vld [tilespmem:s1+$0x168E0]  }
0x3ab: {  	[tilespmem:s1+$0x1C880] =	vst v11;
	v0 =	vadd.f32 v6, v0  }
0x3ac: {  	[tilespmem:s1+$0x1C890] =	vst v3;
	v1 =	vadd.f32 v8, v1  }
0x3ad: {  	[tilespmem:s1+$0x1C8A0] =	vst v0;
	v0 =	vadd.f32 v9, v4  }
0x3ae: {  	[tilespmem:s1+$0x1C8B0] =	vst v1;
	v1 =	vadd.f32 v10, v5  }
0x3af: {  	[tilespmem:s1+$0x1C8C0] =	vst v0;
	v0 =	vadd.f32 v7, v2  }
0x3b0: {  	[tilespmem:s1+$0x1C8D0] =	vst v1  }
0x3b1: {  	[tilespmem:s1+$0x1C8E0] =	vst v0  }
0x3b2: {  	s7 =	simm.s32 $0x0;
	s4 =	simm.s32 $0x1C800;
	_ =	strace $0x90000053  }
0x3b3: {  	[hbm4b:s11+s7] =	stream.linear.scatter [tilespmem:s4], [sflag:$0x6], $0x2000, $0x38;
	[tilespmem:$0x1F800] =	vst v63  }
0x3b4: {  	_ =	strace $0x80000054  }
0x3b5: {  	_ =	swait.ge [sflag:s30], $0x4000  }
0x3b6: {  	[sflag:s30] =	ssyncset.done $0x0  }
0x3b7: {  	[sflag:s30] =	ssyncadd.s32 $0xFFFFC000  }
0x3b8: {  	_ =	swait.ge [sflag:s30], $0x4000  }
0x3b9: {  	[sflag:s30] =	ssyncset.done $0x0  }
0x3ba: {  	[sflag:s30] =	ssyncadd.s32 $0xFFFFC000  }
0x3bb: {  	_ =	swait.ge [sflag:s25], $0x2000  }
0x3bc: {  	[sflag:s25] =	ssyncset.done $0x0  }
0x3bd: {  	[sflag:s25] =	ssyncadd.s32 $0xFFFFE000  }
0x3be: {  	_ =	strace $0x90000054  }
0x3bf: {  	s1 =	simm.s32 $0x0;
	_ =	strace $0x80000055  }
0x3c0: {  	v0 =	vld [tilespmem:s1+$0x8F0]  }
0x3c1: {  	v1 =	vld [tilespmem:s1+$0x28F0]  }
0x3c2: {  	v2 =	vld [tilespmem:s1+$0x800]  }
0x3c3: {  	v3 =	vld [tilespmem:s1+$0x48F0]  }
0x3c4: {  	v4 =	vld [tilespmem:s1+$0x2800]  }
0x3c5: {  	v5 =	vld [tilespmem:s1+$0x68F0]  }
0x3c6: {  	v6 =	vld [tilespmem:s1+$0x810]  }
0x3c7: {  	v7 =	vld [tilespmem:s1+$0x2810]  }
0x3c8: {  	v8 =	vld [tilespmem:s1+$0x820]  }
0x3c9: {  	v9 =	vld [tilespmem:s1+$0x2820]  }
0x3ca: {  	v10 =	vld [tilespmem:s1+$0x830]  }
0x3cb: {  	v11 =	vld [tilespmem:s1+$0x2830]  }
0x3cc: {  	v12 =	vld [tilespmem:s1+$0x840]  }
0x3cd: {  	v13 =	vld [tilespmem:s1+$0x850]  }
0x3ce: {  	v14 =	vld [tilespmem:s1+$0x860]  }
0x3cf: {  	v15 =	vld [tilespmem:s1+$0x870]  }
0x3d0: {  	v16 =	vld [tilespmem:s1+$0x880]  }
0x3d1: {  	v17 =	vld [tilespmem:s1+$0x2880]  }
0x3d2: {  	v18 =	vld [tilespmem:s1+$0x890]  }
0x3d3: {  	v19 =	vld [tilespmem:s1+$0x2890]  }
0x3d4: {  	v20 =	vld [tilespmem:s1+$0x8A0]  }
0x3d5: {  	v21 =	vld [tilespmem:s1+$0x28A0]  }
0x3d6: {  	v22 =	vld [tilespmem:s1+$0x8B0]  }
0x3d7: {  	v23 =	vld [tilespmem:s1+$0x28B0]  }
0x3d8: {  	v24 =	vld [tilespmem:s1+$0x8C0]  }
0x3d9: {  	v25 =	vld [tilespmem:s1+$0x28C0]  }
0x3da: {  	v26 =	vld [tilespmem:s1+$0x8D0]  }
0x3db: {  	v27 =	vld [tilespmem:s1+$0x28D0]  }
0x3dc: {  	v28 =	vld [tilespmem:s1+$0x8E0]  }
0x3dd: {  	v29 =	vld [tilespmem:s1+$0x28E0]  }
0x3de: {  	v30 =	vld [tilespmem:s1+$0x4800]  }
0x3df: {  	v31 =	vld [tilespmem:s1+$0x4810]  }
0x3e0: {  	v32 =	vld [tilespmem:s1+$0x4820]  }
0x3e1: {  	v33 =	vld [tilespmem:s1+$0x4830]  }
0x3e2: {  	v34 =	vld [tilespmem:s1+$0x4840]  }
0x3e3: {  	v35 =	vld [tilespmem:s1+$0x4850]  }
0x3e4: {  	v36 =	vld [tilespmem:s1+$0x4860]  }
0x3e5: {  	v37 =	vld [tilespmem:s1+$0x4870]  }
0x3e6: {  	v38 =	vld [tilespmem:s1+$0x4880]  }
0x3e7: {  	v50 =	vld [tilespmem:s1+$0x6800]  }
0x3e8: {  	v53 =	vld [tilespmem:s1+$0x6810]  }
0x3e9: {  	v56 =	vld [tilespmem:s1+$0x6820]  }
0x3ea: {  	v57 =	vld [tilespmem:s1+$0x6830];
	v0 =	vadd.f32 v1, v0;
	v2 =	vadd.f32 v4, v2  }
0x3eb: {  	v58 =	vld [tilespmem:s1+$0x6840];
	v6 =	vadd.f32 v7, v6;
	v7 =	vadd.f32 v9, v8  }
0x3ec: {  	v1 =	vld [tilespmem:s1+$0x2840];
	v9 =	vadd.f32 v11, v10;
	v51 =	vadd.f32 v23, v22  }
0x3ed: {  	v59 =	vld [tilespmem:s1+$0x6850];
	v52 =	vadd.f32 v25, v24;
	v0 =	vadd.f32 v3, v0  }
0x3ee: {  	v54 =	vadd.f32 v27, v26;
	v55 =	vadd.f32 v29, v28;
	v3 =	vld [tilespmem:s1+$0x2850]  }
0x3ef: {  	v2 =	vadd.f32 v30, v2;
	v0 =	vadd.f32 v5, v0;
	v5 =	vld [tilespmem:s1+$0x2860]  }
0x3f0: {  	v61 =	vld [tilespmem:s1+$0x6860];
	v6 =	vadd.f32 v31, v6;
	v7 =	vadd.f32 v32, v7  }
0x3f1: {  	v9 =	vadd.f32 v33, v9;
	v1 =	vadd.f32 v1, v12;
	[tilespmem:s1+$0x188F0] =	vst v0;
	v0 =	vld [tilespmem:s1+$0x2870]  }
0x3f2: {  	v4 =	vld [tilespmem:s1+$0x4890];
	v2 =	vadd.f32 v50, v2;
	v12 =	vadd.f32 v17, v16  }
0x3f3: {  	v8 =	vld [tilespmem:s1+$0x48A0];
	v3 =	vadd.f32 v3, v13;
	v1 =	vadd.f32 v34, v1  }
0x3f4: {  	v10 =	vld [tilespmem:s1+$0x48B0];
	v63 =	vadd.f32 v38, v12;
	v5 =	vadd.f32 v5, v14  }
0x3f5: {  	v11 =	vld [tilespmem:s1+$0x48C0];
	v14 =	vadd.f32 v19, v18;
	v60 =	vadd.f32 v35, v3  }
0x3f6: {  	[tilespmem:s1+$0x18800] =	vst v2;
	v2 =	vld [tilespmem:s1+$0x48E0];
	v0 =	vadd.f32 v0, v15;
	v15 =	vadd.f32 v21, v20  }
0x3f7: {  	v13 =	vld [tilespmem:s1+$0x48D0];
	v3 =	vadd.f32 v4, v14;
	v4 =	vadd.f32 v57, v9  }
0x3f8: {  	v12 =	vld [tilespmem:s1+$0x6870];
	v62 =	vadd.f32 v37, v0;
	v0 =	vadd.f32 v53, v6  }
0x3f9: {  	v5 =	vadd.f32 v36, v5;
	v14 =	vld [tilespmem:s1+$0x6880];
	v6 =	vadd.f32 v56, v7;
	[tilespmem:s1+$0x18830] =	vst v4  }
0x3fa: {  	v7 =	vld [tilespmem:s1+$0x6890];
	[tilespmem:s1+$0x18810] =	vst v0;
	v0 =	vadd.f32 v8, v15;
	v8 =	vadd.f32 v58, v1  }
0x3fb: {  	v9 =	vadd.f32 v59, v60;
	v2 =	vadd.f32 v2, v55;
	[tilespmem:s1+$0x18820] =	vst v6;
	v6 =	vld [tilespmem:s1+$0x68A0]  }
0x3fc: {  	v1 =	vadd.f32 v10, v51;
	v10 =	vadd.f32 v61, v5;
	[tilespmem:s1+$0x18840] =	vst v8;
	v8 =	vld [tilespmem:s1+$0x68B0]  }
0x3fd: {  	v4 =	vadd.f32 v11, v52;
	[tilespmem:s1+$0x18850] =	vst v9;
	v9 =	vld [tilespmem:s1+$0x68C0];
	v12 =	vadd.f32 v12, v62  }
0x3fe: {  	s6 =	simm.s32 $0x400;
	s4 =	simm.s32 $0x0;
	v5 =	vadd.f32 v13, v54;
	v11 =	vadd.f32 v14, v63;
	[tilespmem:s1+$0x18860] =	vst v10;
	v10 =	vld [tilespmem:s1+$0x68D0]  }
.LBB2_14:
0x3ff: {  	s7 =	sshra.s32 s6, $0x2;
	[tilespmem:s1+$0x18870] =	vst v12;
	v3 =	vadd.f32 v7, v3;
	v7 =	vld [tilespmem:s1+$0x68E0]  }
0x400: {  	s4 =	sadd.s32 $0x2, s4;
	v12 =	vld [tilespmem:s7+$0x8F0];
	[tilespmem:s1+$0x18880] =	vst v11;
	v0 =	vadd.f32 v6, v0  }
0x401: {  	p0 =	slt.u32 s4, $0x3E;
	v6 =	vld [tilespmem:s7+$0x28F0];
	[tilespmem:s1+$0x18890] =	vst v3;
	v1 =	vadd.f32 v8, v1  }
0x402: {  	v3 =	vld [tilespmem:s7+$0x800];
	[tilespmem:s1+$0x188A0] =	vst v0;
	v0 =	vadd.f32 v9, v4  }
0x403: {  	v4 =	vld [tilespmem:s7+$0x48F0];
	[tilespmem:s1+$0x188B0] =	vst v1;
	v1 =	vadd.f32 v10, v5  }
0x404: {  	v5 =	vld [tilespmem:s7+$0x2800];
	[tilespmem:s1+$0x188C0] =	vst v0;
	v0 =	vadd.f32 v7, v2  }
0x405: {  	v2 =	vld [tilespmem:s7+$0x68F0];
	[tilespmem:s1+$0x188D0] =	vst v1  }
0x406: {  	v1 =	vld [tilespmem:s7+$0x810];
	v6 =	vadd.f32 v6, v12;
	[tilespmem:s1+$0x188E0] =	vst v0;
	s1 =	smov.u32 s7  }
0x407: {  	v0 =	vld [tilespmem:s1+$0x2810]  }
0x408: {  	v7 =	vld [tilespmem:s1+$0x820];
	v4 =	vadd.f32 v4, v6  }
0x409: {  	v3 =	vadd.f32 v5, v3;
	v5 =	vld [tilespmem:s1+$0x2820]  }
0x40a: {  	v6 =	vld [tilespmem:s1+$0x830];
	v2 =	vadd.f32 v2, v4  }
0x40b: {  	v4 =	vld [tilespmem:s1+$0x2830]  }
0x40c: {  	v0 =	vadd.f32 v0, v1;
	v1 =	vld [tilespmem:s1+$0x840];
	[tilespmem:s1+$0x188F0] =	vst v2  }
0x40d: {  	v2 =	vld [tilespmem:s1+$0x2840]  }
0x40e: {  	v5 =	vadd.f32 v5, v7;
	v7 =	vld [tilespmem:s1+$0x850]  }
0x40f: {  	v8 =	vld [tilespmem:s1+$0x2850]  }
0x410: {  	v4 =	vadd.f32 v4, v6;
	v6 =	vld [tilespmem:s1+$0x860]  }
0x411: {  	v9 =	vld [tilespmem:s1+$0x2860]  }
0x412: {  	v1 =	vadd.f32 v2, v1;
	v2 =	vld [tilespmem:s1+$0x870]  }
0x413: {  	v10 =	vld [tilespmem:s1+$0x2870]  }
0x414: {  	v7 =	vadd.f32 v8, v7;
	v8 =	vld [tilespmem:s1+$0x880]  }
0x415: {  	v11 =	vld [tilespmem:s1+$0x2880]  }
0x416: {  	v6 =	vadd.f32 v9, v6;
	v9 =	vld [tilespmem:s1+$0x890]  }
0x417: {  	v12 =	vld [tilespmem:s1+$0x2890]  }
0x418: {  	v2 =	vadd.f32 v10, v2;
	v10 =	vld [tilespmem:s1+$0x8A0]  }
0x419: {  	v13 =	vld [tilespmem:s1+$0x28A0]  }
0x41a: {  	v8 =	vadd.f32 v11, v8;
	v11 =	vld [tilespmem:s1+$0x8B0]  }
0x41b: {  	v14 =	vld [tilespmem:s1+$0x28B0]  }
0x41c: {  	v9 =	vadd.f32 v12, v9;
	v12 =	vld [tilespmem:s1+$0x8C0]  }
0x41d: {  	v15 =	vld [tilespmem:s1+$0x28C0]  }
0x41e: {  	v10 =	vadd.f32 v13, v10;
	v13 =	vld [tilespmem:s1+$0x8D0]  }
0x41f: {  	v16 =	vld [tilespmem:s1+$0x28D0]  }
0x420: {  	v11 =	vadd.f32 v14, v11;
	v14 =	vld [tilespmem:s1+$0x8E0]  }
0x421: {  	v17 =	vld [tilespmem:s1+$0x28E0]  }
0x422: {  	v18 =	vld [tilespmem:s1+$0x4800];
	v12 =	vadd.f32 v15, v12  }
0x423: {  	v15 =	vld [tilespmem:s1+$0x4810]  }
0x424: {  	v19 =	vld [tilespmem:s1+$0x4820];
	v13 =	vadd.f32 v16, v13  }
0x425: {  	v16 =	vld [tilespmem:s1+$0x4830]  }
0x426: {  	v20 =	vld [tilespmem:s1+$0x4840];
	v14 =	vadd.f32 v17, v14  }
0x427: {  	v17 =	vadd.f32 v18, v3;
	v3 =	vld [tilespmem:s1+$0x4850]  }
0x428: {  	v15 =	vadd.f32 v15, v0;
	v0 =	vld [tilespmem:s1+$0x4860]  }
0x429: {  	v18 =	vadd.f32 v19, v5;
	v5 =	vld [tilespmem:s1+$0x4870]  }
0x42a: {  	v16 =	vadd.f32 v16, v4;
	v4 =	vld [tilespmem:s1+$0x4880]  }
0x42b: {  	v19 =	vadd.f32 v20, v1;
	v1 =	vld [tilespmem:s1+$0x4890]  }
0x42c: {  	v20 =	vadd.f32 v3, v7;
	v7 =	vld [tilespmem:s1+$0x48A0]  }
0x42d: {  	v21 =	vadd.f32 v0, v6;
	v6 =	vld [tilespmem:s1+$0x48B0]  }
0x42e: {  	v22 =	vadd.f32 v5, v2;
	v2 =	vld [tilespmem:s1+$0x48C0]  }
0x42f: {  	v23 =	vadd.f32 v4, v8;
	v5 =	vld [tilespmem:s1+$0x48D0]  }
0x430: {  	v3 =	vadd.f32 v1, v9;
	v8 =	vld [tilespmem:s1+$0x48E0]  }
0x431: {  	v9 =	vld [tilespmem:s1+$0x6800];
	v0 =	vadd.f32 v7, v10  }
0x432: {  	v7 =	vld [tilespmem:s1+$0x6810];
	v1 =	vadd.f32 v6, v11  }
0x433: {  	v6 =	vld [tilespmem:s1+$0x6820];
	v4 =	vadd.f32 v2, v12  }
0x434: {  	v10 =	vld [tilespmem:s1+$0x6830];
	v5 =	vadd.f32 v5, v13  }
0x435: {  	v11 =	vld [tilespmem:s1+$0x6840];
	v2 =	vadd.f32 v8, v14  }
0x436: {  	v8 =	vadd.f32 v9, v17;
	v9 =	vld [tilespmem:s1+$0x6850]  }
0x437: {  	v7 =	vadd.f32 v7, v15;
	v12 =	vld [tilespmem:s1+$0x6860]  }
0x438: {  	[tilespmem:s1+$0x18800] =	vst v8;
	v6 =	vadd.f32 v6, v18;
	v13 =	vld [tilespmem:s1+$0x6870]  }
0x439: {  	[tilespmem:s1+$0x18810] =	vst v7;
	v8 =	vadd.f32 v10, v16;
	v10 =	vld [tilespmem:s1+$0x6880]  }
.Ltmp6:
0x43a: {  	[tilespmem:s1+$0x18820] =	vst v6;
	v11 =	vadd.f32 v11, v19;
	v7 =	vld [tilespmem:s1+$0x6890];
	(pc) =	sbr.rel @p0 .LBB2_14-.Ltmp6, $4  }
0x43b: {  	[tilespmem:s1+$0x18830] =	vst v8;
	v9 =	vadd.f32 v9, v20;
	v6 =	vld [tilespmem:s1+$0x68A0]  }
0x43c: {  	[tilespmem:s1+$0x18840] =	vst v11;
	v11 =	vadd.f32 v12, v21;
	v8 =	vld [tilespmem:s1+$0x68B0]  }
0x43d: {  	[tilespmem:s1+$0x18850] =	vst v9;
	v12 =	vadd.f32 v13, v22;
	v9 =	vld [tilespmem:s1+$0x68C0]  }
0x43e: {  	s6 =	sadd.s32 $0x400, s6;
	[tilespmem:s1+$0x18860] =	vst v11;
	v11 =	vadd.f32 v10, v23;
	v10 =	vld [tilespmem:s1+$0x68D0]  }
0x43f: {  	[tilespmem:s1+$0x18870] =	vst v12;
	v3 =	vadd.f32 v7, v3;
	v7 =	vld [tilespmem:s1+$0x68E0]  }
0x440: {  	[tilespmem:s1+$0x18880] =	vst v11;
	v0 =	vadd.f32 v6, v0  }
0x441: {  	[tilespmem:s1+$0x18890] =	vst v3;
	v1 =	vadd.f32 v8, v1  }
0x442: {  	[tilespmem:s1+$0x188A0] =	vst v0;
	v0 =	vadd.f32 v9, v4  }
0x443: {  	[tilespmem:s1+$0x188B0] =	vst v1;
	v1 =	vadd.f32 v10, v5  }
0x444: {  	[tilespmem:s1+$0x188C0] =	vst v0;
	v0 =	vadd.f32 v7, v2  }
0x445: {  	[tilespmem:s1+$0x188D0] =	vst v1  }
0x446: {  	[tilespmem:s1+$0x188E0] =	vst v0  }
0x447: {  	s7 =	simm.s32 $0x0;
	_ =	strace $0x90000055  }
0x448: {  	[hbm4b:s12+s7] =	stream.linear.scatter [tilespmem:s31], [sflag:$0x4], $0x2000, $0x38;
	[tilespmem:$0x1F800] =	vst v63  }
0x449: {  	_ =	strace $0x80000056  }
0x44a: {  	_ =	swait.ge [sflag:s21], $0x4000  }
0x44b: {  	[sflag:s21] =	ssyncset.done $0x0  }
0x44c: {  	[sflag:s21] =	ssyncadd.s32 $0xFFFFC000  }
0x44d: {  	_ =	swait.ge [sflag:s21], $0x4000  }
0x44e: {  	[sflag:s21] =	ssyncset.done $0x0  }
0x44f: {  	[sflag:s21] =	ssyncadd.s32 $0xFFFFC000  }
0x450: {  	_ =	swait.ge [sflag:s28], $0x2000  }
0x451: {  	[sflag:s28] =	ssyncset.done $0x0  }
0x452: {  	[sflag:s28] =	ssyncadd.s32 $0xFFFFE000  }
0x453: {  	_ =	strace $0x90000056  }
0x454: {  	s1 =	simm.s32 $0x0;
	_ =	strace $0x80000057  }
0x455: {  	v0 =	vld [tilespmem:s1+$0x88F0]  }
0x456: {  	v1 =	vld [tilespmem:s1+$0xA8F0]  }
0x457: {  	v2 =	vld [tilespmem:s1+$0x8800]  }
0x458: {  	v3 =	vld [tilespmem:s1+$0xC8F0]  }
0x459: {  	v4 =	vld [tilespmem:s1+$0xA800]  }
0x45a: {  	v5 =	vld [tilespmem:s1+$0xE8F0]  }
0x45b: {  	v6 =	vld [tilespmem:s1+$0x8810]  }
0x45c: {  	v7 =	vld [tilespmem:s1+$0xA810]  }
0x45d: {  	v8 =	vld [tilespmem:s1+$0x8820]  }
0x45e: {  	v9 =	vld [tilespmem:s1+$0xA820]  }
0x45f: {  	v10 =	vld [tilespmem:s1+$0x8830]  }
0x460: {  	v11 =	vld [tilespmem:s1+$0xA830]  }
0x461: {  	v12 =	vld [tilespmem:s1+$0x8840]  }
0x462: {  	v13 =	vld [tilespmem:s1+$0x8850]  }
0x463: {  	v14 =	vld [tilespmem:s1+$0x8860]  }
0x464: {  	v15 =	vld [tilespmem:s1+$0x8870]  }
0x465: {  	v16 =	vld [tilespmem:s1+$0x8880]  }
0x466: {  	v17 =	vld [tilespmem:s1+$0xA880]  }
0x467: {  	v18 =	vld [tilespmem:s1+$0x8890]  }
0x468: {  	v19 =	vld [tilespmem:s1+$0xA890]  }
0x469: {  	v20 =	vld [tilespmem:s1+$0x88A0]  }
0x46a: {  	v21 =	vld [tilespmem:s1+$0xA8A0]  }
0x46b: {  	v22 =	vld [tilespmem:s1+$0x88B0]  }
0x46c: {  	v23 =	vld [tilespmem:s1+$0xA8B0]  }
0x46d: {  	v24 =	vld [tilespmem:s1+$0x88C0]  }
0x46e: {  	v25 =	vld [tilespmem:s1+$0xA8C0]  }
0x46f: {  	v26 =	vld [tilespmem:s1+$0x88D0]  }
0x470: {  	v27 =	vld [tilespmem:s1+$0xA8D0]  }
0x471: {  	v28 =	vld [tilespmem:s1+$0x88E0]  }
0x472: {  	v29 =	vld [tilespmem:s1+$0xA8E0]  }
0x473: {  	v30 =	vld [tilespmem:s1+$0xC800]  }
0x474: {  	v31 =	vld [tilespmem:s1+$0xC810]  }
0x475: {  	v32 =	vld [tilespmem:s1+$0xC820]  }
0x476: {  	v33 =	vld [tilespmem:s1+$0xC830]  }
0x477: {  	v34 =	vld [tilespmem:s1+$0xC840]  }
0x478: {  	v35 =	vld [tilespmem:s1+$0xC850]  }
0x479: {  	v36 =	vld [tilespmem:s1+$0xC860]  }
0x47a: {  	v37 =	vld [tilespmem:s1+$0xC870]  }
0x47b: {  	v38 =	vld [tilespmem:s1+$0xC880]  }
0x47c: {  	v50 =	vld [tilespmem:s1+$0xE800]  }
0x47d: {  	v53 =	vld [tilespmem:s1+$0xE810]  }
0x47e: {  	v56 =	vld [tilespmem:s1+$0xE820]  }
0x47f: {  	v57 =	vld [tilespmem:s1+$0xE830];
	v0 =	vadd.f32 v1, v0;
	v2 =	vadd.f32 v4, v2  }
0x480: {  	v58 =	vld [tilespmem:s1+$0xE840];
	v6 =	vadd.f32 v7, v6;
	v7 =	vadd.f32 v9, v8  }
0x481: {  	v1 =	vld [tilespmem:s1+$0xA840];
	v9 =	vadd.f32 v11, v10;
	v51 =	vadd.f32 v23, v22  }
0x482: {  	v59 =	vld [tilespmem:s1+$0xE850];
	v52 =	vadd.f32 v25, v24;
	v0 =	vadd.f32 v3, v0  }
0x483: {  	v54 =	vadd.f32 v27, v26;
	v55 =	vadd.f32 v29, v28;
	v3 =	vld [tilespmem:s1+$0xA850]  }
0x484: {  	v2 =	vadd.f32 v30, v2;
	v0 =	vadd.f32 v5, v0;
	v5 =	vld [tilespmem:s1+$0xA860]  }
0x485: {  	v61 =	vld [tilespmem:s1+$0xE860];
	v6 =	vadd.f32 v31, v6;
	v7 =	vadd.f32 v32, v7  }
0x486: {  	v9 =	vadd.f32 v33, v9;
	v1 =	vadd.f32 v1, v12;
	[tilespmem:s1+$0x1A8F0] =	vst v0;
	v0 =	vld [tilespmem:s1+$0xA870]  }
0x487: {  	v4 =	vld [tilespmem:s1+$0xC890];
	v2 =	vadd.f32 v50, v2;
	v12 =	vadd.f32 v17, v16  }
0x488: {  	v8 =	vld [tilespmem:s1+$0xC8A0];
	v3 =	vadd.f32 v3, v13;
	v1 =	vadd.f32 v34, v1  }
0x489: {  	v10 =	vld [tilespmem:s1+$0xC8B0];
	v63 =	vadd.f32 v38, v12;
	v5 =	vadd.f32 v5, v14  }
0x48a: {  	v11 =	vld [tilespmem:s1+$0xC8C0];
	v14 =	vadd.f32 v19, v18;
	v60 =	vadd.f32 v35, v3  }
0x48b: {  	[tilespmem:s1+$0x1A800] =	vst v2;
	v2 =	vld [tilespmem:s1+$0xC8E0];
	v0 =	vadd.f32 v0, v15;
	v15 =	vadd.f32 v21, v20  }
0x48c: {  	v13 =	vld [tilespmem:s1+$0xC8D0];
	v3 =	vadd.f32 v4, v14;
	v4 =	vadd.f32 v57, v9  }
0x48d: {  	v12 =	vld [tilespmem:s1+$0xE870];
	v62 =	vadd.f32 v37, v0;
	v0 =	vadd.f32 v53, v6  }
0x48e: {  	v5 =	vadd.f32 v36, v5;
	v14 =	vld [tilespmem:s1+$0xE880];
	v6 =	vadd.f32 v56, v7;
	[tilespmem:s1+$0x1A830] =	vst v4  }
0x48f: {  	v7 =	vld [tilespmem:s1+$0xE890];
	[tilespmem:s1+$0x1A810] =	vst v0;
	v0 =	vadd.f32 v8, v15;
	v8 =	vadd.f32 v58, v1  }
0x490: {  	v9 =	vadd.f32 v59, v60;
	v2 =	vadd.f32 v2, v55;
	[tilespmem:s1+$0x1A820] =	vst v6;
	v6 =	vld [tilespmem:s1+$0xE8A0]  }
0x491: {  	v1 =	vadd.f32 v10, v51;
	v10 =	vadd.f32 v61, v5;
	[tilespmem:s1+$0x1A840] =	vst v8;
	v8 =	vld [tilespmem:s1+$0xE8B0]  }
0x492: {  	v4 =	vadd.f32 v11, v52;
	[tilespmem:s1+$0x1A850] =	vst v9;
	v9 =	vld [tilespmem:s1+$0xE8C0];
	v12 =	vadd.f32 v12, v62  }
0x493: {  	s4 =	simm.s32 $0x0;
	s6 =	simm.s32 $0x400;
	v5 =	vadd.f32 v13, v54;
	v11 =	vadd.f32 v14, v63;
	[tilespmem:s1+$0x1A860] =	vst v10;
	v10 =	vld [tilespmem:s1+$0xE8D0]  }
.LBB2_16:
0x494: {  	s7 =	sshra.s32 s6, $0x2;
	[tilespmem:s1+$0x1A870] =	vst v12;
	v3 =	vadd.f32 v7, v3;
	v7 =	vld [tilespmem:s1+$0xE8E0]  }
0x495: {  	s4 =	sadd.s32 $0x2, s4;
	v12 =	vld [tilespmem:s7+$0x88F0];
	[tilespmem:s1+$0x1A880] =	vst v11;
	v0 =	vadd.f32 v6, v0  }
0x496: {  	p0 =	slt.u32 s4, $0x3E;
	v6 =	vld [tilespmem:s7+$0xA8F0];
	[tilespmem:s1+$0x1A890] =	vst v3;
	v1 =	vadd.f32 v8, v1  }
0x497: {  	v3 =	vld [tilespmem:s7+$0x8800];
	[tilespmem:s1+$0x1A8A0] =	vst v0;
	v0 =	vadd.f32 v9, v4  }
0x498: {  	v4 =	vld [tilespmem:s7+$0xC8F0];
	[tilespmem:s1+$0x1A8B0] =	vst v1;
	v1 =	vadd.f32 v10, v5  }
0x499: {  	v5 =	vld [tilespmem:s7+$0xA800];
	[tilespmem:s1+$0x1A8C0] =	vst v0;
	v0 =	vadd.f32 v7, v2  }
0x49a: {  	v2 =	vld [tilespmem:s7+$0xE8F0];
	[tilespmem:s1+$0x1A8D0] =	vst v1  }
0x49b: {  	v1 =	vld [tilespmem:s7+$0x8810];
	v6 =	vadd.f32 v6, v12;
	[tilespmem:s1+$0x1A8E0] =	vst v0;
	s1 =	smov.u32 s7  }
0x49c: {  	v0 =	vld [tilespmem:s1+$0xA810]  }
0x49d: {  	v7 =	vld [tilespmem:s1+$0x8820];
	v4 =	vadd.f32 v4, v6  }
0x49e: {  	v3 =	vadd.f32 v5, v3;
	v5 =	vld [tilespmem:s1+$0xA820]  }
0x49f: {  	v6 =	vld [tilespmem:s1+$0x8830];
	v2 =	vadd.f32 v2, v4  }
0x4a0: {  	v4 =	vld [tilespmem:s1+$0xA830]  }
0x4a1: {  	v0 =	vadd.f32 v0, v1;
	v1 =	vld [tilespmem:s1+$0x8840];
	[tilespmem:s1+$0x1A8F0] =	vst v2  }
0x4a2: {  	v2 =	vld [tilespmem:s1+$0xA840]  }
0x4a3: {  	v5 =	vadd.f32 v5, v7;
	v7 =	vld [tilespmem:s1+$0x8850]  }
0x4a4: {  	v8 =	vld [tilespmem:s1+$0xA850]  }
0x4a5: {  	v4 =	vadd.f32 v4, v6;
	v6 =	vld [tilespmem:s1+$0x8860]  }
0x4a6: {  	v9 =	vld [tilespmem:s1+$0xA860]  }
0x4a7: {  	v1 =	vadd.f32 v2, v1;
	v2 =	vld [tilespmem:s1+$0x8870]  }
0x4a8: {  	v10 =	vld [tilespmem:s1+$0xA870]  }
0x4a9: {  	v7 =	vadd.f32 v8, v7;
	v8 =	vld [tilespmem:s1+$0x8880]  }
0x4aa: {  	v11 =	vld [tilespmem:s1+$0xA880]  }
0x4ab: {  	v6 =	vadd.f32 v9, v6;
	v9 =	vld [tilespmem:s1+$0x8890]  }
0x4ac: {  	v12 =	vld [tilespmem:s1+$0xA890]  }
0x4ad: {  	v2 =	vadd.f32 v10, v2;
	v10 =	vld [tilespmem:s1+$0x88A0]  }
0x4ae: {  	v13 =	vld [tilespmem:s1+$0xA8A0]  }
0x4af: {  	v8 =	vadd.f32 v11, v8;
	v11 =	vld [tilespmem:s1+$0x88B0]  }
0x4b0: {  	v14 =	vld [tilespmem:s1+$0xA8B0]  }
0x4b1: {  	v9 =	vadd.f32 v12, v9;
	v12 =	vld [tilespmem:s1+$0x88C0]  }
0x4b2: {  	v15 =	vld [tilespmem:s1+$0xA8C0]  }
0x4b3: {  	v10 =	vadd.f32 v13, v10;
	v13 =	vld [tilespmem:s1+$0x88D0]  }
0x4b4: {  	v16 =	vld [tilespmem:s1+$0xA8D0]  }
0x4b5: {  	v11 =	vadd.f32 v14, v11;
	v14 =	vld [tilespmem:s1+$0x88E0]  }
0x4b6: {  	v17 =	vld [tilespmem:s1+$0xA8E0]  }
0x4b7: {  	v18 =	vld [tilespmem:s1+$0xC800];
	v12 =	vadd.f32 v15, v12  }
0x4b8: {  	v15 =	vld [tilespmem:s1+$0xC810]  }
0x4b9: {  	v19 =	vld [tilespmem:s1+$0xC820];
	v13 =	vadd.f32 v16, v13  }
0x4ba: {  	v16 =	vld [tilespmem:s1+$0xC830]  }
0x4bb: {  	v20 =	vld [tilespmem:s1+$0xC840];
	v14 =	vadd.f32 v17, v14  }
0x4bc: {  	v17 =	vadd.f32 v18, v3;
	v3 =	vld [tilespmem:s1+$0xC850]  }
0x4bd: {  	v15 =	vadd.f32 v15, v0;
	v0 =	vld [tilespmem:s1+$0xC860]  }
0x4be: {  	v18 =	vadd.f32 v19, v5;
	v5 =	vld [tilespmem:s1+$0xC870]  }
0x4bf: {  	v16 =	vadd.f32 v16, v4;
	v4 =	vld [tilespmem:s1+$0xC880]  }
0x4c0: {  	v19 =	vadd.f32 v20, v1;
	v1 =	vld [tilespmem:s1+$0xC890]  }
0x4c1: {  	v20 =	vadd.f32 v3, v7;
	v7 =	vld [tilespmem:s1+$0xC8A0]  }
0x4c2: {  	v21 =	vadd.f32 v0, v6;
	v6 =	vld [tilespmem:s1+$0xC8B0]  }
0x4c3: {  	v22 =	vadd.f32 v5, v2;
	v2 =	vld [tilespmem:s1+$0xC8C0]  }
0x4c4: {  	v23 =	vadd.f32 v4, v8;
	v5 =	vld [tilespmem:s1+$0xC8D0]  }
0x4c5: {  	v3 =	vadd.f32 v1, v9;
	v8 =	vld [tilespmem:s1+$0xC8E0]  }
0x4c6: {  	v9 =	vld [tilespmem:s1+$0xE800];
	v0 =	vadd.f32 v7, v10  }
0x4c7: {  	v7 =	vld [tilespmem:s1+$0xE810];
	v1 =	vadd.f32 v6, v11  }
0x4c8: {  	v6 =	vld [tilespmem:s1+$0xE820];
	v4 =	vadd.f32 v2, v12  }
0x4c9: {  	v10 =	vld [tilespmem:s1+$0xE830];
	v5 =	vadd.f32 v5, v13  }
0x4ca: {  	v11 =	vld [tilespmem:s1+$0xE840];
	v2 =	vadd.f32 v8, v14  }
0x4cb: {  	v8 =	vadd.f32 v9, v17;
	v9 =	vld [tilespmem:s1+$0xE850]  }
0x4cc: {  	v7 =	vadd.f32 v7, v15;
	v12 =	vld [tilespmem:s1+$0xE860]  }
0x4cd: {  	[tilespmem:s1+$0x1A800] =	vst v8;
	v6 =	vadd.f32 v6, v18;
	v13 =	vld [tilespmem:s1+$0xE870]  }
0x4ce: {  	[tilespmem:s1+$0x1A810] =	vst v7;
	v8 =	vadd.f32 v10, v16;
	v10 =	vld [tilespmem:s1+$0xE880]  }
.Ltmp7:
0x4cf: {  	[tilespmem:s1+$0x1A820] =	vst v6;
	v11 =	vadd.f32 v11, v19;
	v7 =	vld [tilespmem:s1+$0xE890];
	(pc) =	sbr.rel @p0 .LBB2_16-.Ltmp7, $4  }
0x4d0: {  	[tilespmem:s1+$0x1A830] =	vst v8;
	v9 =	vadd.f32 v9, v20;
	v6 =	vld [tilespmem:s1+$0xE8A0]  }
0x4d1: {  	[tilespmem:s1+$0x1A840] =	vst v11;
	v11 =	vadd.f32 v12, v21;
	v8 =	vld [tilespmem:s1+$0xE8B0]  }
0x4d2: {  	[tilespmem:s1+$0x1A850] =	vst v9;
	v12 =	vadd.f32 v13, v22;
	v9 =	vld [tilespmem:s1+$0xE8C0]  }
0x4d3: {  	s6 =	sadd.s32 $0x400, s6;
	[tilespmem:s1+$0x1A860] =	vst v11;
	v11 =	vadd.f32 v10, v23;
	v10 =	vld [tilespmem:s1+$0xE8D0]  }
0x4d4: {  	[tilespmem:s1+$0x1A870] =	vst v12;
	v3 =	vadd.f32 v7, v3;
	v60 =	vld [tilespmem:s1+$0xE8E0]  }
0x4d5: {  	[tilespmem:s1+$0x1A880] =	vst v11;
	v0 =	vadd.f32 v6, v0  }
0x4d6: {  	[tilespmem:s1+$0x1A890] =	vst v3;
	v1 =	vadd.f32 v8, v1  }
0x4d7: {  	[tilespmem:s1+$0x1A8A0] =	vst v0;
	v61 =	vadd.f32 v9, v4  }
0x4d8: {  	[tilespmem:s1+$0x1A8B0] =	vst v1;
	v62 =	vadd.f32 v10, v5  }
0x4d9: {  	[tilespmem:s1+$0x1A8C0] =	vst v61;
	v63 =	vadd.f32 v60, v2  }
0x4da: {  	[tilespmem:s1+$0x1A8D0] =	vst v62  }
0x4db: {  	[tilespmem:s1+$0x1A8E0] =	vst v63  }
0x4dc: {  	_ =	strace $0x90000057  }
0x4dd: {  	[hbm4b:s13+s3] =	stream.linear.scatter [tilespmem:s23], [sflag:$0x5], $0x2000, $0x38;
	[tilespmem:$0x1F800] =	vst v63  }
0x4de: {  	_ =	swait.ge [sflag:s25], $0x2000  }
0x4df: {  	[sflag:s25] =	ssyncset.done $0x0  }
0x4e0: {  	s29 =	sadd.s32 $0x1, s29;
	[sflag:s25] =	ssyncadd.s32 $0xFFFFE000  }
0x4e1: {  	p0 =	sne.s32 s29, s14;
	_ =	swait.ge [sflag:s28], $0x2000  }
.Ltmp8:
0x4e2: {  	[sflag:s28] =	ssyncset.done $0x0;
	(pc) =	sbr.rel @p0 .LBB2_1-.Ltmp8, $4  }
0x4e3: {  	[sflag:s28] =	ssyncadd.s32 $0xFFFFE000  }
0x4e4: {  	_ =	swait.ge [sflag:s26], $0x2000  }
0x4e5: {  	[sflag:s26] =	ssyncset.done $0x0  }
0x4e6: {  	[sflag:s26] =	ssyncadd.s32 $0xFFFFE000  }
0x4e7: {  	_ =	sfence.sel $0x180000  }
0x4e8: {  	[bflag:$0x0] =	sbarrier.arrive $0xFFFF  }
0x4e9: {  	_ =	strace $0x90000047  }
0x4ea: {  	s0 =	stileid.u32;
	[bflag:$0x2] =	sbarrier.arrive $0xFFFF  }
0x4eb: {  	p0 =	sne.s32 s0, $0x0;
	s0 =	rddreg [dreg:$0x3]  }
0x4ec: {  	s0 =	sadd.s32 @!p0 $0x100000, s0  }
0x4ed: {  	[sflag:s0] =	ssyncadd.tile.s32 @!p0 $0x1;
	_ =	shalt  }
.Lfunc_end2:
_tile_overlayer_lowered:
.L_overlay_start_2:
0x4ee: {  	(tag) =	ssettag $0x2  }
0x4ef: {  	s0 =	rddreg [dreg:$0x0];
	s2 =	stileid.u32  }
0x4f0: {  	s1 =	rddreg [dreg:$0x1];
	p0 =	sne.s32 s2, $0x0  }
0x4f1: {  	s3 =	rddreg [dreg:$0x2];
	[bflag:$0x3] =	sbarrier.arrive $0xFFFF;
	s2 =	simm.s32 @!p0 $0x1C07  }
0x4f2: {  	[timem:s3], [sflag:s2] =	dma.local @!p0 [hbm:s0], s1  }
0x4f3: {  	s0 =	simm.s32 @!p0 $0x7  }
0x4f4: {  	_ =	swait.ge @!p0 [sflag:s0], s1  }
0x4f5: {  	s1 =	ssub.s32 @!p0 $0x0, s1;
	[sflag:s0] =	ssyncset.done @!p0 $0x0  }
0x4f6: {  	[sflag:s0] =	ssyncadd.s32 @!p0 s1  }
0x4f7: {  	[bflag:$0x3] =	sbarrier.arrive $0xFFFF  }
0x4f8: {  	_ =	shalt  }

</sc_bundles>
